<compile_context>
chip_gen: v7x
topology: tpu7x:2x2x1
jax: 0.10.2.dev20260603
libtpu: 0.0.44.dev20260713+nightly
codegen_flags: <defaults>
</compile_context>

<pallas_src>
import functools

import jax
import jax.numpy as jnp
import numpy as np
from jax import lax
from jax.experimental import pallas as pl
from jax.experimental.pallas import tpu as pltpu
from jax.experimental.pallas import tpu_sc as plsc

_S, _D, _H = 2048, 64, 16
_P, _U, _G = 32, 12, 4
_F, _KK = 16, 6
_TAU, _ALPHA = 8.0, 0.2
_SCALE = 1.0 / np.sqrt(_D)
_IDXP = np.round(np.linspace(0.0, _S - 1, _P)).astype(np.int32)
_NEG = -1e30
_C = 256
_CH = _C + 16
_NCH = _S // _C
_KBS = [int(np.clip(c * _C - 8, 0, _S - _CH)) for c in range(_NCH)]


def _globals_tc_body(k_ref, q_ref, v_ref, og_ref, mz_ref,
                     qt_ref, kt_ref, vt_ref):
    k2 = k_ref[0]
    q2 = q_ref[0]
    v2 = v_ref[0]
    qt_ref[0] = jnp.transpose(_round_bf16(q2), (1, 0))
    kt_ref[0] = jnp.transpose(_round_bf16(k2), (1, 0))
    vt_ref[0] = jnp.transpose(v2, (1, 0))
    eps = 1e-6
    kn = jnp.sqrt(jnp.sum(k2 * k2, -1, keepdims=True))
    Kbar = k2 / jnp.maximum(kn, eps)
    qn = jnp.sqrt(jnp.sum(q2 * q2, -1, keepdims=True))
    qs = q2 / jnp.maximum(qn, eps)
    Qp = jnp.concatenate([qs[int(i)][None] for i in _IDXP], axis=0)
    Smat = jnp.maximum(
        jax.lax.dot_general(Qp.astype(jnp.bfloat16), Kbar.astype(jnp.bfloat16),
                            (((1,), (1,)), ((), ())),
                            preferred_element_type=jnp.float32), 0.0)
    mean = jnp.mean(Smat, 0, keepdims=True)
    mx = jnp.max(Smat, 0, keepdims=True)
    iota_p = jax.lax.broadcasted_iota(jnp.int32, (_P, _S), 0)
    cur = Smat
    acc = jnp.zeros((1, _S), jnp.float32)
    for _ in range(6):
        m = jnp.max(cur, 0, keepdims=True)
        pos = jnp.min(jnp.where(cur == m, iota_p, _P), 0, keepdims=True)
        acc = acc + m
        cur = jnp.where(iota_p == pos, _NEG, cur)
    topk_mean = acc / 6.0
    std = jnp.sqrt(jnp.sum((Smat - mean) ** 2, 0, keepdims=True) / (_P - 1))
    u = 1.0 * mean + 0.6 * mx + 0.4 * topk_mean + 0.2 * std
    iota_s = jax.lax.broadcasted_iota(jnp.int32, (1, _S), 1)
    pos_rows = []
    sub_cols = []
    uu = u
    for _ in range(_U):
        m = jnp.max(uu)
        pos = jnp.min(jnp.where(uu == m, iota_s, _S))
        ohf = (iota_s == pos).astype(jnp.float32)
        sub_cols.append(jnp.sum(ohf * Smat, axis=1, keepdims=True))
        pos_rows.append(pos)
        uu = jnp.where(iota_s == pos, _NEG, uu)
    S_sub = jnp.concatenate(sub_cols, axis=1)
    iota_u = jax.lax.broadcasted_iota(jnp.int32, (1, _U), 1)
    top_pos = jnp.zeros((1, _U), jnp.int32)
    for r, pv in enumerate(pos_rows):
        top_pos = jnp.where(iota_u == r, pv, top_pos)
    mvec = jnp.zeros((_P, 1), jnp.float32)
    blocked = jnp.zeros((1, _U), jnp.bool_)
    chosen = []
    for _ in range(_G):
        gains = jnp.sum(jnp.maximum(S_sub - mvec, 0.0), 0, keepdims=True)
        gains = jnp.where(blocked, -1e9, gains)
        gm = jnp.max(gains)
        j = jnp.min(jnp.where(gains == gm, iota_u, _U))
        ohj = iota_u == j
        chosen.append(jnp.sum(jnp.where(ohj, top_pos, 0)))
        blocked = blocked | ohj
        mvec = jnp.maximum(mvec, jnp.sum(jnp.where(ohj, S_sub, 0.0),
                                         axis=1, keepdims=True))
    iota_sc = jax.lax.broadcasted_iota(jnp.int32, (_S, 1), 0)
    kg_rows, vg_rows = [], []
    for c in chosen:
        oh = (iota_sc == c).astype(jnp.float32)
        kg_rows.append(jnp.sum(oh * k2, axis=0, keepdims=True))
        vg_rows.append(jnp.sum(oh * v2, axis=0, keepdims=True))
    kg = jnp.concatenate(kg_rows, 0)
    vg = jnp.concatenate(vg_rows, 0)
    lgT = jax.lax.dot_general(kg.astype(jnp.bfloat16), q2.astype(jnp.bfloat16),
                              (((1,), (1,)), ((), ())),
                              preferred_element_type=jnp.float32) * _SCALE
    Mg = jnp.max(lgT, 0, keepdims=True)
    egT = jnp.exp(lgT - Mg)
    Zg = jnp.sum(egT, 0, keepdims=True)
    OgT = jax.lax.dot_general(vg, egT, (((0,), (0,)), ((), ())))
    og_ref[0] = OgT
    mz_ref[0] = jnp.concatenate([Mg, Zg], axis=0)


def _globals_stage(k3, q3, v3):
    return pl.pallas_call(
        _globals_tc_body,
        grid=(_H,),
        in_specs=[pl.BlockSpec((1, _S, _D), lambda h: (h, 0, 0))] * 3,
        out_specs=[pl.BlockSpec((1, _D, _S), lambda h: (h, 0, 0)),
                   pl.BlockSpec((1, 2, _S), lambda h: (h, 0, 0)),
                   pl.BlockSpec((1, _D, _S), lambda h: (h, 0, 0)),
                   pl.BlockSpec((1, _D, _S), lambda h: (h, 0, 0)),
                   pl.BlockSpec((1, _D, _S), lambda h: (h, 0, 0))],
        out_shape=[jax.ShapeDtypeStruct((_H, _D, _S), jnp.float32),
                   jax.ShapeDtypeStruct((_H, 2, _S), jnp.float32),
                   jax.ShapeDtypeStruct((_H, _D, _S), jnp.float32),
                   jax.ShapeDtypeStruct((_H, _D, _S), jnp.float32),
                   jax.ShapeDtypeStruct((_H, _D, _S), jnp.float32)],
    )(k3, q3, v3)


_mesh = plsc.VectorSubcoreMesh(core_axis_name="c", subcore_axis_name="s")


@functools.partial(
    pl.kernel,
    mesh=_mesh,
    compiler_params=pltpu.CompilerParams(needs_layout_passes=False),
    out_type=jax.ShapeDtypeStruct((_H, _NCH, _D, _C), jnp.float32),
    scratch_types=[
        pltpu.VMEM((_D, _C), jnp.float32),
        pltpu.VMEM((_D * _CH,), jnp.float32),
        pltpu.VMEM((_D * _CH,), jnp.float32),
        pltpu.VMEM((_D, _C), jnp.float32),
        pltpu.VMEM((2, _C), jnp.float32),
        pltpu.VMEM((_D, _C), jnp.float32),
    ],
)
def _local_sc(qc, kc, vc, ogc, mzc, outc, q_v, k_v, v_v, og_v, mz_v, out_v):
    core = lax.axis_index("c")
    head = lax.axis_index("s")
    lane = jnp.arange(_F, dtype=jnp.int32)

    def chunk_body(cc, _):
        c_abs = core * (_NCH // 2) + cc
        c0 = c_abs * _C
        kb = jnp.clip(c0 - 8, 0, _S - _CH)
        pltpu.sync_copy(qc.at[head, c_abs], q_v)
        pltpu.sync_copy(kc.at[head, c_abs], k_v)
        pltpu.sync_copy(vc.at[head, c_abs], v_v)
        pltpu.sync_copy(ogc.at[head, c_abs], og_v)
        pltpu.sync_copy(mzc.at[head, c_abs], mz_v)

        def group_body(gi, _g):
            soff = gi * _F
            qpos = c0 + soff + lane
            srow = jnp.clip(qpos - 8, 0, _S - _F)
            base = srow - kb
            idxs = [base + f for f in range(_F)]

            def score_d(d, accs):
                drow = d * _CH
                qv = q_v[d, pl.ds(soff, _F)]
                return tuple(
                    accs[f] + qv * plsc.load_gather(k_v, [idxs[f] + drow])
                    for f in range(_F))

            accs = lax.fori_loop(
                0, _D, score_d,
                tuple(jnp.zeros((_F,), jnp.float32) for _ in range(_F)))
            scores = [a * _SCALE for a in accs]
            sel = []
            for f in range(_F):
                dist = jnp.abs(srow + f - qpos).astype(jnp.float32)
                sel.append(scores[f] + _ALPHA * jnp.exp(dist * (-1.0 / _TAU)))
            rank = [jnp.zeros((_F,), jnp.float32) for _ in range(_F)]
            for lo in range(_F):
                for hi in range(lo + 1, _F):
                    ge = jnp.where(sel[lo] >= sel[hi], 1.0, 0.0)
                    rank[hi] = rank[hi] + ge
                    rank[lo] = rank[lo] + (1.0 - ge)
            mloc = scores[0]
            for f in range(1, _F):
                mloc = jnp.maximum(mloc, scores[f])
            es = [jnp.where(rank[f] < float(_KK),
                            jnp.exp(scores[f] - mloc), 0.0)
                  for f in range(_F)]
            z = es[0]
            for f in range(1, _F):
                z = z + es[f]
            mg = mz_v[0, pl.ds(soff, _F)]
            zg = mz_v[1, pl.ds(soff, _F)]
            mfull = jnp.maximum(mloc, mg)
            clc = jnp.exp(mloc - mfull)
            cgl = jnp.exp(mg - mfull)
            inv = 1.0 / (clc * z + cgl * zg)
            ws = [e * (clc * inv) for e in es]
            bg = cgl * inv

            def out_d(d, _o):
                drow = d * _CH
                acc = bg * og_v[d, pl.ds(soff, _F)]
                for f in range(_F):
                    acc = acc + ws[f] * plsc.load_gather(v_v, [idxs[f] + drow])
                out_v[d, pl.ds(soff, _F)] = acc
                return 0

            lax.fori_loop(0, _D, out_d, 0)
            return 0

        lax.fori_loop(0, _C // _F, group_body, 0)
        pltpu.sync_copy(out_v, outc.at[head, c_abs])
        return 0

    lax.fori_loop(0, _NCH // 2, chunk_body, 0)


def _round_bf16(x):
    u = jax.lax.bitcast_convert_type(x, jnp.uint32)
    bias = jnp.uint32(0x7FFF) + ((u >> 16) & jnp.uint32(1))
    return jax.lax.bitcast_convert_type((u + bias) & jnp.uint32(0xFFFF0000),
                                        jnp.float32)


def kernel(q, k, v):
    q3, k3, v3 = q[0], k[0], v[0]
    og, mz, qT, kT, vT = _globals_stage(k3, q3, v3)
    qc = qT.reshape(_H, _D, _NCH, _C).transpose(0, 2, 1, 3)
    kc = jnp.stack([kT[:, :, kb:kb + _CH] for kb in _KBS],
                   axis=1).reshape(_H, _NCH, _D * _CH)
    vc = jnp.stack([vT[:, :, kb:kb + _CH] for kb in _KBS],
                   axis=1).reshape(_H, _NCH, _D * _CH)
    ogc = og.reshape(_H, _D, _NCH, _C).transpose(0, 2, 1, 3)
    mzc = mz.reshape(_H, 2, _NCH, _C).transpose(0, 2, 1, 3)
    outc = _local_sc(qc, kc, vc, ogc, mzc)
    outT = outc.transpose(0, 2, 1, 3).reshape(_H, _D, _S)
    return outT.transpose(0, 2, 1)[None]

# --- scband reference (transcript-rebuilt; emitter-appended) ---
"""Pipeline reference for scband-bigger-bird-bart-for-sequence-classification-19224273617381 (READ-ONLY COPY).

The authoritative reference and input builder live on the scoring server;
editing this copy changes nothing except your own understanding.
"""

import jax, jax.numpy as jnp
import numpy as np

FRAG = 16
K_PER_QUERY = 6
GLOBALS_PER_HEAD = 4
TOP_U = 12
PROTO_COUNT = 32
TOPK_FRAC = 0.2
ALPHA_POS = 0.2
TAU = 8.0
W_MEAN, W_MAX, W_TOPK, W_STD = 1.0, 0.6, 0.4, 0.2


def _normalize(x, eps=1e-6):
    n = jnp.linalg.norm(x, axis=-1, keepdims=True)
    return x / jnp.maximum(n, eps)


def _build_indices_encoder(seq_len, frag):
    half = frag // 2
    t = np.arange(seq_len)
    starts = np.clip(t - half, 0, max(0, seq_len - frag))
    return jnp.asarray(starts[:, None] + np.arange(frag)[None, :], dtype=jnp.int32)


def _choose_globals(k, q):
    # GlobalChooser.choose_packed: k,q are [B,H,S,d]
    B, H, S, d = k.shape
    Kmean = k.mean(axis=0)                    # [H,S,d] mean over batch
    Kbar = _normalize(Kmean)
    q_summary = _normalize(q.mean(axis=0))    # [H,S,d]
    p = PROTO_COUNT
    idxp = jnp.round(jnp.linspace(0.0, S - 1, p)).astype(jnp.int32)
    Qp = q_summary[:, idxp, :]                # [H,p,d]
    Smat = jax.nn.relu(jnp.einsum('hkd,hpd->hkp', Kbar, Qp))  # [H,S,p]
    mean = Smat.mean(axis=-1)
    mx = Smat.max(axis=-1)
    kq = max(1, int(round(p * TOPK_FRAC)))
    topk_vals, _ = jax.lax.top_k(Smat, kq)
    topk_mean = topk_vals.mean(axis=-1)
    std = jnp.std(Smat, axis=-1, ddof=1)
    u_full = W_MEAN * mean + W_MAX * mx + W_TOPK * topk_mean + W_STD * std  # [H,S]
    U = min(TOP_U, S)
    g = GLOBALS_PER_HEAD
    u_vals, top_idx = jax.lax.top_k(u_full, U)                # [H,U]
    S_sub = jnp.take_along_axis(Smat, top_idx[:, :, None], axis=1)  # [H,U,p]
    Hr = jnp.arange(H)
    m = jnp.zeros((H, p), dtype=Smat.dtype)
    blocked = jnp.zeros((H, U), dtype=bool)
    chosen = []
    for r in range(min(g, U)):
        gains = jax.nn.relu(S_sub - m[:, None, :]).sum(axis=-1)   # [H,U]
        gains = jnp.where(blocked, -1e9, gains)
        j = jnp.argmax(gains, axis=1)
        chosen.append(j)
        blocked = blocked.at[Hr, j].set(True)
        m = jnp.maximum(m, S_sub[Hr, j, :])
    chosen_local = jnp.stack(chosen, axis=1)                   # [H,g]
    chosen_abs = jnp.take_along_axis(top_idx, chosen_local, axis=1)
    return chosen_abs                                          # [H,g]


def _forward(q, k, v):
    B, H, S, dh = q.shape
    scale = 1.0 / np.sqrt(dh)
    idx = _build_indices_encoder(S, FRAG)                      # [S,F]
    k_win = k[:, :, idx, :]                                    # [B,H,S,F,d] gather
    v_win = v[:, :, idx, :]
    scores_win = jnp.einsum('bhsd,bhsfd->bhsf', q, k_win) * scale
    t = jnp.arange(S)
    prior = jnp.exp(-jnp.abs(idx - t[:, None]).astype(jnp.float32) / TAU)  # [S,F]
    sel = scores_win + ALPHA_POS * prior[None, None]
    kk = min(K_PER_QUERY, FRAG)
    _, sel_idx = jax.lax.top_k(sel, kk)                        # [B,H,S,kk]
    logits_local = jnp.take_along_axis(scores_win, sel_idx, axis=-1)
    v_sel = jnp.take_along_axis(v_win, sel_idx[..., None], axis=3)  # [B,H,S,kk,d]
    chosen = _choose_globals(k, q)                             # [H,g]
    kg = jnp.take_along_axis(k, chosen[None, :, :, None], axis=2)   # [B,H,g,d]
    vg = jnp.take_along_axis(v, chosen[None, :, :, None], axis=2)
    logits_glob = jnp.einsum('bhsd,bhgd->bhsg', q, kg) * scale
    logits = jnp.concatenate([logits_local, logits_glob], axis=-1)
    attn = jax.nn.softmax(logits, axis=-1)
    a_loc = attn[..., :kk]
    a_glb = attn[..., kk:]
    out = jnp.einsum('bhsk,bhskd->bhsd', a_loc, v_sel) + jnp.einsum('bhsg,bhgd->bhsd', a_glb, vg)
    return out


def setup_inputs(seed: int = 0) -> dict:
    key = jax.random.key(seed)
    k1, k2, k3 = jax.random.split(key, 3)
    shape = (1, 16, 2048, 64)
    return {
        'q': jax.random.normal(k1, shape, dtype=jnp.float32),
        'k': jax.random.normal(k2, shape, dtype=jnp.float32),
        'v': jax.random.normal(k3, shape, dtype=jnp.float32),
    }


def reference(q, k, v):
    return _forward(q, k, v)

if __name__ == "__main__":
    import jax
    _d = setup_inputs()
    print(jax.jit(kernel)(*tuple(_d.values())))

</pallas_src>

<mosaic_0001>
#map = affine_map<(d0, d1) -> (0, 0, 0, 0)>
#map1 = affine_map<(d0, d1) -> (0, 0, 0)>
module attributes {stable_mosaic.version = 14 : i64} {
  func.func @_local_sc(%arg0: i32, %arg1: i32, %arg2: memref<16x8x64x256xf32, #tpu.memory_space<hbm>>, %arg3: memref<16x8x17408xf32, #tpu.memory_space<hbm>>, %arg4: memref<16x8x17408xf32, #tpu.memory_space<hbm>>, %arg5: memref<16x8x64x256xf32, #tpu.memory_space<hbm>>, %arg6: memref<16x8x2x256xf32, #tpu.memory_space<hbm>>, %arg7: memref<16x8x64x256xf32, #tpu.memory_space<hbm>>, %arg8: memref<64x256xf32, #tpu.memory_space<vmem>>, %arg9: memref<17408xf32, #tpu.memory_space<vmem>>, %arg10: memref<17408xf32, #tpu.memory_space<vmem>>, %arg11: memref<64x256xf32, #tpu.memory_space<vmem>>, %arg12: memref<2x256xf32, #tpu.memory_space<vmem>>, %arg13: memref<64x256xf32, #tpu.memory_space<vmem>>) attributes {dimension_semantics = [#tpu.dimension_semantics<core_parallel>, #tpu.dimension_semantics<subcore_parallel>], iteration_bounds = array<i64: 2, 16>, scalar_prefetch = 0 : i64, scratch_operands = 6 : i64, tpu.core_type = #tpu.core_type<sc_vector_subcore>, window_params = [{transform_indices = #map}, {transform_indices = #map1}, {transform_indices = #map1}, {transform_indices = #map}, {transform_indices = #map}, {transform_indices = #map}]} {
    %iota3A = tpu.iota {dimensions = array<i32: 0>} : vector<16xi32>
    %scan3A = arith.constant 0 : i32
    %scan3A_0 = arith.constant 0 : i32
    %scan3A_1 = arith.constant 4 : i32
    %scan3A_2 = arith.addi %scan3A_0, %scan3A_1 : i32
    %scan3A_3 = arith.constant 1 : i32
    %scan3A_4 = scf.for %scan3A_6 = %scan3A_0 to %scan3A_2 step %scan3A_3 iter_args(%scan3A_7 = %scan3A) -> (i32)  : i32 {
      %mul3A = arith.constant 4 : i32
      %mul3A_8 = arith.muli %arg0, %mul3A : i32
      %add3A = arith.addi %mul3A_8, %scan3A_6 : i32
      %mul3A_9 = arith.constant 256 : i32
      %mul3A_10 = arith.muli %add3A, %mul3A_9 : i32
      %sub3A = arith.constant 8 : i32
      %sub3A_11 = arith.subi %mul3A_10, %sub3A : i32
      %jit3A = arith.constant 0 : i32
      %jit3A_12 = arith.constant 1776 : i32
      %max3A = arith.maxsi %jit3A, %sub3A_11 : i32
      %min3A = arith.minsi %jit3A_12, %max3A : i32
      "tpu.region"() ({
        %run_scoped3A = tpu.sem_alloc : memref<!tpu.dma_semaphore, #tpu.memory_space<semaphore_mem>>
        %dma_start3A = arith.constant 0 : i32
        %dma_start3A_21 = arith.constant 0 : i32
        %dma_start3A_22 = tpu.memref_slice %arg2[%arg1, %add3A, %dma_start3A, %dma_start3A_21] : memref<16x8x64x256xf32, #tpu.memory_space<hbm>> -> memref<1x1x64x256xf32, #tpu.memory_space<hbm>>
        %dma_start3A_23 = tpu.memref_squeeze %dma_start3A_22 : memref<1x1x64x256xf32, #tpu.memory_space<hbm>> -> memref<64x256xf32, #tpu.memory_space<hbm>>
        %dma_start3A_24 = arith.constant 0 : i32
        %dma_start3A_25 = arith.constant 0 : i32
        %dma_start3A_26 = tpu.memref_slice %arg2[%arg1, %add3A, %dma_start3A_24, %dma_start3A_25] : memref<16x8x64x256xf32, #tpu.memory_space<hbm>> -> memref<1x1x64x256xf32, #tpu.memory_space<hbm>>
        %dma_start3A_27 = tpu.memref_squeeze %dma_start3A_26 : memref<1x1x64x256xf32, #tpu.memory_space<hbm>> -> memref<64x256xf32, #tpu.memory_space<hbm>>
        tpu.enqueue_dma source(%dma_start3A_27 : memref<64x256xf32, #tpu.memory_space<hbm>>) target(%arg8 : memref<64x256xf32, #tpu.memory_space<vmem>>) target_semaphore(%run_scoped3A : memref<!tpu.dma_semaphore, #tpu.memory_space<semaphore_mem>>)
        %dma_wait3A = arith.constant 0 : i32
        %dma_wait3A_28 = arith.constant 0 : i32
        %dma_wait3A_29 = tpu.memref_slice %arg2[%arg1, %add3A, %dma_wait3A, %dma_wait3A_28] : memref<16x8x64x256xf32, #tpu.memory_space<hbm>> -> memref<1x1x64x256xf32, #tpu.memory_space<hbm>>
        %dma_wait3A_30 = tpu.memref_squeeze %dma_wait3A_29 : memref<1x1x64x256xf32, #tpu.memory_space<hbm>> -> memref<64x256xf32, #tpu.memory_space<hbm>>
        %dma_wait3A_31 = arith.constant 0 : i32
        %dma_wait3A_32 = arith.constant 0 : i32
        %dma_wait3A_33 = tpu.memref_slice %arg2[%arg1, %add3A, %dma_wait3A_31, %dma_wait3A_32] : memref<16x8x64x256xf32, #tpu.memory_space<hbm>> -> memref<1x1x64x256xf32, #tpu.memory_space<hbm>>
        %dma_wait3A_34 = tpu.memref_squeeze %dma_wait3A_33 : memref<1x1x64x256xf32, #tpu.memory_space<hbm>> -> memref<64x256xf32, #tpu.memory_space<hbm>>
        tpu.wait_dma2 semaphore(%run_scoped3A : memref<!tpu.dma_semaphore, #tpu.memory_space<semaphore_mem>>) src(%dma_wait3A_34 : memref<64x256xf32, #tpu.memory_space<hbm>>) dst(%arg8 : memref<64x256xf32, #tpu.memory_space<vmem>>)
        tpu.yield
      }) : () -> ()
      "tpu.region"() ({
        %run_scoped3A = tpu.sem_alloc : memref<!tpu.dma_semaphore, #tpu.memory_space<semaphore_mem>>
        %dma_start3A = arith.constant 0 : i32
        %dma_start3A_21 = tpu.memref_slice %arg3[%arg1, %add3A, %dma_start3A] : memref<16x8x17408xf32, #tpu.memory_space<hbm>> -> memref<1x1x17408xf32, #tpu.memory_space<hbm>>
        %dma_start3A_22 = tpu.memref_squeeze %dma_start3A_21 : memref<1x1x17408xf32, #tpu.memory_space<hbm>> -> memref<17408xf32, #tpu.memory_space<hbm>>
        %dma_start3A_23 = arith.constant 0 : i32
        %dma_start3A_24 = tpu.memref_slice %arg3[%arg1, %add3A, %dma_start3A_23] : memref<16x8x17408xf32, #tpu.memory_space<hbm>> -> memref<1x1x17408xf32, #tpu.memory_space<hbm>>
        %dma_start3A_25 = tpu.memref_squeeze %dma_start3A_24 : memref<1x1x17408xf32, #tpu.memory_space<hbm>> -> memref<17408xf32, #tpu.memory_space<hbm>>
        tpu.enqueue_dma source(%dma_start3A_25 : memref<17408xf32, #tpu.memory_space<hbm>>) target(%arg9 : memref<17408xf32, #tpu.memory_space<vmem>>) target_semaphore(%run_scoped3A : memref<!tpu.dma_semaphore, #tpu.memory_space<semaphore_mem>>)
        %dma_wait3A = arith.constant 0 : i32
        %dma_wait3A_26 = tpu.memref_slice %arg3[%arg1, %add3A, %dma_wait3A] : memref<16x8x17408xf32, #tpu.memory_space<hbm>> -> memref<1x1x17408xf32, #tpu.memory_space<hbm>>
        %dma_wait3A_27 = tpu.memref_squeeze %dma_wait3A_26 : memref<1x1x17408xf32, #tpu.memory_space<hbm>> -> memref<17408xf32, #tpu.memory_space<hbm>>
        %dma_wait3A_28 = arith.constant 0 : i32
        %dma_wait3A_29 = tpu.memref_slice %arg3[%arg1, %add3A, %dma_wait3A_28] : memref<16x8x17408xf32, #tpu.memory_space<hbm>> -> memref<1x1x17408xf32, #tpu.memory_space<hbm>>
        %dma_wait3A_30 = tpu.memref_squeeze %dma_wait3A_29 : memref<1x1x17408xf32, #tpu.memory_space<hbm>> -> memref<17408xf32, #tpu.memory_space<hbm>>
        tpu.wait_dma2 semaphore(%run_scoped3A : memref<!tpu.dma_semaphore, #tpu.memory_space<semaphore_mem>>) src(%dma_wait3A_30 : memref<17408xf32, #tpu.memory_space<hbm>>) dst(%arg9 : memref<17408xf32, #tpu.memory_space<vmem>>)
        tpu.yield
      }) : () -> ()
      "tpu.region"() ({
        %run_scoped3A = tpu.sem_alloc : memref<!tpu.dma_semaphore, #tpu.memory_space<semaphore_mem>>
        %dma_start3A = arith.constant 0 : i32
        %dma_start3A_21 = tpu.memref_slice %arg4[%arg1, %add3A, %dma_start3A] : memref<16x8x17408xf32, #tpu.memory_space<hbm>> -> memref<1x1x17408xf32, #tpu.memory_space<hbm>>
        %dma_start3A_22 = tpu.memref_squeeze %dma_start3A_21 : memref<1x1x17408xf32, #tpu.memory_space<hbm>> -> memref<17408xf32, #tpu.memory_space<hbm>>
        %dma_start3A_23 = arith.constant 0 : i32
        %dma_start3A_24 = tpu.memref_slice %arg4[%arg1, %add3A, %dma_start3A_23] : memref<16x8x17408xf32, #tpu.memory_space<hbm>> -> memref<1x1x17408xf32, #tpu.memory_space<hbm>>
        %dma_start3A_25 = tpu.memref_squeeze %dma_start3A_24 : memref<1x1x17408xf32, #tpu.memory_space<hbm>> -> memref<17408xf32, #tpu.memory_space<hbm>>
        tpu.enqueue_dma source(%dma_start3A_25 : memref<17408xf32, #tpu.memory_space<hbm>>) target(%arg10 : memref<17408xf32, #tpu.memory_space<vmem>>) target_semaphore(%run_scoped3A : memref<!tpu.dma_semaphore, #tpu.memory_space<semaphore_mem>>)
        %dma_wait3A = arith.constant 0 : i32
        %dma_wait3A_26 = tpu.memref_slice %arg4[%arg1, %add3A, %dma_wait3A] : memref<16x8x17408xf32, #tpu.memory_space<hbm>> -> memref<1x1x17408xf32, #tpu.memory_space<hbm>>
        %dma_wait3A_27 = tpu.memref_squeeze %dma_wait3A_26 : memref<1x1x17408xf32, #tpu.memory_space<hbm>> -> memref<17408xf32, #tpu.memory_space<hbm>>
        %dma_wait3A_28 = arith.constant 0 : i32
        %dma_wait3A_29 = tpu.memref_slice %arg4[%arg1, %add3A, %dma_wait3A_28] : memref<16x8x17408xf32, #tpu.memory_space<hbm>> -> memref<1x1x17408xf32, #tpu.memory_space<hbm>>
        %dma_wait3A_30 = tpu.memref_squeeze %dma_wait3A_29 : memref<1x1x17408xf32, #tpu.memory_space<hbm>> -> memref<17408xf32, #tpu.memory_space<hbm>>
        tpu.wait_dma2 semaphore(%run_scoped3A : memref<!tpu.dma_semaphore, #tpu.memory_space<semaphore_mem>>) src(%dma_wait3A_30 : memref<17408xf32, #tpu.memory_space<hbm>>) dst(%arg10 : memref<17408xf32, #tpu.memory_space<vmem>>)
        tpu.yield
      }) : () -> ()
      "tpu.region"() ({
        %run_scoped3A = tpu.sem_alloc : memref<!tpu.dma_semaphore, #tpu.memory_space<semaphore_mem>>
        %dma_start3A = arith.constant 0 : i32
        %dma_start3A_21 = arith.constant 0 : i32
        %dma_start3A_22 = tpu.memref_slice %arg5[%arg1, %add3A, %dma_start3A, %dma_start3A_21] : memref<16x8x64x256xf32, #tpu.memory_space<hbm>> -> memref<1x1x64x256xf32, #tpu.memory_space<hbm>>
        %dma_start3A_23 = tpu.memref_squeeze %dma_start3A_22 : memref<1x1x64x256xf32, #tpu.memory_space<hbm>> -> memref<64x256xf32, #tpu.memory_space<hbm>>
        %dma_start3A_24 = arith.constant 0 : i32
        %dma_start3A_25 = arith.constant 0 : i32
        %dma_start3A_26 = tpu.memref_slice %arg5[%arg1, %add3A, %dma_start3A_24, %dma_start3A_25] : memref<16x8x64x256xf32, #tpu.memory_space<hbm>> -> memref<1x1x64x256xf32, #tpu.memory_space<hbm>>
        %dma_start3A_27 = tpu.memref_squeeze %dma_start3A_26 : memref<1x1x64x256xf32, #tpu.memory_space<hbm>> -> memref<64x256xf32, #tpu.memory_space<hbm>>
        tpu.enqueue_dma source(%dma_start3A_27 : memref<64x256xf32, #tpu.memory_space<hbm>>) target(%arg11 : memref<64x256xf32, #tpu.memory_space<vmem>>) target_semaphore(%run_scoped3A : memref<!tpu.dma_semaphore, #tpu.memory_space<semaphore_mem>>)
        %dma_wait3A = arith.constant 0 : i32
        %dma_wait3A_28 = arith.constant 0 : i32
        %dma_wait3A_29 = tpu.memref_slice %arg5[%arg1, %add3A, %dma_wait3A, %dma_wait3A_28] : memref<16x8x64x256xf32, #tpu.memory_space<hbm>> -> memref<1x1x64x256xf32, #tpu.memory_space<hbm>>
        %dma_wait3A_30 = tpu.memref_squeeze %dma_wait3A_29 : memref<1x1x64x256xf32, #tpu.memory_space<hbm>> -> memref<64x256xf32, #tpu.memory_space<hbm>>
        %dma_wait3A_31 = arith.constant 0 : i32
        %dma_wait3A_32 = arith.constant 0 : i32
        %dma_wait3A_33 = tpu.memref_slice %arg5[%arg1, %add3A, %dma_wait3A_31, %dma_wait3A_32] : memref<16x8x64x256xf32, #tpu.memory_space<hbm>> -> memref<1x1x64x256xf32, #tpu.memory_space<hbm>>
        %dma_wait3A_34 = tpu.memref_squeeze %dma_wait3A_33 : memref<1x1x64x256xf32, #tpu.memory_space<hbm>> -> memref<64x256xf32, #tpu.memory_space<hbm>>
        tpu.wait_dma2 semaphore(%run_scoped3A : memref<!tpu.dma_semaphore, #tpu.memory_space<semaphore_mem>>) src(%dma_wait3A_34 : memref<64x256xf32, #tpu.memory_space<hbm>>) dst(%arg11 : memref<64x256xf32, #tpu.memory_space<vmem>>)
        tpu.yield
      }) : () -> ()
      "tpu.region"() ({
        %run_scoped3A = tpu.sem_alloc : memref<!tpu.dma_semaphore, #tpu.memory_space<semaphore_mem>>
        %dma_start3A = arith.constant 0 : i32
        %dma_start3A_21 = arith.constant 0 : i32
        %dma_start3A_22 = tpu.memref_slice %arg6[%arg1, %add3A, %dma_start3A, %dma_start3A_21] : memref<16x8x2x256xf32, #tpu.memory_space<hbm>> -> memref<1x1x2x256xf32, #tpu.memory_space<hbm>>
        %dma_start3A_23 = tpu.memref_squeeze %dma_start3A_22 : memref<1x1x2x256xf32, #tpu.memory_space<hbm>> -> memref<2x256xf32, #tpu.memory_space<hbm>>
        %dma_start3A_24 = arith.constant 0 : i32
        %dma_start3A_25 = arith.constant 0 : i32
        %dma_start3A_26 = tpu.memref_slice %arg6[%arg1, %add3A, %dma_start3A_24, %dma_start3A_25] : memref<16x8x2x256xf32, #tpu.memory_space<hbm>> -> memref<1x1x2x256xf32, #tpu.memory_space<hbm>>
        %dma_start3A_27 = tpu.memref_squeeze %dma_start3A_26 : memref<1x1x2x256xf32, #tpu.memory_space<hbm>> -> memref<2x256xf32, #tpu.memory_space<hbm>>
        tpu.enqueue_dma source(%dma_start3A_27 : memref<2x256xf32, #tpu.memory_space<hbm>>) target(%arg12 : memref<2x256xf32, #tpu.memory_space<vmem>>) target_semaphore(%run_scoped3A : memref<!tpu.dma_semaphore, #tpu.memory_space<semaphore_mem>>)
        %dma_wait3A = arith.constant 0 : i32
        %dma_wait3A_28 = arith.constant 0 : i32
        %dma_wait3A_29 = tpu.memref_slice %arg6[%arg1, %add3A, %dma_wait3A, %dma_wait3A_28] : memref<16x8x2x256xf32, #tpu.memory_space<hbm>> -> memref<1x1x2x256xf32, #tpu.memory_space<hbm>>
        %dma_wait3A_30 = tpu.memref_squeeze %dma_wait3A_29 : memref<1x1x2x256xf32, #tpu.memory_space<hbm>> -> memref<2x256xf32, #tpu.memory_space<hbm>>
        %dma_wait3A_31 = arith.constant 0 : i32
        %dma_wait3A_32 = arith.constant 0 : i32
        %dma_wait3A_33 = tpu.memref_slice %arg6[%arg1, %add3A, %dma_wait3A_31, %dma_wait3A_32] : memref<16x8x2x256xf32, #tpu.memory_space<hbm>> -> memref<1x1x2x256xf32, #tpu.memory_space<hbm>>
        %dma_wait3A_34 = tpu.memref_squeeze %dma_wait3A_33 : memref<1x1x2x256xf32, #tpu.memory_space<hbm>> -> memref<2x256xf32, #tpu.memory_space<hbm>>
        tpu.wait_dma2 semaphore(%run_scoped3A : memref<!tpu.dma_semaphore, #tpu.memory_space<semaphore_mem>>) src(%dma_wait3A_34 : memref<2x256xf32, #tpu.memory_space<hbm>>) dst(%arg12 : memref<2x256xf32, #tpu.memory_space<vmem>>)
        tpu.yield
      }) : () -> ()
      %scan3A_13 = arith.constant 0 : i32
      %scan3A_14 = arith.constant 0 : i32
      %scan3A_15 = arith.constant 16 : i32
      %scan3A_16 = arith.addi %scan3A_14, %scan3A_15 : i32
      %scan3A_17 = arith.constant 1 : i32
      %scan3A_18 = scf.for %scan3A_21 = %scan3A_14 to %scan3A_16 step %scan3A_17 iter_args(%scan3A_22 = %scan3A_13) -> (i32)  : i32 {
        %mul3A_23 = arith.constant 16 : i32
        %mul3A_24 = arith.muli %scan3A_21, %mul3A_23 : i32
        %add3A_25 = arith.addi %mul3A_10, %mul3A_24 : i32
        %add3A_26 = vector.broadcast %add3A_25 : i32 to vector<16xi32>
        %add3A_27 = arith.addi %add3A_26, %iota3A : vector<16xi32>
        %sub3A_28 = arith.constant 8 : i32
        %sub3A_29 = vector.broadcast %sub3A_28 : i32 to vector<16xi32>
        %sub3A_30 = arith.subi %add3A_27, %sub3A_29 : vector<16xi32>
        %jit3A_31 = arith.constant 0 : i32
        %jit3A_32 = arith.constant 2032 : i32
        %max3A_33 = vector.broadcast %jit3A_31 : i32 to vector<16xi32>
        %max3A_34 = arith.maxsi %max3A_33, %sub3A_30 : vector<16xi32>
        %min3A_35 = vector.broadcast %jit3A_32 : i32 to vector<16xi32>
        %min3A_36 = arith.minsi %min3A_35, %max3A_34 : vector<16xi32>
        %sub3A_37 = vector.broadcast %min3A : i32 to vector<16xi32>
        %sub3A_38 = arith.subi %min3A_36, %sub3A_37 : vector<16xi32>
        %add3A_39 = arith.constant 0 : i32
        %add3A_40 = vector.broadcast %add3A_39 : i32 to vector<16xi32>
        %add3A_41 = arith.addi %sub3A_38, %add3A_40 : vector<16xi32>
        %add3A_42 = arith.constant 1 : i32
        %add3A_43 = vector.broadcast %add3A_42 : i32 to vector<16xi32>
        %add3A_44 = arith.addi %sub3A_38, %add3A_43 : vector<16xi32>
        %add3A_45 = arith.constant 2 : i32
        %add3A_46 = vector.broadcast %add3A_45 : i32 to vector<16xi32>
        %add3A_47 = arith.addi %sub3A_38, %add3A_46 : vector<16xi32>
        %add3A_48 = arith.constant 3 : i32
        %add3A_49 = vector.broadcast %add3A_48 : i32 to vector<16xi32>
        %add3A_50 = arith.addi %sub3A_38, %add3A_49 : vector<16xi32>
        %add3A_51 = arith.constant 4 : i32
        %add3A_52 = vector.broadcast %add3A_51 : i32 to vector<16xi32>
        %add3A_53 = arith.addi %sub3A_38, %add3A_52 : vector<16xi32>
        %add3A_54 = arith.constant 5 : i32
        %add3A_55 = vector.broadcast %add3A_54 : i32 to vector<16xi32>
        %add3A_56 = arith.addi %sub3A_38, %add3A_55 : vector<16xi32>
        %add3A_57 = arith.constant 6 : i32
        %add3A_58 = vector.broadcast %add3A_57 : i32 to vector<16xi32>
        %add3A_59 = arith.addi %sub3A_38, %add3A_58 : vector<16xi32>
        %add3A_60 = arith.constant 7 : i32
        %add3A_61 = vector.broadcast %add3A_60 : i32 to vector<16xi32>
        %add3A_62 = arith.addi %sub3A_38, %add3A_61 : vector<16xi32>
        %add3A_63 = arith.constant 8 : i32
        %add3A_64 = vector.broadcast %add3A_63 : i32 to vector<16xi32>
        %add3A_65 = arith.addi %sub3A_38, %add3A_64 : vector<16xi32>
        %add3A_66 = arith.constant 9 : i32
        %add3A_67 = vector.broadcast %add3A_66 : i32 to vector<16xi32>
        %add3A_68 = arith.addi %sub3A_38, %add3A_67 : vector<16xi32>
        %add3A_69 = arith.constant 10 : i32
        %add3A_70 = vector.broadcast %add3A_69 : i32 to vector<16xi32>
        %add3A_71 = arith.addi %sub3A_38, %add3A_70 : vector<16xi32>
        %add3A_72 = arith.constant 11 : i32
        %add3A_73 = vector.broadcast %add3A_72 : i32 to vector<16xi32>
        %add3A_74 = arith.addi %sub3A_38, %add3A_73 : vector<16xi32>
        %add3A_75 = arith.constant 12 : i32
        %add3A_76 = vector.broadcast %add3A_75 : i32 to vector<16xi32>
        %add3A_77 = arith.addi %sub3A_38, %add3A_76 : vector<16xi32>
        %add3A_78 = arith.constant 13 : i32
        %add3A_79 = vector.broadcast %add3A_78 : i32 to vector<16xi32>
        %add3A_80 = arith.addi %sub3A_38, %add3A_79 : vector<16xi32>
        %add3A_81 = arith.constant 14 : i32
        %add3A_82 = vector.broadcast %add3A_81 : i32 to vector<16xi32>
        %add3A_83 = arith.addi %sub3A_38, %add3A_82 : vector<16xi32>
        %add3A_84 = arith.constant 15 : i32
        %add3A_85 = vector.broadcast %add3A_84 : i32 to vector<16xi32>
        %add3A_86 = arith.addi %sub3A_38, %add3A_85 : vector<16xi32>
        %broadcast_in_dim3A = arith.constant 0.000000e+00 : f32
        %broadcast_in_dim3A_87 = vector.broadcast %broadcast_in_dim3A : f32 to vector<16xf32>
        %broadcast_in_dim3A_88 = arith.constant 0.000000e+00 : f32
        %broadcast_in_dim3A_89 = vector.broadcast %broadcast_in_dim3A_88 : f32 to vector<16xf32>
        %broadcast_in_dim3A_90 = arith.constant 0.000000e+00 : f32
        %broadcast_in_dim3A_91 = vector.broadcast %broadcast_in_dim3A_90 : f32 to vector<16xf32>
        %broadcast_in_dim3A_92 = arith.constant 0.000000e+00 : f32
        %broadcast_in_dim3A_93 = vector.broadcast %broadcast_in_dim3A_92 : f32 to vector<16xf32>
        %broadcast_in_dim3A_94 = arith.constant 0.000000e+00 : f32
        %broadcast_in_dim3A_95 = vector.broadcast %broadcast_in_dim3A_94 : f32 to vector<16xf32>
        %broadcast_in_dim3A_96 = arith.constant 0.000000e+00 : f32
        %broadcast_in_dim3A_97 = vector.broadcast %broadcast_in_dim3A_96 : f32 to vector<16xf32>
        %broadcast_in_dim3A_98 = arith.constant 0.000000e+00 : f32
        %broadcast_in_dim3A_99 = vector.broadcast %broadcast_in_dim3A_98 : f32 to vector<16xf32>
        %broadcast_in_dim3A_100 = arith.constant 0.000000e+00 : f32
        %broadcast_in_dim3A_101 = vector.broadcast %broadcast_in_dim3A_100 : f32 to vector<16xf32>
        %broadcast_in_dim3A_102 = arith.constant 0.000000e+00 : f32
        %broadcast_in_dim3A_103 = vector.broadcast %broadcast_in_dim3A_102 : f32 to vector<16xf32>
        %broadcast_in_dim3A_104 = arith.constant 0.000000e+00 : f32
        %broadcast_in_dim3A_105 = vector.broadcast %broadcast_in_dim3A_104 : f32 to vector<16xf32>
        %broadcast_in_dim3A_106 = arith.constant 0.000000e+00 : f32
        %broadcast_in_dim3A_107 = vector.broadcast %broadcast_in_dim3A_106 : f32 to vector<16xf32>
        %broadcast_in_dim3A_108 = arith.constant 0.000000e+00 : f32
        %broadcast_in_dim3A_109 = vector.broadcast %broadcast_in_dim3A_108 : f32 to vector<16xf32>
        %broadcast_in_dim3A_110 = arith.constant 0.000000e+00 : f32
        %broadcast_in_dim3A_111 = vector.broadcast %broadcast_in_dim3A_110 : f32 to vector<16xf32>
        %broadcast_in_dim3A_112 = arith.constant 0.000000e+00 : f32
        %broadcast_in_dim3A_113 = vector.broadcast %broadcast_in_dim3A_112 : f32 to vector<16xf32>
        %broadcast_in_dim3A_114 = arith.constant 0.000000e+00 : f32
        %broadcast_in_dim3A_115 = vector.broadcast %broadcast_in_dim3A_114 : f32 to vector<16xf32>
        %broadcast_in_dim3A_116 = arith.constant 0.000000e+00 : f32
        %broadcast_in_dim3A_117 = vector.broadcast %broadcast_in_dim3A_116 : f32 to vector<16xf32>
        %scan3A_118 = arith.constant 0 : i32
        %scan3A_119 = arith.constant 64 : i32
        %scan3A_120 = arith.addi %scan3A_118, %scan3A_119 : i32
        %scan3A_121 = arith.constant 1 : i32
        %scan3A_122:16 = scf.for %scan3A_1958 = %scan3A_118 to %scan3A_120 step %scan3A_121 iter_args(%scan3A_1959 = %broadcast_in_dim3A_87, %scan3A_1960 = %broadcast_in_dim3A_89, %scan3A_1961 = %broadcast_in_dim3A_91, %scan3A_1962 = %broadcast_in_dim3A_93, %scan3A_1963 = %broadcast_in_dim3A_95, %scan3A_1964 = %broadcast_in_dim3A_97, %scan3A_1965 = %broadcast_in_dim3A_99, %scan3A_1966 = %broadcast_in_dim3A_101, %scan3A_1967 = %broadcast_in_dim3A_103, %scan3A_1968 = %broadcast_in_dim3A_105, %scan3A_1969 = %broadcast_in_dim3A_107, %scan3A_1970 = %broadcast_in_dim3A_109, %scan3A_1971 = %broadcast_in_dim3A_111, %scan3A_1972 = %broadcast_in_dim3A_113, %scan3A_1973 = %broadcast_in_dim3A_115, %scan3A_1974 = %broadcast_in_dim3A_117) -> (vector<16xf32>, vector<16xf32>, vector<16xf32>, vector<16xf32>, vector<16xf32>, vector<16xf32>, vector<16xf32>, vector<16xf32>, vector<16xf32>, vector<16xf32>, vector<16xf32>, vector<16xf32>, vector<16xf32>, vector<16xf32>, vector<16xf32>, vector<16xf32>)  : i32 {
          %mul3A_1975 = arith.constant 272 : i32
          %mul3A_1976 = arith.muli %scan3A_1958, %mul3A_1975 : i32
          %get3A_1977 = arith.index_cast %scan3A_1958 : i32 to index
          %get3A_1978 = arith.index_cast %mul3A_24 : i32 to index
          %get3A_1979 = tpu.vector_load %arg8[%get3A_1977, %get3A_1978] {strides = array<i32>} : memref<64x256xf32, #tpu.memory_space<vmem>>, vector<16xf32>,
          %add3A_1980 = vector.broadcast %mul3A_1976 : i32 to vector<16xi32>
          %add3A_1981 = arith.addi %add3A_41, %add3A_1980 : vector<16xi32>
          %gather3A = tpu.vector_load_idx %arg9[%add3A_1981] : memref<17408xf32, #tpu.memory_space<vmem>>[vector<16xi32>], vector<16xf32>,
          %mul3A_1982 = arith.mulf %get3A_1979, %gather3A : vector<16xf32>
          %add3A_1983 = arith.addf %scan3A_1959, %mul3A_1982 : vector<16xf32>
          %add3A_1984 = vector.broadcast %mul3A_1976 : i32 to vector<16xi32>
          %add3A_1985 = arith.addi %add3A_44, %add3A_1984 : vector<16xi32>
          %gather3A_1986 = tpu.vector_load_idx %arg9[%add3A_1985] : memref<17408xf32, #tpu.memory_space<vmem>>[vector<16xi32>], vector<16xf32>,
          %mul3A_1987 = arith.mulf %get3A_1979, %gather3A_1986 : vector<16xf32>
          %add3A_1988 = arith.addf %scan3A_1960, %mul3A_1987 : vector<16xf32>
          %add3A_1989 = vector.broadcast %mul3A_1976 : i32 to vector<16xi32>
          %add3A_1990 = arith.addi %add3A_47, %add3A_1989 : vector<16xi32>
          %gather3A_1991 = tpu.vector_load_idx %arg9[%add3A_1990] : memref<17408xf32, #tpu.memory_space<vmem>>[vector<16xi32>], vector<16xf32>,
          %mul3A_1992 = arith.mulf %get3A_1979, %gather3A_1991 : vector<16xf32>
          %add3A_1993 = arith.addf %scan3A_1961, %mul3A_1992 : vector<16xf32>
          %add3A_1994 = vector.broadcast %mul3A_1976 : i32 to vector<16xi32>
          %add3A_1995 = arith.addi %add3A_50, %add3A_1994 : vector<16xi32>
          %gather3A_1996 = tpu.vector_load_idx %arg9[%add3A_1995] : memref<17408xf32, #tpu.memory_space<vmem>>[vector<16xi32>], vector<16xf32>,
          %mul3A_1997 = arith.mulf %get3A_1979, %gather3A_1996 : vector<16xf32>
          %add3A_1998 = arith.addf %scan3A_1962, %mul3A_1997 : vector<16xf32>
          %add3A_1999 = vector.broadcast %mul3A_1976 : i32 to vector<16xi32>
          %add3A_2000 = arith.addi %add3A_53, %add3A_1999 : vector<16xi32>
          %gather3A_2001 = tpu.vector_load_idx %arg9[%add3A_2000] : memref<17408xf32, #tpu.memory_space<vmem>>[vector<16xi32>], vector<16xf32>,
          %mul3A_2002 = arith.mulf %get3A_1979, %gather3A_2001 : vector<16xf32>
          %add3A_2003 = arith.addf %scan3A_1963, %mul3A_2002 : vector<16xf32>
          %add3A_2004 = vector.broadcast %mul3A_1976 : i32 to vector<16xi32>
          %add3A_2005 = arith.addi %add3A_56, %add3A_2004 : vector<16xi32>
          %gather3A_2006 = tpu.vector_load_idx %arg9[%add3A_2005] : memref<17408xf32, #tpu.memory_space<vmem>>[vector<16xi32>], vector<16xf32>,
          %mul3A_2007 = arith.mulf %get3A_1979, %gather3A_2006 : vector<16xf32>
          %add3A_2008 = arith.addf %scan3A_1964, %mul3A_2007 : vector<16xf32>
          %add3A_2009 = vector.broadcast %mul3A_1976 : i32 to vector<16xi32>
          %add3A_2010 = arith.addi %add3A_59, %add3A_2009 : vector<16xi32>
          %gather3A_2011 = tpu.vector_load_idx %arg9[%add3A_2010] : memref<17408xf32, #tpu.memory_space<vmem>>[vector<16xi32>], vector<16xf32>,
          %mul3A_2012 = arith.mulf %get3A_1979, %gather3A_2011 : vector<16xf32>
          %add3A_2013 = arith.addf %scan3A_1965, %mul3A_2012 : vector<16xf32>
          %add3A_2014 = vector.broadcast %mul3A_1976 : i32 to vector<16xi32>
          %add3A_2015 = arith.addi %add3A_62, %add3A_2014 : vector<16xi32>
          %gather3A_2016 = tpu.vector_load_idx %arg9[%add3A_2015] : memref<17408xf32, #tpu.memory_space<vmem>>[vector<16xi32>], vector<16xf32>,
          %mul3A_2017 = arith.mulf %get3A_1979, %gather3A_2016 : vector<16xf32>
          %add3A_2018 = arith.addf %scan3A_1966, %mul3A_2017 : vector<16xf32>
          %add3A_2019 = vector.broadcast %mul3A_1976 : i32 to vector<16xi32>
          %add3A_2020 = arith.addi %add3A_65, %add3A_2019 : vector<16xi32>
          %gather3A_2021 = tpu.vector_load_idx %arg9[%add3A_2020] : memref<17408xf32, #tpu.memory_space<vmem>>[vector<16xi32>], vector<16xf32>,
          %mul3A_2022 = arith.mulf %get3A_1979, %gather3A_2021 : vector<16xf32>
          %add3A_2023 = arith.addf %scan3A_1967, %mul3A_2022 : vector<16xf32>
          %add3A_2024 = vector.broadcast %mul3A_1976 : i32 to vector<16xi32>
          %add3A_2025 = arith.addi %add3A_68, %add3A_2024 : vector<16xi32>
          %gather3A_2026 = tpu.vector_load_idx %arg9[%add3A_2025] : memref<17408xf32, #tpu.memory_space<vmem>>[vector<16xi32>], vector<16xf32>,
          %mul3A_2027 = arith.mulf %get3A_1979, %gather3A_2026 : vector<16xf32>
          %add3A_2028 = arith.addf %scan3A_1968, %mul3A_2027 : vector<16xf32>
          %add3A_2029 = vector.broadcast %mul3A_1976 : i32 to vector<16xi32>
          %add3A_2030 = arith.addi %add3A_71, %add3A_2029 : vector<16xi32>
          %gather3A_2031 = tpu.vector_load_idx %arg9[%add3A_2030] : memref<17408xf32, #tpu.memory_space<vmem>>[vector<16xi32>], vector<16xf32>,
          %mul3A_2032 = arith.mulf %get3A_1979, %gather3A_2031 : vector<16xf32>
          %add3A_2033 = arith.addf %scan3A_1969, %mul3A_2032 : vector<16xf32>
          %add3A_2034 = vector.broadcast %mul3A_1976 : i32 to vector<16xi32>
          %add3A_2035 = arith.addi %add3A_74, %add3A_2034 : vector<16xi32>
          %gather3A_2036 = tpu.vector_load_idx %arg9[%add3A_2035] : memref<17408xf32, #tpu.memory_space<vmem>>[vector<16xi32>], vector<16xf32>,
          %mul3A_2037 = arith.mulf %get3A_1979, %gather3A_2036 : vector<16xf32>
          %add3A_2038 = arith.addf %scan3A_1970, %mul3A_2037 : vector<16xf32>
          %add3A_2039 = vector.broadcast %mul3A_1976 : i32 to vector<16xi32>
          %add3A_2040 = arith.addi %add3A_77, %add3A_2039 : vector<16xi32>
          %gather3A_2041 = tpu.vector_load_idx %arg9[%add3A_2040] : memref<17408xf32, #tpu.memory_space<vmem>>[vector<16xi32>], vector<16xf32>,
          %mul3A_2042 = arith.mulf %get3A_1979, %gather3A_2041 : vector<16xf32>
          %add3A_2043 = arith.addf %scan3A_1971, %mul3A_2042 : vector<16xf32>
          %add3A_2044 = vector.broadcast %mul3A_1976 : i32 to vector<16xi32>
          %add3A_2045 = arith.addi %add3A_80, %add3A_2044 : vector<16xi32>
          %gather3A_2046 = tpu.vector_load_idx %arg9[%add3A_2045] : memref<17408xf32, #tpu.memory_space<vmem>>[vector<16xi32>], vector<16xf32>,
          %mul3A_2047 = arith.mulf %get3A_1979, %gather3A_2046 : vector<16xf32>
          %add3A_2048 = arith.addf %scan3A_1972, %mul3A_2047 : vector<16xf32>
          %add3A_2049 = vector.broadcast %mul3A_1976 : i32 to vector<16xi32>
          %add3A_2050 = arith.addi %add3A_83, %add3A_2049 : vector<16xi32>
          %gather3A_2051 = tpu.vector_load_idx %arg9[%add3A_2050] : memref<17408xf32, #tpu.memory_space<vmem>>[vector<16xi32>], vector<16xf32>,
          %mul3A_2052 = arith.mulf %get3A_1979, %gather3A_2051 : vector<16xf32>
          %add3A_2053 = arith.addf %scan3A_1973, %mul3A_2052 : vector<16xf32>
          %add3A_2054 = vector.broadcast %mul3A_1976 : i32 to vector<16xi32>
          %add3A_2055 = arith.addi %add3A_86, %add3A_2054 : vector<16xi32>
          %gather3A_2056 = tpu.vector_load_idx %arg9[%add3A_2055] : memref<17408xf32, #tpu.memory_space<vmem>>[vector<16xi32>], vector<16xf32>,
          %mul3A_2057 = arith.mulf %get3A_1979, %gather3A_2056 : vector<16xf32>
          %add3A_2058 = arith.addf %scan3A_1974, %mul3A_2057 : vector<16xf32>
          scf.yield %add3A_1983, %add3A_1988, %add3A_1993, %add3A_1998, %add3A_2003, %add3A_2008, %add3A_2013, %add3A_2018, %add3A_2023, %add3A_2028, %add3A_2033, %add3A_2038, %add3A_2043, %add3A_2048, %add3A_2053, %add3A_2058 : vector<16xf32>, vector<16xf32>, vector<16xf32>, vector<16xf32>, vector<16xf32>, vector<16xf32>, vector<16xf32>, vector<16xf32>, vector<16xf32>, vector<16xf32>, vector<16xf32>, vector<16xf32>, vector<16xf32>, vector<16xf32>, vector<16xf32>, vector<16xf32>
        }
        %scan3A_123 = arith.constant 64 : i32
        %mul3A_124 = arith.constant 1.250000e-01 : f32
        %mul3A_125 = vector.broadcast %mul3A_124 : f32 to vector<16xf32>
        %mul3A_126 = arith.mulf %scan3A_122#0, %mul3A_125 : vector<16xf32>
        %mul3A_127 = arith.constant 1.250000e-01 : f32
        %mul3A_128 = vector.broadcast %mul3A_127 : f32 to vector<16xf32>
        %mul3A_129 = arith.mulf %scan3A_122#1, %mul3A_128 : vector<16xf32>
        %mul3A_130 = arith.constant 1.250000e-01 : f32
        %mul3A_131 = vector.broadcast %mul3A_130 : f32 to vector<16xf32>
        %mul3A_132 = arith.mulf %scan3A_122#2, %mul3A_131 : vector<16xf32>
        %mul3A_133 = arith.constant 1.250000e-01 : f32
        %mul3A_134 = vector.broadcast %mul3A_133 : f32 to vector<16xf32>
        %mul3A_135 = arith.mulf %scan3A_122#3, %mul3A_134 : vector<16xf32>
        %mul3A_136 = arith.constant 1.250000e-01 : f32
        %mul3A_137 = vector.broadcast %mul3A_136 : f32 to vector<16xf32>
        %mul3A_138 = arith.mulf %scan3A_122#4, %mul3A_137 : vector<16xf32>
        %mul3A_139 = arith.constant 1.250000e-01 : f32
        %mul3A_140 = vector.broadcast %mul3A_139 : f32 to vector<16xf32>
        %mul3A_141 = arith.mulf %scan3A_122#5, %mul3A_140 : vector<16xf32>
        %mul3A_142 = arith.constant 1.250000e-01 : f32
        %mul3A_143 = vector.broadcast %mul3A_142 : f32 to vector<16xf32>
        %mul3A_144 = arith.mulf %scan3A_122#6, %mul3A_143 : vector<16xf32>
        %mul3A_145 = arith.constant 1.250000e-01 : f32
        %mul3A_146 = vector.broadcast %mul3A_145 : f32 to vector<16xf32>
        %mul3A_147 = arith.mulf %scan3A_122#7, %mul3A_146 : vector<16xf32>
        %mul3A_148 = arith.constant 1.250000e-01 : f32
        %mul3A_149 = vector.broadcast %mul3A_148 : f32 to vector<16xf32>
        %mul3A_150 = arith.mulf %scan3A_122#8, %mul3A_149 : vector<16xf32>
        %mul3A_151 = arith.constant 1.250000e-01 : f32
        %mul3A_152 = vector.broadcast %mul3A_151 : f32 to vector<16xf32>
        %mul3A_153 = arith.mulf %scan3A_122#9, %mul3A_152 : vector<16xf32>
        %mul3A_154 = arith.constant 1.250000e-01 : f32
        %mul3A_155 = vector.broadcast %mul3A_154 : f32 to vector<16xf32>
        %mul3A_156 = arith.mulf %scan3A_122#10, %mul3A_155 : vector<16xf32>
        %mul3A_157 = arith.constant 1.250000e-01 : f32
        %mul3A_158 = vector.broadcast %mul3A_157 : f32 to vector<16xf32>
        %mul3A_159 = arith.mulf %scan3A_122#11, %mul3A_158 : vector<16xf32>
        %mul3A_160 = arith.constant 1.250000e-01 : f32
        %mul3A_161 = vector.broadcast %mul3A_160 : f32 to vector<16xf32>
        %mul3A_162 = arith.mulf %scan3A_122#12, %mul3A_161 : vector<16xf32>
        %mul3A_163 = arith.constant 1.250000e-01 : f32
        %mul3A_164 = vector.broadcast %mul3A_163 : f32 to vector<16xf32>
        %mul3A_165 = arith.mulf %scan3A_122#13, %mul3A_164 : vector<16xf32>
        %mul3A_166 = arith.constant 1.250000e-01 : f32
        %mul3A_167 = vector.broadcast %mul3A_166 : f32 to vector<16xf32>
        %mul3A_168 = arith.mulf %scan3A_122#14, %mul3A_167 : vector<16xf32>
        %mul3A_169 = arith.constant 1.250000e-01 : f32
        %mul3A_170 = vector.broadcast %mul3A_169 : f32 to vector<16xf32>
        %mul3A_171 = arith.mulf %scan3A_122#15, %mul3A_170 : vector<16xf32>
        %add3A_172 = arith.constant 0 : i32
        %add3A_173 = vector.broadcast %add3A_172 : i32 to vector<16xi32>
        %add3A_174 = arith.addi %min3A_36, %add3A_173 : vector<16xi32>
        %sub3A_175 = arith.subi %add3A_174, %add3A_27 : vector<16xi32>
        %abs3A = math.absi %sub3A_175 : vector<16xi32>
        %convert_element_type3A = arith.sitofp %abs3A : vector<16xi32> to vector<16xf32>
        %mul3A_176 = arith.constant -1.250000e-01 : f32
        %mul3A_177 = vector.broadcast %mul3A_176 : f32 to vector<16xf32>
        %mul3A_178 = arith.mulf %convert_element_type3A, %mul3A_177 : vector<16xf32>
        %exp3A = math.exp %mul3A_178 : vector<16xf32>
        %mul3A_179 = arith.constant 2.000000e-01 : f32
        %mul3A_180 = vector.broadcast %mul3A_179 : f32 to vector<16xf32>
        %mul3A_181 = arith.mulf %mul3A_180, %exp3A : vector<16xf32>
        %add3A_182 = arith.addf %mul3A_126, %mul3A_181 : vector<16xf32>
        %add3A_183 = arith.constant 1 : i32
        %add3A_184 = vector.broadcast %add3A_183 : i32 to vector<16xi32>
        %add3A_185 = arith.addi %min3A_36, %add3A_184 : vector<16xi32>
        %sub3A_186 = arith.subi %add3A_185, %add3A_27 : vector<16xi32>
        %abs3A_187 = math.absi %sub3A_186 : vector<16xi32>
        %convert_element_type3A_188 = arith.sitofp %abs3A_187 : vector<16xi32> to vector<16xf32>
        %mul3A_189 = arith.constant -1.250000e-01 : f32
        %mul3A_190 = vector.broadcast %mul3A_189 : f32 to vector<16xf32>
        %mul3A_191 = arith.mulf %convert_element_type3A_188, %mul3A_190 : vector<16xf32>
        %exp3A_192 = math.exp %mul3A_191 : vector<16xf32>
        %mul3A_193 = arith.constant 2.000000e-01 : f32
        %mul3A_194 = vector.broadcast %mul3A_193 : f32 to vector<16xf32>
        %mul3A_195 = arith.mulf %mul3A_194, %exp3A_192 : vector<16xf32>
        %add3A_196 = arith.addf %mul3A_129, %mul3A_195 : vector<16xf32>
        %add3A_197 = arith.constant 2 : i32
        %add3A_198 = vector.broadcast %add3A_197 : i32 to vector<16xi32>
        %add3A_199 = arith.addi %min3A_36, %add3A_198 : vector<16xi32>
        %sub3A_200 = arith.subi %add3A_199, %add3A_27 : vector<16xi32>
        %abs3A_201 = math.absi %sub3A_200 : vector<16xi32>
        %convert_element_type3A_202 = arith.sitofp %abs3A_201 : vector<16xi32> to vector<16xf32>
        %mul3A_203 = arith.constant -1.250000e-01 : f32
        %mul3A_204 = vector.broadcast %mul3A_203 : f32 to vector<16xf32>
        %mul3A_205 = arith.mulf %convert_element_type3A_202, %mul3A_204 : vector<16xf32>
        %exp3A_206 = math.exp %mul3A_205 : vector<16xf32>
        %mul3A_207 = arith.constant 2.000000e-01 : f32
        %mul3A_208 = vector.broadcast %mul3A_207 : f32 to vector<16xf32>
        %mul3A_209 = arith.mulf %mul3A_208, %exp3A_206 : vector<16xf32>
        %add3A_210 = arith.addf %mul3A_132, %mul3A_209 : vector<16xf32>
        %add3A_211 = arith.constant 3 : i32
        %add3A_212 = vector.broadcast %add3A_211 : i32 to vector<16xi32>
        %add3A_213 = arith.addi %min3A_36, %add3A_212 : vector<16xi32>
        %sub3A_214 = arith.subi %add3A_213, %add3A_27 : vector<16xi32>
        %abs3A_215 = math.absi %sub3A_214 : vector<16xi32>
        %convert_element_type3A_216 = arith.sitofp %abs3A_215 : vector<16xi32> to vector<16xf32>
        %mul3A_217 = arith.constant -1.250000e-01 : f32
        %mul3A_218 = vector.broadcast %mul3A_217 : f32 to vector<16xf32>
        %mul3A_219 = arith.mulf %convert_element_type3A_216, %mul3A_218 : vector<16xf32>
        %exp3A_220 = math.exp %mul3A_219 : vector<16xf32>
        %mul3A_221 = arith.constant 2.000000e-01 : f32
        %mul3A_222 = vector.broadcast %mul3A_221 : f32 to vector<16xf32>
        %mul3A_223 = arith.mulf %mul3A_222, %exp3A_220 : vector<16xf32>
        %add3A_224 = arith.addf %mul3A_135, %mul3A_223 : vector<16xf32>
        %add3A_225 = arith.constant 4 : i32
        %add3A_226 = vector.broadcast %add3A_225 : i32 to vector<16xi32>
        %add3A_227 = arith.addi %min3A_36, %add3A_226 : vector<16xi32>
        %sub3A_228 = arith.subi %add3A_227, %add3A_27 : vector<16xi32>
        %abs3A_229 = math.absi %sub3A_228 : vector<16xi32>
        %convert_element_type3A_230 = arith.sitofp %abs3A_229 : vector<16xi32> to vector<16xf32>
        %mul3A_231 = arith.constant -1.250000e-01 : f32
        %mul3A_232 = vector.broadcast %mul3A_231 : f32 to vector<16xf32>
        %mul3A_233 = arith.mulf %convert_element_type3A_230, %mul3A_232 : vector<16xf32>
        %exp3A_234 = math.exp %mul3A_233 : vector<16xf32>
        %mul3A_235 = arith.constant 2.000000e-01 : f32
        %mul3A_236 = vector.broadcast %mul3A_235 : f32 to vector<16xf32>
        %mul3A_237 = arith.mulf %mul3A_236, %exp3A_234 : vector<16xf32>
        %add3A_238 = arith.addf %mul3A_138, %mul3A_237 : vector<16xf32>
        %add3A_239 = arith.constant 5 : i32
        %add3A_240 = vector.broadcast %add3A_239 : i32 to vector<16xi32>
        %add3A_241 = arith.addi %min3A_36, %add3A_240 : vector<16xi32>
        %sub3A_242 = arith.subi %add3A_241, %add3A_27 : vector<16xi32>
        %abs3A_243 = math.absi %sub3A_242 : vector<16xi32>
        %convert_element_type3A_244 = arith.sitofp %abs3A_243 : vector<16xi32> to vector<16xf32>
        %mul3A_245 = arith.constant -1.250000e-01 : f32
        %mul3A_246 = vector.broadcast %mul3A_245 : f32 to vector<16xf32>
        %mul3A_247 = arith.mulf %convert_element_type3A_244, %mul3A_246 : vector<16xf32>
        %exp3A_248 = math.exp %mul3A_247 : vector<16xf32>
        %mul3A_249 = arith.constant 2.000000e-01 : f32
        %mul3A_250 = vector.broadcast %mul3A_249 : f32 to vector<16xf32>
        %mul3A_251 = arith.mulf %mul3A_250, %exp3A_248 : vector<16xf32>
        %add3A_252 = arith.addf %mul3A_141, %mul3A_251 : vector<16xf32>
        %add3A_253 = arith.constant 6 : i32
        %add3A_254 = vector.broadcast %add3A_253 : i32 to vector<16xi32>
        %add3A_255 = arith.addi %min3A_36, %add3A_254 : vector<16xi32>
        %sub3A_256 = arith.subi %add3A_255, %add3A_27 : vector<16xi32>
        %abs3A_257 = math.absi %sub3A_256 : vector<16xi32>
        %convert_element_type3A_258 = arith.sitofp %abs3A_257 : vector<16xi32> to vector<16xf32>
        %mul3A_259 = arith.constant -1.250000e-01 : f32
        %mul3A_260 = vector.broadcast %mul3A_259 : f32 to vector<16xf32>
        %mul3A_261 = arith.mulf %convert_element_type3A_258, %mul3A_260 : vector<16xf32>
        %exp3A_262 = math.exp %mul3A_261 : vector<16xf32>
        %mul3A_263 = arith.constant 2.000000e-01 : f32
        %mul3A_264 = vector.broadcast %mul3A_263 : f32 to vector<16xf32>
        %mul3A_265 = arith.mulf %mul3A_264, %exp3A_262 : vector<16xf32>
        %add3A_266 = arith.addf %mul3A_144, %mul3A_265 : vector<16xf32>
        %add3A_267 = arith.constant 7 : i32
        %add3A_268 = vector.broadcast %add3A_267 : i32 to vector<16xi32>
        %add3A_269 = arith.addi %min3A_36, %add3A_268 : vector<16xi32>
        %sub3A_270 = arith.subi %add3A_269, %add3A_27 : vector<16xi32>
        %abs3A_271 = math.absi %sub3A_270 : vector<16xi32>
        %convert_element_type3A_272 = arith.sitofp %abs3A_271 : vector<16xi32> to vector<16xf32>
        %mul3A_273 = arith.constant -1.250000e-01 : f32
        %mul3A_274 = vector.broadcast %mul3A_273 : f32 to vector<16xf32>
        %mul3A_275 = arith.mulf %convert_element_type3A_272, %mul3A_274 : vector<16xf32>
        %exp3A_276 = math.exp %mul3A_275 : vector<16xf32>
        %mul3A_277 = arith.constant 2.000000e-01 : f32
        %mul3A_278 = vector.broadcast %mul3A_277 : f32 to vector<16xf32>
        %mul3A_279 = arith.mulf %mul3A_278, %exp3A_276 : vector<16xf32>
        %add3A_280 = arith.addf %mul3A_147, %mul3A_279 : vector<16xf32>
        %add3A_281 = arith.constant 8 : i32
        %add3A_282 = vector.broadcast %add3A_281 : i32 to vector<16xi32>
        %add3A_283 = arith.addi %min3A_36, %add3A_282 : vector<16xi32>
        %sub3A_284 = arith.subi %add3A_283, %add3A_27 : vector<16xi32>
        %abs3A_285 = math.absi %sub3A_284 : vector<16xi32>
        %convert_element_type3A_286 = arith.sitofp %abs3A_285 : vector<16xi32> to vector<16xf32>
        %mul3A_287 = arith.constant -1.250000e-01 : f32
        %mul3A_288 = vector.broadcast %mul3A_287 : f32 to vector<16xf32>
        %mul3A_289 = arith.mulf %convert_element_type3A_286, %mul3A_288 : vector<16xf32>
        %exp3A_290 = math.exp %mul3A_289 : vector<16xf32>
        %mul3A_291 = arith.constant 2.000000e-01 : f32
        %mul3A_292 = vector.broadcast %mul3A_291 : f32 to vector<16xf32>
        %mul3A_293 = arith.mulf %mul3A_292, %exp3A_290 : vector<16xf32>
        %add3A_294 = arith.addf %mul3A_150, %mul3A_293 : vector<16xf32>
        %add3A_295 = arith.constant 9 : i32
        %add3A_296 = vector.broadcast %add3A_295 : i32 to vector<16xi32>
        %add3A_297 = arith.addi %min3A_36, %add3A_296 : vector<16xi32>
        %sub3A_298 = arith.subi %add3A_297, %add3A_27 : vector<16xi32>
        %abs3A_299 = math.absi %sub3A_298 : vector<16xi32>
        %convert_element_type3A_300 = arith.sitofp %abs3A_299 : vector<16xi32> to vector<16xf32>
        %mul3A_301 = arith.constant -1.250000e-01 : f32
        %mul3A_302 = vector.broadcast %mul3A_301 : f32 to vector<16xf32>
        %mul3A_303 = arith.mulf %convert_element_type3A_300, %mul3A_302 : vector<16xf32>
        %exp3A_304 = math.exp %mul3A_303 : vector<16xf32>
        %mul3A_305 = arith.constant 2.000000e-01 : f32
        %mul3A_306 = vector.broadcast %mul3A_305 : f32 to vector<16xf32>
        %mul3A_307 = arith.mulf %mul3A_306, %exp3A_304 : vector<16xf32>
        %add3A_308 = arith.addf %mul3A_153, %mul3A_307 : vector<16xf32>
        %add3A_309 = arith.constant 10 : i32
        %add3A_310 = vector.broadcast %add3A_309 : i32 to vector<16xi32>
        %add3A_311 = arith.addi %min3A_36, %add3A_310 : vector<16xi32>
        %sub3A_312 = arith.subi %add3A_311, %add3A_27 : vector<16xi32>
        %abs3A_313 = math.absi %sub3A_312 : vector<16xi32>
        %convert_element_type3A_314 = arith.sitofp %abs3A_313 : vector<16xi32> to vector<16xf32>
        %mul3A_315 = arith.constant -1.250000e-01 : f32
        %mul3A_316 = vector.broadcast %mul3A_315 : f32 to vector<16xf32>
        %mul3A_317 = arith.mulf %convert_element_type3A_314, %mul3A_316 : vector<16xf32>
        %exp3A_318 = math.exp %mul3A_317 : vector<16xf32>
        %mul3A_319 = arith.constant 2.000000e-01 : f32
        %mul3A_320 = vector.broadcast %mul3A_319 : f32 to vector<16xf32>
        %mul3A_321 = arith.mulf %mul3A_320, %exp3A_318 : vector<16xf32>
        %add3A_322 = arith.addf %mul3A_156, %mul3A_321 : vector<16xf32>
        %add3A_323 = arith.constant 11 : i32
        %add3A_324 = vector.broadcast %add3A_323 : i32 to vector<16xi32>
        %add3A_325 = arith.addi %min3A_36, %add3A_324 : vector<16xi32>
        %sub3A_326 = arith.subi %add3A_325, %add3A_27 : vector<16xi32>
        %abs3A_327 = math.absi %sub3A_326 : vector<16xi32>
        %convert_element_type3A_328 = arith.sitofp %abs3A_327 : vector<16xi32> to vector<16xf32>
        %mul3A_329 = arith.constant -1.250000e-01 : f32
        %mul3A_330 = vector.broadcast %mul3A_329 : f32 to vector<16xf32>
        %mul3A_331 = arith.mulf %convert_element_type3A_328, %mul3A_330 : vector<16xf32>
        %exp3A_332 = math.exp %mul3A_331 : vector<16xf32>
        %mul3A_333 = arith.constant 2.000000e-01 : f32
        %mul3A_334 = vector.broadcast %mul3A_333 : f32 to vector<16xf32>
        %mul3A_335 = arith.mulf %mul3A_334, %exp3A_332 : vector<16xf32>
        %add3A_336 = arith.addf %mul3A_159, %mul3A_335 : vector<16xf32>
        %add3A_337 = arith.constant 12 : i32
        %add3A_338 = vector.broadcast %add3A_337 : i32 to vector<16xi32>
        %add3A_339 = arith.addi %min3A_36, %add3A_338 : vector<16xi32>
        %sub3A_340 = arith.subi %add3A_339, %add3A_27 : vector<16xi32>
        %abs3A_341 = math.absi %sub3A_340 : vector<16xi32>
        %convert_element_type3A_342 = arith.sitofp %abs3A_341 : vector<16xi32> to vector<16xf32>
        %mul3A_343 = arith.constant -1.250000e-01 : f32
        %mul3A_344 = vector.broadcast %mul3A_343 : f32 to vector<16xf32>
        %mul3A_345 = arith.mulf %convert_element_type3A_342, %mul3A_344 : vector<16xf32>
        %exp3A_346 = math.exp %mul3A_345 : vector<16xf32>
        %mul3A_347 = arith.constant 2.000000e-01 : f32
        %mul3A_348 = vector.broadcast %mul3A_347 : f32 to vector<16xf32>
        %mul3A_349 = arith.mulf %mul3A_348, %exp3A_346 : vector<16xf32>
        %add3A_350 = arith.addf %mul3A_162, %mul3A_349 : vector<16xf32>
        %add3A_351 = arith.constant 13 : i32
        %add3A_352 = vector.broadcast %add3A_351 : i32 to vector<16xi32>
        %add3A_353 = arith.addi %min3A_36, %add3A_352 : vector<16xi32>
        %sub3A_354 = arith.subi %add3A_353, %add3A_27 : vector<16xi32>
        %abs3A_355 = math.absi %sub3A_354 : vector<16xi32>
        %convert_element_type3A_356 = arith.sitofp %abs3A_355 : vector<16xi32> to vector<16xf32>
        %mul3A_357 = arith.constant -1.250000e-01 : f32
        %mul3A_358 = vector.broadcast %mul3A_357 : f32 to vector<16xf32>
        %mul3A_359 = arith.mulf %convert_element_type3A_356, %mul3A_358 : vector<16xf32>
        %exp3A_360 = math.exp %mul3A_359 : vector<16xf32>
        %mul3A_361 = arith.constant 2.000000e-01 : f32
        %mul3A_362 = vector.broadcast %mul3A_361 : f32 to vector<16xf32>
        %mul3A_363 = arith.mulf %mul3A_362, %exp3A_360 : vector<16xf32>
        %add3A_364 = arith.addf %mul3A_165, %mul3A_363 : vector<16xf32>
        %add3A_365 = arith.constant 14 : i32
        %add3A_366 = vector.broadcast %add3A_365 : i32 to vector<16xi32>
        %add3A_367 = arith.addi %min3A_36, %add3A_366 : vector<16xi32>
        %sub3A_368 = arith.subi %add3A_367, %add3A_27 : vector<16xi32>
        %abs3A_369 = math.absi %sub3A_368 : vector<16xi32>
        %convert_element_type3A_370 = arith.sitofp %abs3A_369 : vector<16xi32> to vector<16xf32>
        %mul3A_371 = arith.constant -1.250000e-01 : f32
        %mul3A_372 = vector.broadcast %mul3A_371 : f32 to vector<16xf32>
        %mul3A_373 = arith.mulf %convert_element_type3A_370, %mul3A_372 : vector<16xf32>
        %exp3A_374 = math.exp %mul3A_373 : vector<16xf32>
        %mul3A_375 = arith.constant 2.000000e-01 : f32
        %mul3A_376 = vector.broadcast %mul3A_375 : f32 to vector<16xf32>
        %mul3A_377 = arith.mulf %mul3A_376, %exp3A_374 : vector<16xf32>
        %add3A_378 = arith.addf %mul3A_168, %mul3A_377 : vector<16xf32>
        %add3A_379 = arith.constant 15 : i32
        %add3A_380 = vector.broadcast %add3A_379 : i32 to vector<16xi32>
        %add3A_381 = arith.addi %min3A_36, %add3A_380 : vector<16xi32>
        %sub3A_382 = arith.subi %add3A_381, %add3A_27 : vector<16xi32>
        %abs3A_383 = math.absi %sub3A_382 : vector<16xi32>
        %convert_element_type3A_384 = arith.sitofp %abs3A_383 : vector<16xi32> to vector<16xf32>
        %mul3A_385 = arith.constant -1.250000e-01 : f32
        %mul3A_386 = vector.broadcast %mul3A_385 : f32 to vector<16xf32>
        %mul3A_387 = arith.mulf %convert_element_type3A_384, %mul3A_386 : vector<16xf32>
        %exp3A_388 = math.exp %mul3A_387 : vector<16xf32>
        %mul3A_389 = arith.constant 2.000000e-01 : f32
        %mul3A_390 = vector.broadcast %mul3A_389 : f32 to vector<16xf32>
        %mul3A_391 = arith.mulf %mul3A_390, %exp3A_388 : vector<16xf32>
        %add3A_392 = arith.addf %mul3A_171, %mul3A_391 : vector<16xf32>
        %broadcast_in_dim3A_393 = arith.constant 0.000000e+00 : f32
        %broadcast_in_dim3A_394 = vector.broadcast %broadcast_in_dim3A_393 : f32 to vector<16xf32>
        %broadcast_in_dim3A_395 = arith.constant 0.000000e+00 : f32
        %broadcast_in_dim3A_396 = vector.broadcast %broadcast_in_dim3A_395 : f32 to vector<16xf32>
        %broadcast_in_dim3A_397 = arith.constant 0.000000e+00 : f32
        %broadcast_in_dim3A_398 = vector.broadcast %broadcast_in_dim3A_397 : f32 to vector<16xf32>
        %broadcast_in_dim3A_399 = arith.constant 0.000000e+00 : f32
        %broadcast_in_dim3A_400 = vector.broadcast %broadcast_in_dim3A_399 : f32 to vector<16xf32>
        %broadcast_in_dim3A_401 = arith.constant 0.000000e+00 : f32
        %broadcast_in_dim3A_402 = vector.broadcast %broadcast_in_dim3A_401 : f32 to vector<16xf32>
        %broadcast_in_dim3A_403 = arith.constant 0.000000e+00 : f32
        %broadcast_in_dim3A_404 = vector.broadcast %broadcast_in_dim3A_403 : f32 to vector<16xf32>
        %broadcast_in_dim3A_405 = arith.constant 0.000000e+00 : f32
        %broadcast_in_dim3A_406 = vector.broadcast %broadcast_in_dim3A_405 : f32 to vector<16xf32>
        %broadcast_in_dim3A_407 = arith.constant 0.000000e+00 : f32
        %broadcast_in_dim3A_408 = vector.broadcast %broadcast_in_dim3A_407 : f32 to vector<16xf32>
        %broadcast_in_dim3A_409 = arith.constant 0.000000e+00 : f32
        %broadcast_in_dim3A_410 = vector.broadcast %broadcast_in_dim3A_409 : f32 to vector<16xf32>
        %broadcast_in_dim3A_411 = arith.constant 0.000000e+00 : f32
        %broadcast_in_dim3A_412 = vector.broadcast %broadcast_in_dim3A_411 : f32 to vector<16xf32>
        %broadcast_in_dim3A_413 = arith.constant 0.000000e+00 : f32
        %broadcast_in_dim3A_414 = vector.broadcast %broadcast_in_dim3A_413 : f32 to vector<16xf32>
        %broadcast_in_dim3A_415 = arith.constant 0.000000e+00 : f32
        %broadcast_in_dim3A_416 = vector.broadcast %broadcast_in_dim3A_415 : f32 to vector<16xf32>
        %broadcast_in_dim3A_417 = arith.constant 0.000000e+00 : f32
        %broadcast_in_dim3A_418 = vector.broadcast %broadcast_in_dim3A_417 : f32 to vector<16xf32>
        %broadcast_in_dim3A_419 = arith.constant 0.000000e+00 : f32
        %broadcast_in_dim3A_420 = vector.broadcast %broadcast_in_dim3A_419 : f32 to vector<16xf32>
        %broadcast_in_dim3A_421 = arith.constant 0.000000e+00 : f32
        %broadcast_in_dim3A_422 = vector.broadcast %broadcast_in_dim3A_421 : f32 to vector<16xf32>
        %broadcast_in_dim3A_423 = arith.constant 0.000000e+00 : f32
        %broadcast_in_dim3A_424 = vector.broadcast %broadcast_in_dim3A_423 : f32 to vector<16xf32>
        %ge3A = arith.cmpf oge, %add3A_182, %add3A_196 : vector<16xf32>
        %jit3A_425 = arith.constant 1.000000e+00 : f32
        %jit3A_426 = arith.constant 0.000000e+00 : f32
        %broadcast_in_dim3A_427 = vector.broadcast %jit3A_425 : f32 to vector<16xf32>
        %broadcast_in_dim3A_428 = vector.broadcast %jit3A_426 : f32 to vector<16xf32>
        %select_n3A = arith.select %ge3A, %broadcast_in_dim3A_427, %broadcast_in_dim3A_428 : vector<16xi1>, vector<16xf32>
        %add3A_429 = arith.addf %broadcast_in_dim3A_396, %select_n3A : vector<16xf32>
        %sub3A_430 = arith.constant 1.000000e+00 : f32
        %sub3A_431 = vector.broadcast %sub3A_430 : f32 to vector<16xf32>
        %sub3A_432 = arith.subf %sub3A_431, %select_n3A : vector<16xf32>
        %add3A_433 = arith.addf %broadcast_in_dim3A_394, %sub3A_432 : vector<16xf32>
        %ge3A_434 = arith.cmpf oge, %add3A_182, %add3A_210 : vector<16xf32>
        %jit3A_435 = arith.constant 1.000000e+00 : f32
        %jit3A_436 = arith.constant 0.000000e+00 : f32
        %broadcast_in_dim3A_437 = vector.broadcast %jit3A_435 : f32 to vector<16xf32>
        %broadcast_in_dim3A_438 = vector.broadcast %jit3A_436 : f32 to vector<16xf32>
        %select_n3A_439 = arith.select %ge3A_434, %broadcast_in_dim3A_437, %broadcast_in_dim3A_438 : vector<16xi1>, vector<16xf32>
        %add3A_440 = arith.addf %broadcast_in_dim3A_398, %select_n3A_439 : vector<16xf32>
        %sub3A_441 = arith.constant 1.000000e+00 : f32
        %sub3A_442 = vector.broadcast %sub3A_441 : f32 to vector<16xf32>
        %sub3A_443 = arith.subf %sub3A_442, %select_n3A_439 : vector<16xf32>
        %add3A_444 = arith.addf %add3A_433, %sub3A_443 : vector<16xf32>
        %ge3A_445 = arith.cmpf oge, %add3A_182, %add3A_224 : vector<16xf32>
        %jit3A_446 = arith.constant 1.000000e+00 : f32
        %jit3A_447 = arith.constant 0.000000e+00 : f32
        %broadcast_in_dim3A_448 = vector.broadcast %jit3A_446 : f32 to vector<16xf32>
        %broadcast_in_dim3A_449 = vector.broadcast %jit3A_447 : f32 to vector<16xf32>
        %select_n3A_450 = arith.select %ge3A_445, %broadcast_in_dim3A_448, %broadcast_in_dim3A_449 : vector<16xi1>, vector<16xf32>
        %add3A_451 = arith.addf %broadcast_in_dim3A_400, %select_n3A_450 : vector<16xf32>
        %sub3A_452 = arith.constant 1.000000e+00 : f32
        %sub3A_453 = vector.broadcast %sub3A_452 : f32 to vector<16xf32>
        %sub3A_454 = arith.subf %sub3A_453, %select_n3A_450 : vector<16xf32>
        %add3A_455 = arith.addf %add3A_444, %sub3A_454 : vector<16xf32>
        %ge3A_456 = arith.cmpf oge, %add3A_182, %add3A_238 : vector<16xf32>
        %jit3A_457 = arith.constant 1.000000e+00 : f32
        %jit3A_458 = arith.constant 0.000000e+00 : f32
        %broadcast_in_dim3A_459 = vector.broadcast %jit3A_457 : f32 to vector<16xf32>
        %broadcast_in_dim3A_460 = vector.broadcast %jit3A_458 : f32 to vector<16xf32>
        %select_n3A_461 = arith.select %ge3A_456, %broadcast_in_dim3A_459, %broadcast_in_dim3A_460 : vector<16xi1>, vector<16xf32>
        %add3A_462 = arith.addf %broadcast_in_dim3A_402, %select_n3A_461 : vector<16xf32>
        %sub3A_463 = arith.constant 1.000000e+00 : f32
        %sub3A_464 = vector.broadcast %sub3A_463 : f32 to vector<16xf32>
        %sub3A_465 = arith.subf %sub3A_464, %select_n3A_461 : vector<16xf32>
        %add3A_466 = arith.addf %add3A_455, %sub3A_465 : vector<16xf32>
        %ge3A_467 = arith.cmpf oge, %add3A_182, %add3A_252 : vector<16xf32>
        %jit3A_468 = arith.constant 1.000000e+00 : f32
        %jit3A_469 = arith.constant 0.000000e+00 : f32
        %broadcast_in_dim3A_470 = vector.broadcast %jit3A_468 : f32 to vector<16xf32>
        %broadcast_in_dim3A_471 = vector.broadcast %jit3A_469 : f32 to vector<16xf32>
        %select_n3A_472 = arith.select %ge3A_467, %broadcast_in_dim3A_470, %broadcast_in_dim3A_471 : vector<16xi1>, vector<16xf32>
        %add3A_473 = arith.addf %broadcast_in_dim3A_404, %select_n3A_472 : vector<16xf32>
        %sub3A_474 = arith.constant 1.000000e+00 : f32
        %sub3A_475 = vector.broadcast %sub3A_474 : f32 to vector<16xf32>
        %sub3A_476 = arith.subf %sub3A_475, %select_n3A_472 : vector<16xf32>
        %add3A_477 = arith.addf %add3A_466, %sub3A_476 : vector<16xf32>
        %ge3A_478 = arith.cmpf oge, %add3A_182, %add3A_266 : vector<16xf32>
        %jit3A_479 = arith.constant 1.000000e+00 : f32
        %jit3A_480 = arith.constant 0.000000e+00 : f32
        %broadcast_in_dim3A_481 = vector.broadcast %jit3A_479 : f32 to vector<16xf32>
        %broadcast_in_dim3A_482 = vector.broadcast %jit3A_480 : f32 to vector<16xf32>
        %select_n3A_483 = arith.select %ge3A_478, %broadcast_in_dim3A_481, %broadcast_in_dim3A_482 : vector<16xi1>, vector<16xf32>
        %add3A_484 = arith.addf %broadcast_in_dim3A_406, %select_n3A_483 : vector<16xf32>
        %sub3A_485 = arith.constant 1.000000e+00 : f32
        %sub3A_486 = vector.broadcast %sub3A_485 : f32 to vector<16xf32>
        %sub3A_487 = arith.subf %sub3A_486, %select_n3A_483 : vector<16xf32>
        %add3A_488 = arith.addf %add3A_477, %sub3A_487 : vector<16xf32>
        %ge3A_489 = arith.cmpf oge, %add3A_182, %add3A_280 : vector<16xf32>
        %jit3A_490 = arith.constant 1.000000e+00 : f32
        %jit3A_491 = arith.constant 0.000000e+00 : f32
        %broadcast_in_dim3A_492 = vector.broadcast %jit3A_490 : f32 to vector<16xf32>
        %broadcast_in_dim3A_493 = vector.broadcast %jit3A_491 : f32 to vector<16xf32>
        %select_n3A_494 = arith.select %ge3A_489, %broadcast_in_dim3A_492, %broadcast_in_dim3A_493 : vector<16xi1>, vector<16xf32>
        %add3A_495 = arith.addf %broadcast_in_dim3A_408, %select_n3A_494 : vector<16xf32>
        %sub3A_496 = arith.constant 1.000000e+00 : f32
        %sub3A_497 = vector.broadcast %sub3A_496 : f32 to vector<16xf32>
        %sub3A_498 = arith.subf %sub3A_497, %select_n3A_494 : vector<16xf32>
        %add3A_499 = arith.addf %add3A_488, %sub3A_498 : vector<16xf32>
        %ge3A_500 = arith.cmpf oge, %add3A_182, %add3A_294 : vector<16xf32>
        %jit3A_501 = arith.constant 1.000000e+00 : f32
        %jit3A_502 = arith.constant 0.000000e+00 : f32
        %broadcast_in_dim3A_503 = vector.broadcast %jit3A_501 : f32 to vector<16xf32>
        %broadcast_in_dim3A_504 = vector.broadcast %jit3A_502 : f32 to vector<16xf32>
        %select_n3A_505 = arith.select %ge3A_500, %broadcast_in_dim3A_503, %broadcast_in_dim3A_504 : vector<16xi1>, vector<16xf32>
        %add3A_506 = arith.addf %broadcast_in_dim3A_410, %select_n3A_505 : vector<16xf32>
        %sub3A_507 = arith.constant 1.000000e+00 : f32
        %sub3A_508 = vector.broadcast %sub3A_507 : f32 to vector<16xf32>
        %sub3A_509 = arith.subf %sub3A_508, %select_n3A_505 : vector<16xf32>
        %add3A_510 = arith.addf %add3A_499, %sub3A_509 : vector<16xf32>
        %ge3A_511 = arith.cmpf oge, %add3A_182, %add3A_308 : vector<16xf32>
        %jit3A_512 = arith.constant 1.000000e+00 : f32
        %jit3A_513 = arith.constant 0.000000e+00 : f32
        %broadcast_in_dim3A_514 = vector.broadcast %jit3A_512 : f32 to vector<16xf32>
        %broadcast_in_dim3A_515 = vector.broadcast %jit3A_513 : f32 to vector<16xf32>
        %select_n3A_516 = arith.select %ge3A_511, %broadcast_in_dim3A_514, %broadcast_in_dim3A_515 : vector<16xi1>, vector<16xf32>
        %add3A_517 = arith.addf %broadcast_in_dim3A_412, %select_n3A_516 : vector<16xf32>
        %sub3A_518 = arith.constant 1.000000e+00 : f32
        %sub3A_519 = vector.broadcast %sub3A_518 : f32 to vector<16xf32>
        %sub3A_520 = arith.subf %sub3A_519, %select_n3A_516 : vector<16xf32>
        %add3A_521 = arith.addf %add3A_510, %sub3A_520 : vector<16xf32>
        %ge3A_522 = arith.cmpf oge, %add3A_182, %add3A_322 : vector<16xf32>
        %jit3A_523 = arith.constant 1.000000e+00 : f32
        %jit3A_524 = arith.constant 0.000000e+00 : f32
        %broadcast_in_dim3A_525 = vector.broadcast %jit3A_523 : f32 to vector<16xf32>
        %broadcast_in_dim3A_526 = vector.broadcast %jit3A_524 : f32 to vector<16xf32>
        %select_n3A_527 = arith.select %ge3A_522, %broadcast_in_dim3A_525, %broadcast_in_dim3A_526 : vector<16xi1>, vector<16xf32>
        %add3A_528 = arith.addf %broadcast_in_dim3A_414, %select_n3A_527 : vector<16xf32>
        %sub3A_529 = arith.constant 1.000000e+00 : f32
        %sub3A_530 = vector.broadcast %sub3A_529 : f32 to vector<16xf32>
        %sub3A_531 = arith.subf %sub3A_530, %select_n3A_527 : vector<16xf32>
        %add3A_532 = arith.addf %add3A_521, %sub3A_531 : vector<16xf32>
        %ge3A_533 = arith.cmpf oge, %add3A_182, %add3A_336 : vector<16xf32>
        %jit3A_534 = arith.constant 1.000000e+00 : f32
        %jit3A_535 = arith.constant 0.000000e+00 : f32
        %broadcast_in_dim3A_536 = vector.broadcast %jit3A_534 : f32 to vector<16xf32>
        %broadcast_in_dim3A_537 = vector.broadcast %jit3A_535 : f32 to vector<16xf32>
        %select_n3A_538 = arith.select %ge3A_533, %broadcast_in_dim3A_536, %broadcast_in_dim3A_537 : vector<16xi1>, vector<16xf32>
        %add3A_539 = arith.addf %broadcast_in_dim3A_416, %select_n3A_538 : vector<16xf32>
        %sub3A_540 = arith.constant 1.000000e+00 : f32
        %sub3A_541 = vector.broadcast %sub3A_540 : f32 to vector<16xf32>
        %sub3A_542 = arith.subf %sub3A_541, %select_n3A_538 : vector<16xf32>
        %add3A_543 = arith.addf %add3A_532, %sub3A_542 : vector<16xf32>
        %ge3A_544 = arith.cmpf oge, %add3A_182, %add3A_350 : vector<16xf32>
        %jit3A_545 = arith.constant 1.000000e+00 : f32
        %jit3A_546 = arith.constant 0.000000e+00 : f32
        %broadcast_in_dim3A_547 = vector.broadcast %jit3A_545 : f32 to vector<16xf32>
        %broadcast_in_dim3A_548 = vector.broadcast %jit3A_546 : f32 to vector<16xf32>
        %select_n3A_549 = arith.select %ge3A_544, %broadcast_in_dim3A_547, %broadcast_in_dim3A_548 : vector<16xi1>, vector<16xf32>
        %add3A_550 = arith.addf %broadcast_in_dim3A_418, %select_n3A_549 : vector<16xf32>
        %sub3A_551 = arith.constant 1.000000e+00 : f32
        %sub3A_552 = vector.broadcast %sub3A_551 : f32 to vector<16xf32>
        %sub3A_553 = arith.subf %sub3A_552, %select_n3A_549 : vector<16xf32>
        %add3A_554 = arith.addf %add3A_543, %sub3A_553 : vector<16xf32>
        %ge3A_555 = arith.cmpf oge, %add3A_182, %add3A_364 : vector<16xf32>
        %jit3A_556 = arith.constant 1.000000e+00 : f32
        %jit3A_557 = arith.constant 0.000000e+00 : f32
        %broadcast_in_dim3A_558 = vector.broadcast %jit3A_556 : f32 to vector<16xf32>
        %broadcast_in_dim3A_559 = vector.broadcast %jit3A_557 : f32 to vector<16xf32>
        %select_n3A_560 = arith.select %ge3A_555, %broadcast_in_dim3A_558, %broadcast_in_dim3A_559 : vector<16xi1>, vector<16xf32>
        %add3A_561 = arith.addf %broadcast_in_dim3A_420, %select_n3A_560 : vector<16xf32>
        %sub3A_562 = arith.constant 1.000000e+00 : f32
        %sub3A_563 = vector.broadcast %sub3A_562 : f32 to vector<16xf32>
        %sub3A_564 = arith.subf %sub3A_563, %select_n3A_560 : vector<16xf32>
        %add3A_565 = arith.addf %add3A_554, %sub3A_564 : vector<16xf32>
        %ge3A_566 = arith.cmpf oge, %add3A_182, %add3A_378 : vector<16xf32>
        %jit3A_567 = arith.constant 1.000000e+00 : f32
        %jit3A_568 = arith.constant 0.000000e+00 : f32
        %broadcast_in_dim3A_569 = vector.broadcast %jit3A_567 : f32 to vector<16xf32>
        %broadcast_in_dim3A_570 = vector.broadcast %jit3A_568 : f32 to vector<16xf32>
        %select_n3A_571 = arith.select %ge3A_566, %broadcast_in_dim3A_569, %broadcast_in_dim3A_570 : vector<16xi1>, vector<16xf32>
        %add3A_572 = arith.addf %broadcast_in_dim3A_422, %select_n3A_571 : vector<16xf32>
        %sub3A_573 = arith.constant 1.000000e+00 : f32
        %sub3A_574 = vector.broadcast %sub3A_573 : f32 to vector<16xf32>
        %sub3A_575 = arith.subf %sub3A_574, %select_n3A_571 : vector<16xf32>
        %add3A_576 = arith.addf %add3A_565, %sub3A_575 : vector<16xf32>
        %ge3A_577 = arith.cmpf oge, %add3A_182, %add3A_392 : vector<16xf32>
        %jit3A_578 = arith.constant 1.000000e+00 : f32
        %jit3A_579 = arith.constant 0.000000e+00 : f32
        %broadcast_in_dim3A_580 = vector.broadcast %jit3A_578 : f32 to vector<16xf32>
        %broadcast_in_dim3A_581 = vector.broadcast %jit3A_579 : f32 to vector<16xf32>
        %select_n3A_582 = arith.select %ge3A_577, %broadcast_in_dim3A_580, %broadcast_in_dim3A_581 : vector<16xi1>, vector<16xf32>
        %add3A_583 = arith.addf %broadcast_in_dim3A_424, %select_n3A_582 : vector<16xf32>
        %sub3A_584 = arith.constant 1.000000e+00 : f32
        %sub3A_585 = vector.broadcast %sub3A_584 : f32 to vector<16xf32>
        %sub3A_586 = arith.subf %sub3A_585, %select_n3A_582 : vector<16xf32>
        %add3A_587 = arith.addf %add3A_576, %sub3A_586 : vector<16xf32>
        %ge3A_588 = arith.cmpf oge, %add3A_196, %add3A_210 : vector<16xf32>
        %jit3A_589 = arith.constant 1.000000e+00 : f32
        %jit3A_590 = arith.constant 0.000000e+00 : f32
        %broadcast_in_dim3A_591 = vector.broadcast %jit3A_589 : f32 to vector<16xf32>
        %broadcast_in_dim3A_592 = vector.broadcast %jit3A_590 : f32 to vector<16xf32>
        %select_n3A_593 = arith.select %ge3A_588, %broadcast_in_dim3A_591, %broadcast_in_dim3A_592 : vector<16xi1>, vector<16xf32>
        %add3A_594 = arith.addf %add3A_440, %select_n3A_593 : vector<16xf32>
        %sub3A_595 = arith.constant 1.000000e+00 : f32
        %sub3A_596 = vector.broadcast %sub3A_595 : f32 to vector<16xf32>
        %sub3A_597 = arith.subf %sub3A_596, %select_n3A_593 : vector<16xf32>
        %add3A_598 = arith.addf %add3A_429, %sub3A_597 : vector<16xf32>
        %ge3A_599 = arith.cmpf oge, %add3A_196, %add3A_224 : vector<16xf32>
        %jit3A_600 = arith.constant 1.000000e+00 : f32
        %jit3A_601 = arith.constant 0.000000e+00 : f32
        %broadcast_in_dim3A_602 = vector.broadcast %jit3A_600 : f32 to vector<16xf32>
        %broadcast_in_dim3A_603 = vector.broadcast %jit3A_601 : f32 to vector<16xf32>
        %select_n3A_604 = arith.select %ge3A_599, %broadcast_in_dim3A_602, %broadcast_in_dim3A_603 : vector<16xi1>, vector<16xf32>
        %add3A_605 = arith.addf %add3A_451, %select_n3A_604 : vector<16xf32>
        %sub3A_606 = arith.constant 1.000000e+00 : f32
        %sub3A_607 = vector.broadcast %sub3A_606 : f32 to vector<16xf32>
        %sub3A_608 = arith.subf %sub3A_607, %select_n3A_604 : vector<16xf32>
        %add3A_609 = arith.addf %add3A_598, %sub3A_608 : vector<16xf32>
        %ge3A_610 = arith.cmpf oge, %add3A_196, %add3A_238 : vector<16xf32>
        %jit3A_611 = arith.constant 1.000000e+00 : f32
        %jit3A_612 = arith.constant 0.000000e+00 : f32
        %broadcast_in_dim3A_613 = vector.broadcast %jit3A_611 : f32 to vector<16xf32>
        %broadcast_in_dim3A_614 = vector.broadcast %jit3A_612 : f32 to vector<16xf32>
        %select_n3A_615 = arith.select %ge3A_610, %broadcast_in_dim3A_613, %broadcast_in_dim3A_614 : vector<16xi1>, vector<16xf32>
        %add3A_616 = arith.addf %add3A_462, %select_n3A_615 : vector<16xf32>
        %sub3A_617 = arith.constant 1.000000e+00 : f32
        %sub3A_618 = vector.broadcast %sub3A_617 : f32 to vector<16xf32>
        %sub3A_619 = arith.subf %sub3A_618, %select_n3A_615 : vector<16xf32>
        %add3A_620 = arith.addf %add3A_609, %sub3A_619 : vector<16xf32>
        %ge3A_621 = arith.cmpf oge, %add3A_196, %add3A_252 : vector<16xf32>
        %jit3A_622 = arith.constant 1.000000e+00 : f32
        %jit3A_623 = arith.constant 0.000000e+00 : f32
        %broadcast_in_dim3A_624 = vector.broadcast %jit3A_622 : f32 to vector<16xf32>
        %broadcast_in_dim3A_625 = vector.broadcast %jit3A_623 : f32 to vector<16xf32>
        %select_n3A_626 = arith.select %ge3A_621, %broadcast_in_dim3A_624, %broadcast_in_dim3A_625 : vector<16xi1>, vector<16xf32>
        %add3A_627 = arith.addf %add3A_473, %select_n3A_626 : vector<16xf32>
        %sub3A_628 = arith.constant 1.000000e+00 : f32
        %sub3A_629 = vector.broadcast %sub3A_628 : f32 to vector<16xf32>
        %sub3A_630 = arith.subf %sub3A_629, %select_n3A_626 : vector<16xf32>
        %add3A_631 = arith.addf %add3A_620, %sub3A_630 : vector<16xf32>
        %ge3A_632 = arith.cmpf oge, %add3A_196, %add3A_266 : vector<16xf32>
        %jit3A_633 = arith.constant 1.000000e+00 : f32
        %jit3A_634 = arith.constant 0.000000e+00 : f32
        %broadcast_in_dim3A_635 = vector.broadcast %jit3A_633 : f32 to vector<16xf32>
        %broadcast_in_dim3A_636 = vector.broadcast %jit3A_634 : f32 to vector<16xf32>
        %select_n3A_637 = arith.select %ge3A_632, %broadcast_in_dim3A_635, %broadcast_in_dim3A_636 : vector<16xi1>, vector<16xf32>
        %add3A_638 = arith.addf %add3A_484, %select_n3A_637 : vector<16xf32>
        %sub3A_639 = arith.constant 1.000000e+00 : f32
        %sub3A_640 = vector.broadcast %sub3A_639 : f32 to vector<16xf32>
        %sub3A_641 = arith.subf %sub3A_640, %select_n3A_637 : vector<16xf32>
        %add3A_642 = arith.addf %add3A_631, %sub3A_641 : vector<16xf32>
        %ge3A_643 = arith.cmpf oge, %add3A_196, %add3A_280 : vector<16xf32>
        %jit3A_644 = arith.constant 1.000000e+00 : f32
        %jit3A_645 = arith.constant 0.000000e+00 : f32
        %broadcast_in_dim3A_646 = vector.broadcast %jit3A_644 : f32 to vector<16xf32>
        %broadcast_in_dim3A_647 = vector.broadcast %jit3A_645 : f32 to vector<16xf32>
        %select_n3A_648 = arith.select %ge3A_643, %broadcast_in_dim3A_646, %broadcast_in_dim3A_647 : vector<16xi1>, vector<16xf32>
        %add3A_649 = arith.addf %add3A_495, %select_n3A_648 : vector<16xf32>
        %sub3A_650 = arith.constant 1.000000e+00 : f32
        %sub3A_651 = vector.broadcast %sub3A_650 : f32 to vector<16xf32>
        %sub3A_652 = arith.subf %sub3A_651, %select_n3A_648 : vector<16xf32>
        %add3A_653 = arith.addf %add3A_642, %sub3A_652 : vector<16xf32>
        %ge3A_654 = arith.cmpf oge, %add3A_196, %add3A_294 : vector<16xf32>
        %jit3A_655 = arith.constant 1.000000e+00 : f32
        %jit3A_656 = arith.constant 0.000000e+00 : f32
        %broadcast_in_dim3A_657 = vector.broadcast %jit3A_655 : f32 to vector<16xf32>
        %broadcast_in_dim3A_658 = vector.broadcast %jit3A_656 : f32 to vector<16xf32>
        %select_n3A_659 = arith.select %ge3A_654, %broadcast_in_dim3A_657, %broadcast_in_dim3A_658 : vector<16xi1>, vector<16xf32>
        %add3A_660 = arith.addf %add3A_506, %select_n3A_659 : vector<16xf32>
        %sub3A_661 = arith.constant 1.000000e+00 : f32
        %sub3A_662 = vector.broadcast %sub3A_661 : f32 to vector<16xf32>
        %sub3A_663 = arith.subf %sub3A_662, %select_n3A_659 : vector<16xf32>
        %add3A_664 = arith.addf %add3A_653, %sub3A_663 : vector<16xf32>
        %ge3A_665 = arith.cmpf oge, %add3A_196, %add3A_308 : vector<16xf32>
        %jit3A_666 = arith.constant 1.000000e+00 : f32
        %jit3A_667 = arith.constant 0.000000e+00 : f32
        %broadcast_in_dim3A_668 = vector.broadcast %jit3A_666 : f32 to vector<16xf32>
        %broadcast_in_dim3A_669 = vector.broadcast %jit3A_667 : f32 to vector<16xf32>
        %select_n3A_670 = arith.select %ge3A_665, %broadcast_in_dim3A_668, %broadcast_in_dim3A_669 : vector<16xi1>, vector<16xf32>
        %add3A_671 = arith.addf %add3A_517, %select_n3A_670 : vector<16xf32>
        %sub3A_672 = arith.constant 1.000000e+00 : f32
        %sub3A_673 = vector.broadcast %sub3A_672 : f32 to vector<16xf32>
        %sub3A_674 = arith.subf %sub3A_673, %select_n3A_670 : vector<16xf32>
        %add3A_675 = arith.addf %add3A_664, %sub3A_674 : vector<16xf32>
        %ge3A_676 = arith.cmpf oge, %add3A_196, %add3A_322 : vector<16xf32>
        %jit3A_677 = arith.constant 1.000000e+00 : f32
        %jit3A_678 = arith.constant 0.000000e+00 : f32
        %broadcast_in_dim3A_679 = vector.broadcast %jit3A_677 : f32 to vector<16xf32>
        %broadcast_in_dim3A_680 = vector.broadcast %jit3A_678 : f32 to vector<16xf32>
        %select_n3A_681 = arith.select %ge3A_676, %broadcast_in_dim3A_679, %broadcast_in_dim3A_680 : vector<16xi1>, vector<16xf32>
        %add3A_682 = arith.addf %add3A_528, %select_n3A_681 : vector<16xf32>
        %sub3A_683 = arith.constant 1.000000e+00 : f32
        %sub3A_684 = vector.broadcast %sub3A_683 : f32 to vector<16xf32>
        %sub3A_685 = arith.subf %sub3A_684, %select_n3A_681 : vector<16xf32>
        %add3A_686 = arith.addf %add3A_675, %sub3A_685 : vector<16xf32>
        %ge3A_687 = arith.cmpf oge, %add3A_196, %add3A_336 : vector<16xf32>
        %jit3A_688 = arith.constant 1.000000e+00 : f32
        %jit3A_689 = arith.constant 0.000000e+00 : f32
        %broadcast_in_dim3A_690 = vector.broadcast %jit3A_688 : f32 to vector<16xf32>
        %broadcast_in_dim3A_691 = vector.broadcast %jit3A_689 : f32 to vector<16xf32>
        %select_n3A_692 = arith.select %ge3A_687, %broadcast_in_dim3A_690, %broadcast_in_dim3A_691 : vector<16xi1>, vector<16xf32>
        %add3A_693 = arith.addf %add3A_539, %select_n3A_692 : vector<16xf32>
        %sub3A_694 = arith.constant 1.000000e+00 : f32
        %sub3A_695 = vector.broadcast %sub3A_694 : f32 to vector<16xf32>
        %sub3A_696 = arith.subf %sub3A_695, %select_n3A_692 : vector<16xf32>
        %add3A_697 = arith.addf %add3A_686, %sub3A_696 : vector<16xf32>
        %ge3A_698 = arith.cmpf oge, %add3A_196, %add3A_350 : vector<16xf32>
        %jit3A_699 = arith.constant 1.000000e+00 : f32
        %jit3A_700 = arith.constant 0.000000e+00 : f32
        %broadcast_in_dim3A_701 = vector.broadcast %jit3A_699 : f32 to vector<16xf32>
        %broadcast_in_dim3A_702 = vector.broadcast %jit3A_700 : f32 to vector<16xf32>
        %select_n3A_703 = arith.select %ge3A_698, %broadcast_in_dim3A_701, %broadcast_in_dim3A_702 : vector<16xi1>, vector<16xf32>
        %add3A_704 = arith.addf %add3A_550, %select_n3A_703 : vector<16xf32>
        %sub3A_705 = arith.constant 1.000000e+00 : f32
        %sub3A_706 = vector.broadcast %sub3A_705 : f32 to vector<16xf32>
        %sub3A_707 = arith.subf %sub3A_706, %select_n3A_703 : vector<16xf32>
        %add3A_708 = arith.addf %add3A_697, %sub3A_707 : vector<16xf32>
        %ge3A_709 = arith.cmpf oge, %add3A_196, %add3A_364 : vector<16xf32>
        %jit3A_710 = arith.constant 1.000000e+00 : f32
        %jit3A_711 = arith.constant 0.000000e+00 : f32
        %broadcast_in_dim3A_712 = vector.broadcast %jit3A_710 : f32 to vector<16xf32>
        %broadcast_in_dim3A_713 = vector.broadcast %jit3A_711 : f32 to vector<16xf32>
        %select_n3A_714 = arith.select %ge3A_709, %broadcast_in_dim3A_712, %broadcast_in_dim3A_713 : vector<16xi1>, vector<16xf32>
        %add3A_715 = arith.addf %add3A_561, %select_n3A_714 : vector<16xf32>
        %sub3A_716 = arith.constant 1.000000e+00 : f32
        %sub3A_717 = vector.broadcast %sub3A_716 : f32 to vector<16xf32>
        %sub3A_718 = arith.subf %sub3A_717, %select_n3A_714 : vector<16xf32>
        %add3A_719 = arith.addf %add3A_708, %sub3A_718 : vector<16xf32>
        %ge3A_720 = arith.cmpf oge, %add3A_196, %add3A_378 : vector<16xf32>
        %jit3A_721 = arith.constant 1.000000e+00 : f32
        %jit3A_722 = arith.constant 0.000000e+00 : f32
        %broadcast_in_dim3A_723 = vector.broadcast %jit3A_721 : f32 to vector<16xf32>
        %broadcast_in_dim3A_724 = vector.broadcast %jit3A_722 : f32 to vector<16xf32>
        %select_n3A_725 = arith.select %ge3A_720, %broadcast_in_dim3A_723, %broadcast_in_dim3A_724 : vector<16xi1>, vector<16xf32>
        %add3A_726 = arith.addf %add3A_572, %select_n3A_725 : vector<16xf32>
        %sub3A_727 = arith.constant 1.000000e+00 : f32
        %sub3A_728 = vector.broadcast %sub3A_727 : f32 to vector<16xf32>
        %sub3A_729 = arith.subf %sub3A_728, %select_n3A_725 : vector<16xf32>
        %add3A_730 = arith.addf %add3A_719, %sub3A_729 : vector<16xf32>
        %ge3A_731 = arith.cmpf oge, %add3A_196, %add3A_392 : vector<16xf32>
        %jit3A_732 = arith.constant 1.000000e+00 : f32
        %jit3A_733 = arith.constant 0.000000e+00 : f32
        %broadcast_in_dim3A_734 = vector.broadcast %jit3A_732 : f32 to vector<16xf32>
        %broadcast_in_dim3A_735 = vector.broadcast %jit3A_733 : f32 to vector<16xf32>
        %select_n3A_736 = arith.select %ge3A_731, %broadcast_in_dim3A_734, %broadcast_in_dim3A_735 : vector<16xi1>, vector<16xf32>
        %add3A_737 = arith.addf %add3A_583, %select_n3A_736 : vector<16xf32>
        %sub3A_738 = arith.constant 1.000000e+00 : f32
        %sub3A_739 = vector.broadcast %sub3A_738 : f32 to vector<16xf32>
        %sub3A_740 = arith.subf %sub3A_739, %select_n3A_736 : vector<16xf32>
        %add3A_741 = arith.addf %add3A_730, %sub3A_740 : vector<16xf32>
        %ge3A_742 = arith.cmpf oge, %add3A_210, %add3A_224 : vector<16xf32>
        %jit3A_743 = arith.constant 1.000000e+00 : f32
        %jit3A_744 = arith.constant 0.000000e+00 : f32
        %broadcast_in_dim3A_745 = vector.broadcast %jit3A_743 : f32 to vector<16xf32>
        %broadcast_in_dim3A_746 = vector.broadcast %jit3A_744 : f32 to vector<16xf32>
        %select_n3A_747 = arith.select %ge3A_742, %broadcast_in_dim3A_745, %broadcast_in_dim3A_746 : vector<16xi1>, vector<16xf32>
        %add3A_748 = arith.addf %add3A_605, %select_n3A_747 : vector<16xf32>
        %sub3A_749 = arith.constant 1.000000e+00 : f32
        %sub3A_750 = vector.broadcast %sub3A_749 : f32 to vector<16xf32>
        %sub3A_751 = arith.subf %sub3A_750, %select_n3A_747 : vector<16xf32>
        %add3A_752 = arith.addf %add3A_594, %sub3A_751 : vector<16xf32>
        %ge3A_753 = arith.cmpf oge, %add3A_210, %add3A_238 : vector<16xf32>
        %jit3A_754 = arith.constant 1.000000e+00 : f32
        %jit3A_755 = arith.constant 0.000000e+00 : f32
        %broadcast_in_dim3A_756 = vector.broadcast %jit3A_754 : f32 to vector<16xf32>
        %broadcast_in_dim3A_757 = vector.broadcast %jit3A_755 : f32 to vector<16xf32>
        %select_n3A_758 = arith.select %ge3A_753, %broadcast_in_dim3A_756, %broadcast_in_dim3A_757 : vector<16xi1>, vector<16xf32>
        %add3A_759 = arith.addf %add3A_616, %select_n3A_758 : vector<16xf32>
        %sub3A_760 = arith.constant 1.000000e+00 : f32
        %sub3A_761 = vector.broadcast %sub3A_760 : f32 to vector<16xf32>
        %sub3A_762 = arith.subf %sub3A_761, %select_n3A_758 : vector<16xf32>
        %add3A_763 = arith.addf %add3A_752, %sub3A_762 : vector<16xf32>
        %ge3A_764 = arith.cmpf oge, %add3A_210, %add3A_252 : vector<16xf32>
        %jit3A_765 = arith.constant 1.000000e+00 : f32
        %jit3A_766 = arith.constant 0.000000e+00 : f32
        %broadcast_in_dim3A_767 = vector.broadcast %jit3A_765 : f32 to vector<16xf32>
        %broadcast_in_dim3A_768 = vector.broadcast %jit3A_766 : f32 to vector<16xf32>
        %select_n3A_769 = arith.select %ge3A_764, %broadcast_in_dim3A_767, %broadcast_in_dim3A_768 : vector<16xi1>, vector<16xf32>
        %add3A_770 = arith.addf %add3A_627, %select_n3A_769 : vector<16xf32>
        %sub3A_771 = arith.constant 1.000000e+00 : f32
        %sub3A_772 = vector.broadcast %sub3A_771 : f32 to vector<16xf32>
        %sub3A_773 = arith.subf %sub3A_772, %select_n3A_769 : vector<16xf32>
        %add3A_774 = arith.addf %add3A_763, %sub3A_773 : vector<16xf32>
        %ge3A_775 = arith.cmpf oge, %add3A_210, %add3A_266 : vector<16xf32>
        %jit3A_776 = arith.constant 1.000000e+00 : f32
        %jit3A_777 = arith.constant 0.000000e+00 : f32
        %broadcast_in_dim3A_778 = vector.broadcast %jit3A_776 : f32 to vector<16xf32>
        %broadcast_in_dim3A_779 = vector.broadcast %jit3A_777 : f32 to vector<16xf32>
        %select_n3A_780 = arith.select %ge3A_775, %broadcast_in_dim3A_778, %broadcast_in_dim3A_779 : vector<16xi1>, vector<16xf32>
        %add3A_781 = arith.addf %add3A_638, %select_n3A_780 : vector<16xf32>
        %sub3A_782 = arith.constant 1.000000e+00 : f32
        %sub3A_783 = vector.broadcast %sub3A_782 : f32 to vector<16xf32>
        %sub3A_784 = arith.subf %sub3A_783, %select_n3A_780 : vector<16xf32>
        %add3A_785 = arith.addf %add3A_774, %sub3A_784 : vector<16xf32>
        %ge3A_786 = arith.cmpf oge, %add3A_210, %add3A_280 : vector<16xf32>
        %jit3A_787 = arith.constant 1.000000e+00 : f32
        %jit3A_788 = arith.constant 0.000000e+00 : f32
        %broadcast_in_dim3A_789 = vector.broadcast %jit3A_787 : f32 to vector<16xf32>
        %broadcast_in_dim3A_790 = vector.broadcast %jit3A_788 : f32 to vector<16xf32>
        %select_n3A_791 = arith.select %ge3A_786, %broadcast_in_dim3A_789, %broadcast_in_dim3A_790 : vector<16xi1>, vector<16xf32>
        %add3A_792 = arith.addf %add3A_649, %select_n3A_791 : vector<16xf32>
        %sub3A_793 = arith.constant 1.000000e+00 : f32
        %sub3A_794 = vector.broadcast %sub3A_793 : f32 to vector<16xf32>
        %sub3A_795 = arith.subf %sub3A_794, %select_n3A_791 : vector<16xf32>
        %add3A_796 = arith.addf %add3A_785, %sub3A_795 : vector<16xf32>
        %ge3A_797 = arith.cmpf oge, %add3A_210, %add3A_294 : vector<16xf32>
        %jit3A_798 = arith.constant 1.000000e+00 : f32
        %jit3A_799 = arith.constant 0.000000e+00 : f32
        %broadcast_in_dim3A_800 = vector.broadcast %jit3A_798 : f32 to vector<16xf32>
        %broadcast_in_dim3A_801 = vector.broadcast %jit3A_799 : f32 to vector<16xf32>
        %select_n3A_802 = arith.select %ge3A_797, %broadcast_in_dim3A_800, %broadcast_in_dim3A_801 : vector<16xi1>, vector<16xf32>
        %add3A_803 = arith.addf %add3A_660, %select_n3A_802 : vector<16xf32>
        %sub3A_804 = arith.constant 1.000000e+00 : f32
        %sub3A_805 = vector.broadcast %sub3A_804 : f32 to vector<16xf32>
        %sub3A_806 = arith.subf %sub3A_805, %select_n3A_802 : vector<16xf32>
        %add3A_807 = arith.addf %add3A_796, %sub3A_806 : vector<16xf32>
        %ge3A_808 = arith.cmpf oge, %add3A_210, %add3A_308 : vector<16xf32>
        %jit3A_809 = arith.constant 1.000000e+00 : f32
        %jit3A_810 = arith.constant 0.000000e+00 : f32
        %broadcast_in_dim3A_811 = vector.broadcast %jit3A_809 : f32 to vector<16xf32>
        %broadcast_in_dim3A_812 = vector.broadcast %jit3A_810 : f32 to vector<16xf32>
        %select_n3A_813 = arith.select %ge3A_808, %broadcast_in_dim3A_811, %broadcast_in_dim3A_812 : vector<16xi1>, vector<16xf32>
        %add3A_814 = arith.addf %add3A_671, %select_n3A_813 : vector<16xf32>
        %sub3A_815 = arith.constant 1.000000e+00 : f32
        %sub3A_816 = vector.broadcast %sub3A_815 : f32 to vector<16xf32>
        %sub3A_817 = arith.subf %sub3A_816, %select_n3A_813 : vector<16xf32>
        %add3A_818 = arith.addf %add3A_807, %sub3A_817 : vector<16xf32>
        %ge3A_819 = arith.cmpf oge, %add3A_210, %add3A_322 : vector<16xf32>
        %jit3A_820 = arith.constant 1.000000e+00 : f32
        %jit3A_821 = arith.constant 0.000000e+00 : f32
        %broadcast_in_dim3A_822 = vector.broadcast %jit3A_820 : f32 to vector<16xf32>
        %broadcast_in_dim3A_823 = vector.broadcast %jit3A_821 : f32 to vector<16xf32>
        %select_n3A_824 = arith.select %ge3A_819, %broadcast_in_dim3A_822, %broadcast_in_dim3A_823 : vector<16xi1>, vector<16xf32>
        %add3A_825 = arith.addf %add3A_682, %select_n3A_824 : vector<16xf32>
        %sub3A_826 = arith.constant 1.000000e+00 : f32
        %sub3A_827 = vector.broadcast %sub3A_826 : f32 to vector<16xf32>
        %sub3A_828 = arith.subf %sub3A_827, %select_n3A_824 : vector<16xf32>
        %add3A_829 = arith.addf %add3A_818, %sub3A_828 : vector<16xf32>
        %ge3A_830 = arith.cmpf oge, %add3A_210, %add3A_336 : vector<16xf32>
        %jit3A_831 = arith.constant 1.000000e+00 : f32
        %jit3A_832 = arith.constant 0.000000e+00 : f32
        %broadcast_in_dim3A_833 = vector.broadcast %jit3A_831 : f32 to vector<16xf32>
        %broadcast_in_dim3A_834 = vector.broadcast %jit3A_832 : f32 to vector<16xf32>
        %select_n3A_835 = arith.select %ge3A_830, %broadcast_in_dim3A_833, %broadcast_in_dim3A_834 : vector<16xi1>, vector<16xf32>
        %add3A_836 = arith.addf %add3A_693, %select_n3A_835 : vector<16xf32>
        %sub3A_837 = arith.constant 1.000000e+00 : f32
        %sub3A_838 = vector.broadcast %sub3A_837 : f32 to vector<16xf32>
        %sub3A_839 = arith.subf %sub3A_838, %select_n3A_835 : vector<16xf32>
        %add3A_840 = arith.addf %add3A_829, %sub3A_839 : vector<16xf32>
        %ge3A_841 = arith.cmpf oge, %add3A_210, %add3A_350 : vector<16xf32>
        %jit3A_842 = arith.constant 1.000000e+00 : f32
        %jit3A_843 = arith.constant 0.000000e+00 : f32
        %broadcast_in_dim3A_844 = vector.broadcast %jit3A_842 : f32 to vector<16xf32>
        %broadcast_in_dim3A_845 = vector.broadcast %jit3A_843 : f32 to vector<16xf32>
        %select_n3A_846 = arith.select %ge3A_841, %broadcast_in_dim3A_844, %broadcast_in_dim3A_845 : vector<16xi1>, vector<16xf32>
        %add3A_847 = arith.addf %add3A_704, %select_n3A_846 : vector<16xf32>
        %sub3A_848 = arith.constant 1.000000e+00 : f32
        %sub3A_849 = vector.broadcast %sub3A_848 : f32 to vector<16xf32>
        %sub3A_850 = arith.subf %sub3A_849, %select_n3A_846 : vector<16xf32>
        %add3A_851 = arith.addf %add3A_840, %sub3A_850 : vector<16xf32>
        %ge3A_852 = arith.cmpf oge, %add3A_210, %add3A_364 : vector<16xf32>
        %jit3A_853 = arith.constant 1.000000e+00 : f32
        %jit3A_854 = arith.constant 0.000000e+00 : f32
        %broadcast_in_dim3A_855 = vector.broadcast %jit3A_853 : f32 to vector<16xf32>
        %broadcast_in_dim3A_856 = vector.broadcast %jit3A_854 : f32 to vector<16xf32>
        %select_n3A_857 = arith.select %ge3A_852, %broadcast_in_dim3A_855, %broadcast_in_dim3A_856 : vector<16xi1>, vector<16xf32>
        %add3A_858 = arith.addf %add3A_715, %select_n3A_857 : vector<16xf32>
        %sub3A_859 = arith.constant 1.000000e+00 : f32
        %sub3A_860 = vector.broadcast %sub3A_859 : f32 to vector<16xf32>
        %sub3A_861 = arith.subf %sub3A_860, %select_n3A_857 : vector<16xf32>
        %add3A_862 = arith.addf %add3A_851, %sub3A_861 : vector<16xf32>
        %ge3A_863 = arith.cmpf oge, %add3A_210, %add3A_378 : vector<16xf32>
        %jit3A_864 = arith.constant 1.000000e+00 : f32
        %jit3A_865 = arith.constant 0.000000e+00 : f32
        %broadcast_in_dim3A_866 = vector.broadcast %jit3A_864 : f32 to vector<16xf32>
        %broadcast_in_dim3A_867 = vector.broadcast %jit3A_865 : f32 to vector<16xf32>
        %select_n3A_868 = arith.select %ge3A_863, %broadcast_in_dim3A_866, %broadcast_in_dim3A_867 : vector<16xi1>, vector<16xf32>
        %add3A_869 = arith.addf %add3A_726, %select_n3A_868 : vector<16xf32>
        %sub3A_870 = arith.constant 1.000000e+00 : f32
        %sub3A_871 = vector.broadcast %sub3A_870 : f32 to vector<16xf32>
        %sub3A_872 = arith.subf %sub3A_871, %select_n3A_868 : vector<16xf32>
        %add3A_873 = arith.addf %add3A_862, %sub3A_872 : vector<16xf32>
        %ge3A_874 = arith.cmpf oge, %add3A_210, %add3A_392 : vector<16xf32>
        %jit3A_875 = arith.constant 1.000000e+00 : f32
        %jit3A_876 = arith.constant 0.000000e+00 : f32
        %broadcast_in_dim3A_877 = vector.broadcast %jit3A_875 : f32 to vector<16xf32>
        %broadcast_in_dim3A_878 = vector.broadcast %jit3A_876 : f32 to vector<16xf32>
        %select_n3A_879 = arith.select %ge3A_874, %broadcast_in_dim3A_877, %broadcast_in_dim3A_878 : vector<16xi1>, vector<16xf32>
        %add3A_880 = arith.addf %add3A_737, %select_n3A_879 : vector<16xf32>
        %sub3A_881 = arith.constant 1.000000e+00 : f32
        %sub3A_882 = vector.broadcast %sub3A_881 : f32 to vector<16xf32>
        %sub3A_883 = arith.subf %sub3A_882, %select_n3A_879 : vector<16xf32>
        %add3A_884 = arith.addf %add3A_873, %sub3A_883 : vector<16xf32>
        %ge3A_885 = arith.cmpf oge, %add3A_224, %add3A_238 : vector<16xf32>
        %jit3A_886 = arith.constant 1.000000e+00 : f32
        %jit3A_887 = arith.constant 0.000000e+00 : f32
        %broadcast_in_dim3A_888 = vector.broadcast %jit3A_886 : f32 to vector<16xf32>
        %broadcast_in_dim3A_889 = vector.broadcast %jit3A_887 : f32 to vector<16xf32>
        %select_n3A_890 = arith.select %ge3A_885, %broadcast_in_dim3A_888, %broadcast_in_dim3A_889 : vector<16xi1>, vector<16xf32>
        %add3A_891 = arith.addf %add3A_759, %select_n3A_890 : vector<16xf32>
        %sub3A_892 = arith.constant 1.000000e+00 : f32
        %sub3A_893 = vector.broadcast %sub3A_892 : f32 to vector<16xf32>
        %sub3A_894 = arith.subf %sub3A_893, %select_n3A_890 : vector<16xf32>
        %add3A_895 = arith.addf %add3A_748, %sub3A_894 : vector<16xf32>
        %ge3A_896 = arith.cmpf oge, %add3A_224, %add3A_252 : vector<16xf32>
        %jit3A_897 = arith.constant 1.000000e+00 : f32
        %jit3A_898 = arith.constant 0.000000e+00 : f32
        %broadcast_in_dim3A_899 = vector.broadcast %jit3A_897 : f32 to vector<16xf32>
        %broadcast_in_dim3A_900 = vector.broadcast %jit3A_898 : f32 to vector<16xf32>
        %select_n3A_901 = arith.select %ge3A_896, %broadcast_in_dim3A_899, %broadcast_in_dim3A_900 : vector<16xi1>, vector<16xf32>
        %add3A_902 = arith.addf %add3A_770, %select_n3A_901 : vector<16xf32>
        %sub3A_903 = arith.constant 1.000000e+00 : f32
        %sub3A_904 = vector.broadcast %sub3A_903 : f32 to vector<16xf32>
        %sub3A_905 = arith.subf %sub3A_904, %select_n3A_901 : vector<16xf32>
        %add3A_906 = arith.addf %add3A_895, %sub3A_905 : vector<16xf32>
        %ge3A_907 = arith.cmpf oge, %add3A_224, %add3A_266 : vector<16xf32>
        %jit3A_908 = arith.constant 1.000000e+00 : f32
        %jit3A_909 = arith.constant 0.000000e+00 : f32
        %broadcast_in_dim3A_910 = vector.broadcast %jit3A_908 : f32 to vector<16xf32>
        %broadcast_in_dim3A_911 = vector.broadcast %jit3A_909 : f32 to vector<16xf32>
        %select_n3A_912 = arith.select %ge3A_907, %broadcast_in_dim3A_910, %broadcast_in_dim3A_911 : vector<16xi1>, vector<16xf32>
        %add3A_913 = arith.addf %add3A_781, %select_n3A_912 : vector<16xf32>
        %sub3A_914 = arith.constant 1.000000e+00 : f32
        %sub3A_915 = vector.broadcast %sub3A_914 : f32 to vector<16xf32>
        %sub3A_916 = arith.subf %sub3A_915, %select_n3A_912 : vector<16xf32>
        %add3A_917 = arith.addf %add3A_906, %sub3A_916 : vector<16xf32>
        %ge3A_918 = arith.cmpf oge, %add3A_224, %add3A_280 : vector<16xf32>
        %jit3A_919 = arith.constant 1.000000e+00 : f32
        %jit3A_920 = arith.constant 0.000000e+00 : f32
        %broadcast_in_dim3A_921 = vector.broadcast %jit3A_919 : f32 to vector<16xf32>
        %broadcast_in_dim3A_922 = vector.broadcast %jit3A_920 : f32 to vector<16xf32>
        %select_n3A_923 = arith.select %ge3A_918, %broadcast_in_dim3A_921, %broadcast_in_dim3A_922 : vector<16xi1>, vector<16xf32>
        %add3A_924 = arith.addf %add3A_792, %select_n3A_923 : vector<16xf32>
        %sub3A_925 = arith.constant 1.000000e+00 : f32
        %sub3A_926 = vector.broadcast %sub3A_925 : f32 to vector<16xf32>
        %sub3A_927 = arith.subf %sub3A_926, %select_n3A_923 : vector<16xf32>
        %add3A_928 = arith.addf %add3A_917, %sub3A_927 : vector<16xf32>
        %ge3A_929 = arith.cmpf oge, %add3A_224, %add3A_294 : vector<16xf32>
        %jit3A_930 = arith.constant 1.000000e+00 : f32
        %jit3A_931 = arith.constant 0.000000e+00 : f32
        %broadcast_in_dim3A_932 = vector.broadcast %jit3A_930 : f32 to vector<16xf32>
        %broadcast_in_dim3A_933 = vector.broadcast %jit3A_931 : f32 to vector<16xf32>
        %select_n3A_934 = arith.select %ge3A_929, %broadcast_in_dim3A_932, %broadcast_in_dim3A_933 : vector<16xi1>, vector<16xf32>
        %add3A_935 = arith.addf %add3A_803, %select_n3A_934 : vector<16xf32>
        %sub3A_936 = arith.constant 1.000000e+00 : f32
        %sub3A_937 = vector.broadcast %sub3A_936 : f32 to vector<16xf32>
        %sub3A_938 = arith.subf %sub3A_937, %select_n3A_934 : vector<16xf32>
        %add3A_939 = arith.addf %add3A_928, %sub3A_938 : vector<16xf32>
        %ge3A_940 = arith.cmpf oge, %add3A_224, %add3A_308 : vector<16xf32>
        %jit3A_941 = arith.constant 1.000000e+00 : f32
        %jit3A_942 = arith.constant 0.000000e+00 : f32
        %broadcast_in_dim3A_943 = vector.broadcast %jit3A_941 : f32 to vector<16xf32>
        %broadcast_in_dim3A_944 = vector.broadcast %jit3A_942 : f32 to vector<16xf32>
        %select_n3A_945 = arith.select %ge3A_940, %broadcast_in_dim3A_943, %broadcast_in_dim3A_944 : vector<16xi1>, vector<16xf32>
        %add3A_946 = arith.addf %add3A_814, %select_n3A_945 : vector<16xf32>
        %sub3A_947 = arith.constant 1.000000e+00 : f32
        %sub3A_948 = vector.broadcast %sub3A_947 : f32 to vector<16xf32>
        %sub3A_949 = arith.subf %sub3A_948, %select_n3A_945 : vector<16xf32>
        %add3A_950 = arith.addf %add3A_939, %sub3A_949 : vector<16xf32>
        %ge3A_951 = arith.cmpf oge, %add3A_224, %add3A_322 : vector<16xf32>
        %jit3A_952 = arith.constant 1.000000e+00 : f32
        %jit3A_953 = arith.constant 0.000000e+00 : f32
        %broadcast_in_dim3A_954 = vector.broadcast %jit3A_952 : f32 to vector<16xf32>
        %broadcast_in_dim3A_955 = vector.broadcast %jit3A_953 : f32 to vector<16xf32>
        %select_n3A_956 = arith.select %ge3A_951, %broadcast_in_dim3A_954, %broadcast_in_dim3A_955 : vector<16xi1>, vector<16xf32>
        %add3A_957 = arith.addf %add3A_825, %select_n3A_956 : vector<16xf32>
        %sub3A_958 = arith.constant 1.000000e+00 : f32
        %sub3A_959 = vector.broadcast %sub3A_958 : f32 to vector<16xf32>
        %sub3A_960 = arith.subf %sub3A_959, %select_n3A_956 : vector<16xf32>
        %add3A_961 = arith.addf %add3A_950, %sub3A_960 : vector<16xf32>
        %ge3A_962 = arith.cmpf oge, %add3A_224, %add3A_336 : vector<16xf32>
        %jit3A_963 = arith.constant 1.000000e+00 : f32
        %jit3A_964 = arith.constant 0.000000e+00 : f32
        %broadcast_in_dim3A_965 = vector.broadcast %jit3A_963 : f32 to vector<16xf32>
        %broadcast_in_dim3A_966 = vector.broadcast %jit3A_964 : f32 to vector<16xf32>
        %select_n3A_967 = arith.select %ge3A_962, %broadcast_in_dim3A_965, %broadcast_in_dim3A_966 : vector<16xi1>, vector<16xf32>
        %add3A_968 = arith.addf %add3A_836, %select_n3A_967 : vector<16xf32>
        %sub3A_969 = arith.constant 1.000000e+00 : f32
        %sub3A_970 = vector.broadcast %sub3A_969 : f32 to vector<16xf32>
        %sub3A_971 = arith.subf %sub3A_970, %select_n3A_967 : vector<16xf32>
        %add3A_972 = arith.addf %add3A_961, %sub3A_971 : vector<16xf32>
        %ge3A_973 = arith.cmpf oge, %add3A_224, %add3A_350 : vector<16xf32>
        %jit3A_974 = arith.constant 1.000000e+00 : f32
        %jit3A_975 = arith.constant 0.000000e+00 : f32
        %broadcast_in_dim3A_976 = vector.broadcast %jit3A_974 : f32 to vector<16xf32>
        %broadcast_in_dim3A_977 = vector.broadcast %jit3A_975 : f32 to vector<16xf32>
        %select_n3A_978 = arith.select %ge3A_973, %broadcast_in_dim3A_976, %broadcast_in_dim3A_977 : vector<16xi1>, vector<16xf32>
        %add3A_979 = arith.addf %add3A_847, %select_n3A_978 : vector<16xf32>
        %sub3A_980 = arith.constant 1.000000e+00 : f32
        %sub3A_981 = vector.broadcast %sub3A_980 : f32 to vector<16xf32>
        %sub3A_982 = arith.subf %sub3A_981, %select_n3A_978 : vector<16xf32>
        %add3A_983 = arith.addf %add3A_972, %sub3A_982 : vector<16xf32>
        %ge3A_984 = arith.cmpf oge, %add3A_224, %add3A_364 : vector<16xf32>
        %jit3A_985 = arith.constant 1.000000e+00 : f32
        %jit3A_986 = arith.constant 0.000000e+00 : f32
        %broadcast_in_dim3A_987 = vector.broadcast %jit3A_985 : f32 to vector<16xf32>
        %broadcast_in_dim3A_988 = vector.broadcast %jit3A_986 : f32 to vector<16xf32>
        %select_n3A_989 = arith.select %ge3A_984, %broadcast_in_dim3A_987, %broadcast_in_dim3A_988 : vector<16xi1>, vector<16xf32>
        %add3A_990 = arith.addf %add3A_858, %select_n3A_989 : vector<16xf32>
        %sub3A_991 = arith.constant 1.000000e+00 : f32
        %sub3A_992 = vector.broadcast %sub3A_991 : f32 to vector<16xf32>
        %sub3A_993 = arith.subf %sub3A_992, %select_n3A_989 : vector<16xf32>
        %add3A_994 = arith.addf %add3A_983, %sub3A_993 : vector<16xf32>
        %ge3A_995 = arith.cmpf oge, %add3A_224, %add3A_378 : vector<16xf32>
        %jit3A_996 = arith.constant 1.000000e+00 : f32
        %jit3A_997 = arith.constant 0.000000e+00 : f32
        %broadcast_in_dim3A_998 = vector.broadcast %jit3A_996 : f32 to vector<16xf32>
        %broadcast_in_dim3A_999 = vector.broadcast %jit3A_997 : f32 to vector<16xf32>
        %select_n3A_1000 = arith.select %ge3A_995, %broadcast_in_dim3A_998, %broadcast_in_dim3A_999 : vector<16xi1>, vector<16xf32>
        %add3A_1001 = arith.addf %add3A_869, %select_n3A_1000 : vector<16xf32>
        %sub3A_1002 = arith.constant 1.000000e+00 : f32
        %sub3A_1003 = vector.broadcast %sub3A_1002 : f32 to vector<16xf32>
        %sub3A_1004 = arith.subf %sub3A_1003, %select_n3A_1000 : vector<16xf32>
        %add3A_1005 = arith.addf %add3A_994, %sub3A_1004 : vector<16xf32>
        %ge3A_1006 = arith.cmpf oge, %add3A_224, %add3A_392 : vector<16xf32>
        %jit3A_1007 = arith.constant 1.000000e+00 : f32
        %jit3A_1008 = arith.constant 0.000000e+00 : f32
        %broadcast_in_dim3A_1009 = vector.broadcast %jit3A_1007 : f32 to vector<16xf32>
        %broadcast_in_dim3A_1010 = vector.broadcast %jit3A_1008 : f32 to vector<16xf32>
        %select_n3A_1011 = arith.select %ge3A_1006, %broadcast_in_dim3A_1009, %broadcast_in_dim3A_1010 : vector<16xi1>, vector<16xf32>
        %add3A_1012 = arith.addf %add3A_880, %select_n3A_1011 : vector<16xf32>
        %sub3A_1013 = arith.constant 1.000000e+00 : f32
        %sub3A_1014 = vector.broadcast %sub3A_1013 : f32 to vector<16xf32>
        %sub3A_1015 = arith.subf %sub3A_1014, %select_n3A_1011 : vector<16xf32>
        %add3A_1016 = arith.addf %add3A_1005, %sub3A_1015 : vector<16xf32>
        %ge3A_1017 = arith.cmpf oge, %add3A_238, %add3A_252 : vector<16xf32>
        %jit3A_1018 = arith.constant 1.000000e+00 : f32
        %jit3A_1019 = arith.constant 0.000000e+00 : f32
        %broadcast_in_dim3A_1020 = vector.broadcast %jit3A_1018 : f32 to vector<16xf32>
        %broadcast_in_dim3A_1021 = vector.broadcast %jit3A_1019 : f32 to vector<16xf32>
        %select_n3A_1022 = arith.select %ge3A_1017, %broadcast_in_dim3A_1020, %broadcast_in_dim3A_1021 : vector<16xi1>, vector<16xf32>
        %add3A_1023 = arith.addf %add3A_902, %select_n3A_1022 : vector<16xf32>
        %sub3A_1024 = arith.constant 1.000000e+00 : f32
        %sub3A_1025 = vector.broadcast %sub3A_1024 : f32 to vector<16xf32>
        %sub3A_1026 = arith.subf %sub3A_1025, %select_n3A_1022 : vector<16xf32>
        %add3A_1027 = arith.addf %add3A_891, %sub3A_1026 : vector<16xf32>
        %ge3A_1028 = arith.cmpf oge, %add3A_238, %add3A_266 : vector<16xf32>
        %jit3A_1029 = arith.constant 1.000000e+00 : f32
        %jit3A_1030 = arith.constant 0.000000e+00 : f32
        %broadcast_in_dim3A_1031 = vector.broadcast %jit3A_1029 : f32 to vector<16xf32>
        %broadcast_in_dim3A_1032 = vector.broadcast %jit3A_1030 : f32 to vector<16xf32>
        %select_n3A_1033 = arith.select %ge3A_1028, %broadcast_in_dim3A_1031, %broadcast_in_dim3A_1032 : vector<16xi1>, vector<16xf32>
        %add3A_1034 = arith.addf %add3A_913, %select_n3A_1033 : vector<16xf32>
        %sub3A_1035 = arith.constant 1.000000e+00 : f32
        %sub3A_1036 = vector.broadcast %sub3A_1035 : f32 to vector<16xf32>
        %sub3A_1037 = arith.subf %sub3A_1036, %select_n3A_1033 : vector<16xf32>
        %add3A_1038 = arith.addf %add3A_1027, %sub3A_1037 : vector<16xf32>
        %ge3A_1039 = arith.cmpf oge, %add3A_238, %add3A_280 : vector<16xf32>
        %jit3A_1040 = arith.constant 1.000000e+00 : f32
        %jit3A_1041 = arith.constant 0.000000e+00 : f32
        %broadcast_in_dim3A_1042 = vector.broadcast %jit3A_1040 : f32 to vector<16xf32>
        %broadcast_in_dim3A_1043 = vector.broadcast %jit3A_1041 : f32 to vector<16xf32>
        %select_n3A_1044 = arith.select %ge3A_1039, %broadcast_in_dim3A_1042, %broadcast_in_dim3A_1043 : vector<16xi1>, vector<16xf32>
        %add3A_1045 = arith.addf %add3A_924, %select_n3A_1044 : vector<16xf32>
        %sub3A_1046 = arith.constant 1.000000e+00 : f32
        %sub3A_1047 = vector.broadcast %sub3A_1046 : f32 to vector<16xf32>
        %sub3A_1048 = arith.subf %sub3A_1047, %select_n3A_1044 : vector<16xf32>
        %add3A_1049 = arith.addf %add3A_1038, %sub3A_1048 : vector<16xf32>
        %ge3A_1050 = arith.cmpf oge, %add3A_238, %add3A_294 : vector<16xf32>
        %jit3A_1051 = arith.constant 1.000000e+00 : f32
        %jit3A_1052 = arith.constant 0.000000e+00 : f32
        %broadcast_in_dim3A_1053 = vector.broadcast %jit3A_1051 : f32 to vector<16xf32>
        %broadcast_in_dim3A_1054 = vector.broadcast %jit3A_1052 : f32 to vector<16xf32>
        %select_n3A_1055 = arith.select %ge3A_1050, %broadcast_in_dim3A_1053, %broadcast_in_dim3A_1054 : vector<16xi1>, vector<16xf32>
        %add3A_1056 = arith.addf %add3A_935, %select_n3A_1055 : vector<16xf32>
        %sub3A_1057 = arith.constant 1.000000e+00 : f32
        %sub3A_1058 = vector.broadcast %sub3A_1057 : f32 to vector<16xf32>
        %sub3A_1059 = arith.subf %sub3A_1058, %select_n3A_1055 : vector<16xf32>
        %add3A_1060 = arith.addf %add3A_1049, %sub3A_1059 : vector<16xf32>
        %ge3A_1061 = arith.cmpf oge, %add3A_238, %add3A_308 : vector<16xf32>
        %jit3A_1062 = arith.constant 1.000000e+00 : f32
        %jit3A_1063 = arith.constant 0.000000e+00 : f32
        %broadcast_in_dim3A_1064 = vector.broadcast %jit3A_1062 : f32 to vector<16xf32>
        %broadcast_in_dim3A_1065 = vector.broadcast %jit3A_1063 : f32 to vector<16xf32>
        %select_n3A_1066 = arith.select %ge3A_1061, %broadcast_in_dim3A_1064, %broadcast_in_dim3A_1065 : vector<16xi1>, vector<16xf32>
        %add3A_1067 = arith.addf %add3A_946, %select_n3A_1066 : vector<16xf32>
        %sub3A_1068 = arith.constant 1.000000e+00 : f32
        %sub3A_1069 = vector.broadcast %sub3A_1068 : f32 to vector<16xf32>
        %sub3A_1070 = arith.subf %sub3A_1069, %select_n3A_1066 : vector<16xf32>
        %add3A_1071 = arith.addf %add3A_1060, %sub3A_1070 : vector<16xf32>
        %ge3A_1072 = arith.cmpf oge, %add3A_238, %add3A_322 : vector<16xf32>
        %jit3A_1073 = arith.constant 1.000000e+00 : f32
        %jit3A_1074 = arith.constant 0.000000e+00 : f32
        %broadcast_in_dim3A_1075 = vector.broadcast %jit3A_1073 : f32 to vector<16xf32>
        %broadcast_in_dim3A_1076 = vector.broadcast %jit3A_1074 : f32 to vector<16xf32>
        %select_n3A_1077 = arith.select %ge3A_1072, %broadcast_in_dim3A_1075, %broadcast_in_dim3A_1076 : vector<16xi1>, vector<16xf32>
        %add3A_1078 = arith.addf %add3A_957, %select_n3A_1077 : vector<16xf32>
        %sub3A_1079 = arith.constant 1.000000e+00 : f32
        %sub3A_1080 = vector.broadcast %sub3A_1079 : f32 to vector<16xf32>
        %sub3A_1081 = arith.subf %sub3A_1080, %select_n3A_1077 : vector<16xf32>
        %add3A_1082 = arith.addf %add3A_1071, %sub3A_1081 : vector<16xf32>
        %ge3A_1083 = arith.cmpf oge, %add3A_238, %add3A_336 : vector<16xf32>
        %jit3A_1084 = arith.constant 1.000000e+00 : f32
        %jit3A_1085 = arith.constant 0.000000e+00 : f32
        %broadcast_in_dim3A_1086 = vector.broadcast %jit3A_1084 : f32 to vector<16xf32>
        %broadcast_in_dim3A_1087 = vector.broadcast %jit3A_1085 : f32 to vector<16xf32>
        %select_n3A_1088 = arith.select %ge3A_1083, %broadcast_in_dim3A_1086, %broadcast_in_dim3A_1087 : vector<16xi1>, vector<16xf32>
        %add3A_1089 = arith.addf %add3A_968, %select_n3A_1088 : vector<16xf32>
        %sub3A_1090 = arith.constant 1.000000e+00 : f32
        %sub3A_1091 = vector.broadcast %sub3A_1090 : f32 to vector<16xf32>
        %sub3A_1092 = arith.subf %sub3A_1091, %select_n3A_1088 : vector<16xf32>
        %add3A_1093 = arith.addf %add3A_1082, %sub3A_1092 : vector<16xf32>
        %ge3A_1094 = arith.cmpf oge, %add3A_238, %add3A_350 : vector<16xf32>
        %jit3A_1095 = arith.constant 1.000000e+00 : f32
        %jit3A_1096 = arith.constant 0.000000e+00 : f32
        %broadcast_in_dim3A_1097 = vector.broadcast %jit3A_1095 : f32 to vector<16xf32>
        %broadcast_in_dim3A_1098 = vector.broadcast %jit3A_1096 : f32 to vector<16xf32>
        %select_n3A_1099 = arith.select %ge3A_1094, %broadcast_in_dim3A_1097, %broadcast_in_dim3A_1098 : vector<16xi1>, vector<16xf32>
        %add3A_1100 = arith.addf %add3A_979, %select_n3A_1099 : vector<16xf32>
        %sub3A_1101 = arith.constant 1.000000e+00 : f32
        %sub3A_1102 = vector.broadcast %sub3A_1101 : f32 to vector<16xf32>
        %sub3A_1103 = arith.subf %sub3A_1102, %select_n3A_1099 : vector<16xf32>
        %add3A_1104 = arith.addf %add3A_1093, %sub3A_1103 : vector<16xf32>
        %ge3A_1105 = arith.cmpf oge, %add3A_238, %add3A_364 : vector<16xf32>
        %jit3A_1106 = arith.constant 1.000000e+00 : f32
        %jit3A_1107 = arith.constant 0.000000e+00 : f32
        %broadcast_in_dim3A_1108 = vector.broadcast %jit3A_1106 : f32 to vector<16xf32>
        %broadcast_in_dim3A_1109 = vector.broadcast %jit3A_1107 : f32 to vector<16xf32>
        %select_n3A_1110 = arith.select %ge3A_1105, %broadcast_in_dim3A_1108, %broadcast_in_dim3A_1109 : vector<16xi1>, vector<16xf32>
        %add3A_1111 = arith.addf %add3A_990, %select_n3A_1110 : vector<16xf32>
        %sub3A_1112 = arith.constant 1.000000e+00 : f32
        %sub3A_1113 = vector.broadcast %sub3A_1112 : f32 to vector<16xf32>
        %sub3A_1114 = arith.subf %sub3A_1113, %select_n3A_1110 : vector<16xf32>
        %add3A_1115 = arith.addf %add3A_1104, %sub3A_1114 : vector<16xf32>
        %ge3A_1116 = arith.cmpf oge, %add3A_238, %add3A_378 : vector<16xf32>
        %jit3A_1117 = arith.constant 1.000000e+00 : f32
        %jit3A_1118 = arith.constant 0.000000e+00 : f32
        %broadcast_in_dim3A_1119 = vector.broadcast %jit3A_1117 : f32 to vector<16xf32>
        %broadcast_in_dim3A_1120 = vector.broadcast %jit3A_1118 : f32 to vector<16xf32>
        %select_n3A_1121 = arith.select %ge3A_1116, %broadcast_in_dim3A_1119, %broadcast_in_dim3A_1120 : vector<16xi1>, vector<16xf32>
        %add3A_1122 = arith.addf %add3A_1001, %select_n3A_1121 : vector<16xf32>
        %sub3A_1123 = arith.constant 1.000000e+00 : f32
        %sub3A_1124 = vector.broadcast %sub3A_1123 : f32 to vector<16xf32>
        %sub3A_1125 = arith.subf %sub3A_1124, %select_n3A_1121 : vector<16xf32>
        %add3A_1126 = arith.addf %add3A_1115, %sub3A_1125 : vector<16xf32>
        %ge3A_1127 = arith.cmpf oge, %add3A_238, %add3A_392 : vector<16xf32>
        %jit3A_1128 = arith.constant 1.000000e+00 : f32
        %jit3A_1129 = arith.constant 0.000000e+00 : f32
        %broadcast_in_dim3A_1130 = vector.broadcast %jit3A_1128 : f32 to vector<16xf32>
        %broadcast_in_dim3A_1131 = vector.broadcast %jit3A_1129 : f32 to vector<16xf32>
        %select_n3A_1132 = arith.select %ge3A_1127, %broadcast_in_dim3A_1130, %broadcast_in_dim3A_1131 : vector<16xi1>, vector<16xf32>
        %add3A_1133 = arith.addf %add3A_1012, %select_n3A_1132 : vector<16xf32>
        %sub3A_1134 = arith.constant 1.000000e+00 : f32
        %sub3A_1135 = vector.broadcast %sub3A_1134 : f32 to vector<16xf32>
        %sub3A_1136 = arith.subf %sub3A_1135, %select_n3A_1132 : vector<16xf32>
        %add3A_1137 = arith.addf %add3A_1126, %sub3A_1136 : vector<16xf32>
        %ge3A_1138 = arith.cmpf oge, %add3A_252, %add3A_266 : vector<16xf32>
        %jit3A_1139 = arith.constant 1.000000e+00 : f32
        %jit3A_1140 = arith.constant 0.000000e+00 : f32
        %broadcast_in_dim3A_1141 = vector.broadcast %jit3A_1139 : f32 to vector<16xf32>
        %broadcast_in_dim3A_1142 = vector.broadcast %jit3A_1140 : f32 to vector<16xf32>
        %select_n3A_1143 = arith.select %ge3A_1138, %broadcast_in_dim3A_1141, %broadcast_in_dim3A_1142 : vector<16xi1>, vector<16xf32>
        %add3A_1144 = arith.addf %add3A_1034, %select_n3A_1143 : vector<16xf32>
        %sub3A_1145 = arith.constant 1.000000e+00 : f32
        %sub3A_1146 = vector.broadcast %sub3A_1145 : f32 to vector<16xf32>
        %sub3A_1147 = arith.subf %sub3A_1146, %select_n3A_1143 : vector<16xf32>
        %add3A_1148 = arith.addf %add3A_1023, %sub3A_1147 : vector<16xf32>
        %ge3A_1149 = arith.cmpf oge, %add3A_252, %add3A_280 : vector<16xf32>
        %jit3A_1150 = arith.constant 1.000000e+00 : f32
        %jit3A_1151 = arith.constant 0.000000e+00 : f32
        %broadcast_in_dim3A_1152 = vector.broadcast %jit3A_1150 : f32 to vector<16xf32>
        %broadcast_in_dim3A_1153 = vector.broadcast %jit3A_1151 : f32 to vector<16xf32>
        %select_n3A_1154 = arith.select %ge3A_1149, %broadcast_in_dim3A_1152, %broadcast_in_dim3A_1153 : vector<16xi1>, vector<16xf32>
        %add3A_1155 = arith.addf %add3A_1045, %select_n3A_1154 : vector<16xf32>
        %sub3A_1156 = arith.constant 1.000000e+00 : f32
        %sub3A_1157 = vector.broadcast %sub3A_1156 : f32 to vector<16xf32>
        %sub3A_1158 = arith.subf %sub3A_1157, %select_n3A_1154 : vector<16xf32>
        %add3A_1159 = arith.addf %add3A_1148, %sub3A_1158 : vector<16xf32>
        %ge3A_1160 = arith.cmpf oge, %add3A_252, %add3A_294 : vector<16xf32>
        %jit3A_1161 = arith.constant 1.000000e+00 : f32
        %jit3A_1162 = arith.constant 0.000000e+00 : f32
        %broadcast_in_dim3A_1163 = vector.broadcast %jit3A_1161 : f32 to vector<16xf32>
        %broadcast_in_dim3A_1164 = vector.broadcast %jit3A_1162 : f32 to vector<16xf32>
        %select_n3A_1165 = arith.select %ge3A_1160, %broadcast_in_dim3A_1163, %broadcast_in_dim3A_1164 : vector<16xi1>, vector<16xf32>
        %add3A_1166 = arith.addf %add3A_1056, %select_n3A_1165 : vector<16xf32>
        %sub3A_1167 = arith.constant 1.000000e+00 : f32
        %sub3A_1168 = vector.broadcast %sub3A_1167 : f32 to vector<16xf32>
        %sub3A_1169 = arith.subf %sub3A_1168, %select_n3A_1165 : vector<16xf32>
        %add3A_1170 = arith.addf %add3A_1159, %sub3A_1169 : vector<16xf32>
        %ge3A_1171 = arith.cmpf oge, %add3A_252, %add3A_308 : vector<16xf32>
        %jit3A_1172 = arith.constant 1.000000e+00 : f32
        %jit3A_1173 = arith.constant 0.000000e+00 : f32
        %broadcast_in_dim3A_1174 = vector.broadcast %jit3A_1172 : f32 to vector<16xf32>
        %broadcast_in_dim3A_1175 = vector.broadcast %jit3A_1173 : f32 to vector<16xf32>
        %select_n3A_1176 = arith.select %ge3A_1171, %broadcast_in_dim3A_1174, %broadcast_in_dim3A_1175 : vector<16xi1>, vector<16xf32>
        %add3A_1177 = arith.addf %add3A_1067, %select_n3A_1176 : vector<16xf32>
        %sub3A_1178 = arith.constant 1.000000e+00 : f32
        %sub3A_1179 = vector.broadcast %sub3A_1178 : f32 to vector<16xf32>
        %sub3A_1180 = arith.subf %sub3A_1179, %select_n3A_1176 : vector<16xf32>
        %add3A_1181 = arith.addf %add3A_1170, %sub3A_1180 : vector<16xf32>
        %ge3A_1182 = arith.cmpf oge, %add3A_252, %add3A_322 : vector<16xf32>
        %jit3A_1183 = arith.constant 1.000000e+00 : f32
        %jit3A_1184 = arith.constant 0.000000e+00 : f32
        %broadcast_in_dim3A_1185 = vector.broadcast %jit3A_1183 : f32 to vector<16xf32>
        %broadcast_in_dim3A_1186 = vector.broadcast %jit3A_1184 : f32 to vector<16xf32>
        %select_n3A_1187 = arith.select %ge3A_1182, %broadcast_in_dim3A_1185, %broadcast_in_dim3A_1186 : vector<16xi1>, vector<16xf32>
        %add3A_1188 = arith.addf %add3A_1078, %select_n3A_1187 : vector<16xf32>
        %sub3A_1189 = arith.constant 1.000000e+00 : f32
        %sub3A_1190 = vector.broadcast %sub3A_1189 : f32 to vector<16xf32>
        %sub3A_1191 = arith.subf %sub3A_1190, %select_n3A_1187 : vector<16xf32>
        %add3A_1192 = arith.addf %add3A_1181, %sub3A_1191 : vector<16xf32>
        %ge3A_1193 = arith.cmpf oge, %add3A_252, %add3A_336 : vector<16xf32>
        %jit3A_1194 = arith.constant 1.000000e+00 : f32
        %jit3A_1195 = arith.constant 0.000000e+00 : f32
        %broadcast_in_dim3A_1196 = vector.broadcast %jit3A_1194 : f32 to vector<16xf32>
        %broadcast_in_dim3A_1197 = vector.broadcast %jit3A_1195 : f32 to vector<16xf32>
        %select_n3A_1198 = arith.select %ge3A_1193, %broadcast_in_dim3A_1196, %broadcast_in_dim3A_1197 : vector<16xi1>, vector<16xf32>
        %add3A_1199 = arith.addf %add3A_1089, %select_n3A_1198 : vector<16xf32>
        %sub3A_1200 = arith.constant 1.000000e+00 : f32
        %sub3A_1201 = vector.broadcast %sub3A_1200 : f32 to vector<16xf32>
        %sub3A_1202 = arith.subf %sub3A_1201, %select_n3A_1198 : vector<16xf32>
        %add3A_1203 = arith.addf %add3A_1192, %sub3A_1202 : vector<16xf32>
        %ge3A_1204 = arith.cmpf oge, %add3A_252, %add3A_350 : vector<16xf32>
        %jit3A_1205 = arith.constant 1.000000e+00 : f32
        %jit3A_1206 = arith.constant 0.000000e+00 : f32
        %broadcast_in_dim3A_1207 = vector.broadcast %jit3A_1205 : f32 to vector<16xf32>
        %broadcast_in_dim3A_1208 = vector.broadcast %jit3A_1206 : f32 to vector<16xf32>
        %select_n3A_1209 = arith.select %ge3A_1204, %broadcast_in_dim3A_1207, %broadcast_in_dim3A_1208 : vector<16xi1>, vector<16xf32>
        %add3A_1210 = arith.addf %add3A_1100, %select_n3A_1209 : vector<16xf32>
        %sub3A_1211 = arith.constant 1.000000e+00 : f32
        %sub3A_1212 = vector.broadcast %sub3A_1211 : f32 to vector<16xf32>
        %sub3A_1213 = arith.subf %sub3A_1212, %select_n3A_1209 : vector<16xf32>
        %add3A_1214 = arith.addf %add3A_1203, %sub3A_1213 : vector<16xf32>
        %ge3A_1215 = arith.cmpf oge, %add3A_252, %add3A_364 : vector<16xf32>
        %jit3A_1216 = arith.constant 1.000000e+00 : f32
        %jit3A_1217 = arith.constant 0.000000e+00 : f32
        %broadcast_in_dim3A_1218 = vector.broadcast %jit3A_1216 : f32 to vector<16xf32>
        %broadcast_in_dim3A_1219 = vector.broadcast %jit3A_1217 : f32 to vector<16xf32>
        %select_n3A_1220 = arith.select %ge3A_1215, %broadcast_in_dim3A_1218, %broadcast_in_dim3A_1219 : vector<16xi1>, vector<16xf32>
        %add3A_1221 = arith.addf %add3A_1111, %select_n3A_1220 : vector<16xf32>
        %sub3A_1222 = arith.constant 1.000000e+00 : f32
        %sub3A_1223 = vector.broadcast %sub3A_1222 : f32 to vector<16xf32>
        %sub3A_1224 = arith.subf %sub3A_1223, %select_n3A_1220 : vector<16xf32>
        %add3A_1225 = arith.addf %add3A_1214, %sub3A_1224 : vector<16xf32>
        %ge3A_1226 = arith.cmpf oge, %add3A_252, %add3A_378 : vector<16xf32>
        %jit3A_1227 = arith.constant 1.000000e+00 : f32
        %jit3A_1228 = arith.constant 0.000000e+00 : f32
        %broadcast_in_dim3A_1229 = vector.broadcast %jit3A_1227 : f32 to vector<16xf32>
        %broadcast_in_dim3A_1230 = vector.broadcast %jit3A_1228 : f32 to vector<16xf32>
        %select_n3A_1231 = arith.select %ge3A_1226, %broadcast_in_dim3A_1229, %broadcast_in_dim3A_1230 : vector<16xi1>, vector<16xf32>
        %add3A_1232 = arith.addf %add3A_1122, %select_n3A_1231 : vector<16xf32>
        %sub3A_1233 = arith.constant 1.000000e+00 : f32
        %sub3A_1234 = vector.broadcast %sub3A_1233 : f32 to vector<16xf32>
        %sub3A_1235 = arith.subf %sub3A_1234, %select_n3A_1231 : vector<16xf32>
        %add3A_1236 = arith.addf %add3A_1225, %sub3A_1235 : vector<16xf32>
        %ge3A_1237 = arith.cmpf oge, %add3A_252, %add3A_392 : vector<16xf32>
        %jit3A_1238 = arith.constant 1.000000e+00 : f32
        %jit3A_1239 = arith.constant 0.000000e+00 : f32
        %broadcast_in_dim3A_1240 = vector.broadcast %jit3A_1238 : f32 to vector<16xf32>
        %broadcast_in_dim3A_1241 = vector.broadcast %jit3A_1239 : f32 to vector<16xf32>
        %select_n3A_1242 = arith.select %ge3A_1237, %broadcast_in_dim3A_1240, %broadcast_in_dim3A_1241 : vector<16xi1>, vector<16xf32>
        %add3A_1243 = arith.addf %add3A_1133, %select_n3A_1242 : vector<16xf32>
        %sub3A_1244 = arith.constant 1.000000e+00 : f32
        %sub3A_1245 = vector.broadcast %sub3A_1244 : f32 to vector<16xf32>
        %sub3A_1246 = arith.subf %sub3A_1245, %select_n3A_1242 : vector<16xf32>
        %add3A_1247 = arith.addf %add3A_1236, %sub3A_1246 : vector<16xf32>
        %ge3A_1248 = arith.cmpf oge, %add3A_266, %add3A_280 : vector<16xf32>
        %jit3A_1249 = arith.constant 1.000000e+00 : f32
        %jit3A_1250 = arith.constant 0.000000e+00 : f32
        %broadcast_in_dim3A_1251 = vector.broadcast %jit3A_1249 : f32 to vector<16xf32>
        %broadcast_in_dim3A_1252 = vector.broadcast %jit3A_1250 : f32 to vector<16xf32>
        %select_n3A_1253 = arith.select %ge3A_1248, %broadcast_in_dim3A_1251, %broadcast_in_dim3A_1252 : vector<16xi1>, vector<16xf32>
        %add3A_1254 = arith.addf %add3A_1155, %select_n3A_1253 : vector<16xf32>
        %sub3A_1255 = arith.constant 1.000000e+00 : f32
        %sub3A_1256 = vector.broadcast %sub3A_1255 : f32 to vector<16xf32>
        %sub3A_1257 = arith.subf %sub3A_1256, %select_n3A_1253 : vector<16xf32>
        %add3A_1258 = arith.addf %add3A_1144, %sub3A_1257 : vector<16xf32>
        %ge3A_1259 = arith.cmpf oge, %add3A_266, %add3A_294 : vector<16xf32>
        %jit3A_1260 = arith.constant 1.000000e+00 : f32
        %jit3A_1261 = arith.constant 0.000000e+00 : f32
        %broadcast_in_dim3A_1262 = vector.broadcast %jit3A_1260 : f32 to vector<16xf32>
        %broadcast_in_dim3A_1263 = vector.broadcast %jit3A_1261 : f32 to vector<16xf32>
        %select_n3A_1264 = arith.select %ge3A_1259, %broadcast_in_dim3A_1262, %broadcast_in_dim3A_1263 : vector<16xi1>, vector<16xf32>
        %add3A_1265 = arith.addf %add3A_1166, %select_n3A_1264 : vector<16xf32>
        %sub3A_1266 = arith.constant 1.000000e+00 : f32
        %sub3A_1267 = vector.broadcast %sub3A_1266 : f32 to vector<16xf32>
        %sub3A_1268 = arith.subf %sub3A_1267, %select_n3A_1264 : vector<16xf32>
        %add3A_1269 = arith.addf %add3A_1258, %sub3A_1268 : vector<16xf32>
        %ge3A_1270 = arith.cmpf oge, %add3A_266, %add3A_308 : vector<16xf32>
        %jit3A_1271 = arith.constant 1.000000e+00 : f32
        %jit3A_1272 = arith.constant 0.000000e+00 : f32
        %broadcast_in_dim3A_1273 = vector.broadcast %jit3A_1271 : f32 to vector<16xf32>
        %broadcast_in_dim3A_1274 = vector.broadcast %jit3A_1272 : f32 to vector<16xf32>
        %select_n3A_1275 = arith.select %ge3A_1270, %broadcast_in_dim3A_1273, %broadcast_in_dim3A_1274 : vector<16xi1>, vector<16xf32>
        %add3A_1276 = arith.addf %add3A_1177, %select_n3A_1275 : vector<16xf32>
        %sub3A_1277 = arith.constant 1.000000e+00 : f32
        %sub3A_1278 = vector.broadcast %sub3A_1277 : f32 to vector<16xf32>
        %sub3A_1279 = arith.subf %sub3A_1278, %select_n3A_1275 : vector<16xf32>
        %add3A_1280 = arith.addf %add3A_1269, %sub3A_1279 : vector<16xf32>
        %ge3A_1281 = arith.cmpf oge, %add3A_266, %add3A_322 : vector<16xf32>
        %jit3A_1282 = arith.constant 1.000000e+00 : f32
        %jit3A_1283 = arith.constant 0.000000e+00 : f32
        %broadcast_in_dim3A_1284 = vector.broadcast %jit3A_1282 : f32 to vector<16xf32>
        %broadcast_in_dim3A_1285 = vector.broadcast %jit3A_1283 : f32 to vector<16xf32>
        %select_n3A_1286 = arith.select %ge3A_1281, %broadcast_in_dim3A_1284, %broadcast_in_dim3A_1285 : vector<16xi1>, vector<16xf32>
        %add3A_1287 = arith.addf %add3A_1188, %select_n3A_1286 : vector<16xf32>
        %sub3A_1288 = arith.constant 1.000000e+00 : f32
        %sub3A_1289 = vector.broadcast %sub3A_1288 : f32 to vector<16xf32>
        %sub3A_1290 = arith.subf %sub3A_1289, %select_n3A_1286 : vector<16xf32>
        %add3A_1291 = arith.addf %add3A_1280, %sub3A_1290 : vector<16xf32>
        %ge3A_1292 = arith.cmpf oge, %add3A_266, %add3A_336 : vector<16xf32>
        %jit3A_1293 = arith.constant 1.000000e+00 : f32
        %jit3A_1294 = arith.constant 0.000000e+00 : f32
        %broadcast_in_dim3A_1295 = vector.broadcast %jit3A_1293 : f32 to vector<16xf32>
        %broadcast_in_dim3A_1296 = vector.broadcast %jit3A_1294 : f32 to vector<16xf32>
        %select_n3A_1297 = arith.select %ge3A_1292, %broadcast_in_dim3A_1295, %broadcast_in_dim3A_1296 : vector<16xi1>, vector<16xf32>
        %add3A_1298 = arith.addf %add3A_1199, %select_n3A_1297 : vector<16xf32>
        %sub3A_1299 = arith.constant 1.000000e+00 : f32
        %sub3A_1300 = vector.broadcast %sub3A_1299 : f32 to vector<16xf32>
        %sub3A_1301 = arith.subf %sub3A_1300, %select_n3A_1297 : vector<16xf32>
        %add3A_1302 = arith.addf %add3A_1291, %sub3A_1301 : vector<16xf32>
        %ge3A_1303 = arith.cmpf oge, %add3A_266, %add3A_350 : vector<16xf32>
        %jit3A_1304 = arith.constant 1.000000e+00 : f32
        %jit3A_1305 = arith.constant 0.000000e+00 : f32
        %broadcast_in_dim3A_1306 = vector.broadcast %jit3A_1304 : f32 to vector<16xf32>
        %broadcast_in_dim3A_1307 = vector.broadcast %jit3A_1305 : f32 to vector<16xf32>
        %select_n3A_1308 = arith.select %ge3A_1303, %broadcast_in_dim3A_1306, %broadcast_in_dim3A_1307 : vector<16xi1>, vector<16xf32>
        %add3A_1309 = arith.addf %add3A_1210, %select_n3A_1308 : vector<16xf32>
        %sub3A_1310 = arith.constant 1.000000e+00 : f32
        %sub3A_1311 = vector.broadcast %sub3A_1310 : f32 to vector<16xf32>
        %sub3A_1312 = arith.subf %sub3A_1311, %select_n3A_1308 : vector<16xf32>
        %add3A_1313 = arith.addf %add3A_1302, %sub3A_1312 : vector<16xf32>
        %ge3A_1314 = arith.cmpf oge, %add3A_266, %add3A_364 : vector<16xf32>
        %jit3A_1315 = arith.constant 1.000000e+00 : f32
        %jit3A_1316 = arith.constant 0.000000e+00 : f32
        %broadcast_in_dim3A_1317 = vector.broadcast %jit3A_1315 : f32 to vector<16xf32>
        %broadcast_in_dim3A_1318 = vector.broadcast %jit3A_1316 : f32 to vector<16xf32>
        %select_n3A_1319 = arith.select %ge3A_1314, %broadcast_in_dim3A_1317, %broadcast_in_dim3A_1318 : vector<16xi1>, vector<16xf32>
        %add3A_1320 = arith.addf %add3A_1221, %select_n3A_1319 : vector<16xf32>
        %sub3A_1321 = arith.constant 1.000000e+00 : f32
        %sub3A_1322 = vector.broadcast %sub3A_1321 : f32 to vector<16xf32>
        %sub3A_1323 = arith.subf %sub3A_1322, %select_n3A_1319 : vector<16xf32>
        %add3A_1324 = arith.addf %add3A_1313, %sub3A_1323 : vector<16xf32>
        %ge3A_1325 = arith.cmpf oge, %add3A_266, %add3A_378 : vector<16xf32>
        %jit3A_1326 = arith.constant 1.000000e+00 : f32
        %jit3A_1327 = arith.constant 0.000000e+00 : f32
        %broadcast_in_dim3A_1328 = vector.broadcast %jit3A_1326 : f32 to vector<16xf32>
        %broadcast_in_dim3A_1329 = vector.broadcast %jit3A_1327 : f32 to vector<16xf32>
        %select_n3A_1330 = arith.select %ge3A_1325, %broadcast_in_dim3A_1328, %broadcast_in_dim3A_1329 : vector<16xi1>, vector<16xf32>
        %add3A_1331 = arith.addf %add3A_1232, %select_n3A_1330 : vector<16xf32>
        %sub3A_1332 = arith.constant 1.000000e+00 : f32
        %sub3A_1333 = vector.broadcast %sub3A_1332 : f32 to vector<16xf32>
        %sub3A_1334 = arith.subf %sub3A_1333, %select_n3A_1330 : vector<16xf32>
        %add3A_1335 = arith.addf %add3A_1324, %sub3A_1334 : vector<16xf32>
        %ge3A_1336 = arith.cmpf oge, %add3A_266, %add3A_392 : vector<16xf32>
        %jit3A_1337 = arith.constant 1.000000e+00 : f32
        %jit3A_1338 = arith.constant 0.000000e+00 : f32
        %broadcast_in_dim3A_1339 = vector.broadcast %jit3A_1337 : f32 to vector<16xf32>
        %broadcast_in_dim3A_1340 = vector.broadcast %jit3A_1338 : f32 to vector<16xf32>
        %select_n3A_1341 = arith.select %ge3A_1336, %broadcast_in_dim3A_1339, %broadcast_in_dim3A_1340 : vector<16xi1>, vector<16xf32>
        %add3A_1342 = arith.addf %add3A_1243, %select_n3A_1341 : vector<16xf32>
        %sub3A_1343 = arith.constant 1.000000e+00 : f32
        %sub3A_1344 = vector.broadcast %sub3A_1343 : f32 to vector<16xf32>
        %sub3A_1345 = arith.subf %sub3A_1344, %select_n3A_1341 : vector<16xf32>
        %add3A_1346 = arith.addf %add3A_1335, %sub3A_1345 : vector<16xf32>
        %ge3A_1347 = arith.cmpf oge, %add3A_280, %add3A_294 : vector<16xf32>
        %jit3A_1348 = arith.constant 1.000000e+00 : f32
        %jit3A_1349 = arith.constant 0.000000e+00 : f32
        %broadcast_in_dim3A_1350 = vector.broadcast %jit3A_1348 : f32 to vector<16xf32>
        %broadcast_in_dim3A_1351 = vector.broadcast %jit3A_1349 : f32 to vector<16xf32>
        %select_n3A_1352 = arith.select %ge3A_1347, %broadcast_in_dim3A_1350, %broadcast_in_dim3A_1351 : vector<16xi1>, vector<16xf32>
        %add3A_1353 = arith.addf %add3A_1265, %select_n3A_1352 : vector<16xf32>
        %sub3A_1354 = arith.constant 1.000000e+00 : f32
        %sub3A_1355 = vector.broadcast %sub3A_1354 : f32 to vector<16xf32>
        %sub3A_1356 = arith.subf %sub3A_1355, %select_n3A_1352 : vector<16xf32>
        %add3A_1357 = arith.addf %add3A_1254, %sub3A_1356 : vector<16xf32>
        %ge3A_1358 = arith.cmpf oge, %add3A_280, %add3A_308 : vector<16xf32>
        %jit3A_1359 = arith.constant 1.000000e+00 : f32
        %jit3A_1360 = arith.constant 0.000000e+00 : f32
        %broadcast_in_dim3A_1361 = vector.broadcast %jit3A_1359 : f32 to vector<16xf32>
        %broadcast_in_dim3A_1362 = vector.broadcast %jit3A_1360 : f32 to vector<16xf32>
        %select_n3A_1363 = arith.select %ge3A_1358, %broadcast_in_dim3A_1361, %broadcast_in_dim3A_1362 : vector<16xi1>, vector<16xf32>
        %add3A_1364 = arith.addf %add3A_1276, %select_n3A_1363 : vector<16xf32>
        %sub3A_1365 = arith.constant 1.000000e+00 : f32
        %sub3A_1366 = vector.broadcast %sub3A_1365 : f32 to vector<16xf32>
        %sub3A_1367 = arith.subf %sub3A_1366, %select_n3A_1363 : vector<16xf32>
        %add3A_1368 = arith.addf %add3A_1357, %sub3A_1367 : vector<16xf32>
        %ge3A_1369 = arith.cmpf oge, %add3A_280, %add3A_322 : vector<16xf32>
        %jit3A_1370 = arith.constant 1.000000e+00 : f32
        %jit3A_1371 = arith.constant 0.000000e+00 : f32
        %broadcast_in_dim3A_1372 = vector.broadcast %jit3A_1370 : f32 to vector<16xf32>
        %broadcast_in_dim3A_1373 = vector.broadcast %jit3A_1371 : f32 to vector<16xf32>
        %select_n3A_1374 = arith.select %ge3A_1369, %broadcast_in_dim3A_1372, %broadcast_in_dim3A_1373 : vector<16xi1>, vector<16xf32>
        %add3A_1375 = arith.addf %add3A_1287, %select_n3A_1374 : vector<16xf32>
        %sub3A_1376 = arith.constant 1.000000e+00 : f32
        %sub3A_1377 = vector.broadcast %sub3A_1376 : f32 to vector<16xf32>
        %sub3A_1378 = arith.subf %sub3A_1377, %select_n3A_1374 : vector<16xf32>
        %add3A_1379 = arith.addf %add3A_1368, %sub3A_1378 : vector<16xf32>
        %ge3A_1380 = arith.cmpf oge, %add3A_280, %add3A_336 : vector<16xf32>
        %jit3A_1381 = arith.constant 1.000000e+00 : f32
        %jit3A_1382 = arith.constant 0.000000e+00 : f32
        %broadcast_in_dim3A_1383 = vector.broadcast %jit3A_1381 : f32 to vector<16xf32>
        %broadcast_in_dim3A_1384 = vector.broadcast %jit3A_1382 : f32 to vector<16xf32>
        %select_n3A_1385 = arith.select %ge3A_1380, %broadcast_in_dim3A_1383, %broadcast_in_dim3A_1384 : vector<16xi1>, vector<16xf32>
        %add3A_1386 = arith.addf %add3A_1298, %select_n3A_1385 : vector<16xf32>
        %sub3A_1387 = arith.constant 1.000000e+00 : f32
        %sub3A_1388 = vector.broadcast %sub3A_1387 : f32 to vector<16xf32>
        %sub3A_1389 = arith.subf %sub3A_1388, %select_n3A_1385 : vector<16xf32>
        %add3A_1390 = arith.addf %add3A_1379, %sub3A_1389 : vector<16xf32>
        %ge3A_1391 = arith.cmpf oge, %add3A_280, %add3A_350 : vector<16xf32>
        %jit3A_1392 = arith.constant 1.000000e+00 : f32
        %jit3A_1393 = arith.constant 0.000000e+00 : f32
        %broadcast_in_dim3A_1394 = vector.broadcast %jit3A_1392 : f32 to vector<16xf32>
        %broadcast_in_dim3A_1395 = vector.broadcast %jit3A_1393 : f32 to vector<16xf32>
        %select_n3A_1396 = arith.select %ge3A_1391, %broadcast_in_dim3A_1394, %broadcast_in_dim3A_1395 : vector<16xi1>, vector<16xf32>
        %add3A_1397 = arith.addf %add3A_1309, %select_n3A_1396 : vector<16xf32>
        %sub3A_1398 = arith.constant 1.000000e+00 : f32
        %sub3A_1399 = vector.broadcast %sub3A_1398 : f32 to vector<16xf32>
        %sub3A_1400 = arith.subf %sub3A_1399, %select_n3A_1396 : vector<16xf32>
        %add3A_1401 = arith.addf %add3A_1390, %sub3A_1400 : vector<16xf32>
        %ge3A_1402 = arith.cmpf oge, %add3A_280, %add3A_364 : vector<16xf32>
        %jit3A_1403 = arith.constant 1.000000e+00 : f32
        %jit3A_1404 = arith.constant 0.000000e+00 : f32
        %broadcast_in_dim3A_1405 = vector.broadcast %jit3A_1403 : f32 to vector<16xf32>
        %broadcast_in_dim3A_1406 = vector.broadcast %jit3A_1404 : f32 to vector<16xf32>
        %select_n3A_1407 = arith.select %ge3A_1402, %broadcast_in_dim3A_1405, %broadcast_in_dim3A_1406 : vector<16xi1>, vector<16xf32>
        %add3A_1408 = arith.addf %add3A_1320, %select_n3A_1407 : vector<16xf32>
        %sub3A_1409 = arith.constant 1.000000e+00 : f32
        %sub3A_1410 = vector.broadcast %sub3A_1409 : f32 to vector<16xf32>
        %sub3A_1411 = arith.subf %sub3A_1410, %select_n3A_1407 : vector<16xf32>
        %add3A_1412 = arith.addf %add3A_1401, %sub3A_1411 : vector<16xf32>
        %ge3A_1413 = arith.cmpf oge, %add3A_280, %add3A_378 : vector<16xf32>
        %jit3A_1414 = arith.constant 1.000000e+00 : f32
        %jit3A_1415 = arith.constant 0.000000e+00 : f32
        %broadcast_in_dim3A_1416 = vector.broadcast %jit3A_1414 : f32 to vector<16xf32>
        %broadcast_in_dim3A_1417 = vector.broadcast %jit3A_1415 : f32 to vector<16xf32>
        %select_n3A_1418 = arith.select %ge3A_1413, %broadcast_in_dim3A_1416, %broadcast_in_dim3A_1417 : vector<16xi1>, vector<16xf32>
        %add3A_1419 = arith.addf %add3A_1331, %select_n3A_1418 : vector<16xf32>
        %sub3A_1420 = arith.constant 1.000000e+00 : f32
        %sub3A_1421 = vector.broadcast %sub3A_1420 : f32 to vector<16xf32>
        %sub3A_1422 = arith.subf %sub3A_1421, %select_n3A_1418 : vector<16xf32>
        %add3A_1423 = arith.addf %add3A_1412, %sub3A_1422 : vector<16xf32>
        %ge3A_1424 = arith.cmpf oge, %add3A_280, %add3A_392 : vector<16xf32>
        %jit3A_1425 = arith.constant 1.000000e+00 : f32
        %jit3A_1426 = arith.constant 0.000000e+00 : f32
        %broadcast_in_dim3A_1427 = vector.broadcast %jit3A_1425 : f32 to vector<16xf32>
        %broadcast_in_dim3A_1428 = vector.broadcast %jit3A_1426 : f32 to vector<16xf32>
        %select_n3A_1429 = arith.select %ge3A_1424, %broadcast_in_dim3A_1427, %broadcast_in_dim3A_1428 : vector<16xi1>, vector<16xf32>
        %add3A_1430 = arith.addf %add3A_1342, %select_n3A_1429 : vector<16xf32>
        %sub3A_1431 = arith.constant 1.000000e+00 : f32
        %sub3A_1432 = vector.broadcast %sub3A_1431 : f32 to vector<16xf32>
        %sub3A_1433 = arith.subf %sub3A_1432, %select_n3A_1429 : vector<16xf32>
        %add3A_1434 = arith.addf %add3A_1423, %sub3A_1433 : vector<16xf32>
        %ge3A_1435 = arith.cmpf oge, %add3A_294, %add3A_308 : vector<16xf32>
        %jit3A_1436 = arith.constant 1.000000e+00 : f32
        %jit3A_1437 = arith.constant 0.000000e+00 : f32
        %broadcast_in_dim3A_1438 = vector.broadcast %jit3A_1436 : f32 to vector<16xf32>
        %broadcast_in_dim3A_1439 = vector.broadcast %jit3A_1437 : f32 to vector<16xf32>
        %select_n3A_1440 = arith.select %ge3A_1435, %broadcast_in_dim3A_1438, %broadcast_in_dim3A_1439 : vector<16xi1>, vector<16xf32>
        %add3A_1441 = arith.addf %add3A_1364, %select_n3A_1440 : vector<16xf32>
        %sub3A_1442 = arith.constant 1.000000e+00 : f32
        %sub3A_1443 = vector.broadcast %sub3A_1442 : f32 to vector<16xf32>
        %sub3A_1444 = arith.subf %sub3A_1443, %select_n3A_1440 : vector<16xf32>
        %add3A_1445 = arith.addf %add3A_1353, %sub3A_1444 : vector<16xf32>
        %ge3A_1446 = arith.cmpf oge, %add3A_294, %add3A_322 : vector<16xf32>
        %jit3A_1447 = arith.constant 1.000000e+00 : f32
        %jit3A_1448 = arith.constant 0.000000e+00 : f32
        %broadcast_in_dim3A_1449 = vector.broadcast %jit3A_1447 : f32 to vector<16xf32>
        %broadcast_in_dim3A_1450 = vector.broadcast %jit3A_1448 : f32 to vector<16xf32>
        %select_n3A_1451 = arith.select %ge3A_1446, %broadcast_in_dim3A_1449, %broadcast_in_dim3A_1450 : vector<16xi1>, vector<16xf32>
        %add3A_1452 = arith.addf %add3A_1375, %select_n3A_1451 : vector<16xf32>
        %sub3A_1453 = arith.constant 1.000000e+00 : f32
        %sub3A_1454 = vector.broadcast %sub3A_1453 : f32 to vector<16xf32>
        %sub3A_1455 = arith.subf %sub3A_1454, %select_n3A_1451 : vector<16xf32>
        %add3A_1456 = arith.addf %add3A_1445, %sub3A_1455 : vector<16xf32>
        %ge3A_1457 = arith.cmpf oge, %add3A_294, %add3A_336 : vector<16xf32>
        %jit3A_1458 = arith.constant 1.000000e+00 : f32
        %jit3A_1459 = arith.constant 0.000000e+00 : f32
        %broadcast_in_dim3A_1460 = vector.broadcast %jit3A_1458 : f32 to vector<16xf32>
        %broadcast_in_dim3A_1461 = vector.broadcast %jit3A_1459 : f32 to vector<16xf32>
        %select_n3A_1462 = arith.select %ge3A_1457, %broadcast_in_dim3A_1460, %broadcast_in_dim3A_1461 : vector<16xi1>, vector<16xf32>
        %add3A_1463 = arith.addf %add3A_1386, %select_n3A_1462 : vector<16xf32>
        %sub3A_1464 = arith.constant 1.000000e+00 : f32
        %sub3A_1465 = vector.broadcast %sub3A_1464 : f32 to vector<16xf32>
        %sub3A_1466 = arith.subf %sub3A_1465, %select_n3A_1462 : vector<16xf32>
        %add3A_1467 = arith.addf %add3A_1456, %sub3A_1466 : vector<16xf32>
        %ge3A_1468 = arith.cmpf oge, %add3A_294, %add3A_350 : vector<16xf32>
        %jit3A_1469 = arith.constant 1.000000e+00 : f32
        %jit3A_1470 = arith.constant 0.000000e+00 : f32
        %broadcast_in_dim3A_1471 = vector.broadcast %jit3A_1469 : f32 to vector<16xf32>
        %broadcast_in_dim3A_1472 = vector.broadcast %jit3A_1470 : f32 to vector<16xf32>
        %select_n3A_1473 = arith.select %ge3A_1468, %broadcast_in_dim3A_1471, %broadcast_in_dim3A_1472 : vector<16xi1>, vector<16xf32>
        %add3A_1474 = arith.addf %add3A_1397, %select_n3A_1473 : vector<16xf32>
        %sub3A_1475 = arith.constant 1.000000e+00 : f32
        %sub3A_1476 = vector.broadcast %sub3A_1475 : f32 to vector<16xf32>
        %sub3A_1477 = arith.subf %sub3A_1476, %select_n3A_1473 : vector<16xf32>
        %add3A_1478 = arith.addf %add3A_1467, %sub3A_1477 : vector<16xf32>
        %ge3A_1479 = arith.cmpf oge, %add3A_294, %add3A_364 : vector<16xf32>
        %jit3A_1480 = arith.constant 1.000000e+00 : f32
        %jit3A_1481 = arith.constant 0.000000e+00 : f32
        %broadcast_in_dim3A_1482 = vector.broadcast %jit3A_1480 : f32 to vector<16xf32>
        %broadcast_in_dim3A_1483 = vector.broadcast %jit3A_1481 : f32 to vector<16xf32>
        %select_n3A_1484 = arith.select %ge3A_1479, %broadcast_in_dim3A_1482, %broadcast_in_dim3A_1483 : vector<16xi1>, vector<16xf32>
        %add3A_1485 = arith.addf %add3A_1408, %select_n3A_1484 : vector<16xf32>
        %sub3A_1486 = arith.constant 1.000000e+00 : f32
        %sub3A_1487 = vector.broadcast %sub3A_1486 : f32 to vector<16xf32>
        %sub3A_1488 = arith.subf %sub3A_1487, %select_n3A_1484 : vector<16xf32>
        %add3A_1489 = arith.addf %add3A_1478, %sub3A_1488 : vector<16xf32>
        %ge3A_1490 = arith.cmpf oge, %add3A_294, %add3A_378 : vector<16xf32>
        %jit3A_1491 = arith.constant 1.000000e+00 : f32
        %jit3A_1492 = arith.constant 0.000000e+00 : f32
        %broadcast_in_dim3A_1493 = vector.broadcast %jit3A_1491 : f32 to vector<16xf32>
        %broadcast_in_dim3A_1494 = vector.broadcast %jit3A_1492 : f32 to vector<16xf32>
        %select_n3A_1495 = arith.select %ge3A_1490, %broadcast_in_dim3A_1493, %broadcast_in_dim3A_1494 : vector<16xi1>, vector<16xf32>
        %add3A_1496 = arith.addf %add3A_1419, %select_n3A_1495 : vector<16xf32>
        %sub3A_1497 = arith.constant 1.000000e+00 : f32
        %sub3A_1498 = vector.broadcast %sub3A_1497 : f32 to vector<16xf32>
        %sub3A_1499 = arith.subf %sub3A_1498, %select_n3A_1495 : vector<16xf32>
        %add3A_1500 = arith.addf %add3A_1489, %sub3A_1499 : vector<16xf32>
        %ge3A_1501 = arith.cmpf oge, %add3A_294, %add3A_392 : vector<16xf32>
        %jit3A_1502 = arith.constant 1.000000e+00 : f32
        %jit3A_1503 = arith.constant 0.000000e+00 : f32
        %broadcast_in_dim3A_1504 = vector.broadcast %jit3A_1502 : f32 to vector<16xf32>
        %broadcast_in_dim3A_1505 = vector.broadcast %jit3A_1503 : f32 to vector<16xf32>
        %select_n3A_1506 = arith.select %ge3A_1501, %broadcast_in_dim3A_1504, %broadcast_in_dim3A_1505 : vector<16xi1>, vector<16xf32>
        %add3A_1507 = arith.addf %add3A_1430, %select_n3A_1506 : vector<16xf32>
        %sub3A_1508 = arith.constant 1.000000e+00 : f32
        %sub3A_1509 = vector.broadcast %sub3A_1508 : f32 to vector<16xf32>
        %sub3A_1510 = arith.subf %sub3A_1509, %select_n3A_1506 : vector<16xf32>
        %add3A_1511 = arith.addf %add3A_1500, %sub3A_1510 : vector<16xf32>
        %ge3A_1512 = arith.cmpf oge, %add3A_308, %add3A_322 : vector<16xf32>
        %jit3A_1513 = arith.constant 1.000000e+00 : f32
        %jit3A_1514 = arith.constant 0.000000e+00 : f32
        %broadcast_in_dim3A_1515 = vector.broadcast %jit3A_1513 : f32 to vector<16xf32>
        %broadcast_in_dim3A_1516 = vector.broadcast %jit3A_1514 : f32 to vector<16xf32>
        %select_n3A_1517 = arith.select %ge3A_1512, %broadcast_in_dim3A_1515, %broadcast_in_dim3A_1516 : vector<16xi1>, vector<16xf32>
        %add3A_1518 = arith.addf %add3A_1452, %select_n3A_1517 : vector<16xf32>
        %sub3A_1519 = arith.constant 1.000000e+00 : f32
        %sub3A_1520 = vector.broadcast %sub3A_1519 : f32 to vector<16xf32>
        %sub3A_1521 = arith.subf %sub3A_1520, %select_n3A_1517 : vector<16xf32>
        %add3A_1522 = arith.addf %add3A_1441, %sub3A_1521 : vector<16xf32>
        %ge3A_1523 = arith.cmpf oge, %add3A_308, %add3A_336 : vector<16xf32>
        %jit3A_1524 = arith.constant 1.000000e+00 : f32
        %jit3A_1525 = arith.constant 0.000000e+00 : f32
        %broadcast_in_dim3A_1526 = vector.broadcast %jit3A_1524 : f32 to vector<16xf32>
        %broadcast_in_dim3A_1527 = vector.broadcast %jit3A_1525 : f32 to vector<16xf32>
        %select_n3A_1528 = arith.select %ge3A_1523, %broadcast_in_dim3A_1526, %broadcast_in_dim3A_1527 : vector<16xi1>, vector<16xf32>
        %add3A_1529 = arith.addf %add3A_1463, %select_n3A_1528 : vector<16xf32>
        %sub3A_1530 = arith.constant 1.000000e+00 : f32
        %sub3A_1531 = vector.broadcast %sub3A_1530 : f32 to vector<16xf32>
        %sub3A_1532 = arith.subf %sub3A_1531, %select_n3A_1528 : vector<16xf32>
        %add3A_1533 = arith.addf %add3A_1522, %sub3A_1532 : vector<16xf32>
        %ge3A_1534 = arith.cmpf oge, %add3A_308, %add3A_350 : vector<16xf32>
        %jit3A_1535 = arith.constant 1.000000e+00 : f32
        %jit3A_1536 = arith.constant 0.000000e+00 : f32
        %broadcast_in_dim3A_1537 = vector.broadcast %jit3A_1535 : f32 to vector<16xf32>
        %broadcast_in_dim3A_1538 = vector.broadcast %jit3A_1536 : f32 to vector<16xf32>
        %select_n3A_1539 = arith.select %ge3A_1534, %broadcast_in_dim3A_1537, %broadcast_in_dim3A_1538 : vector<16xi1>, vector<16xf32>
        %add3A_1540 = arith.addf %add3A_1474, %select_n3A_1539 : vector<16xf32>
        %sub3A_1541 = arith.constant 1.000000e+00 : f32
        %sub3A_1542 = vector.broadcast %sub3A_1541 : f32 to vector<16xf32>
        %sub3A_1543 = arith.subf %sub3A_1542, %select_n3A_1539 : vector<16xf32>
        %add3A_1544 = arith.addf %add3A_1533, %sub3A_1543 : vector<16xf32>
        %ge3A_1545 = arith.cmpf oge, %add3A_308, %add3A_364 : vector<16xf32>
        %jit3A_1546 = arith.constant 1.000000e+00 : f32
        %jit3A_1547 = arith.constant 0.000000e+00 : f32
        %broadcast_in_dim3A_1548 = vector.broadcast %jit3A_1546 : f32 to vector<16xf32>
        %broadcast_in_dim3A_1549 = vector.broadcast %jit3A_1547 : f32 to vector<16xf32>
        %select_n3A_1550 = arith.select %ge3A_1545, %broadcast_in_dim3A_1548, %broadcast_in_dim3A_1549 : vector<16xi1>, vector<16xf32>
        %add3A_1551 = arith.addf %add3A_1485, %select_n3A_1550 : vector<16xf32>
        %sub3A_1552 = arith.constant 1.000000e+00 : f32
        %sub3A_1553 = vector.broadcast %sub3A_1552 : f32 to vector<16xf32>
        %sub3A_1554 = arith.subf %sub3A_1553, %select_n3A_1550 : vector<16xf32>
        %add3A_1555 = arith.addf %add3A_1544, %sub3A_1554 : vector<16xf32>
        %ge3A_1556 = arith.cmpf oge, %add3A_308, %add3A_378 : vector<16xf32>
        %jit3A_1557 = arith.constant 1.000000e+00 : f32
        %jit3A_1558 = arith.constant 0.000000e+00 : f32
        %broadcast_in_dim3A_1559 = vector.broadcast %jit3A_1557 : f32 to vector<16xf32>
        %broadcast_in_dim3A_1560 = vector.broadcast %jit3A_1558 : f32 to vector<16xf32>
        %select_n3A_1561 = arith.select %ge3A_1556, %broadcast_in_dim3A_1559, %broadcast_in_dim3A_1560 : vector<16xi1>, vector<16xf32>
        %add3A_1562 = arith.addf %add3A_1496, %select_n3A_1561 : vector<16xf32>
        %sub3A_1563 = arith.constant 1.000000e+00 : f32
        %sub3A_1564 = vector.broadcast %sub3A_1563 : f32 to vector<16xf32>
        %sub3A_1565 = arith.subf %sub3A_1564, %select_n3A_1561 : vector<16xf32>
        %add3A_1566 = arith.addf %add3A_1555, %sub3A_1565 : vector<16xf32>
        %ge3A_1567 = arith.cmpf oge, %add3A_308, %add3A_392 : vector<16xf32>
        %jit3A_1568 = arith.constant 1.000000e+00 : f32
        %jit3A_1569 = arith.constant 0.000000e+00 : f32
        %broadcast_in_dim3A_1570 = vector.broadcast %jit3A_1568 : f32 to vector<16xf32>
        %broadcast_in_dim3A_1571 = vector.broadcast %jit3A_1569 : f32 to vector<16xf32>
        %select_n3A_1572 = arith.select %ge3A_1567, %broadcast_in_dim3A_1570, %broadcast_in_dim3A_1571 : vector<16xi1>, vector<16xf32>
        %add3A_1573 = arith.addf %add3A_1507, %select_n3A_1572 : vector<16xf32>
        %sub3A_1574 = arith.constant 1.000000e+00 : f32
        %sub3A_1575 = vector.broadcast %sub3A_1574 : f32 to vector<16xf32>
        %sub3A_1576 = arith.subf %sub3A_1575, %select_n3A_1572 : vector<16xf32>
        %add3A_1577 = arith.addf %add3A_1566, %sub3A_1576 : vector<16xf32>
        %ge3A_1578 = arith.cmpf oge, %add3A_322, %add3A_336 : vector<16xf32>
        %jit3A_1579 = arith.constant 1.000000e+00 : f32
        %jit3A_1580 = arith.constant 0.000000e+00 : f32
        %broadcast_in_dim3A_1581 = vector.broadcast %jit3A_1579 : f32 to vector<16xf32>
        %broadcast_in_dim3A_1582 = vector.broadcast %jit3A_1580 : f32 to vector<16xf32>
        %select_n3A_1583 = arith.select %ge3A_1578, %broadcast_in_dim3A_1581, %broadcast_in_dim3A_1582 : vector<16xi1>, vector<16xf32>
        %add3A_1584 = arith.addf %add3A_1529, %select_n3A_1583 : vector<16xf32>
        %sub3A_1585 = arith.constant 1.000000e+00 : f32
        %sub3A_1586 = vector.broadcast %sub3A_1585 : f32 to vector<16xf32>
        %sub3A_1587 = arith.subf %sub3A_1586, %select_n3A_1583 : vector<16xf32>
        %add3A_1588 = arith.addf %add3A_1518, %sub3A_1587 : vector<16xf32>
        %ge3A_1589 = arith.cmpf oge, %add3A_322, %add3A_350 : vector<16xf32>
        %jit3A_1590 = arith.constant 1.000000e+00 : f32
        %jit3A_1591 = arith.constant 0.000000e+00 : f32
        %broadcast_in_dim3A_1592 = vector.broadcast %jit3A_1590 : f32 to vector<16xf32>
        %broadcast_in_dim3A_1593 = vector.broadcast %jit3A_1591 : f32 to vector<16xf32>
        %select_n3A_1594 = arith.select %ge3A_1589, %broadcast_in_dim3A_1592, %broadcast_in_dim3A_1593 : vector<16xi1>, vector<16xf32>
        %add3A_1595 = arith.addf %add3A_1540, %select_n3A_1594 : vector<16xf32>
        %sub3A_1596 = arith.constant 1.000000e+00 : f32
        %sub3A_1597 = vector.broadcast %sub3A_1596 : f32 to vector<16xf32>
        %sub3A_1598 = arith.subf %sub3A_1597, %select_n3A_1594 : vector<16xf32>
        %add3A_1599 = arith.addf %add3A_1588, %sub3A_1598 : vector<16xf32>
        %ge3A_1600 = arith.cmpf oge, %add3A_322, %add3A_364 : vector<16xf32>
        %jit3A_1601 = arith.constant 1.000000e+00 : f32
        %jit3A_1602 = arith.constant 0.000000e+00 : f32
        %broadcast_in_dim3A_1603 = vector.broadcast %jit3A_1601 : f32 to vector<16xf32>
        %broadcast_in_dim3A_1604 = vector.broadcast %jit3A_1602 : f32 to vector<16xf32>
        %select_n3A_1605 = arith.select %ge3A_1600, %broadcast_in_dim3A_1603, %broadcast_in_dim3A_1604 : vector<16xi1>, vector<16xf32>
        %add3A_1606 = arith.addf %add3A_1551, %select_n3A_1605 : vector<16xf32>
        %sub3A_1607 = arith.constant 1.000000e+00 : f32
        %sub3A_1608 = vector.broadcast %sub3A_1607 : f32 to vector<16xf32>
        %sub3A_1609 = arith.subf %sub3A_1608, %select_n3A_1605 : vector<16xf32>
        %add3A_1610 = arith.addf %add3A_1599, %sub3A_1609 : vector<16xf32>
        %ge3A_1611 = arith.cmpf oge, %add3A_322, %add3A_378 : vector<16xf32>
        %jit3A_1612 = arith.constant 1.000000e+00 : f32
        %jit3A_1613 = arith.constant 0.000000e+00 : f32
        %broadcast_in_dim3A_1614 = vector.broadcast %jit3A_1612 : f32 to vector<16xf32>
        %broadcast_in_dim3A_1615 = vector.broadcast %jit3A_1613 : f32 to vector<16xf32>
        %select_n3A_1616 = arith.select %ge3A_1611, %broadcast_in_dim3A_1614, %broadcast_in_dim3A_1615 : vector<16xi1>, vector<16xf32>
        %add3A_1617 = arith.addf %add3A_1562, %select_n3A_1616 : vector<16xf32>
        %sub3A_1618 = arith.constant 1.000000e+00 : f32
        %sub3A_1619 = vector.broadcast %sub3A_1618 : f32 to vector<16xf32>
        %sub3A_1620 = arith.subf %sub3A_1619, %select_n3A_1616 : vector<16xf32>
        %add3A_1621 = arith.addf %add3A_1610, %sub3A_1620 : vector<16xf32>
        %ge3A_1622 = arith.cmpf oge, %add3A_322, %add3A_392 : vector<16xf32>
        %jit3A_1623 = arith.constant 1.000000e+00 : f32
        %jit3A_1624 = arith.constant 0.000000e+00 : f32
        %broadcast_in_dim3A_1625 = vector.broadcast %jit3A_1623 : f32 to vector<16xf32>
        %broadcast_in_dim3A_1626 = vector.broadcast %jit3A_1624 : f32 to vector<16xf32>
        %select_n3A_1627 = arith.select %ge3A_1622, %broadcast_in_dim3A_1625, %broadcast_in_dim3A_1626 : vector<16xi1>, vector<16xf32>
        %add3A_1628 = arith.addf %add3A_1573, %select_n3A_1627 : vector<16xf32>
        %sub3A_1629 = arith.constant 1.000000e+00 : f32
        %sub3A_1630 = vector.broadcast %sub3A_1629 : f32 to vector<16xf32>
        %sub3A_1631 = arith.subf %sub3A_1630, %select_n3A_1627 : vector<16xf32>
        %add3A_1632 = arith.addf %add3A_1621, %sub3A_1631 : vector<16xf32>
        %ge3A_1633 = arith.cmpf oge, %add3A_336, %add3A_350 : vector<16xf32>
        %jit3A_1634 = arith.constant 1.000000e+00 : f32
        %jit3A_1635 = arith.constant 0.000000e+00 : f32
        %broadcast_in_dim3A_1636 = vector.broadcast %jit3A_1634 : f32 to vector<16xf32>
        %broadcast_in_dim3A_1637 = vector.broadcast %jit3A_1635 : f32 to vector<16xf32>
        %select_n3A_1638 = arith.select %ge3A_1633, %broadcast_in_dim3A_1636, %broadcast_in_dim3A_1637 : vector<16xi1>, vector<16xf32>
        %add3A_1639 = arith.addf %add3A_1595, %select_n3A_1638 : vector<16xf32>
        %sub3A_1640 = arith.constant 1.000000e+00 : f32
        %sub3A_1641 = vector.broadcast %sub3A_1640 : f32 to vector<16xf32>
        %sub3A_1642 = arith.subf %sub3A_1641, %select_n3A_1638 : vector<16xf32>
        %add3A_1643 = arith.addf %add3A_1584, %sub3A_1642 : vector<16xf32>
        %ge3A_1644 = arith.cmpf oge, %add3A_336, %add3A_364 : vector<16xf32>
        %jit3A_1645 = arith.constant 1.000000e+00 : f32
        %jit3A_1646 = arith.constant 0.000000e+00 : f32
        %broadcast_in_dim3A_1647 = vector.broadcast %jit3A_1645 : f32 to vector<16xf32>
        %broadcast_in_dim3A_1648 = vector.broadcast %jit3A_1646 : f32 to vector<16xf32>
        %select_n3A_1649 = arith.select %ge3A_1644, %broadcast_in_dim3A_1647, %broadcast_in_dim3A_1648 : vector<16xi1>, vector<16xf32>
        %add3A_1650 = arith.addf %add3A_1606, %select_n3A_1649 : vector<16xf32>
        %sub3A_1651 = arith.constant 1.000000e+00 : f32
        %sub3A_1652 = vector.broadcast %sub3A_1651 : f32 to vector<16xf32>
        %sub3A_1653 = arith.subf %sub3A_1652, %select_n3A_1649 : vector<16xf32>
        %add3A_1654 = arith.addf %add3A_1643, %sub3A_1653 : vector<16xf32>
        %ge3A_1655 = arith.cmpf oge, %add3A_336, %add3A_378 : vector<16xf32>
        %jit3A_1656 = arith.constant 1.000000e+00 : f32
        %jit3A_1657 = arith.constant 0.000000e+00 : f32
        %broadcast_in_dim3A_1658 = vector.broadcast %jit3A_1656 : f32 to vector<16xf32>
        %broadcast_in_dim3A_1659 = vector.broadcast %jit3A_1657 : f32 to vector<16xf32>
        %select_n3A_1660 = arith.select %ge3A_1655, %broadcast_in_dim3A_1658, %broadcast_in_dim3A_1659 : vector<16xi1>, vector<16xf32>
        %add3A_1661 = arith.addf %add3A_1617, %select_n3A_1660 : vector<16xf32>
        %sub3A_1662 = arith.constant 1.000000e+00 : f32
        %sub3A_1663 = vector.broadcast %sub3A_1662 : f32 to vector<16xf32>
        %sub3A_1664 = arith.subf %sub3A_1663, %select_n3A_1660 : vector<16xf32>
        %add3A_1665 = arith.addf %add3A_1654, %sub3A_1664 : vector<16xf32>
        %ge3A_1666 = arith.cmpf oge, %add3A_336, %add3A_392 : vector<16xf32>
        %jit3A_1667 = arith.constant 1.000000e+00 : f32
        %jit3A_1668 = arith.constant 0.000000e+00 : f32
        %broadcast_in_dim3A_1669 = vector.broadcast %jit3A_1667 : f32 to vector<16xf32>
        %broadcast_in_dim3A_1670 = vector.broadcast %jit3A_1668 : f32 to vector<16xf32>
        %select_n3A_1671 = arith.select %ge3A_1666, %broadcast_in_dim3A_1669, %broadcast_in_dim3A_1670 : vector<16xi1>, vector<16xf32>
        %add3A_1672 = arith.addf %add3A_1628, %select_n3A_1671 : vector<16xf32>
        %sub3A_1673 = arith.constant 1.000000e+00 : f32
        %sub3A_1674 = vector.broadcast %sub3A_1673 : f32 to vector<16xf32>
        %sub3A_1675 = arith.subf %sub3A_1674, %select_n3A_1671 : vector<16xf32>
        %add3A_1676 = arith.addf %add3A_1665, %sub3A_1675 : vector<16xf32>
        %ge3A_1677 = arith.cmpf oge, %add3A_350, %add3A_364 : vector<16xf32>
        %jit3A_1678 = arith.constant 1.000000e+00 : f32
        %jit3A_1679 = arith.constant 0.000000e+00 : f32
        %broadcast_in_dim3A_1680 = vector.broadcast %jit3A_1678 : f32 to vector<16xf32>
        %broadcast_in_dim3A_1681 = vector.broadcast %jit3A_1679 : f32 to vector<16xf32>
        %select_n3A_1682 = arith.select %ge3A_1677, %broadcast_in_dim3A_1680, %broadcast_in_dim3A_1681 : vector<16xi1>, vector<16xf32>
        %add3A_1683 = arith.addf %add3A_1650, %select_n3A_1682 : vector<16xf32>
        %sub3A_1684 = arith.constant 1.000000e+00 : f32
        %sub3A_1685 = vector.broadcast %sub3A_1684 : f32 to vector<16xf32>
        %sub3A_1686 = arith.subf %sub3A_1685, %select_n3A_1682 : vector<16xf32>
        %add3A_1687 = arith.addf %add3A_1639, %sub3A_1686 : vector<16xf32>
        %ge3A_1688 = arith.cmpf oge, %add3A_350, %add3A_378 : vector<16xf32>
        %jit3A_1689 = arith.constant 1.000000e+00 : f32
        %jit3A_1690 = arith.constant 0.000000e+00 : f32
        %broadcast_in_dim3A_1691 = vector.broadcast %jit3A_1689 : f32 to vector<16xf32>
        %broadcast_in_dim3A_1692 = vector.broadcast %jit3A_1690 : f32 to vector<16xf32>
        %select_n3A_1693 = arith.select %ge3A_1688, %broadcast_in_dim3A_1691, %broadcast_in_dim3A_1692 : vector<16xi1>, vector<16xf32>
        %add3A_1694 = arith.addf %add3A_1661, %select_n3A_1693 : vector<16xf32>
        %sub3A_1695 = arith.constant 1.000000e+00 : f32
        %sub3A_1696 = vector.broadcast %sub3A_1695 : f32 to vector<16xf32>
        %sub3A_1697 = arith.subf %sub3A_1696, %select_n3A_1693 : vector<16xf32>
        %add3A_1698 = arith.addf %add3A_1687, %sub3A_1697 : vector<16xf32>
        %ge3A_1699 = arith.cmpf oge, %add3A_350, %add3A_392 : vector<16xf32>
        %jit3A_1700 = arith.constant 1.000000e+00 : f32
        %jit3A_1701 = arith.constant 0.000000e+00 : f32
        %broadcast_in_dim3A_1702 = vector.broadcast %jit3A_1700 : f32 to vector<16xf32>
        %broadcast_in_dim3A_1703 = vector.broadcast %jit3A_1701 : f32 to vector<16xf32>
        %select_n3A_1704 = arith.select %ge3A_1699, %broadcast_in_dim3A_1702, %broadcast_in_dim3A_1703 : vector<16xi1>, vector<16xf32>
        %add3A_1705 = arith.addf %add3A_1672, %select_n3A_1704 : vector<16xf32>
        %sub3A_1706 = arith.constant 1.000000e+00 : f32
        %sub3A_1707 = vector.broadcast %sub3A_1706 : f32 to vector<16xf32>
        %sub3A_1708 = arith.subf %sub3A_1707, %select_n3A_1704 : vector<16xf32>
        %add3A_1709 = arith.addf %add3A_1698, %sub3A_1708 : vector<16xf32>
        %ge3A_1710 = arith.cmpf oge, %add3A_364, %add3A_378 : vector<16xf32>
        %jit3A_1711 = arith.constant 1.000000e+00 : f32
        %jit3A_1712 = arith.constant 0.000000e+00 : f32
        %broadcast_in_dim3A_1713 = vector.broadcast %jit3A_1711 : f32 to vector<16xf32>
        %broadcast_in_dim3A_1714 = vector.broadcast %jit3A_1712 : f32 to vector<16xf32>
        %select_n3A_1715 = arith.select %ge3A_1710, %broadcast_in_dim3A_1713, %broadcast_in_dim3A_1714 : vector<16xi1>, vector<16xf32>
        %add3A_1716 = arith.addf %add3A_1694, %select_n3A_1715 : vector<16xf32>
        %sub3A_1717 = arith.constant 1.000000e+00 : f32
        %sub3A_1718 = vector.broadcast %sub3A_1717 : f32 to vector<16xf32>
        %sub3A_1719 = arith.subf %sub3A_1718, %select_n3A_1715 : vector<16xf32>
        %add3A_1720 = arith.addf %add3A_1683, %sub3A_1719 : vector<16xf32>
        %ge3A_1721 = arith.cmpf oge, %add3A_364, %add3A_392 : vector<16xf32>
        %jit3A_1722 = arith.constant 1.000000e+00 : f32
        %jit3A_1723 = arith.constant 0.000000e+00 : f32
        %broadcast_in_dim3A_1724 = vector.broadcast %jit3A_1722 : f32 to vector<16xf32>
        %broadcast_in_dim3A_1725 = vector.broadcast %jit3A_1723 : f32 to vector<16xf32>
        %select_n3A_1726 = arith.select %ge3A_1721, %broadcast_in_dim3A_1724, %broadcast_in_dim3A_1725 : vector<16xi1>, vector<16xf32>
        %add3A_1727 = arith.addf %add3A_1705, %select_n3A_1726 : vector<16xf32>
        %sub3A_1728 = arith.constant 1.000000e+00 : f32
        %sub3A_1729 = vector.broadcast %sub3A_1728 : f32 to vector<16xf32>
        %sub3A_1730 = arith.subf %sub3A_1729, %select_n3A_1726 : vector<16xf32>
        %add3A_1731 = arith.addf %add3A_1720, %sub3A_1730 : vector<16xf32>
        %ge3A_1732 = arith.cmpf oge, %add3A_378, %add3A_392 : vector<16xf32>
        %jit3A_1733 = arith.constant 1.000000e+00 : f32
        %jit3A_1734 = arith.constant 0.000000e+00 : f32
        %broadcast_in_dim3A_1735 = vector.broadcast %jit3A_1733 : f32 to vector<16xf32>
        %broadcast_in_dim3A_1736 = vector.broadcast %jit3A_1734 : f32 to vector<16xf32>
        %select_n3A_1737 = arith.select %ge3A_1732, %broadcast_in_dim3A_1735, %broadcast_in_dim3A_1736 : vector<16xi1>, vector<16xf32>
        %add3A_1738 = arith.addf %add3A_1727, %select_n3A_1737 : vector<16xf32>
        %sub3A_1739 = arith.constant 1.000000e+00 : f32
        %sub3A_1740 = vector.broadcast %sub3A_1739 : f32 to vector<16xf32>
        %sub3A_1741 = arith.subf %sub3A_1740, %select_n3A_1737 : vector<16xf32>
        %add3A_1742 = arith.addf %add3A_1716, %sub3A_1741 : vector<16xf32>
        %max3A_1743 = arith.maximumf %mul3A_126, %mul3A_129 : vector<16xf32>
        %max3A_1744 = arith.maximumf %max3A_1743, %mul3A_132 : vector<16xf32>
        %max3A_1745 = arith.maximumf %max3A_1744, %mul3A_135 : vector<16xf32>
        %max3A_1746 = arith.maximumf %max3A_1745, %mul3A_138 : vector<16xf32>
        %max3A_1747 = arith.maximumf %max3A_1746, %mul3A_141 : vector<16xf32>
        %max3A_1748 = arith.maximumf %max3A_1747, %mul3A_144 : vector<16xf32>
        %max3A_1749 = arith.maximumf %max3A_1748, %mul3A_147 : vector<16xf32>
        %max3A_1750 = arith.maximumf %max3A_1749, %mul3A_150 : vector<16xf32>
        %max3A_1751 = arith.maximumf %max3A_1750, %mul3A_153 : vector<16xf32>
        %max3A_1752 = arith.maximumf %max3A_1751, %mul3A_156 : vector<16xf32>
        %max3A_1753 = arith.maximumf %max3A_1752, %mul3A_159 : vector<16xf32>
        %max3A_1754 = arith.maximumf %max3A_1753, %mul3A_162 : vector<16xf32>
        %max3A_1755 = arith.maximumf %max3A_1754, %mul3A_165 : vector<16xf32>
        %max3A_1756 = arith.maximumf %max3A_1755, %mul3A_168 : vector<16xf32>
        %max3A_1757 = arith.maximumf %max3A_1756, %mul3A_171 : vector<16xf32>
        %lt3A = arith.constant 6.000000e+00 : f32
        %lt3A_1758 = vector.broadcast %lt3A : f32 to vector<16xf32>
        %lt3A_1759 = arith.cmpf olt, %add3A_587, %lt3A_1758 : vector<16xf32>
        %sub3A_1760 = arith.subf %mul3A_126, %max3A_1757 : vector<16xf32>
        %exp3A_1761 = math.exp %sub3A_1760 : vector<16xf32>
        %jit3A_1762 = arith.constant 0.000000e+00 : f32
        %broadcast_in_dim3A_1763 = vector.broadcast %jit3A_1762 : f32 to vector<16xf32>
        %select_n3A_1764 = arith.select %lt3A_1759, %exp3A_1761, %broadcast_in_dim3A_1763 : vector<16xi1>, vector<16xf32>
        %lt3A_1765 = arith.constant 6.000000e+00 : f32
        %lt3A_1766 = vector.broadcast %lt3A_1765 : f32 to vector<16xf32>
        %lt3A_1767 = arith.cmpf olt, %add3A_741, %lt3A_1766 : vector<16xf32>
        %sub3A_1768 = arith.subf %mul3A_129, %max3A_1757 : vector<16xf32>
        %exp3A_1769 = math.exp %sub3A_1768 : vector<16xf32>
        %jit3A_1770 = arith.constant 0.000000e+00 : f32
        %broadcast_in_dim3A_1771 = vector.broadcast %jit3A_1770 : f32 to vector<16xf32>
        %select_n3A_1772 = arith.select %lt3A_1767, %exp3A_1769, %broadcast_in_dim3A_1771 : vector<16xi1>, vector<16xf32>
        %lt3A_1773 = arith.constant 6.000000e+00 : f32
        %lt3A_1774 = vector.broadcast %lt3A_1773 : f32 to vector<16xf32>
        %lt3A_1775 = arith.cmpf olt, %add3A_884, %lt3A_1774 : vector<16xf32>
        %sub3A_1776 = arith.subf %mul3A_132, %max3A_1757 : vector<16xf32>
        %exp3A_1777 = math.exp %sub3A_1776 : vector<16xf32>
        %jit3A_1778 = arith.constant 0.000000e+00 : f32
        %broadcast_in_dim3A_1779 = vector.broadcast %jit3A_1778 : f32 to vector<16xf32>
        %select_n3A_1780 = arith.select %lt3A_1775, %exp3A_1777, %broadcast_in_dim3A_1779 : vector<16xi1>, vector<16xf32>
        %lt3A_1781 = arith.constant 6.000000e+00 : f32
        %lt3A_1782 = vector.broadcast %lt3A_1781 : f32 to vector<16xf32>
        %lt3A_1783 = arith.cmpf olt, %add3A_1016, %lt3A_1782 : vector<16xf32>
        %sub3A_1784 = arith.subf %mul3A_135, %max3A_1757 : vector<16xf32>
        %exp3A_1785 = math.exp %sub3A_1784 : vector<16xf32>
        %jit3A_1786 = arith.constant 0.000000e+00 : f32
        %broadcast_in_dim3A_1787 = vector.broadcast %jit3A_1786 : f32 to vector<16xf32>
        %select_n3A_1788 = arith.select %lt3A_1783, %exp3A_1785, %broadcast_in_dim3A_1787 : vector<16xi1>, vector<16xf32>
        %lt3A_1789 = arith.constant 6.000000e+00 : f32
        %lt3A_1790 = vector.broadcast %lt3A_1789 : f32 to vector<16xf32>
        %lt3A_1791 = arith.cmpf olt, %add3A_1137, %lt3A_1790 : vector<16xf32>
        %sub3A_1792 = arith.subf %mul3A_138, %max3A_1757 : vector<16xf32>
        %exp3A_1793 = math.exp %sub3A_1792 : vector<16xf32>
        %jit3A_1794 = arith.constant 0.000000e+00 : f32
        %broadcast_in_dim3A_1795 = vector.broadcast %jit3A_1794 : f32 to vector<16xf32>
        %select_n3A_1796 = arith.select %lt3A_1791, %exp3A_1793, %broadcast_in_dim3A_1795 : vector<16xi1>, vector<16xf32>
        %lt3A_1797 = arith.constant 6.000000e+00 : f32
        %lt3A_1798 = vector.broadcast %lt3A_1797 : f32 to vector<16xf32>
        %lt3A_1799 = arith.cmpf olt, %add3A_1247, %lt3A_1798 : vector<16xf32>
        %sub3A_1800 = arith.subf %mul3A_141, %max3A_1757 : vector<16xf32>
        %exp3A_1801 = math.exp %sub3A_1800 : vector<16xf32>
        %jit3A_1802 = arith.constant 0.000000e+00 : f32
        %broadcast_in_dim3A_1803 = vector.broadcast %jit3A_1802 : f32 to vector<16xf32>
        %select_n3A_1804 = arith.select %lt3A_1799, %exp3A_1801, %broadcast_in_dim3A_1803 : vector<16xi1>, vector<16xf32>
        %lt3A_1805 = arith.constant 6.000000e+00 : f32
        %lt3A_1806 = vector.broadcast %lt3A_1805 : f32 to vector<16xf32>
        %lt3A_1807 = arith.cmpf olt, %add3A_1346, %lt3A_1806 : vector<16xf32>
        %sub3A_1808 = arith.subf %mul3A_144, %max3A_1757 : vector<16xf32>
        %exp3A_1809 = math.exp %sub3A_1808 : vector<16xf32>
        %jit3A_1810 = arith.constant 0.000000e+00 : f32
        %broadcast_in_dim3A_1811 = vector.broadcast %jit3A_1810 : f32 to vector<16xf32>
        %select_n3A_1812 = arith.select %lt3A_1807, %exp3A_1809, %broadcast_in_dim3A_1811 : vector<16xi1>, vector<16xf32>
        %lt3A_1813 = arith.constant 6.000000e+00 : f32
        %lt3A_1814 = vector.broadcast %lt3A_1813 : f32 to vector<16xf32>
        %lt3A_1815 = arith.cmpf olt, %add3A_1434, %lt3A_1814 : vector<16xf32>
        %sub3A_1816 = arith.subf %mul3A_147, %max3A_1757 : vector<16xf32>
        %exp3A_1817 = math.exp %sub3A_1816 : vector<16xf32>
        %jit3A_1818 = arith.constant 0.000000e+00 : f32
        %broadcast_in_dim3A_1819 = vector.broadcast %jit3A_1818 : f32 to vector<16xf32>
        %select_n3A_1820 = arith.select %lt3A_1815, %exp3A_1817, %broadcast_in_dim3A_1819 : vector<16xi1>, vector<16xf32>
        %lt3A_1821 = arith.constant 6.000000e+00 : f32
        %lt3A_1822 = vector.broadcast %lt3A_1821 : f32 to vector<16xf32>
        %lt3A_1823 = arith.cmpf olt, %add3A_1511, %lt3A_1822 : vector<16xf32>
        %sub3A_1824 = arith.subf %mul3A_150, %max3A_1757 : vector<16xf32>
        %exp3A_1825 = math.exp %sub3A_1824 : vector<16xf32>
        %jit3A_1826 = arith.constant 0.000000e+00 : f32
        %broadcast_in_dim3A_1827 = vector.broadcast %jit3A_1826 : f32 to vector<16xf32>
        %select_n3A_1828 = arith.select %lt3A_1823, %exp3A_1825, %broadcast_in_dim3A_1827 : vector<16xi1>, vector<16xf32>
        %lt3A_1829 = arith.constant 6.000000e+00 : f32
        %lt3A_1830 = vector.broadcast %lt3A_1829 : f32 to vector<16xf32>
        %lt3A_1831 = arith.cmpf olt, %add3A_1577, %lt3A_1830 : vector<16xf32>
        %sub3A_1832 = arith.subf %mul3A_153, %max3A_1757 : vector<16xf32>
        %exp3A_1833 = math.exp %sub3A_1832 : vector<16xf32>
        %jit3A_1834 = arith.constant 0.000000e+00 : f32
        %broadcast_in_dim3A_1835 = vector.broadcast %jit3A_1834 : f32 to vector<16xf32>
        %select_n3A_1836 = arith.select %lt3A_1831, %exp3A_1833, %broadcast_in_dim3A_1835 : vector<16xi1>, vector<16xf32>
        %lt3A_1837 = arith.constant 6.000000e+00 : f32
        %lt3A_1838 = vector.broadcast %lt3A_1837 : f32 to vector<16xf32>
        %lt3A_1839 = arith.cmpf olt, %add3A_1632, %lt3A_1838 : vector<16xf32>
        %sub3A_1840 = arith.subf %mul3A_156, %max3A_1757 : vector<16xf32>
        %exp3A_1841 = math.exp %sub3A_1840 : vector<16xf32>
        %jit3A_1842 = arith.constant 0.000000e+00 : f32
        %broadcast_in_dim3A_1843 = vector.broadcast %jit3A_1842 : f32 to vector<16xf32>
        %select_n3A_1844 = arith.select %lt3A_1839, %exp3A_1841, %broadcast_in_dim3A_1843 : vector<16xi1>, vector<16xf32>
        %lt3A_1845 = arith.constant 6.000000e+00 : f32
        %lt3A_1846 = vector.broadcast %lt3A_1845 : f32 to vector<16xf32>
        %lt3A_1847 = arith.cmpf olt, %add3A_1676, %lt3A_1846 : vector<16xf32>
        %sub3A_1848 = arith.subf %mul3A_159, %max3A_1757 : vector<16xf32>
        %exp3A_1849 = math.exp %sub3A_1848 : vector<16xf32>
        %jit3A_1850 = arith.constant 0.000000e+00 : f32
        %broadcast_in_dim3A_1851 = vector.broadcast %jit3A_1850 : f32 to vector<16xf32>
        %select_n3A_1852 = arith.select %lt3A_1847, %exp3A_1849, %broadcast_in_dim3A_1851 : vector<16xi1>, vector<16xf32>
        %lt3A_1853 = arith.constant 6.000000e+00 : f32
        %lt3A_1854 = vector.broadcast %lt3A_1853 : f32 to vector<16xf32>
        %lt3A_1855 = arith.cmpf olt, %add3A_1709, %lt3A_1854 : vector<16xf32>
        %sub3A_1856 = arith.subf %mul3A_162, %max3A_1757 : vector<16xf32>
        %exp3A_1857 = math.exp %sub3A_1856 : vector<16xf32>
        %jit3A_1858 = arith.constant 0.000000e+00 : f32
        %broadcast_in_dim3A_1859 = vector.broadcast %jit3A_1858 : f32 to vector<16xf32>
        %select_n3A_1860 = arith.select %lt3A_1855, %exp3A_1857, %broadcast_in_dim3A_1859 : vector<16xi1>, vector<16xf32>
        %lt3A_1861 = arith.constant 6.000000e+00 : f32
        %lt3A_1862 = vector.broadcast %lt3A_1861 : f32 to vector<16xf32>
        %lt3A_1863 = arith.cmpf olt, %add3A_1731, %lt3A_1862 : vector<16xf32>
        %sub3A_1864 = arith.subf %mul3A_165, %max3A_1757 : vector<16xf32>
        %exp3A_1865 = math.exp %sub3A_1864 : vector<16xf32>
        %jit3A_1866 = arith.constant 0.000000e+00 : f32
        %broadcast_in_dim3A_1867 = vector.broadcast %jit3A_1866 : f32 to vector<16xf32>
        %select_n3A_1868 = arith.select %lt3A_1863, %exp3A_1865, %broadcast_in_dim3A_1867 : vector<16xi1>, vector<16xf32>
        %lt3A_1869 = arith.constant 6.000000e+00 : f32
        %lt3A_1870 = vector.broadcast %lt3A_1869 : f32 to vector<16xf32>
        %lt3A_1871 = arith.cmpf olt, %add3A_1742, %lt3A_1870 : vector<16xf32>
        %sub3A_1872 = arith.subf %mul3A_168, %max3A_1757 : vector<16xf32>
        %exp3A_1873 = math.exp %sub3A_1872 : vector<16xf32>
        %jit3A_1874 = arith.constant 0.000000e+00 : f32
        %broadcast_in_dim3A_1875 = vector.broadcast %jit3A_1874 : f32 to vector<16xf32>
        %select_n3A_1876 = arith.select %lt3A_1871, %exp3A_1873, %broadcast_in_dim3A_1875 : vector<16xi1>, vector<16xf32>
        %lt3A_1877 = arith.constant 6.000000e+00 : f32
        %lt3A_1878 = vector.broadcast %lt3A_1877 : f32 to vector<16xf32>
        %lt3A_1879 = arith.cmpf olt, %add3A_1738, %lt3A_1878 : vector<16xf32>
        %sub3A_1880 = arith.subf %mul3A_171, %max3A_1757 : vector<16xf32>
        %exp3A_1881 = math.exp %sub3A_1880 : vector<16xf32>
        %jit3A_1882 = arith.constant 0.000000e+00 : f32
        %broadcast_in_dim3A_1883 = vector.broadcast %jit3A_1882 : f32 to vector<16xf32>
        %select_n3A_1884 = arith.select %lt3A_1879, %exp3A_1881, %broadcast_in_dim3A_1883 : vector<16xi1>, vector<16xf32>
        %add3A_1885 = arith.addf %select_n3A_1764, %select_n3A_1772 : vector<16xf32>
        %add3A_1886 = arith.addf %add3A_1885, %select_n3A_1780 : vector<16xf32>
        %add3A_1887 = arith.addf %add3A_1886, %select_n3A_1788 : vector<16xf32>
        %add3A_1888 = arith.addf %add3A_1887, %select_n3A_1796 : vector<16xf32>
        %add3A_1889 = arith.addf %add3A_1888, %select_n3A_1804 : vector<16xf32>
        %add3A_1890 = arith.addf %add3A_1889, %select_n3A_1812 : vector<16xf32>
        %add3A_1891 = arith.addf %add3A_1890, %select_n3A_1820 : vector<16xf32>
        %add3A_1892 = arith.addf %add3A_1891, %select_n3A_1828 : vector<16xf32>
        %add3A_1893 = arith.addf %add3A_1892, %select_n3A_1836 : vector<16xf32>
        %add3A_1894 = arith.addf %add3A_1893, %select_n3A_1844 : vector<16xf32>
        %add3A_1895 = arith.addf %add3A_1894, %select_n3A_1852 : vector<16xf32>
        %add3A_1896 = arith.addf %add3A_1895, %select_n3A_1860 : vector<16xf32>
        %add3A_1897 = arith.addf %add3A_1896, %select_n3A_1868 : vector<16xf32>
        %add3A_1898 = arith.addf %add3A_1897, %select_n3A_1876 : vector<16xf32>
        %add3A_1899 = arith.addf %add3A_1898, %select_n3A_1884 : vector<16xf32>
        %get3A = arith.constant 0 : i32
        %get3A_1900 = arith.index_cast %get3A : i32 to index
        %get3A_1901 = arith.index_cast %mul3A_24 : i32 to index
        %get3A_1902 = tpu.vector_load %arg12[%get3A_1900, %get3A_1901] {strides = array<i32>} : memref<2x256xf32, #tpu.memory_space<vmem>>, vector<16xf32>,
        %get3A_1903 = arith.constant 1 : i32
        %get3A_1904 = arith.index_cast %get3A_1903 : i32 to index
        %get3A_1905 = arith.index_cast %mul3A_24 : i32 to index
        %get3A_1906 = tpu.vector_load %arg12[%get3A_1904, %get3A_1905] {strides = array<i32>} : memref<2x256xf32, #tpu.memory_space<vmem>>, vector<16xf32>,
        %max3A_1907 = arith.maximumf %max3A_1757, %get3A_1902 : vector<16xf32>
        %sub3A_1908 = arith.subf %max3A_1757, %max3A_1907 : vector<16xf32>
        %exp3A_1909 = math.exp %sub3A_1908 : vector<16xf32>
        %sub3A_1910 = arith.subf %get3A_1902, %max3A_1907 : vector<16xf32>
        %exp3A_1911 = math.exp %sub3A_1910 : vector<16xf32>
        %mul3A_1912 = arith.mulf %exp3A_1909, %add3A_1899 : vector<16xf32>
        %mul3A_1913 = arith.mulf %exp3A_1911, %get3A_1906 : vector<16xf32>
        %add3A_1914 = arith.addf %mul3A_1912, %mul3A_1913 : vector<16xf32>
        %div3A = arith.constant 1.000000e+00 : f32
        %div3A_1915 = vector.broadcast %div3A : f32 to vector<16xf32>
        %div3A_1916 = arith.divf %div3A_1915, %add3A_1914 : vector<16xf32>
        %mul3A_1917 = arith.mulf %exp3A_1909, %div3A_1916 : vector<16xf32>
        %mul3A_1918 = arith.mulf %select_n3A_1764, %mul3A_1917 : vector<16xf32>
        %mul3A_1919 = arith.mulf %exp3A_1909, %div3A_1916 : vector<16xf32>
        %mul3A_1920 = arith.mulf %select_n3A_1772, %mul3A_1919 : vector<16xf32>
        %mul3A_1921 = arith.mulf %exp3A_1909, %div3A_1916 : vector<16xf32>
        %mul3A_1922 = arith.mulf %select_n3A_1780, %mul3A_1921 : vector<16xf32>
        %mul3A_1923 = arith.mulf %exp3A_1909, %div3A_1916 : vector<16xf32>
        %mul3A_1924 = arith.mulf %select_n3A_1788, %mul3A_1923 : vector<16xf32>
        %mul3A_1925 = arith.mulf %exp3A_1909, %div3A_1916 : vector<16xf32>
        %mul3A_1926 = arith.mulf %select_n3A_1796, %mul3A_1925 : vector<16xf32>
        %mul3A_1927 = arith.mulf %exp3A_1909, %div3A_1916 : vector<16xf32>
        %mul3A_1928 = arith.mulf %select_n3A_1804, %mul3A_1927 : vector<16xf32>
        %mul3A_1929 = arith.mulf %exp3A_1909, %div3A_1916 : vector<16xf32>
        %mul3A_1930 = arith.mulf %select_n3A_1812, %mul3A_1929 : vector<16xf32>
        %mul3A_1931 = arith.mulf %exp3A_1909, %div3A_1916 : vector<16xf32>
        %mul3A_1932 = arith.mulf %select_n3A_1820, %mul3A_1931 : vector<16xf32>
        %mul3A_1933 = arith.mulf %exp3A_1909, %div3A_1916 : vector<16xf32>
        %mul3A_1934 = arith.mulf %select_n3A_1828, %mul3A_1933 : vector<16xf32>
        %mul3A_1935 = arith.mulf %exp3A_1909, %div3A_1916 : vector<16xf32>
        %mul3A_1936 = arith.mulf %select_n3A_1836, %mul3A_1935 : vector<16xf32>
        %mul3A_1937 = arith.mulf %exp3A_1909, %div3A_1916 : vector<16xf32>
        %mul3A_1938 = arith.mulf %select_n3A_1844, %mul3A_1937 : vector<16xf32>
        %mul3A_1939 = arith.mulf %exp3A_1909, %div3A_1916 : vector<16xf32>
        %mul3A_1940 = arith.mulf %select_n3A_1852, %mul3A_1939 : vector<16xf32>
        %mul3A_1941 = arith.mulf %exp3A_1909, %div3A_1916 : vector<16xf32>
        %mul3A_1942 = arith.mulf %select_n3A_1860, %mul3A_1941 : vector<16xf32>
        %mul3A_1943 = arith.mulf %exp3A_1909, %div3A_1916 : vector<16xf32>
        %mul3A_1944 = arith.mulf %select_n3A_1868, %mul3A_1943 : vector<16xf32>
        %mul3A_1945 = arith.mulf %exp3A_1909, %div3A_1916 : vector<16xf32>
        %mul3A_1946 = arith.mulf %select_n3A_1876, %mul3A_1945 : vector<16xf32>
        %mul3A_1947 = arith.mulf %exp3A_1909, %div3A_1916 : vector<16xf32>
        %mul3A_1948 = arith.mulf %select_n3A_1884, %mul3A_1947 : vector<16xf32>
        %mul3A_1949 = arith.mulf %exp3A_1911, %div3A_1916 : vector<16xf32>
        %scan3A_1950 = arith.constant 0 : i32
        %scan3A_1951 = arith.constant 0 : i32
        %scan3A_1952 = arith.constant 64 : i32
        %scan3A_1953 = arith.addi %scan3A_1951, %scan3A_1952 : i32
        %scan3A_1954 = arith.constant 1 : i32
        %scan3A_1955 = scf.for %scan3A_1958 = %scan3A_1951 to %scan3A_1953 step %scan3A_1954 iter_args(%scan3A_1959 = %scan3A_1950) -> (i32)  : i32 {
          %mul3A_1960 = arith.constant 272 : i32
          %mul3A_1961 = arith.muli %scan3A_1958, %mul3A_1960 : i32
          %get3A_1962 = arith.index_cast %scan3A_1958 : i32 to index
          %get3A_1963 = arith.index_cast %mul3A_24 : i32 to index
          %get3A_1964 = tpu.vector_load %arg11[%get3A_1962, %get3A_1963] {strides = array<i32>} : memref<64x256xf32, #tpu.memory_space<vmem>>, vector<16xf32>,
          %mul3A_1965 = arith.mulf %mul3A_1949, %get3A_1964 : vector<16xf32>
          %add3A_1966 = vector.broadcast %mul3A_1961 : i32 to vector<16xi32>
          %add3A_1967 = arith.addi %add3A_41, %add3A_1966 : vector<16xi32>
          %gather3A = tpu.vector_load_idx %arg10[%add3A_1967] : memref<17408xf32, #tpu.memory_space<vmem>>[vector<16xi32>], vector<16xf32>,
          %mul3A_1968 = arith.mulf %mul3A_1918, %gather3A : vector<16xf32>
          %add3A_1969 = arith.addf %mul3A_1965, %mul3A_1968 : vector<16xf32>
          %add3A_1970 = vector.broadcast %mul3A_1961 : i32 to vector<16xi32>
          %add3A_1971 = arith.addi %add3A_44, %add3A_1970 : vector<16xi32>
          %gather3A_1972 = tpu.vector_load_idx %arg10[%add3A_1971] : memref<17408xf32, #tpu.memory_space<vmem>>[vector<16xi32>], vector<16xf32>,
          %mul3A_1973 = arith.mulf %mul3A_1920, %gather3A_1972 : vector<16xf32>
          %add3A_1974 = arith.addf %add3A_1969, %mul3A_1973 : vector<16xf32>
          %add3A_1975 = vector.broadcast %mul3A_1961 : i32 to vector<16xi32>
          %add3A_1976 = arith.addi %add3A_47, %add3A_1975 : vector<16xi32>
          %gather3A_1977 = tpu.vector_load_idx %arg10[%add3A_1976] : memref<17408xf32, #tpu.memory_space<vmem>>[vector<16xi32>], vector<16xf32>,
          %mul3A_1978 = arith.mulf %mul3A_1922, %gather3A_1977 : vector<16xf32>
          %add3A_1979 = arith.addf %add3A_1974, %mul3A_1978 : vector<16xf32>
          %add3A_1980 = vector.broadcast %mul3A_1961 : i32 to vector<16xi32>
          %add3A_1981 = arith.addi %add3A_50, %add3A_1980 : vector<16xi32>
          %gather3A_1982 = tpu.vector_load_idx %arg10[%add3A_1981] : memref<17408xf32, #tpu.memory_space<vmem>>[vector<16xi32>], vector<16xf32>,
          %mul3A_1983 = arith.mulf %mul3A_1924, %gather3A_1982 : vector<16xf32>
          %add3A_1984 = arith.addf %add3A_1979, %mul3A_1983 : vector<16xf32>
          %add3A_1985 = vector.broadcast %mul3A_1961 : i32 to vector<16xi32>
          %add3A_1986 = arith.addi %add3A_53, %add3A_1985 : vector<16xi32>
          %gather3A_1987 = tpu.vector_load_idx %arg10[%add3A_1986] : memref<17408xf32, #tpu.memory_space<vmem>>[vector<16xi32>], vector<16xf32>,
          %mul3A_1988 = arith.mulf %mul3A_1926, %gather3A_1987 : vector<16xf32>
          %add3A_1989 = arith.addf %add3A_1984, %mul3A_1988 : vector<16xf32>
          %add3A_1990 = vector.broadcast %mul3A_1961 : i32 to vector<16xi32>
          %add3A_1991 = arith.addi %add3A_56, %add3A_1990 : vector<16xi32>
          %gather3A_1992 = tpu.vector_load_idx %arg10[%add3A_1991] : memref<17408xf32, #tpu.memory_space<vmem>>[vector<16xi32>], vector<16xf32>,
          %mul3A_1993 = arith.mulf %mul3A_1928, %gather3A_1992 : vector<16xf32>
          %add3A_1994 = arith.addf %add3A_1989, %mul3A_1993 : vector<16xf32>
          %add3A_1995 = vector.broadcast %mul3A_1961 : i32 to vector<16xi32>
          %add3A_1996 = arith.addi %add3A_59, %add3A_1995 : vector<16xi32>
          %gather3A_1997 = tpu.vector_load_idx %arg10[%add3A_1996] : memref<17408xf32, #tpu.memory_space<vmem>>[vector<16xi32>], vector<16xf32>,
          %mul3A_1998 = arith.mulf %mul3A_1930, %gather3A_1997 : vector<16xf32>
          %add3A_1999 = arith.addf %add3A_1994, %mul3A_1998 : vector<16xf32>
          %add3A_2000 = vector.broadcast %mul3A_1961 : i32 to vector<16xi32>
          %add3A_2001 = arith.addi %add3A_62, %add3A_2000 : vector<16xi32>
          %gather3A_2002 = tpu.vector_load_idx %arg10[%add3A_2001] : memref<17408xf32, #tpu.memory_space<vmem>>[vector<16xi32>], vector<16xf32>,
          %mul3A_2003 = arith.mulf %mul3A_1932, %gather3A_2002 : vector<16xf32>
          %add3A_2004 = arith.addf %add3A_1999, %mul3A_2003 : vector<16xf32>
          %add3A_2005 = vector.broadcast %mul3A_1961 : i32 to vector<16xi32>
          %add3A_2006 = arith.addi %add3A_65, %add3A_2005 : vector<16xi32>
          %gather3A_2007 = tpu.vector_load_idx %arg10[%add3A_2006] : memref<17408xf32, #tpu.memory_space<vmem>>[vector<16xi32>], vector<16xf32>,
          %mul3A_2008 = arith.mulf %mul3A_1934, %gather3A_2007 : vector<16xf32>
          %add3A_2009 = arith.addf %add3A_2004, %mul3A_2008 : vector<16xf32>
          %add3A_2010 = vector.broadcast %mul3A_1961 : i32 to vector<16xi32>
          %add3A_2011 = arith.addi %add3A_68, %add3A_2010 : vector<16xi32>
          %gather3A_2012 = tpu.vector_load_idx %arg10[%add3A_2011] : memref<17408xf32, #tpu.memory_space<vmem>>[vector<16xi32>], vector<16xf32>,
          %mul3A_2013 = arith.mulf %mul3A_1936, %gather3A_2012 : vector<16xf32>
          %add3A_2014 = arith.addf %add3A_2009, %mul3A_2013 : vector<16xf32>
          %add3A_2015 = vector.broadcast %mul3A_1961 : i32 to vector<16xi32>
          %add3A_2016 = arith.addi %add3A_71, %add3A_2015 : vector<16xi32>
          %gather3A_2017 = tpu.vector_load_idx %arg10[%add3A_2016] : memref<17408xf32, #tpu.memory_space<vmem>>[vector<16xi32>], vector<16xf32>,
          %mul3A_2018 = arith.mulf %mul3A_1938, %gather3A_2017 : vector<16xf32>
          %add3A_2019 = arith.addf %add3A_2014, %mul3A_2018 : vector<16xf32>
          %add3A_2020 = vector.broadcast %mul3A_1961 : i32 to vector<16xi32>
          %add3A_2021 = arith.addi %add3A_74, %add3A_2020 : vector<16xi32>
          %gather3A_2022 = tpu.vector_load_idx %arg10[%add3A_2021] : memref<17408xf32, #tpu.memory_space<vmem>>[vector<16xi32>], vector<16xf32>,
          %mul3A_2023 = arith.mulf %mul3A_1940, %gather3A_2022 : vector<16xf32>
          %add3A_2024 = arith.addf %add3A_2019, %mul3A_2023 : vector<16xf32>
          %add3A_2025 = vector.broadcast %mul3A_1961 : i32 to vector<16xi32>
          %add3A_2026 = arith.addi %add3A_77, %add3A_2025 : vector<16xi32>
          %gather3A_2027 = tpu.vector_load_idx %arg10[%add3A_2026] : memref<17408xf32, #tpu.memory_space<vmem>>[vector<16xi32>], vector<16xf32>,
          %mul3A_2028 = arith.mulf %mul3A_1942, %gather3A_2027 : vector<16xf32>
          %add3A_2029 = arith.addf %add3A_2024, %mul3A_2028 : vector<16xf32>
          %add3A_2030 = vector.broadcast %mul3A_1961 : i32 to vector<16xi32>
          %add3A_2031 = arith.addi %add3A_80, %add3A_2030 : vector<16xi32>
          %gather3A_2032 = tpu.vector_load_idx %arg10[%add3A_2031] : memref<17408xf32, #tpu.memory_space<vmem>>[vector<16xi32>], vector<16xf32>,
          %mul3A_2033 = arith.mulf %mul3A_1944, %gather3A_2032 : vector<16xf32>
          %add3A_2034 = arith.addf %add3A_2029, %mul3A_2033 : vector<16xf32>
          %add3A_2035 = vector.broadcast %mul3A_1961 : i32 to vector<16xi32>
          %add3A_2036 = arith.addi %add3A_83, %add3A_2035 : vector<16xi32>
          %gather3A_2037 = tpu.vector_load_idx %arg10[%add3A_2036] : memref<17408xf32, #tpu.memory_space<vmem>>[vector<16xi32>], vector<16xf32>,
          %mul3A_2038 = arith.mulf %mul3A_1946, %gather3A_2037 : vector<16xf32>
          %add3A_2039 = arith.addf %add3A_2034, %mul3A_2038 : vector<16xf32>
          %add3A_2040 = vector.broadcast %mul3A_1961 : i32 to vector<16xi32>
          %add3A_2041 = arith.addi %add3A_86, %add3A_2040 : vector<16xi32>
          %gather3A_2042 = tpu.vector_load_idx %arg10[%add3A_2041] : memref<17408xf32, #tpu.memory_space<vmem>>[vector<16xi32>], vector<16xf32>,
          %mul3A_2043 = arith.mulf %mul3A_1948, %gather3A_2042 : vector<16xf32>
          %add3A_2044 = arith.addf %add3A_2039, %mul3A_2043 : vector<16xf32>
          %swap3A = arith.index_cast %scan3A_1958 : i32 to index
          %swap3A_2045 = arith.index_cast %mul3A_24 : i32 to index
          %swap3A_2046 = tpu.vector_load %arg13[%swap3A, %swap3A_2045] {strides = array<i32>} : memref<64x256xf32, #tpu.memory_space<vmem>>, vector<16xf32>,
          tpu.vector_store %arg13[%swap3A, %swap3A_2045], %add3A_2044 {strides = array<i32>} : memref<64x256xf32, #tpu.memory_space<vmem>>, vector<16xf32>,
          %scan3A_2047 = arith.constant 0 : i32
          scf.yield %scan3A_2047 : i32
        }
        %scan3A_1956 = arith.constant 64 : i32
        %scan3A_1957 = arith.constant 0 : i32
        scf.yield %scan3A_1957 : i32
      }
      %scan3A_19 = arith.constant 16 : i32
      "tpu.region"() ({
        %run_scoped3A = tpu.sem_alloc : memref<!tpu.dma_semaphore, #tpu.memory_space<semaphore_mem>>
        %dma_start3A = arith.constant 0 : i32
        %dma_start3A_21 = arith.constant 0 : i32
        %dma_start3A_22 = tpu.memref_slice %arg7[%arg1, %add3A, %dma_start3A, %dma_start3A_21] : memref<16x8x64x256xf32, #tpu.memory_space<hbm>> -> memref<1x1x64x256xf32, #tpu.memory_space<hbm>>
        %dma_start3A_23 = tpu.memref_squeeze %dma_start3A_22 : memref<1x1x64x256xf32, #tpu.memory_space<hbm>> -> memref<64x256xf32, #tpu.memory_space<hbm>>
        %dma_start3A_24 = arith.constant 0 : i32
        %dma_start3A_25 = arith.constant 0 : i32
        %dma_start3A_26 = tpu.memref_slice %arg7[%arg1, %add3A, %dma_start3A_24, %dma_start3A_25] : memref<16x8x64x256xf32, #tpu.memory_space<hbm>> -> memref<1x1x64x256xf32, #tpu.memory_space<hbm>>
        %dma_start3A_27 = tpu.memref_squeeze %dma_start3A_26 : memref<1x1x64x256xf32, #tpu.memory_space<hbm>> -> memref<64x256xf32, #tpu.memory_space<hbm>>
        tpu.enqueue_dma source(%arg13 : memref<64x256xf32, #tpu.memory_space<vmem>>) target(%dma_start3A_27 : memref<64x256xf32, #tpu.memory_space<hbm>>) target_semaphore(%run_scoped3A : memref<!tpu.dma_semaphore, #tpu.memory_space<semaphore_mem>>)
        %dma_wait3A = arith.constant 0 : i32
        %dma_wait3A_28 = arith.constant 0 : i32
        %dma_wait3A_29 = tpu.memref_slice %arg7[%arg1, %add3A, %dma_wait3A, %dma_wait3A_28] : memref<16x8x64x256xf32, #tpu.memory_space<hbm>> -> memref<1x1x64x256xf32, #tpu.memory_space<hbm>>
        %dma_wait3A_30 = tpu.memref_squeeze %dma_wait3A_29 : memref<1x1x64x256xf32, #tpu.memory_space<hbm>> -> memref<64x256xf32, #tpu.memory_space<hbm>>
        %dma_wait3A_31 = arith.constant 0 : i32
        %dma_wait3A_32 = arith.constant 0 : i32
        %dma_wait3A_33 = tpu.memref_slice %arg7[%arg1, %add3A, %dma_wait3A_31, %dma_wait3A_32] : memref<16x8x64x256xf32, #tpu.memory_space<hbm>> -> memref<1x1x64x256xf32, #tpu.memory_space<hbm>>
        %dma_wait3A_34 = tpu.memref_squeeze %dma_wait3A_33 : memref<1x1x64x256xf32, #tpu.memory_space<hbm>> -> memref<64x256xf32, #tpu.memory_space<hbm>>
        tpu.wait_dma2 semaphore(%run_scoped3A : memref<!tpu.dma_semaphore, #tpu.memory_space<semaphore_mem>>) src(%arg13 : memref<64x256xf32, #tpu.memory_space<vmem>>) dst(%dma_wait3A_34 : memref<64x256xf32, #tpu.memory_space<hbm>>)
        tpu.yield
      }) : () -> ()
      %scan3A_20 = arith.constant 0 : i32
      scf.yield %scan3A_20 : i32
    }
    %scan3A_5 = arith.constant 4 : i32
    return
  }
}

module attributes {stable_mosaic.version = 14 : i64} {
  func.func @_globals_tc_body(%arg0: i32, %arg1: memref<1x2048x64xf32, #tpu.memory_space<vmem>>, %arg2: memref<1x2048x64xf32, #tpu.memory_space<vmem>>, %arg3: memref<1x2048x64xf32, #tpu.memory_space<vmem>>, %arg4: memref<1x64x2048xf32, #tpu.memory_space<vmem>>, %arg5: memref<1x2x2048xf32, #tpu.memory_space<vmem>>, %arg6: memref<1x64x2048xf32, #tpu.memory_space<vmem>>, %arg7: memref<1x64x2048xf32, #tpu.memory_space<vmem>>, %arg8: memref<1x64x2048xf32, #tpu.memory_space<vmem>>) attributes {dimension_semantics = [#tpu.dimension_semantics<arbitrary>], iteration_bounds = array<i64: 16>, scalar_prefetch = 0 : i64, scratch_operands = 0 : i64, tpu.core_type = #tpu.core_type<tc>, window_params = [{transform_indices = @transform_0, window_bounds = array<i64: 1, 2048, 64>}, {transform_indices = @transform_1, window_bounds = array<i64: 1, 2048, 64>}, {transform_indices = @transform_2, window_bounds = array<i64: 1, 2048, 64>}, {transform_indices = @transform_3, window_bounds = array<i64: 1, 64, 2048>}, {transform_indices = @transform_4, window_bounds = array<i64: 1, 2, 2048>}, {transform_indices = @transform_5, window_bounds = array<i64: 1, 64, 2048>}, {transform_indices = @transform_6, window_bounds = array<i64: 1, 64, 2048>}, {transform_indices = @transform_7, window_bounds = array<i64: 1, 64, 2048>}]} {
    %get3A = arith.constant 0 : index
    %get3A_0 = arith.constant 0 : index
    %get3A_1 = arith.constant 0 : index
    %get3A_2 = vector.load %arg1[%get3A, %get3A_0, %get3A_1] : memref<1x2048x64xf32, #tpu.memory_space<vmem>>, vector<1x2048x64xf32>
    %get3A_3 = vector.shape_cast %get3A_2 : vector<1x2048x64xf32> to vector<2048x64xf32>
    %get3A_4 = arith.constant 0 : index
    %get3A_5 = arith.constant 0 : index
    %get3A_6 = arith.constant 0 : index
    %get3A_7 = vector.load %arg2[%get3A_4, %get3A_5, %get3A_6] : memref<1x2048x64xf32, #tpu.memory_space<vmem>>, vector<1x2048x64xf32>
    %get3A_8 = vector.shape_cast %get3A_7 : vector<1x2048x64xf32> to vector<2048x64xf32>
    %get3A_9 = arith.constant 0 : index
    %get3A_10 = arith.constant 0 : index
    %get3A_11 = arith.constant 0 : index
    %get3A_12 = vector.load %arg3[%get3A_9, %get3A_10, %get3A_11] : memref<1x2048x64xf32, #tpu.memory_space<vmem>>, vector<1x2048x64xf32>
    %get3A_13 = vector.shape_cast %get3A_12 : vector<1x2048x64xf32> to vector<2048x64xf32>
    %bitcast_convert_type3A = tpu.bitcast %get3A_8 : vector<2048x64xf32> -> vector<2048x64xi32>
    %shift_right_logical3A = arith.constant 16 : i32
    %shift_right_logical3A_14 = vector.broadcast %shift_right_logical3A : i32 to vector<2048x64xi32>
    %shift_right_logical3A_15 = arith.shrui %bitcast_convert_type3A, %shift_right_logical3A_14 : vector<2048x64xi32>
    %and3A = arith.constant 1 : i32
    %and3A_16 = vector.broadcast %and3A : i32 to vector<2048x64xi32>
    %and3A_17 = arith.andi %shift_right_logical3A_15, %and3A_16 : vector<2048x64xi32>
    %add3A = arith.constant 32767 : i32
    %add3A_18 = vector.broadcast %add3A : i32 to vector<2048x64xi32>
    %add3A_19 = arith.addi %add3A_18, %and3A_17 : vector<2048x64xi32>
    %add3A_20 = arith.addi %bitcast_convert_type3A, %add3A_19 : vector<2048x64xi32>
    %and3A_21 = arith.constant -65536 : i32
    %and3A_22 = vector.broadcast %and3A_21 : i32 to vector<2048x64xi32>
    %and3A_23 = arith.andi %add3A_20, %and3A_22 : vector<2048x64xi32>
    %bitcast_convert_type3A_24 = tpu.bitcast %and3A_23 : vector<2048x64xi32> -> vector<2048x64xf32>
    %transpose3A = tpu.transpose %bitcast_convert_type3A_24, [1, 0] : vector<2048x64xf32> -> vector<64x2048xf32>
    %swap3A = arith.constant 0 : index
    %swap3A_25 = arith.constant 0 : index
    %swap3A_26 = arith.constant 0 : index
    %swap3A_27 = vector.load %arg6[%swap3A, %swap3A_25, %swap3A_26] : memref<1x64x2048xf32, #tpu.memory_space<vmem>>, vector<1x64x2048xf32>
    %swap3A_28 = vector.shape_cast %swap3A_27 : vector<1x64x2048xf32> to vector<64x2048xf32>
    %swap3A_29 = vector.shape_cast %transpose3A : vector<64x2048xf32> to vector<1x64x2048xf32>
    tpu.vector_store %arg6[%swap3A, %swap3A_25, %swap3A_26], %swap3A_29 {strides = array<i32>} : memref<1x64x2048xf32, #tpu.memory_space<vmem>>, vector<1x64x2048xf32>,
    %bitcast_convert_type3A_30 = tpu.bitcast %get3A_3 : vector<2048x64xf32> -> vector<2048x64xi32>
    %shift_right_logical3A_31 = arith.constant 16 : i32
    %shift_right_logical3A_32 = vector.broadcast %shift_right_logical3A_31 : i32 to vector<2048x64xi32>
    %shift_right_logical3A_33 = arith.shrui %bitcast_convert_type3A_30, %shift_right_logical3A_32 : vector<2048x64xi32>
    %and3A_34 = arith.constant 1 : i32
    %and3A_35 = vector.broadcast %and3A_34 : i32 to vector<2048x64xi32>
    %and3A_36 = arith.andi %shift_right_logical3A_33, %and3A_35 : vector<2048x64xi32>
    %add3A_37 = arith.constant 32767 : i32
    %add3A_38 = vector.broadcast %add3A_37 : i32 to vector<2048x64xi32>
    %add3A_39 = arith.addi %add3A_38, %and3A_36 : vector<2048x64xi32>
    %add3A_40 = arith.addi %bitcast_convert_type3A_30, %add3A_39 : vector<2048x64xi32>
    %and3A_41 = arith.constant -65536 : i32
    %and3A_42 = vector.broadcast %and3A_41 : i32 to vector<2048x64xi32>
    %and3A_43 = arith.andi %add3A_40, %and3A_42 : vector<2048x64xi32>
    %bitcast_convert_type3A_44 = tpu.bitcast %and3A_43 : vector<2048x64xi32> -> vector<2048x64xf32>
    %transpose3A_45 = tpu.transpose %bitcast_convert_type3A_44, [1, 0] : vector<2048x64xf32> -> vector<64x2048xf32>
    %swap3A_46 = arith.constant 0 : index
    %swap3A_47 = arith.constant 0 : index
    %swap3A_48 = arith.constant 0 : index
    %swap3A_49 = vector.load %arg7[%swap3A_46, %swap3A_47, %swap3A_48] : memref<1x64x2048xf32, #tpu.memory_space<vmem>>, vector<1x64x2048xf32>
    %swap3A_50 = vector.shape_cast %swap3A_49 : vector<1x64x2048xf32> to vector<64x2048xf32>
    %swap3A_51 = vector.shape_cast %transpose3A_45 : vector<64x2048xf32> to vector<1x64x2048xf32>
    tpu.vector_store %arg7[%swap3A_46, %swap3A_47, %swap3A_48], %swap3A_51 {strides = array<i32>} : memref<1x64x2048xf32, #tpu.memory_space<vmem>>, vector<1x64x2048xf32>,
    %transpose3A_52 = tpu.transpose %get3A_13, [1, 0] : vector<2048x64xf32> -> vector<64x2048xf32>
    %swap3A_53 = arith.constant 0 : index
    %swap3A_54 = arith.constant 0 : index
    %swap3A_55 = arith.constant 0 : index
    %swap3A_56 = vector.load %arg8[%swap3A_53, %swap3A_54, %swap3A_55] : memref<1x64x2048xf32, #tpu.memory_space<vmem>>, vector<1x64x2048xf32>
    %swap3A_57 = vector.shape_cast %swap3A_56 : vector<1x64x2048xf32> to vector<64x2048xf32>
    %swap3A_58 = vector.shape_cast %transpose3A_52 : vector<64x2048xf32> to vector<1x64x2048xf32>
    tpu.vector_store %arg8[%swap3A_53, %swap3A_54, %swap3A_55], %swap3A_58 {strides = array<i32>} : memref<1x64x2048xf32, #tpu.memory_space<vmem>>, vector<1x64x2048xf32>,
    %mul3A = arith.mulf %get3A_3, %get3A_3 : vector<2048x64xf32>
    %reduce_sum3A = arith.constant dense<0.000000e+00> : vector<2048xf32>
    %reduce_sum3A_59 = vector.multi_reduction <add>, %mul3A, %reduce_sum3A [1] : vector<2048x64xf32> to vector<2048xf32>
    %broadcast_in_dim3A = vector.shape_cast %reduce_sum3A_59 : vector<2048xf32> to vector<2048x1xf32>
    %sqrt3A = math.sqrt %broadcast_in_dim3A : vector<2048x1xf32>
    %max3A = arith.constant 9.99999997E-7 : f32
    %max3A_60 = vector.broadcast %max3A : f32 to vector<2048x1xf32>
    %max3A_61 = arith.maximumf %sqrt3A, %max3A_60 : vector<2048x1xf32>
    %div3A = vector.broadcast %max3A_61 : vector<2048x1xf32> to vector<2048x64xf32>
    %div3A_62 = arith.divf %get3A_3, %div3A : vector<2048x64xf32>
    %mul3A_63 = arith.mulf %get3A_8, %get3A_8 : vector<2048x64xf32>
    %reduce_sum3A_64 = arith.constant dense<0.000000e+00> : vector<2048xf32>
    %reduce_sum3A_65 = vector.multi_reduction <add>, %mul3A_63, %reduce_sum3A_64 [1] : vector<2048x64xf32> to vector<2048xf32>
    %broadcast_in_dim3A_66 = vector.shape_cast %reduce_sum3A_65 : vector<2048xf32> to vector<2048x1xf32>
    %sqrt3A_67 = math.sqrt %broadcast_in_dim3A_66 : vector<2048x1xf32>
    %max3A_68 = arith.constant 9.99999997E-7 : f32
    %max3A_69 = vector.broadcast %max3A_68 : f32 to vector<2048x1xf32>
    %max3A_70 = arith.maximumf %sqrt3A_67, %max3A_69 : vector<2048x1xf32>
    %div3A_71 = vector.broadcast %max3A_70 : vector<2048x1xf32> to vector<2048x64xf32>
    %div3A_72 = arith.divf %get3A_8, %div3A_71 : vector<2048x64xf32>
    %slice3A = vector.extract_strided_slice %div3A_72 {offsets = [0, 0], sizes = [1, 64], strides = [1, 1]} : vector<2048x64xf32> to vector<1x64xf32>
    %squeeze3A = vector.shape_cast %slice3A : vector<1x64xf32> to vector<64xf32>
    %broadcast_in_dim3A_73 = vector.shape_cast %squeeze3A : vector<64xf32> to vector<1x64xf32>
    %slice3A_74 = vector.extract_strided_slice %div3A_72 {offsets = [66, 0], sizes = [1, 64], strides = [1, 1]} : vector<2048x64xf32> to vector<1x64xf32>
    %squeeze3A_75 = vector.shape_cast %slice3A_74 : vector<1x64xf32> to vector<64xf32>
    %broadcast_in_dim3A_76 = vector.shape_cast %squeeze3A_75 : vector<64xf32> to vector<1x64xf32>
    %slice3A_77 = vector.extract_strided_slice %div3A_72 {offsets = [132, 0], sizes = [1, 64], strides = [1, 1]} : vector<2048x64xf32> to vector<1x64xf32>
    %squeeze3A_78 = vector.shape_cast %slice3A_77 : vector<1x64xf32> to vector<64xf32>
    %broadcast_in_dim3A_79 = vector.shape_cast %squeeze3A_78 : vector<64xf32> to vector<1x64xf32>
    %slice3A_80 = vector.extract_strided_slice %div3A_72 {offsets = [198, 0], sizes = [1, 64], strides = [1, 1]} : vector<2048x64xf32> to vector<1x64xf32>
    %squeeze3A_81 = vector.shape_cast %slice3A_80 : vector<1x64xf32> to vector<64xf32>
    %broadcast_in_dim3A_82 = vector.shape_cast %squeeze3A_81 : vector<64xf32> to vector<1x64xf32>
    %slice3A_83 = vector.extract_strided_slice %div3A_72 {offsets = [264, 0], sizes = [1, 64], strides = [1, 1]} : vector<2048x64xf32> to vector<1x64xf32>
    %squeeze3A_84 = vector.shape_cast %slice3A_83 : vector<1x64xf32> to vector<64xf32>
    %broadcast_in_dim3A_85 = vector.shape_cast %squeeze3A_84 : vector<64xf32> to vector<1x64xf32>
    %slice3A_86 = vector.extract_strided_slice %div3A_72 {offsets = [330, 0], sizes = [1, 64], strides = [1, 1]} : vector<2048x64xf32> to vector<1x64xf32>
    %squeeze3A_87 = vector.shape_cast %slice3A_86 : vector<1x64xf32> to vector<64xf32>
    %broadcast_in_dim3A_88 = vector.shape_cast %squeeze3A_87 : vector<64xf32> to vector<1x64xf32>
    %slice3A_89 = vector.extract_strided_slice %div3A_72 {offsets = [396, 0], sizes = [1, 64], strides = [1, 1]} : vector<2048x64xf32> to vector<1x64xf32>
    %squeeze3A_90 = vector.shape_cast %slice3A_89 : vector<1x64xf32> to vector<64xf32>
    %broadcast_in_dim3A_91 = vector.shape_cast %squeeze3A_90 : vector<64xf32> to vector<1x64xf32>
    %slice3A_92 = vector.extract_strided_slice %div3A_72 {offsets = [462, 0], sizes = [1, 64], strides = [1, 1]} : vector<2048x64xf32> to vector<1x64xf32>
    %squeeze3A_93 = vector.shape_cast %slice3A_92 : vector<1x64xf32> to vector<64xf32>
    %broadcast_in_dim3A_94 = vector.shape_cast %squeeze3A_93 : vector<64xf32> to vector<1x64xf32>
    %slice3A_95 = vector.extract_strided_slice %div3A_72 {offsets = [528, 0], sizes = [1, 64], strides = [1, 1]} : vector<2048x64xf32> to vector<1x64xf32>
    %squeeze3A_96 = vector.shape_cast %slice3A_95 : vector<1x64xf32> to vector<64xf32>
    %broadcast_in_dim3A_97 = vector.shape_cast %squeeze3A_96 : vector<64xf32> to vector<1x64xf32>
    %slice3A_98 = vector.extract_strided_slice %div3A_72 {offsets = [594, 0], sizes = [1, 64], strides = [1, 1]} : vector<2048x64xf32> to vector<1x64xf32>
    %squeeze3A_99 = vector.shape_cast %slice3A_98 : vector<1x64xf32> to vector<64xf32>
    %broadcast_in_dim3A_100 = vector.shape_cast %squeeze3A_99 : vector<64xf32> to vector<1x64xf32>
    %slice3A_101 = vector.extract_strided_slice %div3A_72 {offsets = [660, 0], sizes = [1, 64], strides = [1, 1]} : vector<2048x64xf32> to vector<1x64xf32>
    %squeeze3A_102 = vector.shape_cast %slice3A_101 : vector<1x64xf32> to vector<64xf32>
    %broadcast_in_dim3A_103 = vector.shape_cast %squeeze3A_102 : vector<64xf32> to vector<1x64xf32>
    %slice3A_104 = vector.extract_strided_slice %div3A_72 {offsets = [726, 0], sizes = [1, 64], strides = [1, 1]} : vector<2048x64xf32> to vector<1x64xf32>
    %squeeze3A_105 = vector.shape_cast %slice3A_104 : vector<1x64xf32> to vector<64xf32>
    %broadcast_in_dim3A_106 = vector.shape_cast %squeeze3A_105 : vector<64xf32> to vector<1x64xf32>
    %slice3A_107 = vector.extract_strided_slice %div3A_72 {offsets = [792, 0], sizes = [1, 64], strides = [1, 1]} : vector<2048x64xf32> to vector<1x64xf32>
    %squeeze3A_108 = vector.shape_cast %slice3A_107 : vector<1x64xf32> to vector<64xf32>
    %broadcast_in_dim3A_109 = vector.shape_cast %squeeze3A_108 : vector<64xf32> to vector<1x64xf32>
    %slice3A_110 = vector.extract_strided_slice %div3A_72 {offsets = [858, 0], sizes = [1, 64], strides = [1, 1]} : vector<2048x64xf32> to vector<1x64xf32>
    %squeeze3A_111 = vector.shape_cast %slice3A_110 : vector<1x64xf32> to vector<64xf32>
    %broadcast_in_dim3A_112 = vector.shape_cast %squeeze3A_111 : vector<64xf32> to vector<1x64xf32>
    %slice3A_113 = vector.extract_strided_slice %div3A_72 {offsets = [924, 0], sizes = [1, 64], strides = [1, 1]} : vector<2048x64xf32> to vector<1x64xf32>
    %squeeze3A_114 = vector.shape_cast %slice3A_113 : vector<1x64xf32> to vector<64xf32>
    %broadcast_in_dim3A_115 = vector.shape_cast %squeeze3A_114 : vector<64xf32> to vector<1x64xf32>
    %slice3A_116 = vector.extract_strided_slice %div3A_72 {offsets = [990, 0], sizes = [1, 64], strides = [1, 1]} : vector<2048x64xf32> to vector<1x64xf32>
    %squeeze3A_117 = vector.shape_cast %slice3A_116 : vector<1x64xf32> to vector<64xf32>
    %broadcast_in_dim3A_118 = vector.shape_cast %squeeze3A_117 : vector<64xf32> to vector<1x64xf32>
    %slice3A_119 = vector.extract_strided_slice %div3A_72 {offsets = [1057, 0], sizes = [1, 64], strides = [1, 1]} : vector<2048x64xf32> to vector<1x64xf32>
    %squeeze3A_120 = vector.shape_cast %slice3A_119 : vector<1x64xf32> to vector<64xf32>
    %broadcast_in_dim3A_121 = vector.shape_cast %squeeze3A_120 : vector<64xf32> to vector<1x64xf32>
    %slice3A_122 = vector.extract_strided_slice %div3A_72 {offsets = [1123, 0], sizes = [1, 64], strides = [1, 1]} : vector<2048x64xf32> to vector<1x64xf32>
    %squeeze3A_123 = vector.shape_cast %slice3A_122 : vector<1x64xf32> to vector<64xf32>
    %broadcast_in_dim3A_124 = vector.shape_cast %squeeze3A_123 : vector<64xf32> to vector<1x64xf32>
    %slice3A_125 = vector.extract_strided_slice %div3A_72 {offsets = [1189, 0], sizes = [1, 64], strides = [1, 1]} : vector<2048x64xf32> to vector<1x64xf32>
    %squeeze3A_126 = vector.shape_cast %slice3A_125 : vector<1x64xf32> to vector<64xf32>
    %broadcast_in_dim3A_127 = vector.shape_cast %squeeze3A_126 : vector<64xf32> to vector<1x64xf32>
    %slice3A_128 = vector.extract_strided_slice %div3A_72 {offsets = [1255, 0], sizes = [1, 64], strides = [1, 1]} : vector<2048x64xf32> to vector<1x64xf32>
    %squeeze3A_129 = vector.shape_cast %slice3A_128 : vector<1x64xf32> to vector<64xf32>
    %broadcast_in_dim3A_130 = vector.shape_cast %squeeze3A_129 : vector<64xf32> to vector<1x64xf32>
    %slice3A_131 = vector.extract_strided_slice %div3A_72 {offsets = [1321, 0], sizes = [1, 64], strides = [1, 1]} : vector<2048x64xf32> to vector<1x64xf32>
    %squeeze3A_132 = vector.shape_cast %slice3A_131 : vector<1x64xf32> to vector<64xf32>
    %broadcast_in_dim3A_133 = vector.shape_cast %squeeze3A_132 : vector<64xf32> to vector<1x64xf32>
    %slice3A_134 = vector.extract_strided_slice %div3A_72 {offsets = [1387, 0], sizes = [1, 64], strides = [1, 1]} : vector<2048x64xf32> to vector<1x64xf32>
    %squeeze3A_135 = vector.shape_cast %slice3A_134 : vector<1x64xf32> to vector<64xf32>
    %broadcast_in_dim3A_136 = vector.shape_cast %squeeze3A_135 : vector<64xf32> to vector<1x64xf32>
    %slice3A_137 = vector.extract_strided_slice %div3A_72 {offsets = [1453, 0], sizes = [1, 64], strides = [1, 1]} : vector<2048x64xf32> to vector<1x64xf32>
    %squeeze3A_138 = vector.shape_cast %slice3A_137 : vector<1x64xf32> to vector<64xf32>
    %broadcast_in_dim3A_139 = vector.shape_cast %squeeze3A_138 : vector<64xf32> to vector<1x64xf32>
    %slice3A_140 = vector.extract_strided_slice %div3A_72 {offsets = [1519, 0], sizes = [1, 64], strides = [1, 1]} : vector<2048x64xf32> to vector<1x64xf32>
    %squeeze3A_141 = vector.shape_cast %slice3A_140 : vector<1x64xf32> to vector<64xf32>
    %broadcast_in_dim3A_142 = vector.shape_cast %squeeze3A_141 : vector<64xf32> to vector<1x64xf32>
    %slice3A_143 = vector.extract_strided_slice %div3A_72 {offsets = [1585, 0], sizes = [1, 64], strides = [1, 1]} : vector<2048x64xf32> to vector<1x64xf32>
    %squeeze3A_144 = vector.shape_cast %slice3A_143 : vector<1x64xf32> to vector<64xf32>
    %broadcast_in_dim3A_145 = vector.shape_cast %squeeze3A_144 : vector<64xf32> to vector<1x64xf32>
    %slice3A_146 = vector.extract_strided_slice %div3A_72 {offsets = [1651, 0], sizes = [1, 64], strides = [1, 1]} : vector<2048x64xf32> to vector<1x64xf32>
    %squeeze3A_147 = vector.shape_cast %slice3A_146 : vector<1x64xf32> to vector<64xf32>
    %broadcast_in_dim3A_148 = vector.shape_cast %squeeze3A_147 : vector<64xf32> to vector<1x64xf32>
    %slice3A_149 = vector.extract_strided_slice %div3A_72 {offsets = [1717, 0], sizes = [1, 64], strides = [1, 1]} : vector<2048x64xf32> to vector<1x64xf32>
    %squeeze3A_150 = vector.shape_cast %slice3A_149 : vector<1x64xf32> to vector<64xf32>
    %broadcast_in_dim3A_151 = vector.shape_cast %squeeze3A_150 : vector<64xf32> to vector<1x64xf32>
    %slice3A_152 = vector.extract_strided_slice %div3A_72 {offsets = [1783, 0], sizes = [1, 64], strides = [1, 1]} : vector<2048x64xf32> to vector<1x64xf32>
    %squeeze3A_153 = vector.shape_cast %slice3A_152 : vector<1x64xf32> to vector<64xf32>
    %broadcast_in_dim3A_154 = vector.shape_cast %squeeze3A_153 : vector<64xf32> to vector<1x64xf32>
    %slice3A_155 = vector.extract_strided_slice %div3A_72 {offsets = [1849, 0], sizes = [1, 64], strides = [1, 1]} : vector<2048x64xf32> to vector<1x64xf32>
    %squeeze3A_156 = vector.shape_cast %slice3A_155 : vector<1x64xf32> to vector<64xf32>
    %broadcast_in_dim3A_157 = vector.shape_cast %squeeze3A_156 : vector<64xf32> to vector<1x64xf32>
    %slice3A_158 = vector.extract_strided_slice %div3A_72 {offsets = [1915, 0], sizes = [1, 64], strides = [1, 1]} : vector<2048x64xf32> to vector<1x64xf32>
    %squeeze3A_159 = vector.shape_cast %slice3A_158 : vector<1x64xf32> to vector<64xf32>
    %broadcast_in_dim3A_160 = vector.shape_cast %squeeze3A_159 : vector<64xf32> to vector<1x64xf32>
    %slice3A_161 = vector.extract_strided_slice %div3A_72 {offsets = [1981, 0], sizes = [1, 64], strides = [1, 1]} : vector<2048x64xf32> to vector<1x64xf32>
    %squeeze3A_162 = vector.shape_cast %slice3A_161 : vector<1x64xf32> to vector<64xf32>
    %broadcast_in_dim3A_163 = vector.shape_cast %squeeze3A_162 : vector<64xf32> to vector<1x64xf32>
    %slice3A_164 = vector.extract_strided_slice %div3A_72 {offsets = [2047, 0], sizes = [1, 64], strides = [1, 1]} : vector<2048x64xf32> to vector<1x64xf32>
    %squeeze3A_165 = vector.shape_cast %slice3A_164 : vector<1x64xf32> to vector<64xf32>
    %broadcast_in_dim3A_166 = vector.shape_cast %squeeze3A_165 : vector<64xf32> to vector<1x64xf32>
    %concatenate3A = tpu.concatenate %broadcast_in_dim3A_73, %broadcast_in_dim3A_76, %broadcast_in_dim3A_79, %broadcast_in_dim3A_82, %broadcast_in_dim3A_85, %broadcast_in_dim3A_88, %broadcast_in_dim3A_91, %broadcast_in_dim3A_94, %broadcast_in_dim3A_97, %broadcast_in_dim3A_100, %broadcast_in_dim3A_103, %broadcast_in_dim3A_106, %broadcast_in_dim3A_109, %broadcast_in_dim3A_112, %broadcast_in_dim3A_115, %broadcast_in_dim3A_118, %broadcast_in_dim3A_121, %broadcast_in_dim3A_124, %broadcast_in_dim3A_127, %broadcast_in_dim3A_130, %broadcast_in_dim3A_133, %broadcast_in_dim3A_136, %broadcast_in_dim3A_139, %broadcast_in_dim3A_142, %broadcast_in_dim3A_145, %broadcast_in_dim3A_148, %broadcast_in_dim3A_151, %broadcast_in_dim3A_154, %broadcast_in_dim3A_157, %broadcast_in_dim3A_160, %broadcast_in_dim3A_163, %broadcast_in_dim3A_166 in 0 : vector<1x64xf32>, vector<1x64xf32>, vector<1x64xf32>, vector<1x64xf32>, vector<1x64xf32>, vector<1x64xf32>, vector<1x64xf32>, vector<1x64xf32>, vector<1x64xf32>, vector<1x64xf32>, vector<1x64xf32>, vector<1x64xf32>, vector<1x64xf32>, vector<1x64xf32>, vector<1x64xf32>, vector<1x64xf32>, vector<1x64xf32>, vector<1x64xf32>, vector<1x64xf32>, vector<1x64xf32>, vector<1x64xf32>, vector<1x64xf32>, vector<1x64xf32>, vector<1x64xf32>, vector<1x64xf32>, vector<1x64xf32>, vector<1x64xf32>, vector<1x64xf32>, vector<1x64xf32>, vector<1x64xf32>, vector<1x64xf32>, vector<1x64xf32> -> vector<32x64xf32>
    %convert_element_type3A = arith.truncf %concatenate3A : vector<32x64xf32> to vector<32x64xbf16>
    %convert_element_type3A_167 = arith.truncf %div3A_62 : vector<2048x64xf32> to vector<2048x64xbf16>
    %dot_general3A = arith.constant dense<0.000000e+00> : vector<32x2048xf32>
    %dot_general3A_168 = tpu.matmul %convert_element_type3A, %convert_element_type3A_167, %dot_general3A {dimension_numbers = #tpu.dot_dimension_numbers<[1], [1], [0], [0], [0, 0, 1, 0], [], []>, transpose_lhs_hint = false} : vector<32x64xbf16>, vector<2048x64xbf16>, vector<32x2048xf32> -> vector<32x2048xf32>
    %max3A_169 = arith.constant 0.000000e+00 : f32
    %max3A_170 = vector.broadcast %max3A_169 : f32 to vector<32x2048xf32>
    %max3A_171 = arith.maximumf %dot_general3A_168, %max3A_170 : vector<32x2048xf32>
    %reduce_sum3A_172 = arith.constant dense<0.000000e+00> : vector<2048xf32>
    %reduce_sum3A_173 = vector.multi_reduction <add>, %max3A_171, %reduce_sum3A_172 [0] : vector<32x2048xf32> to vector<2048xf32>
    %broadcast_in_dim3A_174 = vector.shape_cast %reduce_sum3A_173 : vector<2048xf32> to vector<1x2048xf32>
    %div3A_175 = arith.constant 3.200000e+01 : f32
    %div3A_176 = vector.broadcast %div3A_175 : f32 to vector<1x2048xf32>
    %div3A_177 = arith.divf %broadcast_in_dim3A_174, %div3A_176 : vector<1x2048xf32>
    %reduce_max3A = arith.constant dense<0xFF800000> : vector<2048xf32>
    %reduce_max3A_178 = vector.multi_reduction <maximumf>, %max3A_171, %reduce_max3A [0] : vector<32x2048xf32> to vector<2048xf32>
    %broadcast_in_dim3A_179 = vector.shape_cast %reduce_max3A_178 : vector<2048xf32> to vector<1x2048xf32>
    %iota3A = tpu.iota {dimensions = array<i32: 0>} : vector<32x2048xi32>
    %broadcast_in_dim3A_180 = arith.constant 0.000000e+00 : f32
    %broadcast_in_dim3A_181 = vector.broadcast %broadcast_in_dim3A_180 : f32 to vector<1x2048xf32>
    %reduce_max3A_182 = arith.constant dense<0xFF800000> : vector<2048xf32>
    %reduce_max3A_183 = vector.multi_reduction <maximumf>, %max3A_171, %reduce_max3A_182 [0] : vector<32x2048xf32> to vector<2048xf32>
    %broadcast_in_dim3A_184 = vector.shape_cast %reduce_max3A_183 : vector<2048xf32> to vector<1x2048xf32>
    %eq3A = vector.broadcast %broadcast_in_dim3A_184 : vector<1x2048xf32> to vector<32x2048xf32>
    %eq3A_185 = arith.cmpf oeq, %max3A_171, %eq3A : vector<32x2048xf32>
    %jit3A = arith.constant 32 : i32
    %broadcast_in_dim3A_186 = vector.broadcast %jit3A : i32 to vector<32x2048xi32>
    %select_n3A = arith.select %eq3A_185, %iota3A, %broadcast_in_dim3A_186 : vector<32x2048xi1>, vector<32x2048xi32>
    %reduce_min3A = arith.constant dense<2147483647> : vector<2048xi32>
    %reduce_min3A_187 = vector.multi_reduction <minsi>, %select_n3A, %reduce_min3A [0] : vector<32x2048xi32> to vector<2048xi32>
    %broadcast_in_dim3A_188 = vector.shape_cast %reduce_min3A_187 : vector<2048xi32> to vector<1x2048xi32>
    %add3A_189 = arith.addf %broadcast_in_dim3A_181, %broadcast_in_dim3A_184 : vector<1x2048xf32>
    %eq3A_190 = vector.broadcast %broadcast_in_dim3A_188 : vector<1x2048xi32> to vector<32x2048xi32>
    %eq3A_191 = arith.cmpi eq, %iota3A, %eq3A_190 : vector<32x2048xi32>
    %jit3A_192 = arith.constant -1.000000e+30 : f32
    %broadcast_in_dim3A_193 = vector.broadcast %jit3A_192 : f32 to vector<32x2048xf32>
    %select_n3A_194 = arith.select %eq3A_191, %broadcast_in_dim3A_193, %max3A_171 : vector<32x2048xi1>, vector<32x2048xf32>
    %reduce_max3A_195 = arith.constant dense<0xFF800000> : vector<2048xf32>
    %reduce_max3A_196 = vector.multi_reduction <maximumf>, %select_n3A_194, %reduce_max3A_195 [0] : vector<32x2048xf32> to vector<2048xf32>
    %broadcast_in_dim3A_197 = vector.shape_cast %reduce_max3A_196 : vector<2048xf32> to vector<1x2048xf32>
    %eq3A_198 = vector.broadcast %broadcast_in_dim3A_197 : vector<1x2048xf32> to vector<32x2048xf32>
    %eq3A_199 = arith.cmpf oeq, %select_n3A_194, %eq3A_198 : vector<32x2048xf32>
    %jit3A_200 = arith.constant 32 : i32
    %broadcast_in_dim3A_201 = vector.broadcast %jit3A_200 : i32 to vector<32x2048xi32>
    %select_n3A_202 = arith.select %eq3A_199, %iota3A, %broadcast_in_dim3A_201 : vector<32x2048xi1>, vector<32x2048xi32>
    %reduce_min3A_203 = arith.constant dense<2147483647> : vector<2048xi32>
    %reduce_min3A_204 = vector.multi_reduction <minsi>, %select_n3A_202, %reduce_min3A_203 [0] : vector<32x2048xi32> to vector<2048xi32>
    %broadcast_in_dim3A_205 = vector.shape_cast %reduce_min3A_204 : vector<2048xi32> to vector<1x2048xi32>
    %add3A_206 = arith.addf %add3A_189, %broadcast_in_dim3A_197 : vector<1x2048xf32>
    %eq3A_207 = vector.broadcast %broadcast_in_dim3A_205 : vector<1x2048xi32> to vector<32x2048xi32>
    %eq3A_208 = arith.cmpi eq, %iota3A, %eq3A_207 : vector<32x2048xi32>
    %jit3A_209 = arith.constant -1.000000e+30 : f32
    %broadcast_in_dim3A_210 = vector.broadcast %jit3A_209 : f32 to vector<32x2048xf32>
    %select_n3A_211 = arith.select %eq3A_208, %broadcast_in_dim3A_210, %select_n3A_194 : vector<32x2048xi1>, vector<32x2048xf32>
    %reduce_max3A_212 = arith.constant dense<0xFF800000> : vector<2048xf32>
    %reduce_max3A_213 = vector.multi_reduction <maximumf>, %select_n3A_211, %reduce_max3A_212 [0] : vector<32x2048xf32> to vector<2048xf32>
    %broadcast_in_dim3A_214 = vector.shape_cast %reduce_max3A_213 : vector<2048xf32> to vector<1x2048xf32>
    %eq3A_215 = vector.broadcast %broadcast_in_dim3A_214 : vector<1x2048xf32> to vector<32x2048xf32>
    %eq3A_216 = arith.cmpf oeq, %select_n3A_211, %eq3A_215 : vector<32x2048xf32>
    %jit3A_217 = arith.constant 32 : i32
    %broadcast_in_dim3A_218 = vector.broadcast %jit3A_217 : i32 to vector<32x2048xi32>
    %select_n3A_219 = arith.select %eq3A_216, %iota3A, %broadcast_in_dim3A_218 : vector<32x2048xi1>, vector<32x2048xi32>
    %reduce_min3A_220 = arith.constant dense<2147483647> : vector<2048xi32>
    %reduce_min3A_221 = vector.multi_reduction <minsi>, %select_n3A_219, %reduce_min3A_220 [0] : vector<32x2048xi32> to vector<2048xi32>
    %broadcast_in_dim3A_222 = vector.shape_cast %reduce_min3A_221 : vector<2048xi32> to vector<1x2048xi32>
    %add3A_223 = arith.addf %add3A_206, %broadcast_in_dim3A_214 : vector<1x2048xf32>
    %eq3A_224 = vector.broadcast %broadcast_in_dim3A_222 : vector<1x2048xi32> to vector<32x2048xi32>
    %eq3A_225 = arith.cmpi eq, %iota3A, %eq3A_224 : vector<32x2048xi32>
    %jit3A_226 = arith.constant -1.000000e+30 : f32
    %broadcast_in_dim3A_227 = vector.broadcast %jit3A_226 : f32 to vector<32x2048xf32>
    %select_n3A_228 = arith.select %eq3A_225, %broadcast_in_dim3A_227, %select_n3A_211 : vector<32x2048xi1>, vector<32x2048xf32>
    %reduce_max3A_229 = arith.constant dense<0xFF800000> : vector<2048xf32>
    %reduce_max3A_230 = vector.multi_reduction <maximumf>, %select_n3A_228, %reduce_max3A_229 [0] : vector<32x2048xf32> to vector<2048xf32>
    %broadcast_in_dim3A_231 = vector.shape_cast %reduce_max3A_230 : vector<2048xf32> to vector<1x2048xf32>
    %eq3A_232 = vector.broadcast %broadcast_in_dim3A_231 : vector<1x2048xf32> to vector<32x2048xf32>
    %eq3A_233 = arith.cmpf oeq, %select_n3A_228, %eq3A_232 : vector<32x2048xf32>
    %jit3A_234 = arith.constant 32 : i32
    %broadcast_in_dim3A_235 = vector.broadcast %jit3A_234 : i32 to vector<32x2048xi32>
    %select_n3A_236 = arith.select %eq3A_233, %iota3A, %broadcast_in_dim3A_235 : vector<32x2048xi1>, vector<32x2048xi32>
    %reduce_min3A_237 = arith.constant dense<2147483647> : vector<2048xi32>
    %reduce_min3A_238 = vector.multi_reduction <minsi>, %select_n3A_236, %reduce_min3A_237 [0] : vector<32x2048xi32> to vector<2048xi32>
    %broadcast_in_dim3A_239 = vector.shape_cast %reduce_min3A_238 : vector<2048xi32> to vector<1x2048xi32>
    %add3A_240 = arith.addf %add3A_223, %broadcast_in_dim3A_231 : vector<1x2048xf32>
    %eq3A_241 = vector.broadcast %broadcast_in_dim3A_239 : vector<1x2048xi32> to vector<32x2048xi32>
    %eq3A_242 = arith.cmpi eq, %iota3A, %eq3A_241 : vector<32x2048xi32>
    %jit3A_243 = arith.constant -1.000000e+30 : f32
    %broadcast_in_dim3A_244 = vector.broadcast %jit3A_243 : f32 to vector<32x2048xf32>
    %select_n3A_245 = arith.select %eq3A_242, %broadcast_in_dim3A_244, %select_n3A_228 : vector<32x2048xi1>, vector<32x2048xf32>
    %reduce_max3A_246 = arith.constant dense<0xFF800000> : vector<2048xf32>
    %reduce_max3A_247 = vector.multi_reduction <maximumf>, %select_n3A_245, %reduce_max3A_246 [0] : vector<32x2048xf32> to vector<2048xf32>
    %broadcast_in_dim3A_248 = vector.shape_cast %reduce_max3A_247 : vector<2048xf32> to vector<1x2048xf32>
    %eq3A_249 = vector.broadcast %broadcast_in_dim3A_248 : vector<1x2048xf32> to vector<32x2048xf32>
    %eq3A_250 = arith.cmpf oeq, %select_n3A_245, %eq3A_249 : vector<32x2048xf32>
    %jit3A_251 = arith.constant 32 : i32
    %broadcast_in_dim3A_252 = vector.broadcast %jit3A_251 : i32 to vector<32x2048xi32>
    %select_n3A_253 = arith.select %eq3A_250, %iota3A, %broadcast_in_dim3A_252 : vector<32x2048xi1>, vector<32x2048xi32>
    %reduce_min3A_254 = arith.constant dense<2147483647> : vector<2048xi32>
    %reduce_min3A_255 = vector.multi_reduction <minsi>, %select_n3A_253, %reduce_min3A_254 [0] : vector<32x2048xi32> to vector<2048xi32>
    %broadcast_in_dim3A_256 = vector.shape_cast %reduce_min3A_255 : vector<2048xi32> to vector<1x2048xi32>
    %add3A_257 = arith.addf %add3A_240, %broadcast_in_dim3A_248 : vector<1x2048xf32>
    %eq3A_258 = vector.broadcast %broadcast_in_dim3A_256 : vector<1x2048xi32> to vector<32x2048xi32>
    %eq3A_259 = arith.cmpi eq, %iota3A, %eq3A_258 : vector<32x2048xi32>
    %jit3A_260 = arith.constant -1.000000e+30 : f32
    %broadcast_in_dim3A_261 = vector.broadcast %jit3A_260 : f32 to vector<32x2048xf32>
    %select_n3A_262 = arith.select %eq3A_259, %broadcast_in_dim3A_261, %select_n3A_245 : vector<32x2048xi1>, vector<32x2048xf32>
    %reduce_max3A_263 = arith.constant dense<0xFF800000> : vector<2048xf32>
    %reduce_max3A_264 = vector.multi_reduction <maximumf>, %select_n3A_262, %reduce_max3A_263 [0] : vector<32x2048xf32> to vector<2048xf32>
    %broadcast_in_dim3A_265 = vector.shape_cast %reduce_max3A_264 : vector<2048xf32> to vector<1x2048xf32>
    %add3A_266 = arith.addf %add3A_257, %broadcast_in_dim3A_265 : vector<1x2048xf32>
    %div3A_267 = arith.constant 6.000000e+00 : f32
    %div3A_268 = vector.broadcast %div3A_267 : f32 to vector<1x2048xf32>
    %div3A_269 = arith.divf %add3A_266, %div3A_268 : vector<1x2048xf32>
    %sub3A = vector.broadcast %div3A_177 : vector<1x2048xf32> to vector<32x2048xf32>
    %sub3A_270 = arith.subf %max3A_171, %sub3A : vector<32x2048xf32>
    %integer_pow3A = arith.mulf %sub3A_270, %sub3A_270 : vector<32x2048xf32>
    %reduce_sum3A_271 = arith.constant dense<0.000000e+00> : vector<2048xf32>
    %reduce_sum3A_272 = vector.multi_reduction <add>, %integer_pow3A, %reduce_sum3A_271 [0] : vector<32x2048xf32> to vector<2048xf32>
    %broadcast_in_dim3A_273 = vector.shape_cast %reduce_sum3A_272 : vector<2048xf32> to vector<1x2048xf32>
    %div3A_274 = arith.constant 3.100000e+01 : f32
    %div3A_275 = vector.broadcast %div3A_274 : f32 to vector<1x2048xf32>
    %div3A_276 = arith.divf %broadcast_in_dim3A_273, %div3A_275 : vector<1x2048xf32>
    %sqrt3A_277 = math.sqrt %div3A_276 : vector<1x2048xf32>
    %mul3A_278 = arith.constant 1.000000e+00 : f32
    %mul3A_279 = vector.broadcast %mul3A_278 : f32 to vector<1x2048xf32>
    %mul3A_280 = arith.mulf %mul3A_279, %div3A_177 : vector<1x2048xf32>
    %mul3A_281 = arith.constant 6.000000e-01 : f32
    %mul3A_282 = vector.broadcast %mul3A_281 : f32 to vector<1x2048xf32>
    %mul3A_283 = arith.mulf %mul3A_282, %broadcast_in_dim3A_179 : vector<1x2048xf32>
    %add3A_284 = arith.addf %mul3A_280, %mul3A_283 : vector<1x2048xf32>
    %mul3A_285 = arith.constant 4.000000e-01 : f32
    %mul3A_286 = vector.broadcast %mul3A_285 : f32 to vector<1x2048xf32>
    %mul3A_287 = arith.mulf %mul3A_286, %div3A_269 : vector<1x2048xf32>
    %add3A_288 = arith.addf %add3A_284, %mul3A_287 : vector<1x2048xf32>
    %mul3A_289 = arith.constant 2.000000e-01 : f32
    %mul3A_290 = vector.broadcast %mul3A_289 : f32 to vector<1x2048xf32>
    %mul3A_291 = arith.mulf %mul3A_290, %sqrt3A_277 : vector<1x2048xf32>
    %add3A_292 = arith.addf %add3A_288, %mul3A_291 : vector<1x2048xf32>
    %iota3A_293 = tpu.iota {dimensions = array<i32: 1>} : vector<1x2048xi32>
    %reduce_max3A_294 = vector.shape_cast %add3A_292 : vector<1x2048xf32> to vector<1x1x2048xf32>
    %reduce_max3A_295 = arith.constant dense<0xFF800000> : vector<1xf32>
    %reduce_max3A_296 = vector.multi_reduction <maximumf>, %reduce_max3A_294, %reduce_max3A_295 [1, 2] : vector<1x1x2048xf32> to vector<1xf32>
    %reduce_max3A_297 = vector.shape_cast %reduce_max3A_296 : vector<1xf32> to vector<1x1x1xf32>
    %reduce_max3A_298 = vector.extract %reduce_max3A_297[0, 0, 0] : f32 from vector<1x1x1xf32>
    %eq3A_299 = vector.broadcast %reduce_max3A_298 : f32 to vector<1x2048xf32>
    %eq3A_300 = arith.cmpf oeq, %add3A_292, %eq3A_299 : vector<1x2048xf32>
    %jit3A_301 = arith.constant 2048 : i32
    %broadcast_in_dim3A_302 = vector.broadcast %jit3A_301 : i32 to vector<1x2048xi32>
    %select_n3A_303 = arith.select %eq3A_300, %iota3A_293, %broadcast_in_dim3A_302 : vector<1x2048xi1>, vector<1x2048xi32>
    %reduce_min3A_304 = vector.shape_cast %select_n3A_303 : vector<1x2048xi32> to vector<1x1x2048xi32>
    %reduce_min3A_305 = arith.constant dense<2147483647> : vector<1xi32>
    %reduce_min3A_306 = vector.multi_reduction <minsi>, %reduce_min3A_304, %reduce_min3A_305 [1, 2] : vector<1x1x2048xi32> to vector<1xi32>
    %reduce_min3A_307 = vector.shape_cast %reduce_min3A_306 : vector<1xi32> to vector<1x1x1xi32>
    %reduce_min3A_308 = vector.extract %reduce_min3A_307[0, 0, 0] : i32 from vector<1x1x1xi32>
    %eq3A_309 = vector.broadcast %reduce_min3A_308 : i32 to vector<1x2048xi32>
    %eq3A_310 = arith.cmpi eq, %iota3A_293, %eq3A_309 : vector<1x2048xi32>
    %convert_element_type3A_311 = arith.extui %eq3A_310 : vector<1x2048xi1> to vector<1x2048xi32>
    %convert_element_type3A_312 = arith.sitofp %convert_element_type3A_311 : vector<1x2048xi32> to vector<1x2048xf32>
    %mul3A_313 = vector.broadcast %convert_element_type3A_312 : vector<1x2048xf32> to vector<32x2048xf32>
    %mul3A_314 = arith.mulf %mul3A_313, %max3A_171 : vector<32x2048xf32>
    %reduce_sum3A_315 = arith.constant dense<0.000000e+00> : vector<32xf32>
    %reduce_sum3A_316 = vector.multi_reduction <add>, %mul3A_314, %reduce_sum3A_315 [1] : vector<32x2048xf32> to vector<32xf32>
    %broadcast_in_dim3A_317 = vector.shape_cast %reduce_sum3A_316 : vector<32xf32> to vector<32x1xf32>
    %eq3A_318 = vector.broadcast %reduce_min3A_308 : i32 to vector<1x2048xi32>
    %eq3A_319 = arith.cmpi eq, %iota3A_293, %eq3A_318 : vector<1x2048xi32>
    %jit3A_320 = arith.constant -1.000000e+30 : f32
    %broadcast_in_dim3A_321 = vector.broadcast %jit3A_320 : f32 to vector<1x2048xf32>
    %select_n3A_322 = arith.select %eq3A_319, %broadcast_in_dim3A_321, %add3A_292 : vector<1x2048xi1>, vector<1x2048xf32>
    %reduce_max3A_323 = vector.shape_cast %select_n3A_322 : vector<1x2048xf32> to vector<1x1x2048xf32>
    %reduce_max3A_324 = arith.constant dense<0xFF800000> : vector<1xf32>
    %reduce_max3A_325 = vector.multi_reduction <maximumf>, %reduce_max3A_323, %reduce_max3A_324 [1, 2] : vector<1x1x2048xf32> to vector<1xf32>
    %reduce_max3A_326 = vector.shape_cast %reduce_max3A_325 : vector<1xf32> to vector<1x1x1xf32>
    %reduce_max3A_327 = vector.extract %reduce_max3A_326[0, 0, 0] : f32 from vector<1x1x1xf32>
    %eq3A_328 = vector.broadcast %reduce_max3A_327 : f32 to vector<1x2048xf32>
    %eq3A_329 = arith.cmpf oeq, %select_n3A_322, %eq3A_328 : vector<1x2048xf32>
    %jit3A_330 = arith.constant 2048 : i32
    %broadcast_in_dim3A_331 = vector.broadcast %jit3A_330 : i32 to vector<1x2048xi32>
    %select_n3A_332 = arith.select %eq3A_329, %iota3A_293, %broadcast_in_dim3A_331 : vector<1x2048xi1>, vector<1x2048xi32>
    %reduce_min3A_333 = vector.shape_cast %select_n3A_332 : vector<1x2048xi32> to vector<1x1x2048xi32>
    %reduce_min3A_334 = arith.constant dense<2147483647> : vector<1xi32>
    %reduce_min3A_335 = vector.multi_reduction <minsi>, %reduce_min3A_333, %reduce_min3A_334 [1, 2] : vector<1x1x2048xi32> to vector<1xi32>
    %reduce_min3A_336 = vector.shape_cast %reduce_min3A_335 : vector<1xi32> to vector<1x1x1xi32>
    %reduce_min3A_337 = vector.extract %reduce_min3A_336[0, 0, 0] : i32 from vector<1x1x1xi32>
    %eq3A_338 = vector.broadcast %reduce_min3A_337 : i32 to vector<1x2048xi32>
    %eq3A_339 = arith.cmpi eq, %iota3A_293, %eq3A_338 : vector<1x2048xi32>
    %convert_element_type3A_340 = arith.extui %eq3A_339 : vector<1x2048xi1> to vector<1x2048xi32>
    %convert_element_type3A_341 = arith.sitofp %convert_element_type3A_340 : vector<1x2048xi32> to vector<1x2048xf32>
    %mul3A_342 = vector.broadcast %convert_element_type3A_341 : vector<1x2048xf32> to vector<32x2048xf32>
    %mul3A_343 = arith.mulf %mul3A_342, %max3A_171 : vector<32x2048xf32>
    %reduce_sum3A_344 = arith.constant dense<0.000000e+00> : vector<32xf32>
    %reduce_sum3A_345 = vector.multi_reduction <add>, %mul3A_343, %reduce_sum3A_344 [1] : vector<32x2048xf32> to vector<32xf32>
    %broadcast_in_dim3A_346 = vector.shape_cast %reduce_sum3A_345 : vector<32xf32> to vector<32x1xf32>
    %eq3A_347 = vector.broadcast %reduce_min3A_337 : i32 to vector<1x2048xi32>
    %eq3A_348 = arith.cmpi eq, %iota3A_293, %eq3A_347 : vector<1x2048xi32>
    %jit3A_349 = arith.constant -1.000000e+30 : f32
    %broadcast_in_dim3A_350 = vector.broadcast %jit3A_349 : f32 to vector<1x2048xf32>
    %select_n3A_351 = arith.select %eq3A_348, %broadcast_in_dim3A_350, %select_n3A_322 : vector<1x2048xi1>, vector<1x2048xf32>
    %reduce_max3A_352 = vector.shape_cast %select_n3A_351 : vector<1x2048xf32> to vector<1x1x2048xf32>
    %reduce_max3A_353 = arith.constant dense<0xFF800000> : vector<1xf32>
    %reduce_max3A_354 = vector.multi_reduction <maximumf>, %reduce_max3A_352, %reduce_max3A_353 [1, 2] : vector<1x1x2048xf32> to vector<1xf32>
    %reduce_max3A_355 = vector.shape_cast %reduce_max3A_354 : vector<1xf32> to vector<1x1x1xf32>
    %reduce_max3A_356 = vector.extract %reduce_max3A_355[0, 0, 0] : f32 from vector<1x1x1xf32>
    %eq3A_357 = vector.broadcast %reduce_max3A_356 : f32 to vector<1x2048xf32>
    %eq3A_358 = arith.cmpf oeq, %select_n3A_351, %eq3A_357 : vector<1x2048xf32>
    %jit3A_359 = arith.constant 2048 : i32
    %broadcast_in_dim3A_360 = vector.broadcast %jit3A_359 : i32 to vector<1x2048xi32>
    %select_n3A_361 = arith.select %eq3A_358, %iota3A_293, %broadcast_in_dim3A_360 : vector<1x2048xi1>, vector<1x2048xi32>
    %reduce_min3A_362 = vector.shape_cast %select_n3A_361 : vector<1x2048xi32> to vector<1x1x2048xi32>
    %reduce_min3A_363 = arith.constant dense<2147483647> : vector<1xi32>
    %reduce_min3A_364 = vector.multi_reduction <minsi>, %reduce_min3A_362, %reduce_min3A_363 [1, 2] : vector<1x1x2048xi32> to vector<1xi32>
    %reduce_min3A_365 = vector.shape_cast %reduce_min3A_364 : vector<1xi32> to vector<1x1x1xi32>
    %reduce_min3A_366 = vector.extract %reduce_min3A_365[0, 0, 0] : i32 from vector<1x1x1xi32>
    %eq3A_367 = vector.broadcast %reduce_min3A_366 : i32 to vector<1x2048xi32>
    %eq3A_368 = arith.cmpi eq, %iota3A_293, %eq3A_367 : vector<1x2048xi32>
    %convert_element_type3A_369 = arith.extui %eq3A_368 : vector<1x2048xi1> to vector<1x2048xi32>
    %convert_element_type3A_370 = arith.sitofp %convert_element_type3A_369 : vector<1x2048xi32> to vector<1x2048xf32>
    %mul3A_371 = vector.broadcast %convert_element_type3A_370 : vector<1x2048xf32> to vector<32x2048xf32>
    %mul3A_372 = arith.mulf %mul3A_371, %max3A_171 : vector<32x2048xf32>
    %reduce_sum3A_373 = arith.constant dense<0.000000e+00> : vector<32xf32>
    %reduce_sum3A_374 = vector.multi_reduction <add>, %mul3A_372, %reduce_sum3A_373 [1] : vector<32x2048xf32> to vector<32xf32>
    %broadcast_in_dim3A_375 = vector.shape_cast %reduce_sum3A_374 : vector<32xf32> to vector<32x1xf32>
    %eq3A_376 = vector.broadcast %reduce_min3A_366 : i32 to vector<1x2048xi32>
    %eq3A_377 = arith.cmpi eq, %iota3A_293, %eq3A_376 : vector<1x2048xi32>
    %jit3A_378 = arith.constant -1.000000e+30 : f32
    %broadcast_in_dim3A_379 = vector.broadcast %jit3A_378 : f32 to vector<1x2048xf32>
    %select_n3A_380 = arith.select %eq3A_377, %broadcast_in_dim3A_379, %select_n3A_351 : vector<1x2048xi1>, vector<1x2048xf32>
    %reduce_max3A_381 = vector.shape_cast %select_n3A_380 : vector<1x2048xf32> to vector<1x1x2048xf32>
    %reduce_max3A_382 = arith.constant dense<0xFF800000> : vector<1xf32>
    %reduce_max3A_383 = vector.multi_reduction <maximumf>, %reduce_max3A_381, %reduce_max3A_382 [1, 2] : vector<1x1x2048xf32> to vector<1xf32>
    %reduce_max3A_384 = vector.shape_cast %reduce_max3A_383 : vector<1xf32> to vector<1x1x1xf32>
    %reduce_max3A_385 = vector.extract %reduce_max3A_384[0, 0, 0] : f32 from vector<1x1x1xf32>
    %eq3A_386 = vector.broadcast %reduce_max3A_385 : f32 to vector<1x2048xf32>
    %eq3A_387 = arith.cmpf oeq, %select_n3A_380, %eq3A_386 : vector<1x2048xf32>
    %jit3A_388 = arith.constant 2048 : i32
    %broadcast_in_dim3A_389 = vector.broadcast %jit3A_388 : i32 to vector<1x2048xi32>
    %select_n3A_390 = arith.select %eq3A_387, %iota3A_293, %broadcast_in_dim3A_389 : vector<1x2048xi1>, vector<1x2048xi32>
    %reduce_min3A_391 = vector.shape_cast %select_n3A_390 : vector<1x2048xi32> to vector<1x1x2048xi32>
    %reduce_min3A_392 = arith.constant dense<2147483647> : vector<1xi32>
    %reduce_min3A_393 = vector.multi_reduction <minsi>, %reduce_min3A_391, %reduce_min3A_392 [1, 2] : vector<1x1x2048xi32> to vector<1xi32>
    %reduce_min3A_394 = vector.shape_cast %reduce_min3A_393 : vector<1xi32> to vector<1x1x1xi32>
    %reduce_min3A_395 = vector.extract %reduce_min3A_394[0, 0, 0] : i32 from vector<1x1x1xi32>
    %eq3A_396 = vector.broadcast %reduce_min3A_395 : i32 to vector<1x2048xi32>
    %eq3A_397 = arith.cmpi eq, %iota3A_293, %eq3A_396 : vector<1x2048xi32>
    %convert_element_type3A_398 = arith.extui %eq3A_397 : vector<1x2048xi1> to vector<1x2048xi32>
    %convert_element_type3A_399 = arith.sitofp %convert_element_type3A_398 : vector<1x2048xi32> to vector<1x2048xf32>
    %mul3A_400 = vector.broadcast %convert_element_type3A_399 : vector<1x2048xf32> to vector<32x2048xf32>
    %mul3A_401 = arith.mulf %mul3A_400, %max3A_171 : vector<32x2048xf32>
    %reduce_sum3A_402 = arith.constant dense<0.000000e+00> : vector<32xf32>
    %reduce_sum3A_403 = vector.multi_reduction <add>, %mul3A_401, %reduce_sum3A_402 [1] : vector<32x2048xf32> to vector<32xf32>
    %broadcast_in_dim3A_404 = vector.shape_cast %reduce_sum3A_403 : vector<32xf32> to vector<32x1xf32>
    %eq3A_405 = vector.broadcast %reduce_min3A_395 : i32 to vector<1x2048xi32>
    %eq3A_406 = arith.cmpi eq, %iota3A_293, %eq3A_405 : vector<1x2048xi32>
    %jit3A_407 = arith.constant -1.000000e+30 : f32
    %broadcast_in_dim3A_408 = vector.broadcast %jit3A_407 : f32 to vector<1x2048xf32>
    %select_n3A_409 = arith.select %eq3A_406, %broadcast_in_dim3A_408, %select_n3A_380 : vector<1x2048xi1>, vector<1x2048xf32>
    %reduce_max3A_410 = vector.shape_cast %select_n3A_409 : vector<1x2048xf32> to vector<1x1x2048xf32>
    %reduce_max3A_411 = arith.constant dense<0xFF800000> : vector<1xf32>
    %reduce_max3A_412 = vector.multi_reduction <maximumf>, %reduce_max3A_410, %reduce_max3A_411 [1, 2] : vector<1x1x2048xf32> to vector<1xf32>
    %reduce_max3A_413 = vector.shape_cast %reduce_max3A_412 : vector<1xf32> to vector<1x1x1xf32>
    %reduce_max3A_414 = vector.extract %reduce_max3A_413[0, 0, 0] : f32 from vector<1x1x1xf32>
    %eq3A_415 = vector.broadcast %reduce_max3A_414 : f32 to vector<1x2048xf32>
    %eq3A_416 = arith.cmpf oeq, %select_n3A_409, %eq3A_415 : vector<1x2048xf32>
    %jit3A_417 = arith.constant 2048 : i32
    %broadcast_in_dim3A_418 = vector.broadcast %jit3A_417 : i32 to vector<1x2048xi32>
    %select_n3A_419 = arith.select %eq3A_416, %iota3A_293, %broadcast_in_dim3A_418 : vector<1x2048xi1>, vector<1x2048xi32>
    %reduce_min3A_420 = vector.shape_cast %select_n3A_419 : vector<1x2048xi32> to vector<1x1x2048xi32>
    %reduce_min3A_421 = arith.constant dense<2147483647> : vector<1xi32>
    %reduce_min3A_422 = vector.multi_reduction <minsi>, %reduce_min3A_420, %reduce_min3A_421 [1, 2] : vector<1x1x2048xi32> to vector<1xi32>
    %reduce_min3A_423 = vector.shape_cast %reduce_min3A_422 : vector<1xi32> to vector<1x1x1xi32>
    %reduce_min3A_424 = vector.extract %reduce_min3A_423[0, 0, 0] : i32 from vector<1x1x1xi32>
    %eq3A_425 = vector.broadcast %reduce_min3A_424 : i32 to vector<1x2048xi32>
    %eq3A_426 = arith.cmpi eq, %iota3A_293, %eq3A_425 : vector<1x2048xi32>
    %convert_element_type3A_427 = arith.extui %eq3A_426 : vector<1x2048xi1> to vector<1x2048xi32>
    %convert_element_type3A_428 = arith.sitofp %convert_element_type3A_427 : vector<1x2048xi32> to vector<1x2048xf32>
    %mul3A_429 = vector.broadcast %convert_element_type3A_428 : vector<1x2048xf32> to vector<32x2048xf32>
    %mul3A_430 = arith.mulf %mul3A_429, %max3A_171 : vector<32x2048xf32>
    %reduce_sum3A_431 = arith.constant dense<0.000000e+00> : vector<32xf32>
    %reduce_sum3A_432 = vector.multi_reduction <add>, %mul3A_430, %reduce_sum3A_431 [1] : vector<32x2048xf32> to vector<32xf32>
    %broadcast_in_dim3A_433 = vector.shape_cast %reduce_sum3A_432 : vector<32xf32> to vector<32x1xf32>
    %eq3A_434 = vector.broadcast %reduce_min3A_424 : i32 to vector<1x2048xi32>
    %eq3A_435 = arith.cmpi eq, %iota3A_293, %eq3A_434 : vector<1x2048xi32>
    %jit3A_436 = arith.constant -1.000000e+30 : f32
    %broadcast_in_dim3A_437 = vector.broadcast %jit3A_436 : f32 to vector<1x2048xf32>
    %select_n3A_438 = arith.select %eq3A_435, %broadcast_in_dim3A_437, %select_n3A_409 : vector<1x2048xi1>, vector<1x2048xf32>
    %reduce_max3A_439 = vector.shape_cast %select_n3A_438 : vector<1x2048xf32> to vector<1x1x2048xf32>
    %reduce_max3A_440 = arith.constant dense<0xFF800000> : vector<1xf32>
    %reduce_max3A_441 = vector.multi_reduction <maximumf>, %reduce_max3A_439, %reduce_max3A_440 [1, 2] : vector<1x1x2048xf32> to vector<1xf32>
    %reduce_max3A_442 = vector.shape_cast %reduce_max3A_441 : vector<1xf32> to vector<1x1x1xf32>
    %reduce_max3A_443 = vector.extract %reduce_max3A_442[0, 0, 0] : f32 from vector<1x1x1xf32>
    %eq3A_444 = vector.broadcast %reduce_max3A_443 : f32 to vector<1x2048xf32>
    %eq3A_445 = arith.cmpf oeq, %select_n3A_438, %eq3A_444 : vector<1x2048xf32>
    %jit3A_446 = arith.constant 2048 : i32
    %broadcast_in_dim3A_447 = vector.broadcast %jit3A_446 : i32 to vector<1x2048xi32>
    %select_n3A_448 = arith.select %eq3A_445, %iota3A_293, %broadcast_in_dim3A_447 : vector<1x2048xi1>, vector<1x2048xi32>
    %reduce_min3A_449 = vector.shape_cast %select_n3A_448 : vector<1x2048xi32> to vector<1x1x2048xi32>
    %reduce_min3A_450 = arith.constant dense<2147483647> : vector<1xi32>
    %reduce_min3A_451 = vector.multi_reduction <minsi>, %reduce_min3A_449, %reduce_min3A_450 [1, 2] : vector<1x1x2048xi32> to vector<1xi32>
    %reduce_min3A_452 = vector.shape_cast %reduce_min3A_451 : vector<1xi32> to vector<1x1x1xi32>
    %reduce_min3A_453 = vector.extract %reduce_min3A_452[0, 0, 0] : i32 from vector<1x1x1xi32>
    %eq3A_454 = vector.broadcast %reduce_min3A_453 : i32 to vector<1x2048xi32>
    %eq3A_455 = arith.cmpi eq, %iota3A_293, %eq3A_454 : vector<1x2048xi32>
    %convert_element_type3A_456 = arith.extui %eq3A_455 : vector<1x2048xi1> to vector<1x2048xi32>
    %convert_element_type3A_457 = arith.sitofp %convert_element_type3A_456 : vector<1x2048xi32> to vector<1x2048xf32>
    %mul3A_458 = vector.broadcast %convert_element_type3A_457 : vector<1x2048xf32> to vector<32x2048xf32>
    %mul3A_459 = arith.mulf %mul3A_458, %max3A_171 : vector<32x2048xf32>
    %reduce_sum3A_460 = arith.constant dense<0.000000e+00> : vector<32xf32>
    %reduce_sum3A_461 = vector.multi_reduction <add>, %mul3A_459, %reduce_sum3A_460 [1] : vector<32x2048xf32> to vector<32xf32>
    %broadcast_in_dim3A_462 = vector.shape_cast %reduce_sum3A_461 : vector<32xf32> to vector<32x1xf32>
    %eq3A_463 = vector.broadcast %reduce_min3A_453 : i32 to vector<1x2048xi32>
    %eq3A_464 = arith.cmpi eq, %iota3A_293, %eq3A_463 : vector<1x2048xi32>
    %jit3A_465 = arith.constant -1.000000e+30 : f32
    %broadcast_in_dim3A_466 = vector.broadcast %jit3A_465 : f32 to vector<1x2048xf32>
    %select_n3A_467 = arith.select %eq3A_464, %broadcast_in_dim3A_466, %select_n3A_438 : vector<1x2048xi1>, vector<1x2048xf32>
    %reduce_max3A_468 = vector.shape_cast %select_n3A_467 : vector<1x2048xf32> to vector<1x1x2048xf32>
    %reduce_max3A_469 = arith.constant dense<0xFF800000> : vector<1xf32>
    %reduce_max3A_470 = vector.multi_reduction <maximumf>, %reduce_max3A_468, %reduce_max3A_469 [1, 2] : vector<1x1x2048xf32> to vector<1xf32>
    %reduce_max3A_471 = vector.shape_cast %reduce_max3A_470 : vector<1xf32> to vector<1x1x1xf32>
    %reduce_max3A_472 = vector.extract %reduce_max3A_471[0, 0, 0] : f32 from vector<1x1x1xf32>
    %eq3A_473 = vector.broadcast %reduce_max3A_472 : f32 to vector<1x2048xf32>
    %eq3A_474 = arith.cmpf oeq, %select_n3A_467, %eq3A_473 : vector<1x2048xf32>
    %jit3A_475 = arith.constant 2048 : i32
    %broadcast_in_dim3A_476 = vector.broadcast %jit3A_475 : i32 to vector<1x2048xi32>
    %select_n3A_477 = arith.select %eq3A_474, %iota3A_293, %broadcast_in_dim3A_476 : vector<1x2048xi1>, vector<1x2048xi32>
    %reduce_min3A_478 = vector.shape_cast %select_n3A_477 : vector<1x2048xi32> to vector<1x1x2048xi32>
    %reduce_min3A_479 = arith.constant dense<2147483647> : vector<1xi32>
    %reduce_min3A_480 = vector.multi_reduction <minsi>, %reduce_min3A_478, %reduce_min3A_479 [1, 2] : vector<1x1x2048xi32> to vector<1xi32>
    %reduce_min3A_481 = vector.shape_cast %reduce_min3A_480 : vector<1xi32> to vector<1x1x1xi32>
    %reduce_min3A_482 = vector.extract %reduce_min3A_481[0, 0, 0] : i32 from vector<1x1x1xi32>
    %eq3A_483 = vector.broadcast %reduce_min3A_482 : i32 to vector<1x2048xi32>
    %eq3A_484 = arith.cmpi eq, %iota3A_293, %eq3A_483 : vector<1x2048xi32>
    %convert_element_type3A_485 = arith.extui %eq3A_484 : vector<1x2048xi1> to vector<1x2048xi32>
    %convert_element_type3A_486 = arith.sitofp %convert_element_type3A_485 : vector<1x2048xi32> to vector<1x2048xf32>
    %mul3A_487 = vector.broadcast %convert_element_type3A_486 : vector<1x2048xf32> to vector<32x2048xf32>
    %mul3A_488 = arith.mulf %mul3A_487, %max3A_171 : vector<32x2048xf32>
    %reduce_sum3A_489 = arith.constant dense<0.000000e+00> : vector<32xf32>
    %reduce_sum3A_490 = vector.multi_reduction <add>, %mul3A_488, %reduce_sum3A_489 [1] : vector<32x2048xf32> to vector<32xf32>
    %broadcast_in_dim3A_491 = vector.shape_cast %reduce_sum3A_490 : vector<32xf32> to vector<32x1xf32>
    %eq3A_492 = vector.broadcast %reduce_min3A_482 : i32 to vector<1x2048xi32>
    %eq3A_493 = arith.cmpi eq, %iota3A_293, %eq3A_492 : vector<1x2048xi32>
    %jit3A_494 = arith.constant -1.000000e+30 : f32
    %broadcast_in_dim3A_495 = vector.broadcast %jit3A_494 : f32 to vector<1x2048xf32>
    %select_n3A_496 = arith.select %eq3A_493, %broadcast_in_dim3A_495, %select_n3A_467 : vector<1x2048xi1>, vector<1x2048xf32>
    %reduce_max3A_497 = vector.shape_cast %select_n3A_496 : vector<1x2048xf32> to vector<1x1x2048xf32>
    %reduce_max3A_498 = arith.constant dense<0xFF800000> : vector<1xf32>
    %reduce_max3A_499 = vector.multi_reduction <maximumf>, %reduce_max3A_497, %reduce_max3A_498 [1, 2] : vector<1x1x2048xf32> to vector<1xf32>
    %reduce_max3A_500 = vector.shape_cast %reduce_max3A_499 : vector<1xf32> to vector<1x1x1xf32>
    %reduce_max3A_501 = vector.extract %reduce_max3A_500[0, 0, 0] : f32 from vector<1x1x1xf32>
    %eq3A_502 = vector.broadcast %reduce_max3A_501 : f32 to vector<1x2048xf32>
    %eq3A_503 = arith.cmpf oeq, %select_n3A_496, %eq3A_502 : vector<1x2048xf32>
    %jit3A_504 = arith.constant 2048 : i32
    %broadcast_in_dim3A_505 = vector.broadcast %jit3A_504 : i32 to vector<1x2048xi32>
    %select_n3A_506 = arith.select %eq3A_503, %iota3A_293, %broadcast_in_dim3A_505 : vector<1x2048xi1>, vector<1x2048xi32>
    %reduce_min3A_507 = vector.shape_cast %select_n3A_506 : vector<1x2048xi32> to vector<1x1x2048xi32>
    %reduce_min3A_508 = arith.constant dense<2147483647> : vector<1xi32>
    %reduce_min3A_509 = vector.multi_reduction <minsi>, %reduce_min3A_507, %reduce_min3A_508 [1, 2] : vector<1x1x2048xi32> to vector<1xi32>
    %reduce_min3A_510 = vector.shape_cast %reduce_min3A_509 : vector<1xi32> to vector<1x1x1xi32>
    %reduce_min3A_511 = vector.extract %reduce_min3A_510[0, 0, 0] : i32 from vector<1x1x1xi32>
    %eq3A_512 = vector.broadcast %reduce_min3A_511 : i32 to vector<1x2048xi32>
    %eq3A_513 = arith.cmpi eq, %iota3A_293, %eq3A_512 : vector<1x2048xi32>
    %convert_element_type3A_514 = arith.extui %eq3A_513 : vector<1x2048xi1> to vector<1x2048xi32>
    %convert_element_type3A_515 = arith.sitofp %convert_element_type3A_514 : vector<1x2048xi32> to vector<1x2048xf32>
    %mul3A_516 = vector.broadcast %convert_element_type3A_515 : vector<1x2048xf32> to vector<32x2048xf32>
    %mul3A_517 = arith.mulf %mul3A_516, %max3A_171 : vector<32x2048xf32>
    %reduce_sum3A_518 = arith.constant dense<0.000000e+00> : vector<32xf32>
    %reduce_sum3A_519 = vector.multi_reduction <add>, %mul3A_517, %reduce_sum3A_518 [1] : vector<32x2048xf32> to vector<32xf32>
    %broadcast_in_dim3A_520 = vector.shape_cast %reduce_sum3A_519 : vector<32xf32> to vector<32x1xf32>
    %eq3A_521 = vector.broadcast %reduce_min3A_511 : i32 to vector<1x2048xi32>
    %eq3A_522 = arith.cmpi eq, %iota3A_293, %eq3A_521 : vector<1x2048xi32>
    %jit3A_523 = arith.constant -1.000000e+30 : f32
    %broadcast_in_dim3A_524 = vector.broadcast %jit3A_523 : f32 to vector<1x2048xf32>
    %select_n3A_525 = arith.select %eq3A_522, %broadcast_in_dim3A_524, %select_n3A_496 : vector<1x2048xi1>, vector<1x2048xf32>
    %reduce_max3A_526 = vector.shape_cast %select_n3A_525 : vector<1x2048xf32> to vector<1x1x2048xf32>
    %reduce_max3A_527 = arith.constant dense<0xFF800000> : vector<1xf32>
    %reduce_max3A_528 = vector.multi_reduction <maximumf>, %reduce_max3A_526, %reduce_max3A_527 [1, 2] : vector<1x1x2048xf32> to vector<1xf32>
    %reduce_max3A_529 = vector.shape_cast %reduce_max3A_528 : vector<1xf32> to vector<1x1x1xf32>
    %reduce_max3A_530 = vector.extract %reduce_max3A_529[0, 0, 0] : f32 from vector<1x1x1xf32>
    %eq3A_531 = vector.broadcast %reduce_max3A_530 : f32 to vector<1x2048xf32>
    %eq3A_532 = arith.cmpf oeq, %select_n3A_525, %eq3A_531 : vector<1x2048xf32>
    %jit3A_533 = arith.constant 2048 : i32
    %broadcast_in_dim3A_534 = vector.broadcast %jit3A_533 : i32 to vector<1x2048xi32>
    %select_n3A_535 = arith.select %eq3A_532, %iota3A_293, %broadcast_in_dim3A_534 : vector<1x2048xi1>, vector<1x2048xi32>
    %reduce_min3A_536 = vector.shape_cast %select_n3A_535 : vector<1x2048xi32> to vector<1x1x2048xi32>
    %reduce_min3A_537 = arith.constant dense<2147483647> : vector<1xi32>
    %reduce_min3A_538 = vector.multi_reduction <minsi>, %reduce_min3A_536, %reduce_min3A_537 [1, 2] : vector<1x1x2048xi32> to vector<1xi32>
    %reduce_min3A_539 = vector.shape_cast %reduce_min3A_538 : vector<1xi32> to vector<1x1x1xi32>
    %reduce_min3A_540 = vector.extract %reduce_min3A_539[0, 0, 0] : i32 from vector<1x1x1xi32>
    %eq3A_541 = vector.broadcast %reduce_min3A_540 : i32 to vector<1x2048xi32>
    %eq3A_542 = arith.cmpi eq, %iota3A_293, %eq3A_541 : vector<1x2048xi32>
    %convert_element_type3A_543 = arith.extui %eq3A_542 : vector<1x2048xi1> to vector<1x2048xi32>
    %convert_element_type3A_544 = arith.sitofp %convert_element_type3A_543 : vector<1x2048xi32> to vector<1x2048xf32>
    %mul3A_545 = vector.broadcast %convert_element_type3A_544 : vector<1x2048xf32> to vector<32x2048xf32>
    %mul3A_546 = arith.mulf %mul3A_545, %max3A_171 : vector<32x2048xf32>
    %reduce_sum3A_547 = arith.constant dense<0.000000e+00> : vector<32xf32>
    %reduce_sum3A_548 = vector.multi_reduction <add>, %mul3A_546, %reduce_sum3A_547 [1] : vector<32x2048xf32> to vector<32xf32>
    %broadcast_in_dim3A_549 = vector.shape_cast %reduce_sum3A_548 : vector<32xf32> to vector<32x1xf32>
    %eq3A_550 = vector.broadcast %reduce_min3A_540 : i32 to vector<1x2048xi32>
    %eq3A_551 = arith.cmpi eq, %iota3A_293, %eq3A_550 : vector<1x2048xi32>
    %jit3A_552 = arith.constant -1.000000e+30 : f32
    %broadcast_in_dim3A_553 = vector.broadcast %jit3A_552 : f32 to vector<1x2048xf32>
    %select_n3A_554 = arith.select %eq3A_551, %broadcast_in_dim3A_553, %select_n3A_525 : vector<1x2048xi1>, vector<1x2048xf32>
    %reduce_max3A_555 = vector.shape_cast %select_n3A_554 : vector<1x2048xf32> to vector<1x1x2048xf32>
    %reduce_max3A_556 = arith.constant dense<0xFF800000> : vector<1xf32>
    %reduce_max3A_557 = vector.multi_reduction <maximumf>, %reduce_max3A_555, %reduce_max3A_556 [1, 2] : vector<1x1x2048xf32> to vector<1xf32>
    %reduce_max3A_558 = vector.shape_cast %reduce_max3A_557 : vector<1xf32> to vector<1x1x1xf32>
    %reduce_max3A_559 = vector.extract %reduce_max3A_558[0, 0, 0] : f32 from vector<1x1x1xf32>
    %eq3A_560 = vector.broadcast %reduce_max3A_559 : f32 to vector<1x2048xf32>
    %eq3A_561 = arith.cmpf oeq, %select_n3A_554, %eq3A_560 : vector<1x2048xf32>
    %jit3A_562 = arith.constant 2048 : i32
    %broadcast_in_dim3A_563 = vector.broadcast %jit3A_562 : i32 to vector<1x2048xi32>
    %select_n3A_564 = arith.select %eq3A_561, %iota3A_293, %broadcast_in_dim3A_563 : vector<1x2048xi1>, vector<1x2048xi32>
    %reduce_min3A_565 = vector.shape_cast %select_n3A_564 : vector<1x2048xi32> to vector<1x1x2048xi32>
    %reduce_min3A_566 = arith.constant dense<2147483647> : vector<1xi32>
    %reduce_min3A_567 = vector.multi_reduction <minsi>, %reduce_min3A_565, %reduce_min3A_566 [1, 2] : vector<1x1x2048xi32> to vector<1xi32>
    %reduce_min3A_568 = vector.shape_cast %reduce_min3A_567 : vector<1xi32> to vector<1x1x1xi32>
    %reduce_min3A_569 = vector.extract %reduce_min3A_568[0, 0, 0] : i32 from vector<1x1x1xi32>
    %eq3A_570 = vector.broadcast %reduce_min3A_569 : i32 to vector<1x2048xi32>
    %eq3A_571 = arith.cmpi eq, %iota3A_293, %eq3A_570 : vector<1x2048xi32>
    %convert_element_type3A_572 = arith.extui %eq3A_571 : vector<1x2048xi1> to vector<1x2048xi32>
    %convert_element_type3A_573 = arith.sitofp %convert_element_type3A_572 : vector<1x2048xi32> to vector<1x2048xf32>
    %mul3A_574 = vector.broadcast %convert_element_type3A_573 : vector<1x2048xf32> to vector<32x2048xf32>
    %mul3A_575 = arith.mulf %mul3A_574, %max3A_171 : vector<32x2048xf32>
    %reduce_sum3A_576 = arith.constant dense<0.000000e+00> : vector<32xf32>
    %reduce_sum3A_577 = vector.multi_reduction <add>, %mul3A_575, %reduce_sum3A_576 [1] : vector<32x2048xf32> to vector<32xf32>
    %broadcast_in_dim3A_578 = vector.shape_cast %reduce_sum3A_577 : vector<32xf32> to vector<32x1xf32>
    %eq3A_579 = vector.broadcast %reduce_min3A_569 : i32 to vector<1x2048xi32>
    %eq3A_580 = arith.cmpi eq, %iota3A_293, %eq3A_579 : vector<1x2048xi32>
    %jit3A_581 = arith.constant -1.000000e+30 : f32
    %broadcast_in_dim3A_582 = vector.broadcast %jit3A_581 : f32 to vector<1x2048xf32>
    %select_n3A_583 = arith.select %eq3A_580, %broadcast_in_dim3A_582, %select_n3A_554 : vector<1x2048xi1>, vector<1x2048xf32>
    %reduce_max3A_584 = vector.shape_cast %select_n3A_583 : vector<1x2048xf32> to vector<1x1x2048xf32>
    %reduce_max3A_585 = arith.constant dense<0xFF800000> : vector<1xf32>
    %reduce_max3A_586 = vector.multi_reduction <maximumf>, %reduce_max3A_584, %reduce_max3A_585 [1, 2] : vector<1x1x2048xf32> to vector<1xf32>
    %reduce_max3A_587 = vector.shape_cast %reduce_max3A_586 : vector<1xf32> to vector<1x1x1xf32>
    %reduce_max3A_588 = vector.extract %reduce_max3A_587[0, 0, 0] : f32 from vector<1x1x1xf32>
    %eq3A_589 = vector.broadcast %reduce_max3A_588 : f32 to vector<1x2048xf32>
    %eq3A_590 = arith.cmpf oeq, %select_n3A_583, %eq3A_589 : vector<1x2048xf32>
    %jit3A_591 = arith.constant 2048 : i32
    %broadcast_in_dim3A_592 = vector.broadcast %jit3A_591 : i32 to vector<1x2048xi32>
    %select_n3A_593 = arith.select %eq3A_590, %iota3A_293, %broadcast_in_dim3A_592 : vector<1x2048xi1>, vector<1x2048xi32>
    %reduce_min3A_594 = vector.shape_cast %select_n3A_593 : vector<1x2048xi32> to vector<1x1x2048xi32>
    %reduce_min3A_595 = arith.constant dense<2147483647> : vector<1xi32>
    %reduce_min3A_596 = vector.multi_reduction <minsi>, %reduce_min3A_594, %reduce_min3A_595 [1, 2] : vector<1x1x2048xi32> to vector<1xi32>
    %reduce_min3A_597 = vector.shape_cast %reduce_min3A_596 : vector<1xi32> to vector<1x1x1xi32>
    %reduce_min3A_598 = vector.extract %reduce_min3A_597[0, 0, 0] : i32 from vector<1x1x1xi32>
    %eq3A_599 = vector.broadcast %reduce_min3A_598 : i32 to vector<1x2048xi32>
    %eq3A_600 = arith.cmpi eq, %iota3A_293, %eq3A_599 : vector<1x2048xi32>
    %convert_element_type3A_601 = arith.extui %eq3A_600 : vector<1x2048xi1> to vector<1x2048xi32>
    %convert_element_type3A_602 = arith.sitofp %convert_element_type3A_601 : vector<1x2048xi32> to vector<1x2048xf32>
    %mul3A_603 = vector.broadcast %convert_element_type3A_602 : vector<1x2048xf32> to vector<32x2048xf32>
    %mul3A_604 = arith.mulf %mul3A_603, %max3A_171 : vector<32x2048xf32>
    %reduce_sum3A_605 = arith.constant dense<0.000000e+00> : vector<32xf32>
    %reduce_sum3A_606 = vector.multi_reduction <add>, %mul3A_604, %reduce_sum3A_605 [1] : vector<32x2048xf32> to vector<32xf32>
    %broadcast_in_dim3A_607 = vector.shape_cast %reduce_sum3A_606 : vector<32xf32> to vector<32x1xf32>
    %eq3A_608 = vector.broadcast %reduce_min3A_598 : i32 to vector<1x2048xi32>
    %eq3A_609 = arith.cmpi eq, %iota3A_293, %eq3A_608 : vector<1x2048xi32>
    %jit3A_610 = arith.constant -1.000000e+30 : f32
    %broadcast_in_dim3A_611 = vector.broadcast %jit3A_610 : f32 to vector<1x2048xf32>
    %select_n3A_612 = arith.select %eq3A_609, %broadcast_in_dim3A_611, %select_n3A_583 : vector<1x2048xi1>, vector<1x2048xf32>
    %reduce_max3A_613 = vector.shape_cast %select_n3A_612 : vector<1x2048xf32> to vector<1x1x2048xf32>
    %reduce_max3A_614 = arith.constant dense<0xFF800000> : vector<1xf32>
    %reduce_max3A_615 = vector.multi_reduction <maximumf>, %reduce_max3A_613, %reduce_max3A_614 [1, 2] : vector<1x1x2048xf32> to vector<1xf32>
    %reduce_max3A_616 = vector.shape_cast %reduce_max3A_615 : vector<1xf32> to vector<1x1x1xf32>
    %reduce_max3A_617 = vector.extract %reduce_max3A_616[0, 0, 0] : f32 from vector<1x1x1xf32>
    %eq3A_618 = vector.broadcast %reduce_max3A_617 : f32 to vector<1x2048xf32>
    %eq3A_619 = arith.cmpf oeq, %select_n3A_612, %eq3A_618 : vector<1x2048xf32>
    %jit3A_620 = arith.constant 2048 : i32
    %broadcast_in_dim3A_621 = vector.broadcast %jit3A_620 : i32 to vector<1x2048xi32>
    %select_n3A_622 = arith.select %eq3A_619, %iota3A_293, %broadcast_in_dim3A_621 : vector<1x2048xi1>, vector<1x2048xi32>
    %reduce_min3A_623 = vector.shape_cast %select_n3A_622 : vector<1x2048xi32> to vector<1x1x2048xi32>
    %reduce_min3A_624 = arith.constant dense<2147483647> : vector<1xi32>
    %reduce_min3A_625 = vector.multi_reduction <minsi>, %reduce_min3A_623, %reduce_min3A_624 [1, 2] : vector<1x1x2048xi32> to vector<1xi32>
    %reduce_min3A_626 = vector.shape_cast %reduce_min3A_625 : vector<1xi32> to vector<1x1x1xi32>
    %reduce_min3A_627 = vector.extract %reduce_min3A_626[0, 0, 0] : i32 from vector<1x1x1xi32>
    %eq3A_628 = vector.broadcast %reduce_min3A_627 : i32 to vector<1x2048xi32>
    %eq3A_629 = arith.cmpi eq, %iota3A_293, %eq3A_628 : vector<1x2048xi32>
    %convert_element_type3A_630 = arith.extui %eq3A_629 : vector<1x2048xi1> to vector<1x2048xi32>
    %convert_element_type3A_631 = arith.sitofp %convert_element_type3A_630 : vector<1x2048xi32> to vector<1x2048xf32>
    %mul3A_632 = vector.broadcast %convert_element_type3A_631 : vector<1x2048xf32> to vector<32x2048xf32>
    %mul3A_633 = arith.mulf %mul3A_632, %max3A_171 : vector<32x2048xf32>
    %reduce_sum3A_634 = arith.constant dense<0.000000e+00> : vector<32xf32>
    %reduce_sum3A_635 = vector.multi_reduction <add>, %mul3A_633, %reduce_sum3A_634 [1] : vector<32x2048xf32> to vector<32xf32>
    %broadcast_in_dim3A_636 = vector.shape_cast %reduce_sum3A_635 : vector<32xf32> to vector<32x1xf32>
    %concatenate3A_637 = tpu.concatenate %broadcast_in_dim3A_317, %broadcast_in_dim3A_346, %broadcast_in_dim3A_375, %broadcast_in_dim3A_404, %broadcast_in_dim3A_433, %broadcast_in_dim3A_462, %broadcast_in_dim3A_491, %broadcast_in_dim3A_520, %broadcast_in_dim3A_549, %broadcast_in_dim3A_578, %broadcast_in_dim3A_607, %broadcast_in_dim3A_636 in 1 : vector<32x1xf32>, vector<32x1xf32>, vector<32x1xf32>, vector<32x1xf32>, vector<32x1xf32>, vector<32x1xf32>, vector<32x1xf32>, vector<32x1xf32>, vector<32x1xf32>, vector<32x1xf32>, vector<32x1xf32>, vector<32x1xf32> -> vector<32x12xf32>
    %iota3A_638 = tpu.iota {dimensions = array<i32: 1>} : vector<1x12xi32>
    %broadcast_in_dim3A_639 = arith.constant 0 : i32
    %broadcast_in_dim3A_640 = vector.broadcast %broadcast_in_dim3A_639 : i32 to vector<1x12xi32>
    %eq3A_641 = arith.constant 0 : i32
    %eq3A_642 = vector.broadcast %eq3A_641 : i32 to vector<1x12xi32>
    %eq3A_643 = arith.cmpi eq, %iota3A_638, %eq3A_642 : vector<1x12xi32>
    %broadcast_in_dim3A_644 = vector.broadcast %reduce_min3A_308 : i32 to vector<1x12xi32>
    %select_n3A_645 = arith.select %eq3A_643, %broadcast_in_dim3A_644, %broadcast_in_dim3A_640 : vector<1x12xi1>, vector<1x12xi32>
    %eq3A_646 = arith.constant 1 : i32
    %eq3A_647 = vector.broadcast %eq3A_646 : i32 to vector<1x12xi32>
    %eq3A_648 = arith.cmpi eq, %iota3A_638, %eq3A_647 : vector<1x12xi32>
    %broadcast_in_dim3A_649 = vector.broadcast %reduce_min3A_337 : i32 to vector<1x12xi32>
    %select_n3A_650 = arith.select %eq3A_648, %broadcast_in_dim3A_649, %select_n3A_645 : vector<1x12xi1>, vector<1x12xi32>
    %eq3A_651 = arith.constant 2 : i32
    %eq3A_652 = vector.broadcast %eq3A_651 : i32 to vector<1x12xi32>
    %eq3A_653 = arith.cmpi eq, %iota3A_638, %eq3A_652 : vector<1x12xi32>
    %broadcast_in_dim3A_654 = vector.broadcast %reduce_min3A_366 : i32 to vector<1x12xi32>
    %select_n3A_655 = arith.select %eq3A_653, %broadcast_in_dim3A_654, %select_n3A_650 : vector<1x12xi1>, vector<1x12xi32>
    %eq3A_656 = arith.constant 3 : i32
    %eq3A_657 = vector.broadcast %eq3A_656 : i32 to vector<1x12xi32>
    %eq3A_658 = arith.cmpi eq, %iota3A_638, %eq3A_657 : vector<1x12xi32>
    %broadcast_in_dim3A_659 = vector.broadcast %reduce_min3A_395 : i32 to vector<1x12xi32>
    %select_n3A_660 = arith.select %eq3A_658, %broadcast_in_dim3A_659, %select_n3A_655 : vector<1x12xi1>, vector<1x12xi32>
    %eq3A_661 = arith.constant 4 : i32
    %eq3A_662 = vector.broadcast %eq3A_661 : i32 to vector<1x12xi32>
    %eq3A_663 = arith.cmpi eq, %iota3A_638, %eq3A_662 : vector<1x12xi32>
    %broadcast_in_dim3A_664 = vector.broadcast %reduce_min3A_424 : i32 to vector<1x12xi32>
    %select_n3A_665 = arith.select %eq3A_663, %broadcast_in_dim3A_664, %select_n3A_660 : vector<1x12xi1>, vector<1x12xi32>
    %eq3A_666 = arith.constant 5 : i32
    %eq3A_667 = vector.broadcast %eq3A_666 : i32 to vector<1x12xi32>
    %eq3A_668 = arith.cmpi eq, %iota3A_638, %eq3A_667 : vector<1x12xi32>
    %broadcast_in_dim3A_669 = vector.broadcast %reduce_min3A_453 : i32 to vector<1x12xi32>
    %select_n3A_670 = arith.select %eq3A_668, %broadcast_in_dim3A_669, %select_n3A_665 : vector<1x12xi1>, vector<1x12xi32>
    %eq3A_671 = arith.constant 6 : i32
    %eq3A_672 = vector.broadcast %eq3A_671 : i32 to vector<1x12xi32>
    %eq3A_673 = arith.cmpi eq, %iota3A_638, %eq3A_672 : vector<1x12xi32>
    %broadcast_in_dim3A_674 = vector.broadcast %reduce_min3A_482 : i32 to vector<1x12xi32>
    %select_n3A_675 = arith.select %eq3A_673, %broadcast_in_dim3A_674, %select_n3A_670 : vector<1x12xi1>, vector<1x12xi32>
    %eq3A_676 = arith.constant 7 : i32
    %eq3A_677 = vector.broadcast %eq3A_676 : i32 to vector<1x12xi32>
    %eq3A_678 = arith.cmpi eq, %iota3A_638, %eq3A_677 : vector<1x12xi32>
    %broadcast_in_dim3A_679 = vector.broadcast %reduce_min3A_511 : i32 to vector<1x12xi32>
    %select_n3A_680 = arith.select %eq3A_678, %broadcast_in_dim3A_679, %select_n3A_675 : vector<1x12xi1>, vector<1x12xi32>
    %eq3A_681 = arith.constant 8 : i32
    %eq3A_682 = vector.broadcast %eq3A_681 : i32 to vector<1x12xi32>
    %eq3A_683 = arith.cmpi eq, %iota3A_638, %eq3A_682 : vector<1x12xi32>
    %broadcast_in_dim3A_684 = vector.broadcast %reduce_min3A_540 : i32 to vector<1x12xi32>
    %select_n3A_685 = arith.select %eq3A_683, %broadcast_in_dim3A_684, %select_n3A_680 : vector<1x12xi1>, vector<1x12xi32>
    %eq3A_686 = arith.constant 9 : i32
    %eq3A_687 = vector.broadcast %eq3A_686 : i32 to vector<1x12xi32>
    %eq3A_688 = arith.cmpi eq, %iota3A_638, %eq3A_687 : vector<1x12xi32>
    %broadcast_in_dim3A_689 = vector.broadcast %reduce_min3A_569 : i32 to vector<1x12xi32>
    %select_n3A_690 = arith.select %eq3A_688, %broadcast_in_dim3A_689, %select_n3A_685 : vector<1x12xi1>, vector<1x12xi32>
    %eq3A_691 = arith.constant 10 : i32
    %eq3A_692 = vector.broadcast %eq3A_691 : i32 to vector<1x12xi32>
    %eq3A_693 = arith.cmpi eq, %iota3A_638, %eq3A_692 : vector<1x12xi32>
    %broadcast_in_dim3A_694 = vector.broadcast %reduce_min3A_598 : i32 to vector<1x12xi32>
    %select_n3A_695 = arith.select %eq3A_693, %broadcast_in_dim3A_694, %select_n3A_690 : vector<1x12xi1>, vector<1x12xi32>
    %eq3A_696 = arith.constant 11 : i32
    %eq3A_697 = vector.broadcast %eq3A_696 : i32 to vector<1x12xi32>
    %eq3A_698 = arith.cmpi eq, %iota3A_638, %eq3A_697 : vector<1x12xi32>
    %broadcast_in_dim3A_699 = vector.broadcast %reduce_min3A_627 : i32 to vector<1x12xi32>
    %select_n3A_700 = arith.select %eq3A_698, %broadcast_in_dim3A_699, %select_n3A_695 : vector<1x12xi1>, vector<1x12xi32>
    %broadcast_in_dim3A_701 = arith.constant 0.000000e+00 : f32
    %broadcast_in_dim3A_702 = vector.broadcast %broadcast_in_dim3A_701 : f32 to vector<32x1xf32>
    %broadcast_in_dim3A_703 = arith.constant false
    %broadcast_in_dim3A_704 = vector.broadcast %broadcast_in_dim3A_703 : i1 to vector<1x12xi1>
    %sub3A_705 = vector.broadcast %broadcast_in_dim3A_702 : vector<32x1xf32> to vector<32x12xf32>
    %sub3A_706 = arith.subf %concatenate3A_637, %sub3A_705 : vector<32x12xf32>
    %max3A_707 = arith.constant 0.000000e+00 : f32
    %max3A_708 = vector.broadcast %max3A_707 : f32 to vector<32x12xf32>
    %max3A_709 = arith.maximumf %sub3A_706, %max3A_708 : vector<32x12xf32>
    %reduce_sum3A_710 = arith.constant dense<0.000000e+00> : vector<12xf32>
    %reduce_sum3A_711 = vector.multi_reduction <add>, %max3A_709, %reduce_sum3A_710 [0] : vector<32x12xf32> to vector<12xf32>
    %broadcast_in_dim3A_712 = vector.shape_cast %reduce_sum3A_711 : vector<12xf32> to vector<1x12xf32>
    %jit3A_713 = arith.constant -1.000000e+09 : f32
    %broadcast_in_dim3A_714 = vector.broadcast %jit3A_713 : f32 to vector<1x12xf32>
    %select_n3A_715 = arith.select %broadcast_in_dim3A_704, %broadcast_in_dim3A_714, %broadcast_in_dim3A_712 : vector<1x12xi1>, vector<1x12xf32>
    %reduce_max3A_716 = vector.shape_cast %select_n3A_715 : vector<1x12xf32> to vector<1x1x12xf32>
    %reduce_max3A_717 = arith.constant dense<0xFF800000> : vector<1xf32>
    %reduce_max3A_718 = vector.multi_reduction <maximumf>, %reduce_max3A_716, %reduce_max3A_717 [1, 2] : vector<1x1x12xf32> to vector<1xf32>
    %reduce_max3A_719 = vector.shape_cast %reduce_max3A_718 : vector<1xf32> to vector<1x1x1xf32>
    %reduce_max3A_720 = vector.extract %reduce_max3A_719[0, 0, 0] : f32 from vector<1x1x1xf32>
    %eq3A_721 = vector.broadcast %reduce_max3A_720 : f32 to vector<1x12xf32>
    %eq3A_722 = arith.cmpf oeq, %select_n3A_715, %eq3A_721 : vector<1x12xf32>
    %jit3A_723 = arith.constant 12 : i32
    %broadcast_in_dim3A_724 = vector.broadcast %jit3A_723 : i32 to vector<1x12xi32>
    %select_n3A_725 = arith.select %eq3A_722, %iota3A_638, %broadcast_in_dim3A_724 : vector<1x12xi1>, vector<1x12xi32>
    %reduce_min3A_726 = vector.shape_cast %select_n3A_725 : vector<1x12xi32> to vector<1x1x12xi32>
    %reduce_min3A_727 = arith.constant dense<2147483647> : vector<1xi32>
    %reduce_min3A_728 = vector.multi_reduction <minsi>, %reduce_min3A_726, %reduce_min3A_727 [1, 2] : vector<1x1x12xi32> to vector<1xi32>
    %reduce_min3A_729 = vector.shape_cast %reduce_min3A_728 : vector<1xi32> to vector<1x1x1xi32>
    %reduce_min3A_730 = vector.extract %reduce_min3A_729[0, 0, 0] : i32 from vector<1x1x1xi32>
    %eq3A_731 = vector.broadcast %reduce_min3A_730 : i32 to vector<1x12xi32>
    %eq3A_732 = arith.cmpi eq, %iota3A_638, %eq3A_731 : vector<1x12xi32>
    %jit3A_733 = arith.constant 0 : i32
    %broadcast_in_dim3A_734 = vector.broadcast %jit3A_733 : i32 to vector<1x12xi32>
    %select_n3A_735 = arith.select %eq3A_732, %select_n3A_700, %broadcast_in_dim3A_734 : vector<1x12xi1>, vector<1x12xi32>
    %reduce_sum3A_736 = vector.shape_cast %select_n3A_735 : vector<1x12xi32> to vector<1x1x12xi32>
    %reduce_sum3A_737 = arith.constant dense<0> : vector<1xi32>
    %reduce_sum3A_738 = vector.multi_reduction <add>, %reduce_sum3A_736, %reduce_sum3A_737 [1, 2] : vector<1x1x12xi32> to vector<1xi32>
    %reduce_sum3A_739 = vector.shape_cast %reduce_sum3A_738 : vector<1xi32> to vector<1x1x1xi32>
    %reduce_sum3A_740 = vector.extract %reduce_sum3A_739[0, 0, 0] : i32 from vector<1x1x1xi32>
    %or3A = arith.ori %broadcast_in_dim3A_704, %eq3A_732 : vector<1x12xi1>
    %jit3A_741 = arith.constant 0.000000e+00 : f32
    %broadcast_in_dim3A_742 = vector.shape_cast %eq3A_732 : vector<1x12xi1> to vector<1x12xi1>
    %broadcast_in_dim3A_743 = vector.broadcast %broadcast_in_dim3A_742 : vector<1x12xi1> to vector<32x12xi1>
    %broadcast_in_dim3A_744 = vector.broadcast %jit3A_741 : f32 to vector<32x12xf32>
    %select_n3A_745 = arith.select %broadcast_in_dim3A_743, %concatenate3A_637, %broadcast_in_dim3A_744 : vector<32x12xi1>, vector<32x12xf32>
    %reduce_sum3A_746 = arith.constant dense<0.000000e+00> : vector<32xf32>
    %reduce_sum3A_747 = vector.multi_reduction <add>, %select_n3A_745, %reduce_sum3A_746 [1] : vector<32x12xf32> to vector<32xf32>
    %broadcast_in_dim3A_748 = vector.shape_cast %reduce_sum3A_747 : vector<32xf32> to vector<32x1xf32>
    %max3A_749 = arith.maximumf %broadcast_in_dim3A_702, %broadcast_in_dim3A_748 : vector<32x1xf32>
    %sub3A_750 = vector.broadcast %max3A_749 : vector<32x1xf32> to vector<32x12xf32>
    %sub3A_751 = arith.subf %concatenate3A_637, %sub3A_750 : vector<32x12xf32>
    %max3A_752 = arith.constant 0.000000e+00 : f32
    %max3A_753 = vector.broadcast %max3A_752 : f32 to vector<32x12xf32>
    %max3A_754 = arith.maximumf %sub3A_751, %max3A_753 : vector<32x12xf32>
    %reduce_sum3A_755 = arith.constant dense<0.000000e+00> : vector<12xf32>
    %reduce_sum3A_756 = vector.multi_reduction <add>, %max3A_754, %reduce_sum3A_755 [0] : vector<32x12xf32> to vector<12xf32>
    %broadcast_in_dim3A_757 = vector.shape_cast %reduce_sum3A_756 : vector<12xf32> to vector<1x12xf32>
    %jit3A_758 = arith.constant -1.000000e+09 : f32
    %broadcast_in_dim3A_759 = vector.broadcast %jit3A_758 : f32 to vector<1x12xf32>
    %select_n3A_760 = arith.select %or3A, %broadcast_in_dim3A_759, %broadcast_in_dim3A_757 : vector<1x12xi1>, vector<1x12xf32>
    %reduce_max3A_761 = vector.shape_cast %select_n3A_760 : vector<1x12xf32> to vector<1x1x12xf32>
    %reduce_max3A_762 = arith.constant dense<0xFF800000> : vector<1xf32>
    %reduce_max3A_763 = vector.multi_reduction <maximumf>, %reduce_max3A_761, %reduce_max3A_762 [1, 2] : vector<1x1x12xf32> to vector<1xf32>
    %reduce_max3A_764 = vector.shape_cast %reduce_max3A_763 : vector<1xf32> to vector<1x1x1xf32>
    %reduce_max3A_765 = vector.extract %reduce_max3A_764[0, 0, 0] : f32 from vector<1x1x1xf32>
    %eq3A_766 = vector.broadcast %reduce_max3A_765 : f32 to vector<1x12xf32>
    %eq3A_767 = arith.cmpf oeq, %select_n3A_760, %eq3A_766 : vector<1x12xf32>
    %jit3A_768 = arith.constant 12 : i32
    %broadcast_in_dim3A_769 = vector.broadcast %jit3A_768 : i32 to vector<1x12xi32>
    %select_n3A_770 = arith.select %eq3A_767, %iota3A_638, %broadcast_in_dim3A_769 : vector<1x12xi1>, vector<1x12xi32>
    %reduce_min3A_771 = vector.shape_cast %select_n3A_770 : vector<1x12xi32> to vector<1x1x12xi32>
    %reduce_min3A_772 = arith.constant dense<2147483647> : vector<1xi32>
    %reduce_min3A_773 = vector.multi_reduction <minsi>, %reduce_min3A_771, %reduce_min3A_772 [1, 2] : vector<1x1x12xi32> to vector<1xi32>
    %reduce_min3A_774 = vector.shape_cast %reduce_min3A_773 : vector<1xi32> to vector<1x1x1xi32>
    %reduce_min3A_775 = vector.extract %reduce_min3A_774[0, 0, 0] : i32 from vector<1x1x1xi32>
    %eq3A_776 = vector.broadcast %reduce_min3A_775 : i32 to vector<1x12xi32>
    %eq3A_777 = arith.cmpi eq, %iota3A_638, %eq3A_776 : vector<1x12xi32>
    %jit3A_778 = arith.constant 0 : i32
    %broadcast_in_dim3A_779 = vector.broadcast %jit3A_778 : i32 to vector<1x12xi32>
    %select_n3A_780 = arith.select %eq3A_777, %select_n3A_700, %broadcast_in_dim3A_779 : vector<1x12xi1>, vector<1x12xi32>
    %reduce_sum3A_781 = vector.shape_cast %select_n3A_780 : vector<1x12xi32> to vector<1x1x12xi32>
    %reduce_sum3A_782 = arith.constant dense<0> : vector<1xi32>
    %reduce_sum3A_783 = vector.multi_reduction <add>, %reduce_sum3A_781, %reduce_sum3A_782 [1, 2] : vector<1x1x12xi32> to vector<1xi32>
    %reduce_sum3A_784 = vector.shape_cast %reduce_sum3A_783 : vector<1xi32> to vector<1x1x1xi32>
    %reduce_sum3A_785 = vector.extract %reduce_sum3A_784[0, 0, 0] : i32 from vector<1x1x1xi32>
    %or3A_786 = arith.ori %or3A, %eq3A_777 : vector<1x12xi1>
    %jit3A_787 = arith.constant 0.000000e+00 : f32
    %broadcast_in_dim3A_788 = vector.shape_cast %eq3A_777 : vector<1x12xi1> to vector<1x12xi1>
    %broadcast_in_dim3A_789 = vector.broadcast %broadcast_in_dim3A_788 : vector<1x12xi1> to vector<32x12xi1>
    %broadcast_in_dim3A_790 = vector.broadcast %jit3A_787 : f32 to vector<32x12xf32>
    %select_n3A_791 = arith.select %broadcast_in_dim3A_789, %concatenate3A_637, %broadcast_in_dim3A_790 : vector<32x12xi1>, vector<32x12xf32>
    %reduce_sum3A_792 = arith.constant dense<0.000000e+00> : vector<32xf32>
    %reduce_sum3A_793 = vector.multi_reduction <add>, %select_n3A_791, %reduce_sum3A_792 [1] : vector<32x12xf32> to vector<32xf32>
    %broadcast_in_dim3A_794 = vector.shape_cast %reduce_sum3A_793 : vector<32xf32> to vector<32x1xf32>
    %max3A_795 = arith.maximumf %max3A_749, %broadcast_in_dim3A_794 : vector<32x1xf32>
    %sub3A_796 = vector.broadcast %max3A_795 : vector<32x1xf32> to vector<32x12xf32>
    %sub3A_797 = arith.subf %concatenate3A_637, %sub3A_796 : vector<32x12xf32>
    %max3A_798 = arith.constant 0.000000e+00 : f32
    %max3A_799 = vector.broadcast %max3A_798 : f32 to vector<32x12xf32>
    %max3A_800 = arith.maximumf %sub3A_797, %max3A_799 : vector<32x12xf32>
    %reduce_sum3A_801 = arith.constant dense<0.000000e+00> : vector<12xf32>
    %reduce_sum3A_802 = vector.multi_reduction <add>, %max3A_800, %reduce_sum3A_801 [0] : vector<32x12xf32> to vector<12xf32>
    %broadcast_in_dim3A_803 = vector.shape_cast %reduce_sum3A_802 : vector<12xf32> to vector<1x12xf32>
    %jit3A_804 = arith.constant -1.000000e+09 : f32
    %broadcast_in_dim3A_805 = vector.broadcast %jit3A_804 : f32 to vector<1x12xf32>
    %select_n3A_806 = arith.select %or3A_786, %broadcast_in_dim3A_805, %broadcast_in_dim3A_803 : vector<1x12xi1>, vector<1x12xf32>
    %reduce_max3A_807 = vector.shape_cast %select_n3A_806 : vector<1x12xf32> to vector<1x1x12xf32>
    %reduce_max3A_808 = arith.constant dense<0xFF800000> : vector<1xf32>
    %reduce_max3A_809 = vector.multi_reduction <maximumf>, %reduce_max3A_807, %reduce_max3A_808 [1, 2] : vector<1x1x12xf32> to vector<1xf32>
    %reduce_max3A_810 = vector.shape_cast %reduce_max3A_809 : vector<1xf32> to vector<1x1x1xf32>
    %reduce_max3A_811 = vector.extract %reduce_max3A_810[0, 0, 0] : f32 from vector<1x1x1xf32>
    %eq3A_812 = vector.broadcast %reduce_max3A_811 : f32 to vector<1x12xf32>
    %eq3A_813 = arith.cmpf oeq, %select_n3A_806, %eq3A_812 : vector<1x12xf32>
    %jit3A_814 = arith.constant 12 : i32
    %broadcast_in_dim3A_815 = vector.broadcast %jit3A_814 : i32 to vector<1x12xi32>
    %select_n3A_816 = arith.select %eq3A_813, %iota3A_638, %broadcast_in_dim3A_815 : vector<1x12xi1>, vector<1x12xi32>
    %reduce_min3A_817 = vector.shape_cast %select_n3A_816 : vector<1x12xi32> to vector<1x1x12xi32>
    %reduce_min3A_818 = arith.constant dense<2147483647> : vector<1xi32>
    %reduce_min3A_819 = vector.multi_reduction <minsi>, %reduce_min3A_817, %reduce_min3A_818 [1, 2] : vector<1x1x12xi32> to vector<1xi32>
    %reduce_min3A_820 = vector.shape_cast %reduce_min3A_819 : vector<1xi32> to vector<1x1x1xi32>
    %reduce_min3A_821 = vector.extract %reduce_min3A_820[0, 0, 0] : i32 from vector<1x1x1xi32>
    %eq3A_822 = vector.broadcast %reduce_min3A_821 : i32 to vector<1x12xi32>
    %eq3A_823 = arith.cmpi eq, %iota3A_638, %eq3A_822 : vector<1x12xi32>
    %jit3A_824 = arith.constant 0 : i32
    %broadcast_in_dim3A_825 = vector.broadcast %jit3A_824 : i32 to vector<1x12xi32>
    %select_n3A_826 = arith.select %eq3A_823, %select_n3A_700, %broadcast_in_dim3A_825 : vector<1x12xi1>, vector<1x12xi32>
    %reduce_sum3A_827 = vector.shape_cast %select_n3A_826 : vector<1x12xi32> to vector<1x1x12xi32>
    %reduce_sum3A_828 = arith.constant dense<0> : vector<1xi32>
    %reduce_sum3A_829 = vector.multi_reduction <add>, %reduce_sum3A_827, %reduce_sum3A_828 [1, 2] : vector<1x1x12xi32> to vector<1xi32>
    %reduce_sum3A_830 = vector.shape_cast %reduce_sum3A_829 : vector<1xi32> to vector<1x1x1xi32>
    %reduce_sum3A_831 = vector.extract %reduce_sum3A_830[0, 0, 0] : i32 from vector<1x1x1xi32>
    %or3A_832 = arith.ori %or3A_786, %eq3A_823 : vector<1x12xi1>
    %jit3A_833 = arith.constant 0.000000e+00 : f32
    %broadcast_in_dim3A_834 = vector.shape_cast %eq3A_823 : vector<1x12xi1> to vector<1x12xi1>
    %broadcast_in_dim3A_835 = vector.broadcast %broadcast_in_dim3A_834 : vector<1x12xi1> to vector<32x12xi1>
    %broadcast_in_dim3A_836 = vector.broadcast %jit3A_833 : f32 to vector<32x12xf32>
    %select_n3A_837 = arith.select %broadcast_in_dim3A_835, %concatenate3A_637, %broadcast_in_dim3A_836 : vector<32x12xi1>, vector<32x12xf32>
    %reduce_sum3A_838 = arith.constant dense<0.000000e+00> : vector<32xf32>
    %reduce_sum3A_839 = vector.multi_reduction <add>, %select_n3A_837, %reduce_sum3A_838 [1] : vector<32x12xf32> to vector<32xf32>
    %broadcast_in_dim3A_840 = vector.shape_cast %reduce_sum3A_839 : vector<32xf32> to vector<32x1xf32>
    %max3A_841 = arith.maximumf %max3A_795, %broadcast_in_dim3A_840 : vector<32x1xf32>
    %sub3A_842 = vector.broadcast %max3A_841 : vector<32x1xf32> to vector<32x12xf32>
    %sub3A_843 = arith.subf %concatenate3A_637, %sub3A_842 : vector<32x12xf32>
    %max3A_844 = arith.constant 0.000000e+00 : f32
    %max3A_845 = vector.broadcast %max3A_844 : f32 to vector<32x12xf32>
    %max3A_846 = arith.maximumf %sub3A_843, %max3A_845 : vector<32x12xf32>
    %reduce_sum3A_847 = arith.constant dense<0.000000e+00> : vector<12xf32>
    %reduce_sum3A_848 = vector.multi_reduction <add>, %max3A_846, %reduce_sum3A_847 [0] : vector<32x12xf32> to vector<12xf32>
    %broadcast_in_dim3A_849 = vector.shape_cast %reduce_sum3A_848 : vector<12xf32> to vector<1x12xf32>
    %jit3A_850 = arith.constant -1.000000e+09 : f32
    %broadcast_in_dim3A_851 = vector.broadcast %jit3A_850 : f32 to vector<1x12xf32>
    %select_n3A_852 = arith.select %or3A_832, %broadcast_in_dim3A_851, %broadcast_in_dim3A_849 : vector<1x12xi1>, vector<1x12xf32>
    %reduce_max3A_853 = vector.shape_cast %select_n3A_852 : vector<1x12xf32> to vector<1x1x12xf32>
    %reduce_max3A_854 = arith.constant dense<0xFF800000> : vector<1xf32>
    %reduce_max3A_855 = vector.multi_reduction <maximumf>, %reduce_max3A_853, %reduce_max3A_854 [1, 2] : vector<1x1x12xf32> to vector<1xf32>
    %reduce_max3A_856 = vector.shape_cast %reduce_max3A_855 : vector<1xf32> to vector<1x1x1xf32>
    %reduce_max3A_857 = vector.extract %reduce_max3A_856[0, 0, 0] : f32 from vector<1x1x1xf32>
    %eq3A_858 = vector.broadcast %reduce_max3A_857 : f32 to vector<1x12xf32>
    %eq3A_859 = arith.cmpf oeq, %select_n3A_852, %eq3A_858 : vector<1x12xf32>
    %jit3A_860 = arith.constant 12 : i32
    %broadcast_in_dim3A_861 = vector.broadcast %jit3A_860 : i32 to vector<1x12xi32>
    %select_n3A_862 = arith.select %eq3A_859, %iota3A_638, %broadcast_in_dim3A_861 : vector<1x12xi1>, vector<1x12xi32>
    %reduce_min3A_863 = vector.shape_cast %select_n3A_862 : vector<1x12xi32> to vector<1x1x12xi32>
    %reduce_min3A_864 = arith.constant dense<2147483647> : vector<1xi32>
    %reduce_min3A_865 = vector.multi_reduction <minsi>, %reduce_min3A_863, %reduce_min3A_864 [1, 2] : vector<1x1x12xi32> to vector<1xi32>
    %reduce_min3A_866 = vector.shape_cast %reduce_min3A_865 : vector<1xi32> to vector<1x1x1xi32>
    %reduce_min3A_867 = vector.extract %reduce_min3A_866[0, 0, 0] : i32 from vector<1x1x1xi32>
    %eq3A_868 = vector.broadcast %reduce_min3A_867 : i32 to vector<1x12xi32>
    %eq3A_869 = arith.cmpi eq, %iota3A_638, %eq3A_868 : vector<1x12xi32>
    %jit3A_870 = arith.constant 0 : i32
    %broadcast_in_dim3A_871 = vector.broadcast %jit3A_870 : i32 to vector<1x12xi32>
    %select_n3A_872 = arith.select %eq3A_869, %select_n3A_700, %broadcast_in_dim3A_871 : vector<1x12xi1>, vector<1x12xi32>
    %reduce_sum3A_873 = vector.shape_cast %select_n3A_872 : vector<1x12xi32> to vector<1x1x12xi32>
    %reduce_sum3A_874 = arith.constant dense<0> : vector<1xi32>
    %reduce_sum3A_875 = vector.multi_reduction <add>, %reduce_sum3A_873, %reduce_sum3A_874 [1, 2] : vector<1x1x12xi32> to vector<1xi32>
    %reduce_sum3A_876 = vector.shape_cast %reduce_sum3A_875 : vector<1xi32> to vector<1x1x1xi32>
    %reduce_sum3A_877 = vector.extract %reduce_sum3A_876[0, 0, 0] : i32 from vector<1x1x1xi32>
    %iota3A_878 = tpu.iota {dimensions = array<i32: 0>} : vector<2048x1xi32>
    %eq3A_879 = vector.broadcast %reduce_sum3A_740 : i32 to vector<2048x1xi32>
    %eq3A_880 = arith.cmpi eq, %iota3A_878, %eq3A_879 : vector<2048x1xi32>
    %convert_element_type3A_881 = arith.extui %eq3A_880 : vector<2048x1xi1> to vector<2048x1xi32>
    %convert_element_type3A_882 = arith.sitofp %convert_element_type3A_881 : vector<2048x1xi32> to vector<2048x1xf32>
    %mul3A_883 = vector.broadcast %convert_element_type3A_882 : vector<2048x1xf32> to vector<2048x64xf32>
    %mul3A_884 = arith.mulf %mul3A_883, %get3A_3 : vector<2048x64xf32>
    %reduce_sum3A_885 = arith.constant dense<0.000000e+00> : vector<64xf32>
    %reduce_sum3A_886 = vector.multi_reduction <add>, %mul3A_884, %reduce_sum3A_885 [0] : vector<2048x64xf32> to vector<64xf32>
    %broadcast_in_dim3A_887 = vector.shape_cast %reduce_sum3A_886 : vector<64xf32> to vector<1x64xf32>
    %mul3A_888 = vector.broadcast %convert_element_type3A_882 : vector<2048x1xf32> to vector<2048x64xf32>
    %mul3A_889 = arith.mulf %mul3A_888, %get3A_13 : vector<2048x64xf32>
    %reduce_sum3A_890 = arith.constant dense<0.000000e+00> : vector<64xf32>
    %reduce_sum3A_891 = vector.multi_reduction <add>, %mul3A_889, %reduce_sum3A_890 [0] : vector<2048x64xf32> to vector<64xf32>
    %broadcast_in_dim3A_892 = vector.shape_cast %reduce_sum3A_891 : vector<64xf32> to vector<1x64xf32>
    %eq3A_893 = vector.broadcast %reduce_sum3A_785 : i32 to vector<2048x1xi32>
    %eq3A_894 = arith.cmpi eq, %iota3A_878, %eq3A_893 : vector<2048x1xi32>
    %convert_element_type3A_895 = arith.extui %eq3A_894 : vector<2048x1xi1> to vector<2048x1xi32>
    %convert_element_type3A_896 = arith.sitofp %convert_element_type3A_895 : vector<2048x1xi32> to vector<2048x1xf32>
    %mul3A_897 = vector.broadcast %convert_element_type3A_896 : vector<2048x1xf32> to vector<2048x64xf32>
    %mul3A_898 = arith.mulf %mul3A_897, %get3A_3 : vector<2048x64xf32>
    %reduce_sum3A_899 = arith.constant dense<0.000000e+00> : vector<64xf32>
    %reduce_sum3A_900 = vector.multi_reduction <add>, %mul3A_898, %reduce_sum3A_899 [0] : vector<2048x64xf32> to vector<64xf32>
    %broadcast_in_dim3A_901 = vector.shape_cast %reduce_sum3A_900 : vector<64xf32> to vector<1x64xf32>
    %mul3A_902 = vector.broadcast %convert_element_type3A_896 : vector<2048x1xf32> to vector<2048x64xf32>
    %mul3A_903 = arith.mulf %mul3A_902, %get3A_13 : vector<2048x64xf32>
    %reduce_sum3A_904 = arith.constant dense<0.000000e+00> : vector<64xf32>
    %reduce_sum3A_905 = vector.multi_reduction <add>, %mul3A_903, %reduce_sum3A_904 [0] : vector<2048x64xf32> to vector<64xf32>
    %broadcast_in_dim3A_906 = vector.shape_cast %reduce_sum3A_905 : vector<64xf32> to vector<1x64xf32>
    %eq3A_907 = vector.broadcast %reduce_sum3A_831 : i32 to vector<2048x1xi32>
    %eq3A_908 = arith.cmpi eq, %iota3A_878, %eq3A_907 : vector<2048x1xi32>
    %convert_element_type3A_909 = arith.extui %eq3A_908 : vector<2048x1xi1> to vector<2048x1xi32>
    %convert_element_type3A_910 = arith.sitofp %convert_element_type3A_909 : vector<2048x1xi32> to vector<2048x1xf32>
    %mul3A_911 = vector.broadcast %convert_element_type3A_910 : vector<2048x1xf32> to vector<2048x64xf32>
    %mul3A_912 = arith.mulf %mul3A_911, %get3A_3 : vector<2048x64xf32>
    %reduce_sum3A_913 = arith.constant dense<0.000000e+00> : vector<64xf32>
    %reduce_sum3A_914 = vector.multi_reduction <add>, %mul3A_912, %reduce_sum3A_913 [0] : vector<2048x64xf32> to vector<64xf32>
    %broadcast_in_dim3A_915 = vector.shape_cast %reduce_sum3A_914 : vector<64xf32> to vector<1x64xf32>
    %mul3A_916 = vector.broadcast %convert_element_type3A_910 : vector<2048x1xf32> to vector<2048x64xf32>
    %mul3A_917 = arith.mulf %mul3A_916, %get3A_13 : vector<2048x64xf32>
    %reduce_sum3A_918 = arith.constant dense<0.000000e+00> : vector<64xf32>
    %reduce_sum3A_919 = vector.multi_reduction <add>, %mul3A_917, %reduce_sum3A_918 [0] : vector<2048x64xf32> to vector<64xf32>
    %broadcast_in_dim3A_920 = vector.shape_cast %reduce_sum3A_919 : vector<64xf32> to vector<1x64xf32>
    %eq3A_921 = vector.broadcast %reduce_sum3A_877 : i32 to vector<2048x1xi32>
    %eq3A_922 = arith.cmpi eq, %iota3A_878, %eq3A_921 : vector<2048x1xi32>
    %convert_element_type3A_923 = arith.extui %eq3A_922 : vector<2048x1xi1> to vector<2048x1xi32>
    %convert_element_type3A_924 = arith.sitofp %convert_element_type3A_923 : vector<2048x1xi32> to vector<2048x1xf32>
    %mul3A_925 = vector.broadcast %convert_element_type3A_924 : vector<2048x1xf32> to vector<2048x64xf32>
    %mul3A_926 = arith.mulf %mul3A_925, %get3A_3 : vector<2048x64xf32>
    %reduce_sum3A_927 = arith.constant dense<0.000000e+00> : vector<64xf32>
    %reduce_sum3A_928 = vector.multi_reduction <add>, %mul3A_926, %reduce_sum3A_927 [0] : vector<2048x64xf32> to vector<64xf32>
    %broadcast_in_dim3A_929 = vector.shape_cast %reduce_sum3A_928 : vector<64xf32> to vector<1x64xf32>
    %mul3A_930 = vector.broadcast %convert_element_type3A_924 : vector<2048x1xf32> to vector<2048x64xf32>
    %mul3A_931 = arith.mulf %mul3A_930, %get3A_13 : vector<2048x64xf32>
    %reduce_sum3A_932 = arith.constant dense<0.000000e+00> : vector<64xf32>
    %reduce_sum3A_933 = vector.multi_reduction <add>, %mul3A_931, %reduce_sum3A_932 [0] : vector<2048x64xf32> to vector<64xf32>
    %broadcast_in_dim3A_934 = vector.shape_cast %reduce_sum3A_933 : vector<64xf32> to vector<1x64xf32>
    %concatenate3A_935 = tpu.concatenate %broadcast_in_dim3A_887, %broadcast_in_dim3A_901, %broadcast_in_dim3A_915, %broadcast_in_dim3A_929 in 0 : vector<1x64xf32>, vector<1x64xf32>, vector<1x64xf32>, vector<1x64xf32> -> vector<4x64xf32>
    %concatenate3A_936 = tpu.concatenate %broadcast_in_dim3A_892, %broadcast_in_dim3A_906, %broadcast_in_dim3A_920, %broadcast_in_dim3A_934 in 0 : vector<1x64xf32>, vector<1x64xf32>, vector<1x64xf32>, vector<1x64xf32> -> vector<4x64xf32>
    %convert_element_type3A_937 = arith.truncf %concatenate3A_935 : vector<4x64xf32> to vector<4x64xbf16>
    %convert_element_type3A_938 = arith.truncf %get3A_8 : vector<2048x64xf32> to vector<2048x64xbf16>
    %dot_general3A_939 = arith.constant dense<0.000000e+00> : vector<4x2048xf32>
    %dot_general3A_940 = tpu.matmul %convert_element_type3A_937, %convert_element_type3A_938, %dot_general3A_939 {dimension_numbers = #tpu.dot_dimension_numbers<[1], [1], [0], [0], [0, 0, 1, 0], [], []>, transpose_lhs_hint = false} : vector<4x64xbf16>, vector<2048x64xbf16>, vector<4x2048xf32> -> vector<4x2048xf32>
    %mul3A_941 = arith.constant 1.250000e-01 : f32
    %mul3A_942 = vector.broadcast %mul3A_941 : f32 to vector<4x2048xf32>
    %mul3A_943 = arith.mulf %dot_general3A_940, %mul3A_942 : vector<4x2048xf32>
    %reduce_max3A_944 = arith.constant dense<0xFF800000> : vector<2048xf32>
    %reduce_max3A_945 = vector.multi_reduction <maximumf>, %mul3A_943, %reduce_max3A_944 [0] : vector<4x2048xf32> to vector<2048xf32>
    %broadcast_in_dim3A_946 = vector.shape_cast %reduce_max3A_945 : vector<2048xf32> to vector<1x2048xf32>
    %sub3A_947 = vector.broadcast %broadcast_in_dim3A_946 : vector<1x2048xf32> to vector<4x2048xf32>
    %sub3A_948 = arith.subf %mul3A_943, %sub3A_947 : vector<4x2048xf32>
    %exp3A = math.exp %sub3A_948 : vector<4x2048xf32>
    %reduce_sum3A_949 = arith.constant dense<0.000000e+00> : vector<2048xf32>
    %reduce_sum3A_950 = vector.multi_reduction <add>, %exp3A, %reduce_sum3A_949 [0] : vector<4x2048xf32> to vector<2048xf32>
    %broadcast_in_dim3A_951 = vector.shape_cast %reduce_sum3A_950 : vector<2048xf32> to vector<1x2048xf32>
    %dot_general3A_952 = arith.constant dense<0.000000e+00> : vector<64x2048xf32>
    %dot_general3A_953 = tpu.matmul %concatenate3A_936, %exp3A, %dot_general3A_952 {dimension_numbers = #tpu.dot_dimension_numbers<[0], [0], [1], [1], [0, 1, 1, 1], [], []>, transpose_lhs_hint = false} : vector<4x64xf32>, vector<4x2048xf32>, vector<64x2048xf32> -> vector<64x2048xf32>
    %swap3A_954 = arith.constant 0 : index
    %swap3A_955 = arith.constant 0 : index
    %swap3A_956 = arith.constant 0 : index
    %swap3A_957 = vector.load %arg4[%swap3A_954, %swap3A_955, %swap3A_956] : memref<1x64x2048xf32, #tpu.memory_space<vmem>>, vector<1x64x2048xf32>
    %swap3A_958 = vector.shape_cast %swap3A_957 : vector<1x64x2048xf32> to vector<64x2048xf32>
    %swap3A_959 = vector.shape_cast %dot_general3A_953 : vector<64x2048xf32> to vector<1x64x2048xf32>
    tpu.vector_store %arg4[%swap3A_954, %swap3A_955, %swap3A_956], %swap3A_959 {strides = array<i32>} : memref<1x64x2048xf32, #tpu.memory_space<vmem>>, vector<1x64x2048xf32>,
    %concatenate3A_960 = tpu.concatenate %broadcast_in_dim3A_946, %broadcast_in_dim3A_951 in 0 : vector<1x2048xf32>, vector<1x2048xf32> -> vector<2x2048xf32>
    %swap3A_961 = arith.constant 0 : index
    %swap3A_962 = arith.constant 0 : index
    %swap3A_963 = arith.constant 0 : index
    %swap3A_964 = vector.load %arg5[%swap3A_961, %swap3A_962, %swap3A_963] : memref<1x2x2048xf32, #tpu.memory_space<vmem>>, vector<1x2x2048xf32>
    %swap3A_965 = vector.shape_cast %swap3A_964 : vector<1x2x2048xf32> to vector<2x2048xf32>
    %swap3A_966 = vector.shape_cast %concatenate3A_960 : vector<2x2048xf32> to vector<1x2x2048xf32>
    tpu.vector_store %arg5[%swap3A_961, %swap3A_962, %swap3A_963], %swap3A_966 {strides = array<i32>} : memref<1x2x2048xf32, #tpu.memory_space<vmem>>, vector<1x2x2048xf32>,
    return
  }
  func.func @transform_0(%arg0: i32) -> (i32, i32, i32) {
    %c0_i32 = arith.constant 0 : i32
    %c0_i32_0 = arith.constant 0 : i32
    %c0_i32_1 = arith.constant 0 : i32
    return %arg0, %c0_i32, %c0_i32_0 : i32, i32, i32
  }
  func.func @transform_1(%arg0: i32) -> (i32, i32, i32) {
    %c0_i32 = arith.constant 0 : i32
    %c0_i32_0 = arith.constant 0 : i32
    %c0_i32_1 = arith.constant 0 : i32
    return %arg0, %c0_i32, %c0_i32_0 : i32, i32, i32
  }
  func.func @transform_2(%arg0: i32) -> (i32, i32, i32) {
    %c0_i32 = arith.constant 0 : i32
    %c0_i32_0 = arith.constant 0 : i32
    %c0_i32_1 = arith.constant 0 : i32
    return %arg0, %c0_i32, %c0_i32_0 : i32, i32, i32
  }
  func.func @transform_3(%arg0: i32) -> (i32, i32, i32) {
    %c0_i32 = arith.constant 0 : i32
    %c0_i32_0 = arith.constant 0 : i32
    %c0_i32_1 = arith.constant 0 : i32
    return %arg0, %c0_i32, %c0_i32_0 : i32, i32, i32
  }
  func.func @transform_4(%arg0: i32) -> (i32, i32, i32) {
    %c0_i32 = arith.constant 0 : i32
    %c0_i32_0 = arith.constant 0 : i32
    %c0_i32_1 = arith.constant 0 : i32
    return %arg0, %c0_i32, %c0_i32_0 : i32, i32, i32
  }
  func.func @transform_5(%arg0: i32) -> (i32, i32, i32) {
    %c0_i32 = arith.constant 0 : i32
    %c0_i32_0 = arith.constant 0 : i32
    %c0_i32_1 = arith.constant 0 : i32
    return %arg0, %c0_i32, %c0_i32_0 : i32, i32, i32
  }
  func.func @transform_6(%arg0: i32) -> (i32, i32, i32) {
    %c0_i32 = arith.constant 0 : i32
    %c0_i32_0 = arith.constant 0 : i32
    %c0_i32_1 = arith.constant 0 : i32
    return %arg0, %c0_i32, %c0_i32_0 : i32, i32, i32
  }
  func.func @transform_7(%arg0: i32) -> (i32, i32, i32) {
    %c0_i32 = arith.constant 0 : i32
    %c0_i32_0 = arith.constant 0 : i32
    %c0_i32_1 = arith.constant 0 : i32
    return %arg0, %c0_i32, %c0_i32_0 : i32, i32, i32
  }
}

</mosaic_0001>

<sc_bundles>
// kernel: kernel.4.cloned.1.call-start
scs
__scs_entry_jumppad:
0x0: {  	(pc) =	sbr.rel $0x88, $3  }
0x1: {  	(tag) =	ssettag $0x0;
	lr =	simm.s32 $0x1  }
0x2: {  	[smem:$0x3F9E] =	sst lr;
	_ =	strace $0xD0000000  }
0x3: {  	_ = 	snop  }
0x4: {  	_ = 	snop  }
0x5: {  	_ = 	snop  }
0x6: {  	_ = 	snop  }
0x7: {  	_ = 	snop  }
__scs_overlays_trampoline_lowered:
0x8: {  	[smem:$0x3FAD] =	sst s0  }
0x9: {  	[smem:$0x3FAE] =	sst s1  }
0xa: {  	[smem:$0x3FAF] =	sst s2  }
0xb: {  	[smem:$0x3FB0] =	sst s3  }
0xc: {  	[smem:$0x3FB1] =	sst s4  }
0xd: {  	[smem:$0x3FB2] =	sst s5  }
0xe: {  	[smem:$0x3FB3] =	sst s6  }
0xf: {  	[smem:$0x3FB4] =	sst s7  }
0x10: {  	[smem:$0x3FB5] =	sst s8  }
0x11: {  	[smem:$0x3FB6] =	sst s9;
	s0 =	simm.s32 @!p0 $0x0  }
0x12: {  	s1 =	sld [smem:$0x3F9C];
	s0 =	simm.s32 @p0 $0x1  }
0x13: {  	[smem:$0x3FB7] =	sst s0;
	s0 =	simm.s32 @!p1 $0x0  }
0x14: {  	s2 =	sld [smem:$0x3F9B];
	s0 =	simm.s32 @p1 $0x1  }
0x15: {  	[smem:$0x3FB8] =	sst s0;
	s0 =	simm.s32 @!p2 $0x0  }
0x16: {  	s3 =	sld [smem:$0x3FDB];
	s0 =	simm.s32 @p2 $0x1  }
0x17: {  	s4 =	simm.s32 $0x1BF5;
	[smem:$0x3FBA] =	sst s0  }
0x18: {  	s0 =	sld [smem:$0x3F9D];
	_ =	swait.ge [sflag:s4], $0x0  }
0x19: {  	s7 =	sld [smem:$0x3F9E]  }
0x1a: {  	s8 =	sadd.s32 $0xFFFFE003, lr  }
0x1b: {  	s9 =	sadd.s32 $0xFFFFFEF7, lr;
	s5 =	simm.s32 $0xFFFFFFFF;
	p2 =	slt.u32 s8, $0xFFFFF086  }
0x1c: {  	p1 =	slt.u32 s9, $0xF7A;
	s5 =	simm.s32 @!p2 $0x0  }
0x1d: {  	s5 =	simm.s32 @p1 $0x1;
	p0 =	seq.s32 s7, s2  }
0x1e: {  	s7 =	smul.u32 @!p0 $0xF7A, s2;
	p2 =	seq.s32 @!p0 s5, $0x0  }
0x1f: {  	s9 =	smul.u32 $0xF7A, s1;
	s8 =	simm.s32 @!p0 $0x1BF5;
	p2 =	por !p2, p0  }
0x20: {  	[sflag:s8] =	ssyncset.s32 @!p0 $0xFFFFF086;
	s6 =	sadd.s32 @!p0 s3, s7;
	s7 =	simm.s32 @!p0 $0x108  }
0x21: {  	s3 =	sadd.s32 s3, s9;
	s6 =	sadd.s32 @!p0 $0x88, s6;
	s7 =	simm.s32 @p2 $0x1082  }
0x22: {  	[simem:s7], [sflag:s8] =	dma.local @!p0 [hbm:s6], $0xF7A  }
0x23: {  	s9 =	sor.u32 $0xD0000000, s2;
	s6 =	simm.s32 $0x108;
	_ =	swait.ge @!p0 [sflag:s8], $0x0  }
0x24: {  	s3 =	sadd.s32 $0x88, s3;
	s6 =	simm.s32 @!p1 $0x1082;
	[sflag:s4] =	ssyncset.s32 $0xFFFFF086  }
0x25: {  	[simem:s6], [sflag:s4] =	dma.local [hbm:s3], $0xF7A  }
0x26: {  	[smem:$0x3F9E] =	sst s1;
	(tag) =	ssettag s2;
	_ =	strace s9  }
0x27: {  	s1 =	sld [smem:$0x3FAE]  }
0x28: {  	s2 =	sld [smem:$0x3FAF]  }
0x29: {  	s4 =	sld [smem:$0x3FB1]  }
0x2a: {  	p0 =	seq.s32 s5, $0x0;
	s5 =	sld [smem:$0x3FB2]  }
0x2b: {  	s6 =	sld [smem:$0x3FB3]  }
0x2c: {  	s7 =	sld [smem:$0x3FB4]  }
0x2d: {  	s3 =	simm.s32 $0x108;
	s8 =	sld [smem:$0x3FB5]  }
0x2e: {  	s3 =	simm.s32 @!p0 $0x1082;
	s9 =	sld [smem:$0x3FB6]  }
0x2f: {  	lr =	sadd.s32 s0, s3;
	s0 =	sld [smem:$0x3FAD]  }
0x30: {  	s3 =	sld [smem:$0x3FB0]  }
0x31: {  	[smem:$0x3FB9] =	sst s10  }
0x32: {  	s10 =	sld [smem:$0x3FB7];
	_ =	sdelay $0x3  }
0x33: {  	p0 =	seq.s32 s10, $0x1;
	s10 =	sld [smem:$0x3FB9];
	_ =	sdelay $0x3  }
0x34: {  	[smem:$0x3FB9] =	sst s10  }
0x35: {  	s10 =	sld [smem:$0x3FB8];
	_ =	sdelay $0x3  }
0x36: {  	p1 =	seq.s32 s10, $0x1;
	s10 =	sld [smem:$0x3FB9];
	_ =	sdelay $0x3  }
0x37: {  	[smem:$0x3FB9] =	sst s10  }
0x38: {  	s10 =	sld [smem:$0x3FBA]  }
0x39: {  	_ = 	snop;
	(pc) =	sbr.ind lr, $3  }
0x3a: {  	_ = 	snop  }
0x3b: {  	_ = 	snop  }
0x3c: {  	p2 =	seq.s32 s10, $0x1;
	s10 =	sld [smem:$0x3FB9]  }
0x3d: {  	_ =	shalt  }
0x3e: {  	_ =	shalt  }
0x3f: {  	_ =	shalt  }
0x40: {  	_ =	shalt  }
0x41: {  	_ =	shalt  }
0x42: {  	_ =	shalt  }
0x43: {  	_ =	shalt  }
0x44: {  	_ =	shalt  }
0x45: {  	_ =	shalt  }
0x46: {  	_ =	shalt  }
0x47: {  	_ =	shalt  }
0x48: {  	_ =	shalt  }
0x49: {  	_ =	shalt  }
0x4a: {  	_ =	shalt  }
0x4b: {  	_ =	shalt  }
0x4c: {  	_ =	shalt  }
0x4d: {  	_ =	shalt  }
0x4e: {  	_ =	shalt  }
0x4f: {  	_ =	shalt  }
0x50: {  	_ =	shalt  }
0x51: {  	_ =	shalt  }
0x52: {  	_ =	shalt  }
0x53: {  	_ =	shalt  }
0x54: {  	_ =	shalt  }
0x55: {  	_ =	shalt  }
0x56: {  	_ =	shalt  }
0x57: {  	_ =	shalt  }
0x58: {  	_ =	shalt  }
0x59: {  	_ =	shalt  }
0x5a: {  	_ =	shalt  }
0x5b: {  	_ =	shalt  }
0x5c: {  	_ =	shalt  }
0x5d: {  	_ =	shalt  }
0x5e: {  	_ =	shalt  }
0x5f: {  	_ =	shalt  }
0x60: {  	_ =	shalt  }
0x61: {  	_ =	shalt  }
0x62: {  	_ =	shalt  }
0x63: {  	_ =	shalt  }
0x64: {  	_ =	shalt  }
0x65: {  	_ =	shalt  }
0x66: {  	_ =	shalt  }
0x67: {  	_ =	shalt  }
0x68: {  	_ =	shalt  }
0x69: {  	_ =	shalt  }
0x6a: {  	_ =	shalt  }
0x6b: {  	_ =	shalt  }
0x6c: {  	_ =	shalt  }
0x6d: {  	_ =	shalt  }
0x6e: {  	_ =	shalt  }
0x6f: {  	_ =	shalt  }
0x70: {  	_ =	shalt  }
0x71: {  	_ =	shalt  }
0x72: {  	_ =	shalt  }
0x73: {  	_ =	shalt  }
0x74: {  	_ =	shalt  }
0x75: {  	_ =	shalt  }
0x76: {  	_ =	shalt  }
0x77: {  	_ =	shalt  }
0x78: {  	_ =	shalt  }
0x79: {  	_ =	shalt  }
0x7a: {  	_ =	shalt  }
0x7b: {  	_ =	shalt  }
0x7c: {  	_ =	shalt  }
0x7d: {  	_ =	shalt  }
0x7e: {  	_ =	shalt  }
0x7f: {  	_ =	shalt  }
0x80: {  	_ =	shalt  }
0x81: {  	_ =	shalt  }
0x82: {  	_ =	shalt  }
0x83: {  	_ =	shalt  }
0x84: {  	_ =	shalt  }
0x85: {  	_ =	shalt  }
0x86: {  	_ =	shalt  }
0x87: {  	_ =	shalt  }
.Lfunc_end0:
.L_simem_size_0:
called_computation_lowered:
.L_overlay_start_0:
0x88: {  	s2 =	sld [smem:$0x3FD9]  }
0x89: {  	s3 =	sld [smem:$0x3FFE];
	_ =	sdelay $0x1  }
0x8a: {  	s1 =	srdreg.scid  }
0x8b: {  	s0 =	sand.u32 $0x1, s1  }
0x8c: {  	s17 =	sshll.u32 s0, $0xA;
	s2 =	sadd.s32 s3, s2  }
0x8d: {  	s2 =	sadd.s32 s2, s17  }
0x8e: {  	[smem:$0x3FC5] =	sst s2  }
0x8f: {  	_ = 	snop  }
0x90: {  	s2 =	sld [smem:$0x3FD0];
	(tm) =	ssettm $0x1  }
0x91: {  	s18 =	sld [smem:$0x3FFB];
	_ =	sdelay $0x3  }
0x92: {  	_ =	strace s18  }
0x93: {  	s3 =	sld [smem:$0x3FFC];
	_ =	sdelay $0x3  }
0x94: {  	_ =	strace s3  }
0x95: {  	s3 =	sld [smem:$0x3FFD];
	_ =	sdelay $0x3  }
0x96: {  	_ =	strace s3  }
0x97: {  	_ =	strace $0x8FFFFFFF  }
0x98: {  	s19 =	sld [smem:$0x3FDB];
	_ =	sdelay $0x1  }
0x99: {  	s4 =	simm.s32 $_scs_section_size  }
0x9a: {  	s5 =	simm.s32 $_size__tile_overlayer_lowered;
	s6 =	simm.s32 $_tile_overlayer_lowered  }
0x9b: {  	s22 =	simm.s32 $0x1BFF;
	s21 =	sshll.u32 s6, $0x1;
	s3 =	sadd.s32 s4, s19  }
0x9c: {  	s7 =	simm.s32 $0x0;
	s20 =	sshll.u32 s5, $0x1;
	s5 =	sadd.s32 s21, s3  }
0x9d: {  	[timem:s7], [sflag:s22] =	dma.local [hbm:s5], s20  }
0x9e: {  	_ =	swait.ge [sflag:s22], s20  }
0x9f: {  	s4 =	ssub.s32 $0x0, s20;
	[sflag:s22] =	ssyncset.done $0x0  }
0xa0: {  	[sflag:s22] =	ssyncadd.s32 s4;
	_ =	sdelay $0x1  }
0xa1: {  	s23 =	simm.s32 $0x1B8B  }
0xa2: {  	_ =	swait.ge [sflag:s23], $0x1  }
0xa3: {  	[sflag:s23] =	ssyncset.done $0x0  }
0xa4: {  	s25 =	simm.s32 $0x1B8E;
	s24 =	sld [smem:$0x3FFE];
	[sflag:s23] =	ssyncadd.s32 $0xFFFFFFFF  }
0xa5: {  	s26 =	simm.s32 $execute0_lowered;
	[smem:$0x3FD2] =	sst s25  }
0xa6: {  	s5 =	sshll.u32 s26, $0x1;
	_ =	strace $0x80000046;
	[dreg:$0x1] =	wrdreg $0xFFFFFFFF  }
0xa7: {  	s28 =	simm.s32 $_size_execute0_lowered;
	s3 =	sadd.s32 s3, s5;
	[dreg:$0x0] =	wrdreg $0x0  }
0xa8: {  	s5 =	sshll.u32 s28, $0x1;
	[dreg:$0x2] =	wrdreg s3  }
0xa9: {  	[dreg:$0x3] =	wrdreg s5  }
0xaa: {  	[dreg:$0x4] =	wrdreg $0xC0  }
0xab: {  	_ =	task [dreg:s7], $0x5FFFF  }
0xac: {  	[dreg:$0x1] =	wrdreg $0xFFFFFFFF  }
0xad: {  	[dreg:$0x0] =	wrdreg $0x60  }
0xae: {  	[dreg:$0x2] =	wrdreg s24  }
0xaf: {  	[dreg:$0x3] =	wrdreg s2  }
0xb0: {  	[dreg:$0x4] =	wrdreg $0x9  }
0xb1: {  	_ =	task.clear_ibuf [dreg:s7], $0x5FFFF;
	_ =	strace $0x90000046  }
0xb2: {  	s29 =	simm.s32 $0x9;
	_ =	strace $0x80000048  }
0xb3: {  	_ =	swait.ge [sflag:s29], $0x1  }
0xb4: {  	[sflag:s29] =	ssyncadd.s32 $0xFFFFFFFF  }
0xb5: {  	_ =	strace $0x90000048  }
0xb6: {  	_ =	sfence  }
0xb7: {  	s30 =	sld [smem:$0x0];
	_ =	sdelay $0x2  }
0xb8: {  	s31 =	sshll.u32 s1, $0xD;
	s1 =	sshrl.u32 s1, $0x2  }
0xb9: {  	s3 =	sand.u32 $0x4000, s31;
	s1 =	sadd.s32 s1, s30  }
0xba: {  	s0 =	sor.u32 s3, s0;
	s1 =	sshll.u32 s1, $0x11  }
0xbb: {  	s0 =	sor.u32 s1, s0  }
0xbc: {  	s0 =	sadd.s32 $0x8F2B, s0  }
0xbd: {  	[sflag:s0] =	ssyncadd.remote.s32 $0x1  }
0xbe: {  	_ =	sfence.sel $0xFFFF  }
0xbf: {  	[dreg:$0x0] =	wrdreg $0xFFFFFFFF;
	(pc) =	sbr.abs _section_cstart, $3  }
0xc0: {  	[dreg:$0x1] =	wrdreg $0xFFFFFFFF  }
0xc1: {  	_ =	task.clear_ibuf [dreg:s7], $0x2FFFF;
	_ =	strace $0x9FFFFFFF  }
0xc2: {  	(tm) =	ssettm $0x7FFFFFFF  }
0xc3: {  	_ =	shalt  }
tec
execute0_lowered:
.L_overlay_start_1:
0x0: {  	(tag) =	ssettag $0x1  }
0x1: {  	s1 =	simm.s32 $0x0;
	v0 =	vlaneseq.u32  }
0x2: {  	[smem:$0x7FF] =	sst s1;
	v1 =	vmul.u32 $0xFFFFFFFF, v0;
	v0 =	vadd.s32 $0xFFFFFFF8, v0  }
0x3: {  	s0 =	rddreg [dreg:$0x0];
	_ =	strace $0x80000047;
	[tilespmem:$0x1FF40] =	vst v0  }
0x4: {  	v54 =	vadd.s32 $0x1, v1;
	[tilespmem:$0x1FFE0] =	vst v1  }
0x5: {  	s3 =	srdreg.scid;
	v55 =	vadd.s32 $0x2, v1;
	[tilespmem:$0x1FF50] =	vst v54  }
0x6: {  	s30 =	stileid.u32;
	s13 =	simm.s32 $0x1;
	s14 =	simm.s32 $0x80;
	v56 =	vadd.s32 $0x3, v1;
	[tilespmem:$0x1FF60] =	vst v55  }
0x7: {  	s15 =	simm.s32 $0x400;
	s16 =	simm.s32 $0x4000;
	s17 =	simm.s32 $0x8400;
	v57 =	vadd.s32 $0x4, v1;
	[tilespmem:$0x1FF70] =	vst v56  }
0x8: {  	s18 =	simm.s32 $0xC800;
	s19 =	simm.s32 $0x10800;
	s20 =	simm.s32 $0x10A00;
	v58 =	vadd.s32 $0x5, v1;
	[tilespmem:$0x1FF80] =	vst v57  }
0x9: {  	s24 =	simm.s32 $0x0;
	s4 =	sadd.s32 $0x5DA00, s0;
	s3 =	sand.u32 $0x1, s3;
	v59 =	vadd.s32 $0x6, v1;
	[tilespmem:$0x1FF90] =	vst v58  }
0xa: {  	s5 =	sadd.s32 $0x4A00, s0;
	s6 =	sadd.s32 $0x9DA00, s0;
	s8 =	ssub.s32 $0x2, s3;
	v60 =	vadd.s32 $0x7, v1;
	[tilespmem:$0x1FFA0] =	vst v59  }
0xb: {  	s7 =	sshll.u32 s30, $0x9;
	s9 =	sshll.u32 s30, $0xE;
	s31 =	sshrl.u32 s8, $0x1;
	v61 =	vadd.s32 $0x8, v1;
	[tilespmem:$0x1FFB0] =	vst v60  }
0xc: {  	s11 =	sadd.s32 s7, s0;
	s7 =	sadd.s32 $0xE1A00, s0;
	v62 =	vadd.s32 $0x9, v1;
	s0 =	ssub.s32 s8, s31;
	[tilespmem:$0x1FFC0] =	vst v61  }
0xd: {  	s10 =	smul.u32 $0x22000, s30;
	s1 =	simm.s32 $0x0;
	v63 =	vadd.s32 $0xA, v1;
	[tilespmem:$0x1FFD0] =	vst v62;
	s0 =	smax.u32 s0, $0x1  }
0xe: {  	s11 =	sadd.s32 $0x2A00, s11;
	s8 =	sshll.u32 s3, $0x2;
	[tilespmem:$0x1FFF0] =	vst v63;
	[dreg:$0x4] =	wrdreg s0  }
.LBB2_1:
0xf: {  	[dreg:$0x5] =	wrdreg s1;
	s22 =	simm.s32 $0x0  }
.LBB2_2:
0x10: {  	s0 =	sadd.s32 s8, s22  }
0x11: {  	s3 =	sshll.u32 s0, $0xB  }
0x12: {  	s23 =	sadd.s32 s9, s3  }
0x13: {  	s28 =	sshll.u32 s0, $0x7;
	s3 =	sadd.s32 s4, s23  }
0x14: {  	[tilespmem:s24], [sflag:$0x1] =	stream.linear.gather [hbm4b:s3+s24], $0x4000, $0x38;
	[tilespmem:$0x14A00] =	vst v63  }
0x15: {  	s3 =	sadd.s32 s10, s28;
	_ =	swait.ge [sflag:s13], $0x4000  }
0x16: {  	s3 =	sshrl.u32 s3, $0x3;
	[sflag:s13] =	ssyncset.done $0x0  }
0x17: {  	s12 =	sadd.s32 s5, s3;
	[sflag:s13] =	ssyncadd.s32 $0xFFFFC000  }
0x18: {  	[tilespmem:s16], [sflag:$0x1] =	stream.strided.gather [hbm4b:s12+s14], $0x4400, s15, s14, $0x38;
	[tilespmem:$0x14A00] =	vst v63  }
0x19: {  	_ =	swait.ge [sflag:s13], $0x4400  }
0x1a: {  	[sflag:s13] =	ssyncset.done $0x0  }
0x1b: {  	s3 =	sadd.s32 s6, s3;
	[sflag:s13] =	ssyncadd.s32 $0xFFFFBC00  }
0x1c: {  	[tilespmem:s17], [sflag:$0x1] =	stream.strided.gather [hbm4b:s3+s14], $0x4400, s15, s14, $0x38;
	[tilespmem:$0x14A00] =	vst v63  }
0x1d: {  	_ =	swait.ge [sflag:s13], $0x4400  }
0x1e: {  	[sflag:s13] =	ssyncset.done $0x0  }
0x1f: {  	[sflag:s13] =	ssyncadd.s32 $0xFFFFBC00  }
0x20: {  	s1 =	rddreg [dreg:$0x1]  }
0x21: {  	s29 =	sadd.s32 s1, s23  }
0x22: {  	[tilespmem:s18], [sflag:$0x1] =	stream.linear.gather [hbm4b:s29+s24], $0x4000, $0x38;
	[tilespmem:$0x14A00] =	vst v63  }
0x23: {  	s25 =	sshll.u32 s0, $0x8;
	_ =	swait.ge [sflag:s13], $0x4000  }
0x24: {  	s0 =	sshll.u32 s0, $0x6;
	s30 =	smax.u32 s25, $0x8;
	[sflag:s13] =	ssyncset.done $0x0  }
0x25: {  	s0 =	sadd.s32 s0, s11;
	s31 =	smin.u32 s30, $0x6F8;
	[sflag:s13] =	ssyncadd.s32 $0xFFFFC000  }
0x26: {  	[tilespmem:s19], [sflag:$0x1] =	stream.linear.gather [hbm4b:s0+s24], $0x200, $0x38;
	[tilespmem:$0x14A00] =	vst v63  }
0x27: {  	s0 =	sadd.s32 $0xFFFFFFF8, s31;
	_ =	swait.ge [sflag:s13], $0x200  }
0x28: {  	v0 =	vmov s0;
	[sflag:s13] =	ssyncset.done $0x0  }
0x29: {  	s26 =	simm.s32 $0x0;
	[tilespmem:$0x1FF30] =	vst v0;
	[sflag:s13] =	ssyncadd.s32 $0xFFFFFE00  }
.LBB2_3:
0x2a: {  	v0 =	vld [tilespmem:$0x1FF40];
	_ =	sdelay $0x2  }
0x2b: {  	s0 =	sshll.u32 s26, $0x4  }
0x2c: {  	s3 =	sor.u32 s25, s0  }
0x2d: {  	v0 =	vadd.s32 s3, v0  }
0x2e: {  	vm0 =	vgt.s32 v0, $0x0  }
0x2f: {  	v0 =	vnsel vm0, $0x0, v0  }
0x30: {  	v1 =	vmin.u32 v0, $0x7F0;
	v0 =	vld [tilespmem:$0x1FF30];
	_ =	sdelay $0x2  }
0x31: {  	s29 =	sshll.u32 s26, $0x7;
	s28 =	sand.u32 $0x70, s0  }
0x32: {  	s2 =	sand.u32 $0x400, s29;
	v15 =	vmov s28  }
0x33: {  	[dreg:$0x3] =	wrdreg s2;
	v13 =	vsub.s32 v1, v0  }
0x34: {  	s21 =	sand.u32 $0x3800, s24;
	v0 =	vmov s3;
	s3 =	rddreg [dreg:$0x3];
	v2 =	vadd.s32 $0x1, v13  }
0x35: {  	s12 =	sand.u32 $0x380, s24;
	v3 =	vadd.s32 $0x2, v13;
	s0 =	sor.u32 s21, s3  }
0x36: {  	v4 =	vadd.s32 $0x3, v13;
	s0 =	sadd.s32 s12, s0  }
0x37: {  	[tilespmem:$0x1FE00] =	vst v1;
	v5 =	vadd.s32 $0x4, v13;
	v58 =	vld.idx.msk [tilespmem:v15+s0+$0x0 ss:$0x1], $0xffff  }
0x38: {  	[tilespmem:$0x1FE10] =	vst v0;
	v6 =	vadd.s32 $0x5, v13;
	v0 =	vld.idx.msk [tilespmem:v13+s16+$0x0], $0xffff  }
0x39: {  	v14 =	vadd.s32 $0x110, v13;
	v1 =	vadd.s32 $0xF, v13;
	[tilespmem:$0x1FE20] =	vst v2;
	v2 =	vld.idx.msk [tilespmem:v2+s16+$0x0], $0xffff  }
0x3a: {  	v18 =	vadd.s32 $0x111, v13;
	v19 =	vadd.s32 $0x112, v13;
	v8 =	vadd.s32 $0x6, v13;
	[tilespmem:$0x1FE30] =	vst v3;
	v3 =	vld.idx.msk [tilespmem:v3+s16+$0x0], $0xffff  }
0x3b: {  	v22 =	vadd.s32 $0x113, v13;
	v25 =	vadd.s32 $0x114, v13;
	v9 =	vadd.s32 $0x7, v13;
	[tilespmem:$0x1FE40] =	vst v4;
	v4 =	vld.idx.msk [tilespmem:v4+s16+$0x0], $0xffff  }
0x3c: {  	v26 =	vadd.s32 $0x115, v13;
	v47 =	vadd.s32 $0x116, v13;
	v11 =	vadd.s32 $0x8, v13;
	[tilespmem:$0x1FE50] =	vst v5;
	v5 =	vld.idx.msk [tilespmem:v5+s16+$0x0], $0xffff  }
0x3d: {  	v51 =	vadd.s32 $0x117, v13;
	v53 =	vadd.s32 $0x118, v13;
	v12 =	vadd.s32 $0x9, v13;
	[tilespmem:$0x1FE60] =	vst v6;
	v6 =	vld.idx.msk [tilespmem:v6+s16+$0x0], $0xffff  }
0x3e: {  	v49 =	vadd.s32 $0x119, v13;
	v17 =	vadd.s32 $0xA, v13;
	v52 =	vadd.s32 $0x11A, v13;
	[tilespmem:$0x1FEA0] =	vst v13;
	v7 =	vld.idx.msk [tilespmem:v1+s16+$0x0], $0xffff  }
0x3f: {  	v10 =	vadd.s32 $0xB, v13;
	v50 =	vadd.s32 $0x11B, v13;
	v16 =	vadd.s32 $0xC, v13;
	[tilespmem:$0x1FE80] =	vst v8;
	v8 =	vld.idx.msk [tilespmem:v8+s16+$0x0], $0xffff  }
0x40: {  	v48 =	vadd.s32 $0x11C, v13;
	v24 =	vadd.s32 $0xD, v13;
	v45 =	vadd.s32 $0x11D, v13;
	[tilespmem:$0x1FEB0] =	vst v9;
	v9 =	vld.idx.msk [tilespmem:v9+s16+$0x0], $0xffff  }
0x41: {  	v23 =	vadd.s32 $0xE, v13;
	v57 =	vadd.s32 $0x11F, v13;
	[tilespmem:$0x1FE70] =	vst v1;
	v1 =	vadd.s32 $0x11E, v13;
	v13 =	vld.idx.msk [tilespmem:v11+s16+$0x0], $0xffff  }
0x42: {  	v56 =	vimm.f32 $0.0e+00;
	v35 =	vmov v15;
	v21 =	vld.idx.msk [tilespmem:v12+s16+$0x0], $0xffff  }
0x43: {  	v34 =	vmovc v14;
	v14 =	vadd.s32 s24, v14;
	v20 =	vadd.s32 s24, v19;
	v42 =	vmovc v22;
	v22 =	vadd.s32 s24, v22;
	v39 =	vld.idx.msk [tilespmem:v17+s16+$0x0], $0xffff  }
0x44: {  	[tilespmem:$0x1FEC0] =	vst v11;
	v38 =	vadd.s32 s24, v25;
	v40 =	vld.idx.msk [tilespmem:v10+s16+$0x0], $0xffff;
	v0 =	vmul.f32 v0, v58;
	v7 =	vmul.f32 v7, v58  }
0x45: {  	[tilespmem:$0x1FED0] =	vst v12;
	v15 =	vadd.s32 s24, v18;
	v59 =	vld.idx.msk [tilespmem:v16+s16+$0x0], $0xffff;
	v2 =	vmul.f32 v2, v58;
	v3 =	vmul.f32 v3, v58  }
0x46: {  	v41 =	vmovc v19;
	[tilespmem:$0x1FF00] =	vst v16;
	v12 =	vadd.s32 s24, v47;
	v19 =	vmul.f32 v4, v58;
	v16 =	vmul.f32 v5, v58  }
0x47: {  	v36 =	vmovc v18;
	[tilespmem:$0x1FEE0] =	vst v17;
	v11 =	vadd.s32 s24, v51;
	v18 =	vmul.f32 v6, v58;
	v31 =	vmul.f32 v8, v58  }
0x48: {  	[tilespmem:$0x1FEF0] =	vst v10;
	v10 =	vadd.s32 s24, v53;
	v60 =	vld.idx.msk [tilespmem:v14+s16+$0x0], $0xffff;
	v17 =	vmul.f32 v9, v58;
	v32 =	vmul.f32 v13, v58  }
0x49: {  	[tilespmem:$0x1FE90] =	vst v1;
	v1 =	vadd.s32 s24, v26;
	v62 =	vld.idx.msk [tilespmem:v20+s16+$0x0], $0xffff;
	v13 =	vmul.f32 v21, v58;
	v14 =	vmul.f32 v39, v58  }
0x4a: {  	v20 =	vadd.s32 s24, v57;
	v61 =	vld.idx.msk [tilespmem:v15+s16+$0x0], $0xffff;
	v15 =	vmul.f32 v40, v58;
	v59 =	vmul.f32 v59, v58  }
0x4b: {  	v9 =	vimm.f32 $0.0e+00;
	v5 =	vimm.f32 $0.0e+00;
	v6 =	vimm.f32 $0.0e+00  }
0x4c: {  	v8 =	vld.idx.msk [tilespmem:v38+s16+$0x0], $0xffff;
	v4 =	vimm.f32 $0.0e+00;
	v40 =	vimm.f32 $0.0e+00;
	v39 =	vimm.f32 $0.0e+00  }
0x4d: {  	v21 =	vld.idx.msk [tilespmem:v24+s16+$0x0], $0xffff;
	v38 =	vimm.f32 $0.0e+00;
	v54 =	vadd.f32 v0, v56;
	v37 =	vadd.f32 v7, v56  }
0x4e: {  	s30 =	simm.s32 $0x0;
	s31 =	simm.s32 $0x0;
	s3 =	simm.s32 $0x110;
	[tilespmem:$0x1FF10] =	vst v24;
	v63 =	vld.idx.msk [tilespmem:v22+s16+$0x0], $0xffff;
	v0 =	vimm.f32 $0.0e+00;
	v55 =	vadd.f32 v2, v56;
	v46 =	vadd.f32 v3, v56  }
0x4f: {  	s21 =	rddreg [dreg:$0x3];
	v43 =	vmovc v25;
	v44 =	vmovc v26;
	s12 =	simm.s32 $0x220;
	[tilespmem:$0x1FF20] =	vst v23;
	s0 =	simm.s32 $0x0;
	v22 =	vld.idx.msk [tilespmem:v23+s16+$0x0], $0xffff;
	v3 =	vimm.f32 $0.0e+00;
	v7 =	vimm.f32 $0.0e+00;
	v2 =	vimm.f32 $0.0e+00  }
.LBB2_4:
0x50: {  	_ = 	snop  }
0x51: {  	v23 =	vld.idx.msk [tilespmem:v1+s16+$0x0], $0xffff  }
0x52: {  	s30 =	sadd.s32 $0x100, s30;
	v24 =	vld.idx.msk [tilespmem:v12+s16+$0x0], $0xffff;
	v1 =	vmul.f32 v21, v58  }
0x53: {  	v12 =	vadd.s32 s0, v49;
	s31 =	sadd.s32 $0x80, s31;
	v25 =	vld.idx.msk [tilespmem:v11+s16+$0x0], $0xffff;
	s1 =	sand.u32 $0x3800, s30  }
0x54: {  	v11 =	vadd.s32 s0, v52;
	v56 =	vadd.f32 v19, v56;
	s2 =	sand.u32 $0x380, s31;
	s1 =	sor.u32 s1, s21;
	v39 =	vadd.f32 v1, v39;
	v1 =	vld [tilespmem:$0x1FE90]  }
0x55: {  	v9 =	vadd.f32 v16, v9;
	v16 =	vld.idx.msk [tilespmem:v20+s16+$0x0], $0xffff;
	v7 =	vadd.f32 v13, v7;
	v13 =	vadd.s32 s0, v50;
	s1 =	sadd.s32 s2, s1  }
0x56: {  	v2 =	vadd.f32 v14, v2;
	v14 =	vadd.s32 s0, v48;
	v19 =	vmul.f32 v22, v58;
	v58 =	vld.idx.msk [tilespmem:v35+s1+$0x0 ss:$0x1], $0xffff  }
0x57: {  	v0 =	vadd.f32 v15, v0;
	v15 =	vld.idx.msk [tilespmem:v10+s16+$0x0], $0xffff  }
0x58: {  	v5 =	vadd.f32 v18, v5;
	v6 =	vadd.f32 v31, v6;
	v10 =	vadd.s32 s0, v45;
	v20 =	vld.idx.msk [tilespmem:v12+s16+$0x0], $0xffff  }
0x59: {  	v3 =	vadd.f32 v17, v3;
	v40 =	vadd.f32 v59, v40;
	v59 =	vld.idx.msk [tilespmem:v11+s16+$0x0], $0xffff;
	v17 =	vadd.s32 s0, v1;
	s0 =	smov.u32 s3  }
0x5a: {  	v4 =	vadd.f32 v32, v4;
	v38 =	vadd.f32 v19, v38;
	v27 =	vld.idx.msk [tilespmem:v13+s16+$0x0], $0xffff;
	v18 =	vadd.s32 s0, v34  }
0x5b: {  	v30 =	vld.idx.msk [tilespmem:v14+s16+$0x0], $0xffff;
	v13 =	vmul.f32 v60, v58;
	v14 =	vmul.f32 v16, v58;
	v31 =	vadd.s32 s0, v36  }
0x5c: {  	v29 =	vmul.f32 v61, v58;
	v33 =	vmul.f32 v62, v58;
	v32 =	vadd.s32 s0, v41  }
0x5d: {  	v21 =	vld.idx.msk [tilespmem:v10+s16+$0x0], $0xffff;
	v19 =	vmul.f32 v63, v58;
	v16 =	vmul.f32 v8, v58;
	v26 =	vadd.s32 s0, v42  }
0x5e: {  	p0 =	sne.s32 s12, $0x42F0;
	v37 =	vadd.f32 v14, v37;
	v54 =	vadd.f32 v13, v54;
	v28 =	vadd.s32 s0, v43;
	v22 =	vld.idx.msk [tilespmem:v17+s16+$0x0], $0xffff  }
.Ltmp0:
0x5f: {  	v55 =	vadd.f32 v29, v55;
	v13 =	vmul.f32 v20, v58;
	v14 =	vmul.f32 v59, v58;
	v60 =	vld.idx.msk [tilespmem:v18+s16+$0x0], $0xffff;
	(pc) =	sbr.rel @p0 .LBB2_4-.Ltmp0, $4  }
0x60: {  	v46 =	vadd.f32 v33, v46;
	v59 =	vmul.f32 v30, v58;
	v1 =	vadd.s32 s0, v44;
	v61 =	vld.idx.msk [tilespmem:v31+s16+$0x0], $0xffff  }
0x61: {  	v12 =	vadd.s32 s0, v47;
	v11 =	vadd.s32 s0, v51;
	v17 =	vmul.f32 v25, v58;
	v62 =	vld.idx.msk [tilespmem:v32+s16+$0x0], $0xffff  }
0x62: {  	v10 =	vadd.s32 s0, v53;
	v18 =	vmul.f32 v23, v58;
	v31 =	vmul.f32 v24, v58;
	v63 =	vld.idx.msk [tilespmem:v26+s16+$0x0], $0xffff  }
0x63: {  	s21 =	rddreg [dreg:$0x3];
	s3 =	smov.u32 s12;
	s12 =	sadd.s32 $0x110, s12;
	v20 =	vadd.s32 s0, v57;
	v32 =	vmul.f32 v15, v58;
	v8 =	vld.idx.msk [tilespmem:v28+s16+$0x0], $0xffff;
	v15 =	vmul.f32 v27, v58  }
0x64: {  	_ =	sdelay $0x3  }
0x65: {  	v1 =	vld.idx.msk [tilespmem:v1+s16+$0x0], $0xffff  }
0x66: {  	v20 =	vld.idx.msk [tilespmem:v20+s16+$0x0], $0xffff  }
0x67: {  	s1 =	sadd.s32 $0x100, s30;
	v12 =	vld.idx.msk [tilespmem:v12+s16+$0x0], $0xffff  }
0x68: {  	s2 =	sadd.s32 $0x80, s31;
	v11 =	vld.idx.msk [tilespmem:v11+s16+$0x0], $0xffff;
	s1 =	sand.u32 $0x3800, s1  }
0x69: {  	v23 =	vadd.s32 s0, v49;
	v10 =	vld.idx.msk [tilespmem:v10+s16+$0x0], $0xffff;
	s2 =	sand.u32 $0x380, s2;
	s1 =	sor.u32 s1, s21  }
0x6a: {  	v24 =	vadd.s32 s0, v52;
	v17 =	vadd.f32 v17, v3;
	v3 =	vld [tilespmem:$0x1FE90];
	s1 =	sadd.s32 s2, s1  }
0x6b: {  	v19 =	vadd.f32 v19, v56;
	v26 =	vadd.s32 s0, v50;
	v25 =	vld.idx.msk [tilespmem:v35+s1+$0x0 ss:$0x1], $0xffff  }
0x6c: {  	v21 =	vmul.f32 v21, v58;
	v9 =	vadd.f32 v16, v9;
	v16 =	vadd.s32 s0, v48;
	v30 =	vld [tilespmem:$0x1FE10]  }
0x6d: {  	v22 =	vmul.f32 v22, v58;
	v5 =	vadd.f32 v18, v5;
	v6 =	vadd.f32 v31, v6;
	v29 =	vld [tilespmem:$0x1FE00]  }
0x6e: {  	v18 =	vadd.s32 s0, v45;
	v7 =	vadd.f32 v13, v7;
	v2 =	vadd.f32 v14, v2;
	v23 =	vld.idx.msk [tilespmem:v23+s16+$0x0], $0xffff  }
0x6f: {  	v28 =	vlaneseq.u32;
	v4 =	vadd.f32 v32, v4;
	v0 =	vadd.f32 v15, v0;
	v13 =	vld.idx.msk [tilespmem:v24+s16+$0x0], $0xffff  }
0x70: {  	v27 =	vadd.s32 s0, v3;
	v14 =	vld.idx.msk [tilespmem:v26+s16+$0x0], $0xffff;
	v24 =	vmul.f32 v60, v25;
	v3 =	vmul.f32 v20, v25  }
0x71: {  	v15 =	vld.idx.msk [tilespmem:v16+s16+$0x0], $0xffff;
	v28 =	vor.u32 v28, v30;
	v20 =	vmul.f32 v61, v25;
	v26 =	vmul.f32 v62, v25  }
0x72: {  	v47 =	vsub.s32 v29, v30;
	v30 =	vld [tilespmem:$0x1FF50];
	v16 =	vmul.f32 v63, v25;
	v8 =	vmul.f32 v8, v25  }
0x73: {  	v52 =	vadd.f32 v21, v39;
	v18 =	vld.idx.msk [tilespmem:v18+s16+$0x0], $0xffff;
	v1 =	vmul.f32 v1, v25;
	v12 =	vmul.f32 v12, v25  }
0x74: {  	v28 =	vsub.s32 v29, v28;
	v11 =	vmul.f32 v11, v25;
	v10 =	vmul.f32 v10, v25  }
0x75: {  	v43 =	vld [tilespmem:$0x1FF60];
	v29 =	vsub.s32 $0x0, v28;
	v23 =	vmul.f32 v23, v25;
	v13 =	vmul.f32 v13, v25  }
0x76: {  	v44 =	vld [tilespmem:$0x1FF70];
	v28 =	vmin.u32 v28, v29;
	v14 =	vmul.f32 v14, v25;
	v15 =	vmul.f32 v15, v25  }
0x77: {  	v30 =	vadd.s32 v30, v47;
	v24 =	vadd.f32 v24, v54;
	v20 =	vadd.f32 v20, v55  }
0x78: {  	v18 =	vmul.f32 v18, v25;
	v26 =	vadd.f32 v26, v46;
	v16 =	vadd.f32 v16, v19  }
0x79: {  	v29 =	vsub.s32 $0x0, v30;
	v8 =	vadd.f32 v8, v9;
	v1 =	vadd.f32 v1, v5  }
0x7a: {  	v9 =	vadd.s32 v43, v47;
	v6 =	vadd.f32 v12, v6;
	v11 =	vadd.f32 v11, v17  }
0x7b: {  	v5 =	vadd.s32 v44, v47;
	v4 =	vadd.f32 v10, v4;
	v3 =	vadd.f32 v3, v37  }
0x7c: {  	v27 =	vld.idx.msk [tilespmem:v27+s16+$0x0], $0xffff;
	v45 =	vsub.s32 $0x0, v5;
	v7 =	vadd.f32 v23, v7;
	v35 =	vmul.f32 $1.250000000e-01, v24  }
0x7d: {  	v2 =	vadd.f32 v13, v2;
	v36 =	vmul.f32 $1.250000000e-01, v20;
	v33 =	vmul.f32 $1.250000000e-01, v26  }
0x7e: {  	v46 =	vld [tilespmem:$0x1FF80];
	v0 =	vadd.f32 v14, v0;
	v34 =	vmul.f32 $1.250000000e-01, v16;
	v32 =	vmul.f32 $1.250000000e-01, v8  }
0x7f: {  	v12 =	vld [tilespmem:$0x1FFA0];
	v31 =	vmul.f32 $1.250000000e-01, v1;
	v5 =	vmin.u32 v5, v45;
	v45 =	vmul.f32 $1.250000000e-01, v4  }
0x80: {  	v1 =	vsub.s32 $0x0, v9;
	v5 =	vcvt.s32.f32 v5;
	v44 =	vmul.f32 $1.250000000e-01, v7  }
0x81: {  	v16 =	vld [tilespmem:$0x1FF90];
	v1 =	vmin.u32 v9, v1;
	v43 =	vmul.f32 $1.250000000e-01, v2;
	v25 =	vmul.f32 v27, v25  }
0x82: {  	v27 =	vcvt.s32.f32 v28;
	v28 =	vmin.u32 v30, v29;
	v1 =	vcvt.s32.f32 v1  }
0x83: {  	v24 =	vcvt.s32.f32 v28;
	v9 =	vadd.s32 v46, v47;
	v5 =	vmul.f32 $-1.250000000e-01, v5  }
0x84: {  	v12 =	vadd.s32 v12, v47;
	v46 =	vmul.f32 $1.250000000e-01, v11;
	v19 =	vmul.f32 $-1.250000000e-01, v27  }
0x85: {  	v48 =	vsub.s32 $0x0, v9;
	v1 =	vmul.f32 $-1.250000000e-01, v1;
	v63 =	vmul.f32 $-1.250000000e-01, v24  }
0x86: {  	v16 =	vadd.s32 v16, v47;
	v8 =	vmin.u32 v9, v48;
	v5 =	vmul.f32 $1.442695020e+00, v5  }
0x87: {  	v41 =	vmul.f32 $1.442695020e+00, v19;
	v49 =	vsub.s32 $0x0, v16;
	v8 =	vcvt.s32.f32 v8  }
0x88: {  	v1 =	vmul.f32 $1.442695020e+00, v1;
	v42 =	vmul.f32 $1.442695020e+00, v63;
	v9 =	vmin.u32 v16, v49  }
0x89: {  	v53 =	vld [tilespmem:$0x1FFB0];
	v50 =	vsub.s32 $0x0, v12;
	(erf) = vpow2.f32 v41;
	v9 =	vcvt.s32.f32 v9  }
0x8a: {  	v55 =	vld [tilespmem:$0x1FFC0];
	v24 =	vimm.f32 $0.0e+00;
	v8 =	vmul.f32 $-1.250000000e-01, v8;
	v41 =	vmul.f32 $1.250000000e-01, v6  }
0x8b: {  	v16 =	vadd.f32 v59, v40;
	(erf) = vpow2.f32 v42;
	v9 =	vmul.f32 $-1.250000000e-01, v9  }
0x8c: {  	v63 =	vadd.f32 v18, v52;
	(erf) = vpow2.f32 v1;
	v1 =	vmul.f32 $1.442695020e+00, v8  }
0x8d: {  	v42 =	vmul.f32 $1.250000000e-01, v0;
	v8 =	vmin.u32 v12, v50;
	v12 =	vld [tilespmem:$0x1FFD0];
	(erf) = vpow2.f32 v5  }
0x8e: {  	v50 =	vld [tilespmem:$0x1FFE0];
	v5 =	vadd.s32 v53, v47;
	v51 =	vmul.f32 $1.442695020e+00, v9;
	(erf) = vpow2.f32 v1  }
0x8f: {  	v1 =	vcvt.s32.f32 v8;
	v54 =	vsub.s32 $0x0, v5;
	v8 =	vadd.s32 v55, v47  }
0x90: {  	v39 =	vmul.f32 $1.250000000e-01, v63;
	v5 =	vmin.u32 v5, v54;
	v56 =	vsub.s32 $0x0, v8  }
0x91: {  	(erf) = vpow2.f32 v51;
	v1 =	vmul.f32 $-1.250000000e-01, v1;
	v6 =	vmin.u32 v8, v56  }
0x92: {  	v5 =	vcvt.s32.f32 v5;
	v12 =	vadd.s32 v12, v47;
	v6 =	vcvt.s32.f32 v6  }
0x93: {  	v51 =	vadd.s32 $0xB, v50;
	v53 =	vadd.s32 $0xC, v50;
	v55 =	vadd.s32 $0xD, v50  }
0x94: {  	v57 =	vsub.s32 $0x0, v12;
	v1 =	vmul.f32 $1.442695020e+00, v1;
	v5 =	vmul.f32 $-1.250000000e-01, v5  }
0x95: {  	v4 =	vadd.s32 v51, v47;
	v7 =	vadd.s32 v55, v47;
	v8 =	vmin.u32 v12, v57  }
0x96: {  	v12 =	vadd.f32 v22, v38;
	(erf) = vpow2.f32 v1;
	v1 =	vmul.f32 $-1.250000000e-01, v6  }
0x97: {  	v60 =	vpop (erf);
	v38 =	vmul.f32 $1.250000000e-01, v3;
	v54 =	vsub.s32 $0x0, v4;
	v5 =	vmul.f32 $1.442695020e+00, v5  }
0x98: {  	v8 =	vcvt.s32.f32 v8;
	v61 =	vpop (erf);
	v4 =	vmin.u32 v4, v54;
	v1 =	vmul.f32 $1.442695020e+00, v1  }
0x99: {  	v2 =	vadd.f32 v25, v12;
	v9 =	vmul.f32 $2.000000030e-01, v61;
	(erf) = vpow2.f32 v5  }
0x9a: {  	v4 =	vcvt.s32.f32 v4;
	(erf) = vpow2.f32 v1;
	v1 =	vadd.f32 v15, v16  }
0x9b: {  	v63 =	vsub.s32 $0x0, v7;
	v62 =	vpop (erf);
	v58 =	vmul.f32 $-1.250000000e-01, v8;
	v37 =	vmul.f32 $1.250000000e-01, v2  }
0x9c: {  	v6 =	vmin.u32 v7, v63;
	v0 =	vpop (erf);
	v40 =	vmul.f32 $1.250000000e-01, v1;
	v1 =	vmul.f32 $2.000000030e-01, v60  }
0x9d: {  	v5 =	vadd.s32 v53, v47;
	v10 =	vpop (erf);
	v0 =	vmul.f32 $2.000000030e-01, v0;
	v59 =	vmul.f32 $1.442695020e+00, v58  }
0x9e: {  	v56 =	vsub.s32 $0x0, v5;
	v2 =	vpop (erf);
	v52 =	vadd.f32 v35, v1;
	v1 =	vmul.f32 $2.000000030e-01, v62  }
0x9f: {  	v58 =	vadd.f32 v36, v9;
	v11 =	vmul.f32 $2.000000030e-01, v10;
	(erf) = vpow2.f32 v59;
	v48 =	vpop (erf)  }
0xa0: {  	v60 =	vadd.f32 v33, v1;
	v1 =	vmul.f32 $2.000000030e-01, v2;
	v2 =	vmul.f32 $2.000000030e-01, v48  }
0xa1: {  	v5 =	vmin.u32 v5, v56;
	v61 =	vadd.f32 v32, v11;
	v62 =	vadd.f32 v34, v0  }
0xa2: {  	v9 =	vcvt.s32.f32 v6;
	v10 =	vadd.s32 $0xE, v50;
	v57 =	vadd.f32 v41, v2;
	v2 =	vld [tilespmem:$0x1FFF0]  }
0xa3: {  	v5 =	vcvt.s32.f32 v5;
	vm15 =	vge.f32 v52, v62;
	vm4 =	vge.f32 v52, v61  }
0xa4: {  	vm0 =	vge.f32 v52, v58;
	v7 =	vsel vm15, $0x3F800000, v24;
	v8 =	vsel vm4, $0x3F800000, v24  }
0xa5: {  	v0 =	vpop (erf);
	vm15 =	vge.f32 v58, v62;
	vm4 =	vge.f32 v58, v61;
	v59 =	vadd.f32 v31, v1  }
0xa6: {  	v0 =	vmul.f32 $2.000000030e-01, v0;
	vm1 =	vge.f32 v52, v60;
	vm13 =	vge.f32 v58, v60  }
0xa7: {  	v17 =	vsel vm15, $0x3F800000, v24;
	v6 =	vsel vm4, $0x3F800000, v24;
	v2 =	vadd.s32 v2, v47  }
0xa8: {  	v1 =	vpop (erf);
	v56 =	vadd.f32 v46, v0;
	v0 =	vmul.f32 $-1.250000000e-01, v4;
	v49 =	vsub.s32 $0x0, v2  }
0xa9: {  	v4 =	vmul.f32 $-1.250000000e-01, v9;
	v1 =	vmul.f32 $2.000000030e-01, v1;
	v3 =	vpop (erf);
	v2 =	vmin.u32 v2, v49  }
0xaa: {  	vm4 =	vge.f32 v60, v62;
	v3 =	vmul.f32 $2.000000030e-01, v3;
	v2 =	vcvt.s32.f32 v2  }
0xab: {  	vm5 =	vge.f32 v52, v59;
	vm6 =	vge.f32 v52, v57;
	v53 =	vadd.f32 v45, v1  }
0xac: {  	v0 =	vmul.f32 $1.442695020e+00, v0;
	v55 =	vadd.f32 v44, v3;
	v2 =	vmul.f32 $-1.250000000e-01, v2  }
0xad: {  	vm7 =	vge.f32 v52, v56;
	v49 =	vsub.f32 $1.000000000e+00, v7;
	vm8 =	vge.f32 v52, v53  }
0xae: {  	vm9 =	vge.f32 v52, v55;
	v1 =	vmul.f32 $1.442695020e+00, v2;
	v2 =	vmul.f32 $-1.250000000e-01, v5  }
0xaf: {  	v7 =	vadd.f32 v17, v7;
	v12 =	vsel vm9, $0x3F800000, v24;
	vm9 =	vge.f32 v58, v56  }
0xb0: {  	(erf) = vpow2.f32 v1;
	v1 =	vmul.f32 $1.442695020e+00, v2;
	v2 =	vadd.s32 v10, v47  }
0xb1: {  	(erf) = vpow2.f32 v0;
	v0 =	vmul.f32 $1.442695020e+00, v4;
	v11 =	vsub.s32 $0x0, v2  }
0xb2: {  	(erf) = vpow2.f32 v1;
	v1 =	vmin.u32 v2, v11;
	v2 =	vadd.s32 $0xF, v50  }
0xb3: {  	(erf) = vpow2.f32 v0;
	v0 =	vcvt.s32.f32 v1;
	v1 =	vadd.s32 v2, v47  }
0xb4: {  	v23 =	vsel vm9, $0x3F800000, v24;
	v4 =	vsel vm1, $0x3F800000, v24;
	v2 =	vsub.s32 $0x0, v1  }
0xb5: {  	v1 =	vmin.u32 v1, v2;
	v2 =	vsel vm0, $0x3F800000, v24;
	v0 =	vmul.f32 $-1.250000000e-01, v0  }
0xb6: {  	v48 =	vsub.f32 $1.000000000e+00, v4;
	v47 =	vsub.f32 $1.000000000e+00, v2;
	v1 =	vcvt.s32.f32 v1  }
0xb7: {  	vm9 =	vge.f32 v60, v57;
	v10 =	vsel vm7, $0x3F800000, v24;
	v0 =	vmul.f32 $1.442695020e+00, v0  }
0xb8: {  	v50 =	vsub.f32 $1.000000000e+00, v8;
	v5 =	vadd.f32 v48, v47;
	v1 =	vmul.f32 $-1.250000000e-01, v1  }
0xb9: {  	v47 =	vsub.f32 $1.000000000e+00, v10;
	v10 =	vadd.f32 v23, v10;
	(erf) = vpow2.f32 v0;
	v3 =	vpop (erf)  }
0xba: {  	v5 =	vadd.f32 v49, v5;
	v0 =	vmul.f32 $1.442695020e+00, v1;
	v1 =	vsel vm5, $0x3F800000, v24;
	v54 =	vpop (erf)  }
0xbb: {  	v3 =	vmul.f32 $2.000000030e-01, v3;
	v51 =	vsub.f32 $1.000000000e+00, v1;
	v9 =	vmul.f32 $2.000000030e-01, v54  }
0xbc: {  	v5 =	vadd.f32 v50, v5;
	(erf) = vpow2.f32 v0;
	v0 =	vsel vm6, $0x3F800000, v24  }
0xbd: {  	v54 =	vadd.f32 v43, v3;
	vm6 =	vge.f32 v58, v59;
	v63 =	vsub.f32 $1.000000000e+00, v0  }
0xbe: {  	v19 =	vsel vm6, $0x3F800000, v24;
	vm6 =	vge.f32 v60, v61;
	v5 =	vadd.f32 v51, v5  }
0xbf: {  	v51 =	vadd.f32 v42, v9;
	v9 =	vsel vm8, $0x3F800000, v24;
	vm10 =	vge.f32 v52, v54  }
0xc0: {  	v3 =	vpop (erf);
	vm8 =	vge.f32 v58, v57;
	v1 =	vadd.f32 v19, v1;
	v50 =	vsub.f32 $1.000000000e+00, v9  }
0xc1: {  	v49 =	vpop (erf);
	v3 =	vmul.f32 $2.000000030e-01, v3;
	v22 =	vsel vm8, $0x3F800000, v24;
	v5 =	vadd.f32 v63, v5  }
0xc2: {  	v11 =	vmul.f32 $2.000000030e-01, v49;
	v63 =	vsub.f32 $1.000000000e+00, v12;
	vm11 =	vge.f32 v52, v51  }
0xc3: {  	v0 =	vadd.f32 v22, v0;
	v14 =	vsel vm11, $0x3F800000, v24;
	v5 =	vadd.f32 v47, v5  }
0xc4: {  	vm11 =	vge.f32 v58, v55;
	v47 =	vadd.f32 v39, v11;
	v11 =	vsel vm10, $0x3F800000, v24  }
0xc5: {  	vm10 =	vge.f32 v58, v53;
	v49 =	vsub.f32 $1.000000000e+00, v11;
	v5 =	vadd.f32 v50, v5  }
0xc6: {  	v50 =	vadd.f32 v40, v3;
	v3 =	vpop (erf);
	vm14 =	vge.f32 v52, v47;
	vm15 =	vge.f32 v58, v47  }
0xc7: {  	v13 =	vpop (erf);
	v3 =	vmul.f32 $2.000000030e-01, v3;
	v15 =	vsel vm14, $0x3F800000, v24;
	v5 =	vadd.f32 v63, v5  }
0xc8: {  	v13 =	vmul.f32 $2.000000030e-01, v13;
	v63 =	vsub.f32 $1.000000000e+00, v14;
	vm12 =	vge.f32 v52, v50  }
0xc9: {  	vm14 =	vge.f32 v58, v50;
	v48 =	vadd.f32 v37, v3;
	v5 =	vadd.f32 v49, v5  }
0xca: {  	v49 =	vadd.f32 v38, v13;
	v13 =	vsel vm13, $0x3F800000, v24;
	vm13 =	vge.f32 v58, v51  }
0xcb: {  	v16 =	vsub.f32 $1.000000000e+00, v13;
	vm5 =	vge.f32 v52, v48;
	v3 =	vadd.f32 v63, v5  }
0xcc: {  	v5 =	vsel vm12, $0x3F800000, v24;
	v18 =	vsel vm5, $0x3F800000, v24;
	vm7 =	vge.f32 v52, v49  }
0xcd: {  	vm12 =	vge.f32 v58, v54;
	v2 =	vadd.f32 v16, v2;
	v16 =	vsub.f32 $1.000000000e+00, v17  }
0xce: {  	vm5 =	vge.f32 v58, v48;
	v63 =	vsub.f32 $1.000000000e+00, v5;
	v20 =	vsub.f32 $1.000000000e+00, v18  }
0xcf: {  	vm8 =	vge.f32 v58, v49;
	v2 =	vadd.f32 v16, v2;
	v16 =	vsub.f32 $1.000000000e+00, v6  }
0xd0: {  	v21 =	vsel vm7, $0x3F800000, v24;
	v3 =	vadd.f32 v63, v3;
	v63 =	vsub.f32 $1.000000000e+00, v15  }
0xd1: {  	vm7 =	vge.f32 v60, v59;
	v2 =	vadd.f32 v16, v2;
	v16 =	vsub.f32 $1.000000000e+00, v19  }
0xd2: {  	v6 =	vadd.f32 v6, v8;
	v8 =	vsel vm11, $0x3F800000, v24;
	v3 =	vadd.f32 v63, v3  }
0xd3: {  	v63 =	vsel vm10, $0x3F800000, v24;
	vm10 =	vge.f32 v60, v56;
	v2 =	vadd.f32 v16, v2  }
0xd4: {  	v16 =	vsub.f32 $1.000000000e+00, v22;
	v3 =	vadd.f32 v20, v3;
	v22 =	vsel vm10, $0x3F800000, v24  }
0xd5: {  	vm11 =	vge.f32 v60, v53;
	v20 =	vsub.f32 $1.000000000e+00, v21;
	v10 =	vadd.f32 v10, v22  }
0xd6: {  	v19 =	vsel vm8, $0x3F800000, v24;
	v2 =	vadd.f32 v16, v2;
	v16 =	vsub.f32 $1.000000000e+00, v23  }
0xd7: {  	vm8 =	vge.f32 v62, v57;
	v52 =	vadd.f32 v20, v3;
	v3 =	vadd.f32 v13, v4  }
0xd8: {  	vm10 =	vge.f32 v62, v56;
	v13 =	vsub.f32 $1.000000000e+00, v63;
	v2 =	vadd.f32 v16, v2  }
0xd9: {  	v4 =	vadd.f32 v63, v9;
	v63 =	vsel vm13, $0x3F800000, v24;
	v20 =	vsel vm9, $0x3F800000, v24  }
0xda: {  	vm13 =	vge.f32 v60, v54;
	v2 =	vadd.f32 v13, v2;
	v13 =	vsub.f32 $1.000000000e+00, v8  }
0xdb: {  	vm9 =	vge.f32 v60, v49;
	v9 =	vadd.f32 v63, v14;
	v16 =	vsel vm12, $0x3F800000, v24  }
0xdc: {  	v14 =	vsel vm4, $0x3F800000, v24;
	v2 =	vadd.f32 v13, v2;
	v13 =	vsub.f32 $1.000000000e+00, v16  }
0xdd: {  	v0 =	vadd.f32 v0, v20;
	vm4 =	vge.f32 v60, v47;
	v7 =	vadd.f32 v7, v14  }
0xde: {  	vm12 =	vge.f32 v60, v55;
	v2 =	vadd.f32 v13, v2;
	v13 =	vsub.f32 $1.000000000e+00, v63  }
0xdf: {  	v11 =	vadd.f32 v16, v11;
	v8 =	vadd.f32 v8, v12;
	v12 =	vsel vm14, $0x3F800000, v24  }
0xe0: {  	vm14 =	vge.f32 v60, v51;
	v2 =	vadd.f32 v13, v2;
	v13 =	vsub.f32 $1.000000000e+00, v12  }
0xe1: {  	v5 =	vadd.f32 v12, v5;
	v16 =	vsel vm6, $0x3F800000, v24;
	vm6 =	vge.f32 v60, v48  }
0xe2: {  	v6 =	vadd.f32 v6, v16;
	v12 =	vsel vm15, $0x3F800000, v24;
	v2 =	vadd.f32 v13, v2  }
0xe3: {  	v63 =	vsel vm14, $0x3F800000, v24;
	v13 =	vadd.f32 v12, v15;
	v12 =	vsub.f32 $1.000000000e+00, v12  }
0xe4: {  	vm14 =	vge.f32 v62, v51;
	vm15 =	vge.f32 v60, v50;
	v15 =	vsub.f32 $1.000000000e+00, v14  }
0xe5: {  	v14 =	vsel vm12, $0x3F800000, v24;
	vm12 =	vge.f32 v62, v55;
	v2 =	vadd.f32 v12, v2  }
0xe6: {  	v12 =	vsel vm5, $0x3F800000, v24;
	v3 =	vadd.f32 v15, v3;
	v15 =	vsub.f32 $1.000000000e+00, v16  }
0xe7: {  	v8 =	vadd.f32 v8, v14;
	vm5 =	vge.f32 v62, v61;
	v17 =	vadd.f32 v12, v18  }
0xe8: {  	v18 =	vsel vm7, $0x3F800000, v24;
	v12 =	vsub.f32 $1.000000000e+00, v12;
	v3 =	vadd.f32 v15, v3  }
0xe9: {  	vm7 =	vge.f32 v62, v59;
	v15 =	vsub.f32 $1.000000000e+00, v18;
	v1 =	vadd.f32 v1, v18  }
0xea: {  	v18 =	vsel vm9, $0x3F800000, v24;
	v2 =	vadd.f32 v12, v2;
	v12 =	vsub.f32 $1.000000000e+00, v19  }
0xeb: {  	vm9 =	vge.f32 v61, v56;
	v3 =	vadd.f32 v15, v3;
	v15 =	vsub.f32 $1.000000000e+00, v20  }
0xec: {  	v19 =	vadd.f32 v19, v21;
	v60 =	vsub.f32 $1.000000000e+00, v18;
	v20 =	vsel vm10, $0x3F800000, v24  }
0xed: {  	vm10 =	vge.f32 v61, v53;
	v3 =	vadd.f32 v15, v3;
	v15 =	vsub.f32 $1.000000000e+00, v22  }
0xee: {  	v58 =	vadd.f32 v12, v2;
	v2 =	vsel vm11, $0x3F800000, v24;
	v18 =	vadd.f32 v19, v18  }
0xef: {  	vm11 =	vge.f32 v62, v53;
	v12 =	vsub.f32 $1.000000000e+00, v2;
	v3 =	vadd.f32 v15, v3  }
0xf0: {  	v10 =	vadd.f32 v10, v20;
	v19 =	vsel vm10, $0x3F800000, v24;
	v2 =	vadd.f32 v4, v2  }
0xf1: {  	vm10 =	vge.f32 v59, v54;
	v3 =	vadd.f32 v12, v3;
	v12 =	vsub.f32 $1.000000000e+00, v14  }
0xf2: {  	v4 =	vadd.f32 v9, v63;
	v21 =	vsel vm11, $0x3F800000, v24;
	v15 =	vsel vm13, $0x3F800000, v24  }
0xf3: {  	vm11 =	vge.f32 v61, v55;
	v3 =	vadd.f32 v12, v3;
	v12 =	vsub.f32 $1.000000000e+00, v15  }
0xf4: {  	vm13 =	vge.f32 v62, v54;
	v2 =	vadd.f32 v2, v21;
	v11 =	vadd.f32 v11, v15  }
0xf5: {  	v14 =	vsel vm15, $0x3F800000, v24;
	v3 =	vadd.f32 v12, v3;
	v12 =	vsub.f32 $1.000000000e+00, v63  }
0xf6: {  	vm15 =	vge.f32 v62, v50;
	v2 =	vadd.f32 v2, v19;
	v5 =	vadd.f32 v5, v14  }
0xf7: {  	v15 =	vsel vm7, $0x3F800000, v24;
	v3 =	vadd.f32 v12, v3;
	v12 =	vsub.f32 $1.000000000e+00, v14  }
0xf8: {  	vm7 =	vge.f32 v61, v57;
	v1 =	vadd.f32 v1, v15;
	v63 =	vsel vm4, $0x3F800000, v24  }
0xf9: {  	v3 =	vadd.f32 v12, v3;
	v12 =	vadd.f32 v13, v63;
	v13 =	vsel vm5, $0x3F800000, v24  }
0xfa: {  	v9 =	vsub.f32 $1.000000000e+00, v63;
	v63 =	vsel vm6, $0x3F800000, v24;
	v14 =	vsub.f32 $1.000000000e+00, v13  }
0xfb: {  	vm4 =	vge.f32 v62, v47;
	vm5 =	vge.f32 v61, v59;
	v16 =	vadd.f32 v17, v63  }
0xfc: {  	vm6 =	vge.f32 v62, v48;
	v7 =	vadd.f32 v14, v7;
	v14 =	vsub.f32 $1.000000000e+00, v15  }
0xfd: {  	v17 =	vsel vm8, $0x3F800000, v24;
	v6 =	vadd.f32 v6, v13;
	v3 =	vadd.f32 v9, v3  }
0xfe: {  	v13 =	vsel vm13, $0x3F800000, v24;
	v7 =	vadd.f32 v14, v7;
	v14 =	vsub.f32 $1.000000000e+00, v17  }
0xff: {  	vm8 =	vge.f32 v62, v49;
	v9 =	vsub.f32 $1.000000000e+00, v63;
	v0 =	vadd.f32 v0, v17  }
0x100: {  	vm13 =	vge.f32 v61, v51;
	v7 =	vadd.f32 v14, v7;
	v14 =	vsub.f32 $1.000000000e+00, v20  }
0x101: {  	v11 =	vadd.f32 v11, v13;
	v15 =	vsel vm7, $0x3F800000, v24;
	v3 =	vadd.f32 v9, v3  }
0x102: {  	vm7 =	vge.f32 v61, v49;
	v7 =	vadd.f32 v14, v7;
	v14 =	vsub.f32 $1.000000000e+00, v21  }
0x103: {  	v0 =	vadd.f32 v0, v15;
	v60 =	vadd.f32 v60, v3;
	v3 =	vsel vm12, $0x3F800000, v24  }
0x104: {  	v9 =	vsel vm5, $0x3F800000, v24;
	v63 =	vsub.f32 $1.000000000e+00, v3;
	v7 =	vadd.f32 v14, v7  }
0x105: {  	vm5 =	vge.f32 v59, v57;
	v17 =	vsel vm9, $0x3F800000, v24;
	v1 =	vadd.f32 v1, v9  }
0x106: {  	vm9 =	vge.f32 v59, v55;
	v7 =	vadd.f32 v63, v7;
	v63 =	vsub.f32 $1.000000000e+00, v13  }
0x107: {  	vm12 =	vge.f32 v61, v54;
	v3 =	vadd.f32 v8, v3;
	v14 =	vsel vm14, $0x3F800000, v24  }
0x108: {  	v8 =	vsel vm15, $0x3F800000, v24;
	v7 =	vadd.f32 v63, v7;
	v63 =	vsub.f32 $1.000000000e+00, v14  }
0x109: {  	v10 =	vadd.f32 v10, v17;
	vm15 =	vge.f32 v61, v47;
	v5 =	vadd.f32 v5, v8  }
0x10a: {  	vm14 =	vge.f32 v61, v50;
	v7 =	vadd.f32 v63, v7;
	v63 =	vsub.f32 $1.000000000e+00, v8  }
0x10b: {  	v4 =	vadd.f32 v4, v14;
	v13 =	vsel vm4, $0x3F800000, v24;
	vm4 =	vge.f32 v61, v48  }
0x10c: {  	v61 =	vsel vm7, $0x3F800000, v24;
	v8 =	vadd.f32 v12, v13;
	v7 =	vadd.f32 v63, v7  }
0x10d: {  	v12 =	vsel vm6, $0x3F800000, v24;
	v63 =	vsub.f32 $1.000000000e+00, v13;
	v13 =	vsub.f32 $1.000000000e+00, v9  }
0x10e: {  	vm7 =	vge.f32 v57, v54;
	v14 =	vadd.f32 v16, v12;
	v12 =	vsub.f32 $1.000000000e+00, v12  }
0x10f: {  	v9 =	vsel vm14, $0x3F800000, v24;
	v6 =	vadd.f32 v6, v13;
	v13 =	vsub.f32 $1.000000000e+00, v15  }
0x110: {  	vm6 =	vge.f32 v59, v56;
	v5 =	vadd.f32 v5, v9;
	v7 =	vadd.f32 v63, v7  }
0x111: {  	v16 =	vsel vm8, $0x3F800000, v24;
	v6 =	vadd.f32 v6, v13;
	v13 =	vsub.f32 $1.000000000e+00, v17  }
0x112: {  	vm8 =	vge.f32 v59, v53;
	v7 =	vadd.f32 v12, v7;
	v12 =	vsub.f32 $1.000000000e+00, v16  }
0x113: {  	vm14 =	vge.f32 v59, v48;
	v6 =	vadd.f32 v6, v13;
	v13 =	vsub.f32 $1.000000000e+00, v19  }
0x114: {  	v63 =	vsel vm12, $0x3F800000, v24;
	v62 =	vadd.f32 v12, v7;
	v7 =	vsel vm11, $0x3F800000, v24  }
0x115: {  	v15 =	vsel vm8, $0x3F800000, v24;
	v12 =	vsub.f32 $1.000000000e+00, v7;
	v6 =	vadd.f32 v6, v13  }
0x116: {  	vm12 =	vge.f32 v59, v50;
	v2 =	vadd.f32 v2, v15;
	v16 =	vadd.f32 v18, v16  }
0x117: {  	vm8 =	vge.f32 v57, v51;
	v6 =	vadd.f32 v6, v12;
	v12 =	vsub.f32 $1.000000000e+00, v63  }
0x118: {  	v3 =	vadd.f32 v3, v7;
	v7 =	vadd.f32 v11, v63;
	v13 =	vsel vm13, $0x3F800000, v24  }
0x119: {  	v11 =	vsel vm5, $0x3F800000, v24;
	v6 =	vadd.f32 v6, v12;
	v12 =	vsub.f32 $1.000000000e+00, v13  }
0x11a: {  	v17 =	vsel vm9, $0x3F800000, v24;
	v16 =	vadd.f32 v16, v61;
	v0 =	vadd.f32 v0, v11  }
0x11b: {  	vm9 =	vge.f32 v57, v50;
	v63 =	vsub.f32 $1.000000000e+00, v9;
	v6 =	vadd.f32 v6, v12  }
0x11c: {  	v4 =	vadd.f32 v4, v13;
	v3 =	vadd.f32 v3, v17;
	v9 =	vsel vm15, $0x3F800000, v24  }
0x11d: {  	vm11 =	vge.f32 v59, v51;
	v6 =	vadd.f32 v6, v63;
	v63 =	vsub.f32 $1.000000000e+00, v9  }
0x11e: {  	vm5 =	vge.f32 v57, v53;
	v8 =	vadd.f32 v8, v9;
	v13 =	vsub.f32 $1.000000000e+00, v11  }
0x11f: {  	v11 =	vsel vm11, $0x3F800000, v24;
	v6 =	vadd.f32 v6, v63;
	v63 =	vsel vm4, $0x3F800000, v24  }
0x120: {  	v4 =	vadd.f32 v4, v11;
	v12 =	vadd.f32 v14, v63;
	v14 =	vsel vm6, $0x3F800000, v24  }
0x121: {  	vm13 =	vge.f32 v59, v47;
	v1 =	vadd.f32 v1, v13;
	v13 =	vsub.f32 $1.000000000e+00, v14  }
0x122: {  	vm15 =	vge.f32 v57, v56;
	v9 =	vsub.f32 $1.000000000e+00, v63;
	v10 =	vadd.f32 v10, v14  }
0x123: {  	vm11 =	vge.f32 v57, v48;
	v1 =	vadd.f32 v1, v13;
	v13 =	vsub.f32 $1.000000000e+00, v15  }
0x124: {  	vm4 =	vge.f32 v59, v49;
	v6 =	vadd.f32 v6, v9;
	v9 =	vsub.f32 $1.000000000e+00, v61  }
0x125: {  	vm6 =	vge.f32 v57, v55;
	v1 =	vadd.f32 v1, v13;
	v13 =	vsub.f32 $1.000000000e+00, v17  }
0x126: {  	v14 =	vsel vm5, $0x3F800000, v24;
	v61 =	vadd.f32 v6, v9;
	v6 =	vsel vm10, $0x3F800000, v24  }
0x127: {  	vm5 =	vge.f32 v56, v50;
	v63 =	vsub.f32 $1.000000000e+00, v6;
	v1 =	vadd.f32 v1, v13  }
0x128: {  	v2 =	vadd.f32 v2, v14;
	v15 =	vsel vm6, $0x3F800000, v24;
	vm6 =	vge.f32 v56, v47  }
0x129: {  	v9 =	vsub.f32 $1.000000000e+00, v11;
	v11 =	vsel vm15, $0x3F800000, v24;
	v1 =	vadd.f32 v1, v63  }
0x12a: {  	v3 =	vadd.f32 v3, v15;
	v6 =	vadd.f32 v7, v6;
	v63 =	vsel vm12, $0x3F800000, v24  }
0x12b: {  	vm10 =	vge.f32 v57, v47;
	v1 =	vadd.f32 v1, v9;
	v9 =	vsub.f32 $1.000000000e+00, v63  }
0x12c: {  	v10 =	vadd.f32 v10, v11;
	v5 =	vadd.f32 v5, v63;
	v63 =	vsel vm13, $0x3F800000, v24  }
0x12d: {  	v13 =	vsel vm4, $0x3F800000, v24;
	v1 =	vadd.f32 v1, v9;
	v9 =	vsub.f32 $1.000000000e+00, v63  }
0x12e: {  	vm15 =	vge.f32 v56, v54;
	v59 =	vsub.f32 $1.000000000e+00, v13;
	v13 =	vadd.f32 v16, v13  }
0x12f: {  	v7 =	vadd.f32 v8, v63;
	v63 =	vsel vm14, $0x3F800000, v24;
	v1 =	vadd.f32 v1, v9  }
0x130: {  	vm4 =	vge.f32 v56, v51;
	v9 =	vadd.f32 v12, v63;
	v12 =	vsub.f32 $1.000000000e+00, v11  }
0x131: {  	vm12 =	vge.f32 v56, v53;
	vm13 =	vge.f32 v57, v49;
	v8 =	vsub.f32 $1.000000000e+00, v63  }
0x132: {  	v11 =	vsel vm8, $0x3F800000, v24;
	v0 =	vadd.f32 v0, v12;
	v12 =	vsub.f32 $1.000000000e+00, v14  }
0x133: {  	vm14 =	vge.f32 v56, v55;
	v4 =	vadd.f32 v4, v11;
	v1 =	vadd.f32 v1, v8  }
0x134: {  	vm8 =	vge.f32 v53, v55;
	v0 =	vadd.f32 v0, v12;
	v12 =	vsub.f32 $1.000000000e+00, v15  }
0x135: {  	v8 =	vsub.f32 $1.000000000e+00, v11;
	v59 =	vadd.f32 v1, v59;
	v1 =	vsel vm7, $0x3F800000, v24  }
0x136: {  	v14 =	vsel vm14, $0x3F800000, v24;
	v63 =	vsub.f32 $1.000000000e+00, v1;
	v0 =	vadd.f32 v0, v12  }
0x137: {  	vm14 =	vge.f32 v53, v48;
	v3 =	vadd.f32 v3, v14;
	v15 =	vsel vm15, $0x3F800000, v24  }
0x138: {  	vm7 =	vge.f32 v56, v48;
	vm15 =	vge.f32 v55, v54;
	v0 =	vadd.f32 v0, v63  }
0x139: {  	v1 =	vadd.f32 v6, v1;
	v12 =	vsel vm13, $0x3F800000, v24;
	v63 =	vsel vm9, $0x3F800000, v24  }
0x13a: {  	vm13 =	vge.f32 v53, v47;
	v0 =	vadd.f32 v0, v8;
	v8 =	vsub.f32 $1.000000000e+00, v63  }
0x13b: {  	v1 =	vadd.f32 v1, v15;
	v5 =	vadd.f32 v5, v63;
	v63 =	vsel vm10, $0x3F800000, v24  }
0x13c: {  	vm10 =	vge.f32 v53, v54;
	v0 =	vadd.f32 v0, v8;
	v8 =	vsub.f32 $1.000000000e+00, v63  }
0x13d: {  	v6 =	vadd.f32 v7, v63;
	v11 =	vsel vm10, $0x3F800000, v24;
	v63 =	vsel vm11, $0x3F800000, v24  }
0x13e: {  	v0 =	vadd.f32 v0, v8;
	v8 =	vadd.f32 v9, v63;
	v9 =	vsel vm12, $0x3F800000, v24  }
0x13f: {  	vm9 =	vge.f32 v56, v49;
	v1 =	vadd.f32 v1, v11;
	v57 =	vsub.f32 $1.000000000e+00, v9  }
0x140: {  	vm10 =	vge.f32 v55, v49;
	v7 =	vsub.f32 $1.000000000e+00, v63;
	v63 =	vsub.f32 $1.000000000e+00, v14  }
0x141: {  	vm11 =	vge.f32 v53, v51;
	v2 =	vadd.f32 v2, v9;
	v10 =	vadd.f32 v10, v57  }
0x142: {  	vm12 =	vge.f32 v53, v50;
	v0 =	vadd.f32 v0, v7;
	v57 =	vsub.f32 $1.000000000e+00, v12  }
0x143: {  	v9 =	vsel vm5, $0x3F800000, v24;
	v10 =	vadd.f32 v10, v63;
	v63 =	vsub.f32 $1.000000000e+00, v15  }
0x144: {  	v5 =	vadd.f32 v5, v9;
	v57 =	vadd.f32 v0, v57;
	v0 =	vsel vm4, $0x3F800000, v24  }
0x145: {  	vm5 =	vge.f32 v55, v51;
	v7 =	vadd.f32 v10, v63;
	v63 =	vsub.f32 $1.000000000e+00, v0  }
0x146: {  	v12 =	vadd.f32 v13, v12;
	v13 =	vsel vm11, $0x3F800000, v24;
	v0 =	vadd.f32 v4, v0  }
0x147: {  	v7 =	vadd.f32 v7, v63;
	v63 =	vsub.f32 $1.000000000e+00, v9;
	v9 =	vsel vm8, $0x3F800000, v24  }
0x148: {  	v4 =	vsel vm6, $0x3F800000, v24;
	v0 =	vadd.f32 v0, v13;
	v56 =	vsub.f32 $1.000000000e+00, v9  }
0x149: {  	vm11 =	vge.f32 v54, v50;
	v7 =	vadd.f32 v7, v63;
	v63 =	vsub.f32 $1.000000000e+00, v4  }
0x14a: {  	vm4 =	vge.f32 v53, v49;
	v4 =	vadd.f32 v6, v4;
	v2 =	vadd.f32 v2, v56  }
0x14b: {  	v56 =	vsub.f32 $1.000000000e+00, v11;
	v6 =	vadd.f32 v7, v63;
	v63 =	vsel vm7, $0x3F800000, v24  }
0x14c: {  	vm6 =	vge.f32 v55, v50;
	v3 =	vadd.f32 v3, v9;
	v7 =	vsub.f32 $1.000000000e+00, v63  }
0x14d: {  	v8 =	vadd.f32 v8, v63;
	v63 =	vsel vm9, $0x3F800000, v24;
	v2 =	vadd.f32 v2, v56  }
0x14e: {  	vm8 =	vge.f32 v55, v48;
	v6 =	vadd.f32 v6, v7;
	v7 =	vsub.f32 $1.000000000e+00, v63  }
0x14f: {  	v9 =	vsel vm4, $0x3F800000, v24;
	v12 =	vadd.f32 v12, v63;
	v63 =	vsub.f32 $1.000000000e+00, v13  }
0x150: {  	v53 =	vsub.f32 $1.000000000e+00, v9;
	v56 =	vadd.f32 v6, v7;
	v6 =	vsel vm12, $0x3F800000, v24  }
0x151: {  	vm4 =	vge.f32 v51, v47;
	v2 =	vadd.f32 v2, v63;
	v7 =	vsub.f32 $1.000000000e+00, v6  }
0x152: {  	v11 =	vsel vm14, $0x3F800000, v24;
	v9 =	vadd.f32 v12, v9;
	v63 =	vsel vm13, $0x3F800000, v24  }
0x153: {  	vm14 =	vge.f32 v54, v49;
	v10 =	vsub.f32 $1.000000000e+00, v63;
	v2 =	vadd.f32 v2, v7  }
0x154: {  	vm7 =	vge.f32 v55, v47;
	v5 =	vadd.f32 v5, v6;
	v6 =	vsub.f32 $1.000000000e+00, v11  }
0x155: {  	v7 =	vadd.f32 v8, v11;
	v8 =	vsel vm15, $0x3F800000, v24;
	v2 =	vadd.f32 v2, v10  }
0x156: {  	vm9 =	vge.f32 v54, v51;
	v4 =	vadd.f32 v4, v63;
	v63 =	vsub.f32 $1.000000000e+00, v8  }
0x157: {  	v11 =	vsel vm5, $0x3F800000, v24;
	v1 =	vadd.f32 v1, v8;
	v2 =	vadd.f32 v2, v6  }
0x158: {  	vm12 =	vge.f32 v54, v47;
	v3 =	vadd.f32 v3, v63;
	v63 =	vsub.f32 $1.000000000e+00, v11  }
0x159: {  	v0 =	vadd.f32 v0, v11;
	v53 =	vadd.f32 v2, v53;
	v2 =	vsel vm6, $0x3F800000, v24  }
0x15a: {  	v8 =	vsel vm10, $0x3F800000, v24;
	v3 =	vadd.f32 v3, v63;
	v6 =	vsub.f32 $1.000000000e+00, v2  }
0x15b: {  	v55 =	vsub.f32 $1.000000000e+00, v8;
	v8 =	vadd.f32 v9, v8;
	v63 =	vsel vm7, $0x3F800000, v24  }
0x15c: {  	v11 =	vsel vm8, $0x3F800000, v24;
	v10 =	vsub.f32 $1.000000000e+00, v63;
	v3 =	vadd.f32 v3, v6  }
0x15d: {  	vm13 =	vge.f32 v54, v48;
	v2 =	vadd.f32 v5, v2;
	v5 =	vsub.f32 $1.000000000e+00, v11  }
0x15e: {  	v6 =	vadd.f32 v7, v11;
	v7 =	vsel vm9, $0x3F800000, v24;
	v3 =	vadd.f32 v3, v10  }
0x15f: {  	v4 =	vadd.f32 v4, v63;
	v11 =	vsel vm11, $0x3F800000, v24;
	v63 =	vsub.f32 $1.000000000e+00, v7  }
0x160: {  	vm15 =	vge.f32 v51, v50;
	v2 =	vadd.f32 v2, v11;
	v3 =	vadd.f32 v3, v5  }
0x161: {  	vm5 =	vge.f32 v51, v48;
	v1 =	vadd.f32 v1, v63;
	v63 =	vsub.f32 $1.000000000e+00, v11  }
0x162: {  	v11 =	vmax.f32 v35, v36;
	v55 =	vadd.f32 v3, v55;
	v3 =	vsel vm12, $0x3F800000, v24  }
0x163: {  	v1 =	vadd.f32 v1, v63;
	v63 =	vsel vm13, $0x3F800000, v24;
	v10 =	vsub.f32 $1.000000000e+00, v3  }
0x164: {  	v3 =	vadd.f32 v4, v3;
	v4 =	vadd.f32 v6, v63;
	v6 =	vmax.f32 v11, v33  }
0x165: {  	vm8 =	vge.f32 v50, v48;
	vm6 =	vge.f32 v51, v49;
	v6 =	vmax.f32 v6, v34  }
0x166: {  	v9 =	vsub.f32 $1.000000000e+00, v63;
	v1 =	vadd.f32 v1, v10;
	v6 =	vmax.f32 v6, v32  }
0x167: {  	v63 =	vsel vm15, $0x3F800000, v24;
	v10 =	vsel vm14, $0x3F800000, v24;
	v6 =	vmax.f32 v6, v31  }
0x168: {  	v54 =	vsub.f32 $1.000000000e+00, v10;
	v1 =	vadd.f32 v1, v9;
	v6 =	vmax.f32 v6, v41  }
0x169: {  	v0 =	vadd.f32 v0, v7;
	v2 =	vadd.f32 v2, v63;
	v6 =	vmax.f32 v6, v46  }
0x16a: {  	v54 =	vadd.f32 v1, v54;
	v1 =	vsub.f32 $1.000000000e+00, v63;
	v6 =	vmax.f32 v6, v45  }
0x16b: {  	v5 =	vadd.f32 v8, v10;
	v63 =	vsel vm6, $0x3F800000, v24;
	v6 =	vmax.f32 v6, v44  }
0x16c: {  	v0 =	vadd.f32 v0, v1;
	v1 =	vsel vm4, $0x3F800000, v24;
	v51 =	vmax.f32 v6, v43  }
0x16d: {  	v10 =	vsub.f32 $1.000000000e+00, v1;
	v1 =	vadd.f32 v3, v1;
	v3 =	vsel vm5, $0x3F800000, v24  }
0x16e: {  	v11 =	vsub.f32 $1.000000000e+00, v3;
	v3 =	vadd.f32 v4, v3;
	v4 =	vmax.f32 v51, v42  }
0x16f: {  	vm7 =	vge.f32 v50, v47;
	v9 =	vsub.f32 $1.000000000e+00, v63;
	v4 =	vmax.f32 v4, v40  }
0x170: {  	v5 =	vadd.f32 v5, v63;
	v0 =	vadd.f32 v0, v10;
	v4 =	vmax.f32 v4, v39  }
0x171: {  	v6 =	vsel vm8, $0x3F800000, v24;
	v10 =	vsel vm7, $0x3F800000, v24;
	v4 =	vmax.f32 v4, v37  }
0x172: {  	v0 =	vadd.f32 v0, v11;
	v11 =	vsub.f32 $1.000000000e+00, v10;
	v4 =	vmax.f32 v4, v38  }
0x173: {  	vm2 =	vlt.f32 v58, $6.000000000e+00;
	v51 =	vsub.f32 $1.000000000e+00, v6;
	v35 =	vsub.f32 v35, v4  }
0x174: {  	vm3 =	vlt.f32 v61, $6.000000000e+00;
	v2 =	vadd.f32 v2, v11;
	v63 =	vsub.f32 v36, v4  }
0x175: {  	vm10 =	vge.f32 v47, v48;
	vm9 =	vge.f32 v50, v49;
	v35 =	vmul.f32 $1.442695020e+00, v35  }
0x176: {  	v2 =	vadd.f32 v2, v51;
	v50 =	vmul.f32 $1.442695020e+00, v63;
	v51 =	vsub.f32 v33, v4  }
0x177: {  	vm11 =	vge.f32 v47, v49;
	vm13 =	vlt.f32 v52, $6.000000000e+00;
	(erf) = vpow2.f32 v35  }
0x178: {  	v3 =	vadd.f32 v3, v6;
	v6 =	vmul.f32 $1.442695020e+00, v51;
	(erf) = vpow2.f32 v50  }
0x179: {  	vm12 =	vge.f32 v48, v49;
	vm15 =	vlt.f32 v62, $6.000000000e+00;
	v63 =	vsub.f32 v34, v4  }
0x17a: {  	v1 =	vadd.f32 v1, v10;
	v36 =	vsel vm9, $0x3F800000, v24;
	(erf) = vpow2.f32 v6  }
0x17b: {  	v5 =	vadd.f32 v5, v36;
	v33 =	vsub.f32 v32, v4;
	v8 =	vmul.f32 $1.442695020e+00, v63  }
0x17c: {  	vm14 =	vlt.f32 v60, $6.000000000e+00;
	v7 =	vsub.f32 $1.000000000e+00, v36;
	v36 =	vsub.f32 v31, v4  }
0x17d: {  	v0 =	vadd.f32 v0, v9;
	v9 =	vmul.f32 $1.442695020e+00, v33;
	(erf) = vpow2.f32 v8  }
0x17e: {  	v34 =	vsel vm10, $0x3F800000, v24;
	v50 =	vsub.f32 v41, v4;
	v8 =	vmul.f32 $1.442695020e+00, v36  }
0x17f: {  	v35 =	vsub.f32 $1.000000000e+00, v34;
	v51 =	vsub.f32 v46, v4;
	(erf) = vpow2.f32 v9  }
0x180: {  	v3 =	vadd.f32 v3, v34;
	v63 =	vmul.f32 $1.442695020e+00, v50;
	(erf) = vpow2.f32 v8;
	v32 =	vpop (erf)  }
0x181: {  	v2 =	vadd.f32 v2, v7;
	v34 =	vsub.f32 v45, v4;
	v7 =	vmul.f32 $1.442695020e+00, v51;
	v33 =	vpop (erf)  }
0x182: {  	(erf) = vpow2.f32 v63;
	v9 =	vnsel vm13, $0x0, v32;
	v8 =	vnsel vm2, $0x0, v33  }
0x183: {  	v1 =	vadd.f32 v1, v35;
	v10 =	vmul.f32 $1.442695020e+00, v34;
	v35 =	vpop (erf);
	v12 =	vadd.f32 v8, v9  }
0x184: {  	v36 =	vsub.f32 v44, v4;
	(erf) = vpow2.f32 v7;
	v7 =	vnsel vm14, $0x0, v35  }
0x185: {  	v16 =	vsel vm12, $0x3F800000, v24;
	v14 =	vsub.f32 v43, v4;
	v12 =	vadd.f32 v12, v7  }
0x186: {  	vm6 =	vlt.f32 v57, $6.000000000e+00;
	v11 =	vmul.f32 $1.442695020e+00, v36;
	(erf) = vpow2.f32 v10;
	v41 =	vpop (erf)  }
0x187: {  	s29 =	sand.u32 $0x7FFFFC00, s29;
	v15 =	vsub.f32 v42, v4;
	v14 =	vmul.f32 $1.442695020e+00, v14;
	v10 =	vnsel vm15, $0x0, v41  }
0x188: {  	s3 =	sshrl.u32 s29, $0x2;
	vm5 =	vlt.f32 v59, $6.000000000e+00;
	(erf) = vpow2.f32 v11;
	v13 =	vpop (erf);
	v44 =	vadd.f32 v12, v10  }
0x189: {  	s0 =	sor.u32 s28, s3;
	v17 =	vsub.f32 v40, v4;
	v15 =	vmul.f32 $1.442695020e+00, v15;
	v13 =	vnsel vm3, $0x0, v13;
	v12 =	vpop (erf)  }
0x18a: {  	v19 =	vld [tilespmem:s0+$0x10800];
	(erf) = vpow2.f32 v14;
	v11 =	vadd.f32 v44, v13;
	v12 =	vnsel vm5, $0x0, v12  }
0x18b: {  	v14 =	vpop (erf);
	(erf) = vpow2.f32 v15;
	v15 =	vmul.f32 $1.442695020e+00, v17;
	v17 =	vsub.f32 v39, v4  }
0x18c: {  	vm8 =	vlt.f32 v53, $6.000000000e+00;
	vm7 =	vlt.f32 v56, $6.000000000e+00;
	v11 =	vadd.f32 v11, v12  }
0x18d: {  	v14 =	vnsel vm6, $0x0, v14;
	v18 =	vpop (erf);
	(erf) = vpow2.f32 v15;
	v15 =	vmul.f32 $1.442695020e+00, v17  }
0x18e: {  	vm9 =	vlt.f32 v55, $6.000000000e+00;
	v17 =	vsub.f32 v37, v4;
	v11 =	vadd.f32 v11, v14  }
0x18f: {  	v22 =	vmax.f32 v4, v19;
	v18 =	vnsel vm7, $0x0, v18;
	v20 =	vpop (erf);
	(erf) = vpow2.f32 v15  }
0x190: {  	v15 =	vmul.f32 $1.442695020e+00, v17;
	v17 =	vsub.f32 v38, v4;
	v11 =	vadd.f32 v11, v18  }
0x191: {  	v19 =	vsub.f32 v19, v22;
	vm10 =	vlt.f32 v54, $6.000000000e+00;
	v20 =	vnsel vm8, $0x0, v20;
	v21 =	vpop (erf)  }
0x192: {  	v6 =	vsel vm11, $0x3F800000, v24;
	v21 =	vnsel vm9, $0x0, v21;
	v11 =	vadd.f32 v11, v20  }
0x193: {  	v4 =	vsub.f32 v4, v22;
	(erf) = vpow2.f32 v15;
	v15 =	vmul.f32 $1.442695020e+00, v17  }
0x194: {  	vm11 =	vlt.f32 v0, $6.000000000e+00;
	v47 =	vsub.f32 $1.000000000e+00, v6;
	v17 =	vpop (erf);
	v11 =	vadd.f32 v11, v21  }
0x195: {  	v4 =	vmul.f32 $1.442695020e+00, v4;
	(erf) = vpow2.f32 v15;
	v17 =	vnsel vm10, $0x0, v17  }
0x196: {  	vm12 =	vlt.f32 v2, $6.000000000e+00;
	v15 =	vmul.f32 $1.442695020e+00, v19;
	v0 =	vpop (erf);
	v11 =	vadd.f32 v11, v17  }
0x197: {  	v1 =	vadd.f32 v1, v47;
	(erf) = vpow2.f32 v4;
	v0 =	vnsel vm11, $0x0, v0  }
0x198: {  	v19 =	vsub.f32 $1.000000000e+00, v16;
	v2 =	vpop (erf);
	(erf) = vpow2.f32 v15;
	v45 =	vadd.f32 v11, v0  }
0x199: {  	v5 =	vadd.f32 v5, v6;
	v2 =	vnsel vm12, $0x0, v2  }
0x19a: {  	vm13 =	vlt.f32 v1, $6.000000000e+00;
	v3 =	vadd.f32 v3, v19;
	v46 =	vpop (erf);
	v1 =	vadd.f32 v45, v2  }
0x19b: {  	v4 =	vnsel vm13, $0x0, v46  }
0x19c: {  	s0 =	sadd.s32 $0x10800, s0;
	v5 =	vadd.f32 v5, v16;
	vm14 =	vlt.f32 v3, $6.000000000e+00;
	v47 =	vpop (erf);
	v1 =	vadd.f32 v1, v4  }
0x19d: {  	v48 =	vld [tilespmem:s0+$0x80];
	v3 =	vnsel vm14, $0x0, v47  }
0x19e: {  	vm15 =	vlt.f32 v5, $6.000000000e+00;
	v49 =	vpop (erf);
	v1 =	vadd.f32 v1, v3  }
0x19f: {  	v5 =	vnsel vm15, $0x0, v49  }
0x1a0: {  	v50 =	vpop (erf);
	v1 =	vadd.f32 v1, v5  }
0x1a1: {  	v15 =	vpop (erf)  }
0x1a2: {  	v6 =	vmul.f32 v15, v48;
	v1 =	vmul.f32 v50, v1;
	_ =	sdelay $0x1  }
0x1a3: {  	v1 =	vadd.f32 v6, v1;
	_ =	sdelay $0x1  }
0x1a4: {  	(erf) = vrcp.f32 v1;
	_ =	sdelay $0x1  }
0x1a5: {  	v30 =	vld [tilespmem:$0x1FEA0];
	_ =	sdelay $0x1  }
0x1a6: {  	v27 =	vld [tilespmem:$0x1FE20];
	_ =	sdelay $0x1  }
0x1a7: {  	s30 =	simm.s32 $0x0;
	v26 =	vld [tilespmem:$0x1FE30]  }
0x1a8: {  	s12 =	sand.u32 $0x3800, s30;
	v1 =	vadd.s32 s30, v30  }
0x1a9: {  	s21 =	sand.u32 $0x380, s30;
	s0 =	sadd.s32 s29, s12;
	v24 =	vld [tilespmem:$0x1FE40]  }
0x1aa: {  	v25 =	vld [tilespmem:$0x1FE60];
	s0 =	sor.u32 s21, s0;
	v51 =	vadd.s32 s30, v27;
	v19 =	vpop (erf)  }
0x1ab: {  	s31 =	sor.u32 s28, s0;
	v11 =	vmul.f32 v19, v50;
	v36 =	vmul.f32 v19, v15;
	v19 =	vld [tilespmem:$0x1FE50]  }
0x1ac: {  	v22 =	vld [tilespmem:s31+$0xC800];
	v16 =	vadd.s32 s30, v26  }
0x1ad: {  	v1 =	vld.idx.msk [tilespmem:v1+s17+$0x0], $0xffff  }
0x1ae: {  	v23 =	vadd.s32 s30, v24;
	v48 =	vld [tilespmem:$0x1FE80]  }
0x1af: {  	v6 =	vld.idx.msk [tilespmem:v51+s17+$0x0], $0xffff  }
0x1b0: {  	v32 =	vmul.f32 v11, v9;
	v52 =	vadd.s32 s30, v19  }
0x1b1: {  	v53 =	vld.idx.msk [tilespmem:v16+s17+$0x0], $0xffff;
	v31 =	vmul.f32 v11, v8  }
0x1b2: {  	v15 =	vadd.s32 s30, v25;
	v16 =	vmul.f32 v22, v36;
	v1 =	vmul.f32 v1, v32  }
0x1b3: {  	v54 =	vld.idx.msk [tilespmem:v23+s17+$0x0], $0xffff;
	v33 =	vmul.f32 v11, v7  }
0x1b4: {  	v29 =	vld [tilespmem:$0x1FEB0];
	v6 =	vmul.f32 v6, v31;
	v1 =	vadd.f32 v1, v16;
	v16 =	vadd.s32 s30, v48  }
0x1b5: {  	v9 =	vld.idx.msk [tilespmem:v52+s17+$0x0], $0xffff  }
0x1b6: {  	v23 =	vld [tilespmem:$0x1FED0];
	v34 =	vmul.f32 v11, v10;
	v8 =	vmul.f32 v53, v33;
	v1 =	vadd.f32 v6, v1  }
0x1b7: {  	v56 =	vld.idx.msk [tilespmem:v15+s17+$0x0], $0xffff  }
0x1b8: {  	v35 =	vmul.f32 v11, v13;
	v22 =	vld [tilespmem:$0x1FEC0];
	v7 =	vmul.f32 v54, v34;
	v1 =	vadd.f32 v8, v1  }
0x1b9: {  	v37 =	vmul.f32 v11, v12;
	v12 =	vld.idx.msk [tilespmem:v16+s17+$0x0], $0xffff  }
0x1ba: {  	v28 =	vld [tilespmem:$0x1FEE0];
	v1 =	vadd.f32 v7, v1;
	v9 =	vmul.f32 v9, v35  }
0x1bb: {  	v55 =	vadd.s32 s30, v29;
	v16 =	vld [tilespmem:$0x1FF00]  }
0x1bc: {  	v38 =	vmul.f32 v11, v14;
	v10 =	vmul.f32 v56, v37;
	v1 =	vadd.f32 v9, v1  }
0x1bd: {  	v57 =	vadd.s32 s30, v22  }
0x1be: {  	v58 =	vadd.s32 s30, v23;
	v15 =	vld [tilespmem:$0x1FEF0];
	v12 =	vmul.f32 v12, v38;
	v1 =	vadd.f32 v10, v1  }
0x1bf: {  	v59 =	vadd.s32 s30, v28;
	v14 =	vld [tilespmem:$0x1FF10]  }
0x1c0: {  	v6 =	vld.idx.msk [tilespmem:v55+s17+$0x0], $0xffff;
	v1 =	vadd.f32 v12, v1;
	v12 =	vadd.s32 s30, v16  }
0x1c1: {  	v13 =	vld [tilespmem:$0x1FF20]  }
0x1c2: {  	v8 =	vld.idx.msk [tilespmem:v57+s17+$0x0], $0xffff  }
0x1c3: {  	v39 =	vmul.f32 v11, v18;
	v60 =	vadd.s32 s30, v15;
	v7 =	vld.idx.msk [tilespmem:v58+s17+$0x0], $0xffff  }
0x1c4: {  	v40 =	vmul.f32 v11, v20;
	v9 =	vld.idx.msk [tilespmem:v59+s17+$0x0], $0xffff  }
0x1c5: {  	v43 =	vmul.f32 v11, v0;
	v6 =	vmul.f32 v6, v39;
	v0 =	vld.idx.msk [tilespmem:v12+s17+$0x0], $0xffff  }
0x1c6: {  	v41 =	vmul.f32 v11, v21;
	v12 =	vld [tilespmem:$0x1FE70]  }
0x1c7: {  	v61 =	vadd.s32 s30, v14;
	v8 =	vmul.f32 v8, v40;
	v1 =	vadd.f32 v6, v1  }
0x1c8: {  	v42 =	vmul.f32 v11, v17;
	v10 =	vld.idx.msk [tilespmem:v60+s17+$0x0], $0xffff  }
0x1c9: {  	v62 =	vadd.s32 s30, v13;
	v7 =	vmul.f32 v7, v41;
	v1 =	vadd.f32 v8, v1;
	_ =	sdelay $0x1  }
0x1ca: {  	v9 =	vmul.f32 v9, v42;
	v1 =	vadd.f32 v7, v1;
	v63 =	vadd.s32 s30, v12  }
0x1cb: {  	v6 =	vld.idx.msk [tilespmem:v61+s17+$0x0], $0xffff  }
0x1cc: {  	v44 =	vmul.f32 v11, v2;
	v2 =	vmul.f32 v10, v43;
	v1 =	vadd.f32 v9, v1  }
0x1cd: {  	v8 =	vld.idx.msk [tilespmem:v62+s17+$0x0], $0xffff  }
0x1ce: {  	v45 =	vmul.f32 v11, v4;
	v1 =	vadd.f32 v2, v1;
	v0 =	vmul.f32 v0, v44  }
0x1cf: {  	v2 =	vld.idx.msk [tilespmem:v63+s17+$0x0], $0xffff  }
0x1d0: {  	v46 =	vmul.f32 v11, v3;
	v0 =	vadd.f32 v0, v1;
	v1 =	vmul.f32 v6, v45;
	_ =	sdelay $0x1  }
0x1d1: {  	v47 =	vmul.f32 v11, v5;
	v0 =	vadd.f32 v1, v0;
	v1 =	vmul.f32 v8, v46  }
0x1d2: {  	s0 =	simm.s32 $0x110  }
0x1d3: {  	s3 =	simm.s32 $0x0;
	s12 =	simm.s32 $0x220;
	v1 =	vadd.f32 v1, v0;
	v0 =	vadd.s32 s0, v30;
	v2 =	vmul.f32 v2, v47  }
.LBB2_6:
0x1d4: {  	p0 =	sne.s32 s12, $0x42F0;
	s30 =	sadd.s32 $0x100, s30  }
0x1d5: {  	v3 =	vadd.s32 s0, v27;
	s3 =	sadd.s32 $0x80, s3;
	s1 =	sand.u32 $0x3800, s30;
	v1 =	vadd.f32 v2, v1  }
0x1d6: {  	s2 =	sand.u32 $0x380, s3;
	s1 =	sadd.s32 s29, s1  }
0x1d7: {  	v2 =	vadd.s32 s0, v26;
	s1 =	sor.u32 s2, s1;
	[tilespmem:s31+$0x10A00] =	vst v1  }
0x1d8: {  	s31 =	sor.u32 s28, s1;
	v0 =	vld.idx.msk [tilespmem:v0+s17+$0x0], $0xffff  }
0x1d9: {  	v4 =	vadd.s32 s0, v24;
	v1 =	vld [tilespmem:s31+$0xC800]  }
0x1da: {  	v3 =	vld.idx.msk [tilespmem:v3+s17+$0x0], $0xffff  }
0x1db: {  	v5 =	vadd.s32 s0, v19  }
0x1dc: {  	v2 =	vld.idx.msk [tilespmem:v2+s17+$0x0], $0xffff  }
0x1dd: {  	v6 =	vadd.s32 s0, v25  }
0x1de: {  	v0 =	vmul.f32 v0, v32;
	v1 =	vmul.f32 v1, v36;
	v4 =	vld.idx.msk [tilespmem:v4+s17+$0x0], $0xffff  }
0x1df: {  	v7 =	vadd.s32 s0, v48  }
0x1e0: {  	v0 =	vadd.f32 v0, v1;
	v1 =	vmul.f32 v3, v31;
	v3 =	vld.idx.msk [tilespmem:v5+s17+$0x0], $0xffff  }
0x1e1: {  	v5 =	vadd.s32 s0, v29  }
0x1e2: {  	v0 =	vadd.f32 v1, v0;
	v1 =	vmul.f32 v2, v33;
	v2 =	vld.idx.msk [tilespmem:v6+s17+$0x0], $0xffff  }
0x1e3: {  	v6 =	vadd.s32 s0, v22  }
0x1e4: {  	v0 =	vadd.f32 v1, v0;
	v1 =	vmul.f32 v4, v34;
	v4 =	vld.idx.msk [tilespmem:v7+s17+$0x0], $0xffff  }
0x1e5: {  	v7 =	vadd.s32 s0, v23  }
0x1e6: {  	v0 =	vadd.f32 v1, v0;
	v1 =	vmul.f32 v3, v35;
	v3 =	vld.idx.msk [tilespmem:v5+s17+$0x0], $0xffff  }
0x1e7: {  	v5 =	vadd.s32 s0, v28  }
0x1e8: {  	v0 =	vadd.f32 v1, v0;
	v1 =	vmul.f32 v2, v37;
	v2 =	vld.idx.msk [tilespmem:v6+s17+$0x0], $0xffff  }
0x1e9: {  	v6 =	vadd.s32 s0, v15  }
0x1ea: {  	v0 =	vadd.f32 v1, v0;
	v1 =	vmul.f32 v4, v38;
	v4 =	vld.idx.msk [tilespmem:v7+s17+$0x0], $0xffff  }
0x1eb: {  	v7 =	vadd.s32 s0, v16  }
0x1ec: {  	v0 =	vadd.f32 v1, v0;
	v1 =	vmul.f32 v3, v39;
	v3 =	vld.idx.msk [tilespmem:v5+s17+$0x0], $0xffff  }
0x1ed: {  	v5 =	vadd.s32 s0, v14  }
0x1ee: {  	v0 =	vadd.f32 v1, v0;
	v1 =	vmul.f32 v2, v40;
	v2 =	vld.idx.msk [tilespmem:v6+s17+$0x0], $0xffff  }
0x1ef: {  	v6 =	vadd.s32 s0, v13  }
0x1f0: {  	v0 =	vadd.f32 v1, v0;
	v1 =	vmul.f32 v4, v41;
	v4 =	vld.idx.msk [tilespmem:v7+s17+$0x0], $0xffff  }
0x1f1: {  	v7 =	vadd.s32 s0, v12;
	s0 =	smov.u32 s12  }
0x1f2: {  	v0 =	vadd.f32 v1, v0;
	v1 =	vmul.f32 v3, v42;
	v3 =	vld.idx.msk [tilespmem:v5+s17+$0x0], $0xffff;
	_ =	sdelay $0x1  }
0x1f3: {  	v0 =	vadd.f32 v1, v0;
	v1 =	vmul.f32 v2, v43;
	v2 =	vld.idx.msk [tilespmem:v6+s17+$0x0], $0xffff;
	_ =	sdelay $0x1  }
0x1f4: {  	v0 =	vadd.f32 v1, v0;
	v1 =	vmul.f32 v4, v44;
	v4 =	vld.idx.msk [tilespmem:v7+s17+$0x0], $0xffff;
	_ =	sdelay $0x1  }
.Ltmp1:
0x1f5: {  	v0 =	vadd.f32 v1, v0;
	v1 =	vmul.f32 v3, v45;
	(pc) =	sbr.rel @p0 .LBB2_6-.Ltmp1, $3  }
0x1f6: {  	_ = 	snop  }
0x1f7: {  	v2 =	vmul.f32 v2, v46;
	v1 =	vadd.f32 v1, v0;
	_ =	sdelay $0x1  }
0x1f8: {  	s12 =	sadd.s32 $0x110, s12;
	v0 =	vadd.s32 s0, v30;
	v1 =	vadd.f32 v2, v1;
	v2 =	vmul.f32 v4, v47  }
0x1f9: {  	s1 =	sadd.s32 $0x100, s30  }
0x1fa: {  	s2 =	sadd.s32 $0x80, s3;
	s1 =	sand.u32 $0x3800, s1;
	v1 =	vadd.f32 v2, v1  }
0x1fb: {  	v17 =	vadd.s32 s0, v27;
	s2 =	sand.u32 $0x380, s2;
	s1 =	sadd.s32 s29, s1  }
0x1fc: {  	s1 =	sor.u32 s2, s1;
	[tilespmem:s31+$0x10A00] =	vst v1  }
0x1fd: {  	v18 =	vadd.s32 s0, v26;
	s31 =	sor.u32 s28, s1;
	v0 =	vld.idx.msk [tilespmem:v0+s17+$0x0], $0xffff  }
0x1fe: {  	v3 =	vld [tilespmem:s31+$0xC800]  }
0x1ff: {  	v4 =	vadd.s32 s0, v24  }
0x200: {  	v2 =	vld.idx.msk [tilespmem:v17+s17+$0x0], $0xffff  }
0x201: {  	v5 =	vadd.s32 s0, v19  }
0x202: {  	v1 =	vld.idx.msk [tilespmem:v18+s17+$0x0], $0xffff  }
0x203: {  	v6 =	vadd.s32 s0, v25;
	v0 =	vmul.f32 v0, v32;
	v3 =	vmul.f32 v3, v36  }
0x204: {  	v4 =	vld.idx.msk [tilespmem:v4+s17+$0x0], $0xffff  }
0x205: {  	v7 =	vadd.s32 s0, v48;
	v2 =	vmul.f32 v2, v31;
	v0 =	vadd.f32 v0, v3  }
0x206: {  	v19 =	vld.idx.msk [tilespmem:v5+s17+$0x0], $0xffff  }
0x207: {  	v20 =	vadd.s32 s0, v29;
	v1 =	vmul.f32 v1, v33;
	v0 =	vadd.f32 v2, v0  }
0x208: {  	v21 =	vld.idx.msk [tilespmem:v6+s17+$0x0], $0xffff  }
0x209: {  	v24 =	vadd.s32 s0, v22;
	v25 =	vmul.f32 v4, v34;
	v0 =	vadd.f32 v1, v0  }
0x20a: {  	v26 =	vld.idx.msk [tilespmem:v7+s17+$0x0], $0xffff  }
0x20b: {  	v27 =	vadd.s32 s0, v23;
	v29 =	vmul.f32 v19, v35;
	v0 =	vadd.f32 v25, v0  }
0x20c: {  	v30 =	vld.idx.msk [tilespmem:v20+s17+$0x0], $0xffff  }
0x20d: {  	v31 =	vadd.s32 s0, v28;
	v32 =	vmul.f32 v21, v37;
	v0 =	vadd.f32 v29, v0  }
0x20e: {  	v33 =	vld.idx.msk [tilespmem:v24+s17+$0x0], $0xffff  }
0x20f: {  	v34 =	vadd.s32 s0, v15;
	v35 =	vmul.f32 v26, v38;
	v0 =	vadd.f32 v32, v0  }
0x210: {  	v36 =	vld.idx.msk [tilespmem:v27+s17+$0x0], $0xffff  }
0x211: {  	v37 =	vadd.s32 s0, v16;
	v38 =	vmul.f32 v30, v39;
	v0 =	vadd.f32 v35, v0  }
0x212: {  	v39 =	vld.idx.msk [tilespmem:v31+s17+$0x0], $0xffff  }
0x213: {  	v48 =	vadd.s32 s0, v14;
	v49 =	vmul.f32 v33, v40;
	v0 =	vadd.f32 v38, v0  }
0x214: {  	v50 =	vld.idx.msk [tilespmem:v34+s17+$0x0], $0xffff  }
0x215: {  	v51 =	vadd.s32 s0, v13;
	v52 =	vmul.f32 v36, v41;
	v0 =	vadd.f32 v49, v0  }
0x216: {  	v53 =	vld.idx.msk [tilespmem:v37+s17+$0x0], $0xffff  }
0x217: {  	v54 =	vadd.s32 s0, v12;
	v55 =	vmul.f32 v39, v42;
	v0 =	vadd.f32 v52, v0  }
0x218: {  	v56 =	vld.idx.msk [tilespmem:v48+s17+$0x0], $0xffff  }
0x219: {  	v57 =	vmul.f32 v50, v43;
	v0 =	vadd.f32 v55, v0  }
0x21a: {  	v58 =	vld.idx.msk [tilespmem:v51+s17+$0x0], $0xffff  }
0x21b: {  	v59 =	vmul.f32 v53, v44;
	v0 =	vadd.f32 v57, v0  }
0x21c: {  	v60 =	vld.idx.msk [tilespmem:v54+s17+$0x0], $0xffff  }
0x21d: {  	v61 =	vmul.f32 v56, v45;
	v0 =	vadd.f32 v59, v0;
	_ =	sdelay $0x1  }
0x21e: {  	s26 =	sadd.s32 $0x1, s26;
	v62 =	vmul.f32 v58, v46;
	v0 =	vadd.f32 v61, v0  }
0x21f: {  	p0 =	sne.s32 s26, $0x10  }
.Ltmp2:
0x220: {  	v63 =	vmul.f32 v60, v47;
	v0 =	vadd.f32 v62, v0;
	(pc) =	sbr.rel @p0 .LBB2_3-.Ltmp2, $3  }
0x221: {  	_ = 	snop  }
0x222: {  	v0 =	vadd.f32 v63, v0;
	_ =	sdelay $0x1  }
0x223: {  	[tilespmem:s31+$0x10A00] =	vst v0  }
0x224: {  	s22 =	sadd.s32 $0x1, s22  }
0x225: {  	p0 =	sne.s32 s22, $0x4  }
.Ltmp3:
0x226: {  	s0 =	sadd.s32 s7, s23;
	s1 =	simm.s32 $0x0;
	(pc) =	sbr.rel @p0 .LBB2_2-.Ltmp3, $4  }
0x227: {  	[hbm4b:s0+s1] =	stream.linear.scatter [tilespmem:s20], [sflag:$0x1], $0x4000, $0x38;
	[tilespmem:$0x14A00] =	vst v63  }
0x228: {  	_ =	swait.ge [sflag:s13], $0x4000  }
0x229: {  	[sflag:s13] =	ssyncset.done $0x0  }
0x22a: {  	[sflag:s13] =	ssyncadd.s32 $0xFFFFC000  }
0x22b: {  	s1 =	rddreg [dreg:$0x5]  }
0x22c: {  	s0 =	rddreg [dreg:$0x4];
	s1 =	sadd.s32 $0x1, s1  }
0x22d: {  	p0 =	sne.s32 s1, s0  }
.Ltmp4:
0x22e: {  	_ = 	snop;
	(pc) =	sbr.rel @p0 .LBB2_1-.Ltmp4, $1  }
0x22f: {  	_ =	sdelay $0x3  }
0x230: {  	_ =	sfence.sel $0x180000  }
0x231: {  	[bflag:$0x0] =	sbarrier.arrive $0xFFFF  }
0x232: {  	_ =	strace $0x90000047  }
0x233: {  	s0 =	stileid.u32;
	[bflag:$0x2] =	sbarrier.arrive $0xFFFF  }
0x234: {  	p0 =	sne.s32 s0, $0x0;
	s0 =	rddreg [dreg:$0x2]  }
0x235: {  	s0 =	sadd.s32 @!p0 $0x100000, s0  }
0x236: {  	[sflag:s0] =	ssyncadd.tile.s32 @!p0 $0x1;
	_ =	shalt  }
.Lfunc_end2:
_tile_overlayer_lowered:
.L_overlay_start_2:
0x237: {  	(tag) =	ssettag $0x2  }
0x238: {  	s0 =	rddreg [dreg:$0x0];
	s2 =	stileid.u32  }
0x239: {  	s1 =	rddreg [dreg:$0x1];
	p0 =	sne.s32 s2, $0x0  }
0x23a: {  	s3 =	rddreg [dreg:$0x2];
	[bflag:$0x3] =	sbarrier.arrive $0xFFFF;
	s2 =	simm.s32 @!p0 $0x1C01  }
0x23b: {  	[timem:s3], [sflag:s2] =	dma.local @!p0 [hbm:s0], s1  }
0x23c: {  	s0 =	simm.s32 @!p0 $0x1  }
0x23d: {  	_ =	swait.ge @!p0 [sflag:s0], s1  }
0x23e: {  	s1 =	ssub.s32 @!p0 $0x0, s1;
	[sflag:s0] =	ssyncset.done @!p0 $0x0  }
0x23f: {  	[sflag:s0] =	ssyncadd.s32 @!p0 s1  }
0x240: {  	[bflag:$0x3] =	sbarrier.arrive $0xFFFF  }
0x241: {  	_ =	shalt  }

</sc_bundles>
